<compile_context>
chip_gen: v7x
topology: tpu7x:2x2x1
jax: 0.10.2.dev20260603
libtpu: 0.0.44.dev20260713+nightly
codegen_flags: <defaults>
</compile_context>

<pallas_src>
import functools
import jax
import jax.numpy as jnp
from jax import lax
from jax.experimental import pallas as pl
from jax.experimental.pallas import tpu as pltpu
from jax.experimental.pallas import tpu_sc as plsc

N = 10000
E = 320000
D_IN = 128
H = 16
C = 40

NPAD = 10016
PR = NPAD // 8
NP = 10240
RPT = 640
B = 128
CH = 80
ER = E // B
LW = 31
LR = ER - LW * CH
NC = 2
NS = 16
K = 8

_mesh = plsc.VectorSubcoreMesh(core_axis_name="c", subcore_axis_name="s")


def _stage_raw(e3d1, buf, wid):
    @pl.when(wid < LW)
    def _():
        pltpu.sync_copy(e3d1.at[pl.ds(wid * CH, CH)], buf)

    @pl.when(wid == LW)
    def _():
        pltpu.sync_copy(e3d1.at[pl.ds(LW * CH, LR)], buf.at[pl.ds(0, LR)])

        def fill(r, _):
            for j in range(B // 16):
                buf[r, pl.ds(16 * j, 16)] = jnp.full((16,), N, jnp.int32)
            return 0

        lax.fori_loop(LR, CH, fill, 0)


def _deg_kernel(e3d, zflat, out, dbuf, onev, ssem, deg_sp):
    cid = lax.axis_index("c")
    sid = lax.axis_index("s")
    wid = cid * NS + sid
    _stage_raw(e3d.at[1], dbuf, wid)
    for j in range(B // 16):
        onev[pl.ds(16 * j, 16)] = jnp.ones((16,), jnp.float32)
    pltpu.sync_copy(zflat, deg_sp.at[pl.ds(sid * RPT, RPT)])
    plsc.subcore_barrier()

    def fire(c, _):
        pltpu.async_copy(onev, deg_sp.at[dbuf.at[c]], ssem, add=True)
        return 0

    lax.fori_loop(0, CH, fire, 0)

    def drain(c, _):
        pltpu.make_async_copy(onev, deg_sp.at[dbuf.at[0]], ssem).wait()
        return 0

    lax.fori_loop(0, CH, drain, 0)
    plsc.subcore_barrier()
    pltpu.sync_copy(deg_sp.at[pl.ds(sid * RPT, RPT)],
                    out.at[cid].at[pl.ds(sid * RPT, RPT)])


def _agg_kernel(y, e3d, z2d, out, sbuf, dbuf, *rest):
    rows = rest[:K]
    gs = rest[K:2 * K]
    ss = rest[2 * K:3 * K]
    agg_sp = rest[3 * K]
    y_sp = rest[3 * K + 1]
    cid = lax.axis_index("c")
    sid = lax.axis_index("s")
    wid = cid * NS + sid
    _stage_raw(e3d.at[0], sbuf, wid)
    _stage_raw(e3d.at[1], dbuf, wid)
    pltpu.sync_copy(z2d, agg_sp.at[pl.ds(sid * RPT, RPT)])
    pltpu.sync_copy(y.at[pl.ds(sid * (NPAD // NS), NPAD // NS)],
                    y_sp.at[pl.ds(sid * (NPAD // NS), NPAD // NS)])
    plsc.subcore_barrier()

    for b in range(K - 1):
        pltpu.async_copy(y_sp.at[sbuf.at[b]], rows[b], gs[b])

    def body(ck, _):
        for b in range(K):
            c = K * ck + b
            nb = (b + K - 1) % K
            pltpu.make_async_copy(y_sp.at[sbuf.at[c]], rows[b], gs[b]).wait()
            pltpu.async_copy(rows[b], agg_sp.at[dbuf.at[c]], ss[b], add=True)
            if b == 0:
                @pl.when(ck >= 1)
                def _():
                    pltpu.make_async_copy(
                        rows[nb], agg_sp.at[dbuf.at[0]], ss[nb]).wait()
                pltpu.async_copy(y_sp.at[sbuf.at[c + K - 1]], rows[nb],
                                 gs[nb])
            else:
                @pl.when(ck < CH // K - 1)
                def _():
                    pltpu.make_async_copy(
                        rows[nb], agg_sp.at[dbuf.at[0]], ss[nb]).wait()
                    pltpu.async_copy(y_sp.at[sbuf.at[c + K - 1]], rows[nb],
                                     gs[nb])
        return 0

    lax.fori_loop(0, CH // K, body, 0)
    for b in range(K):
        pltpu.make_async_copy(rows[b], agg_sp.at[dbuf.at[0]], ss[b]).wait()
    plsc.subcore_barrier()
    pltpu.sync_copy(agg_sp.at[pl.ds(sid * RPT, RPT)],
                    out.at[cid].at[pl.ds(sid * RPT, RPT)])


_sc_params = pltpu.CompilerParams(use_tc_tiling_on_sc=False)

_sc_deg = pl.kernel(
    _deg_kernel,
    out_type=jax.ShapeDtypeStruct((NC, NP), jnp.float32),
    mesh=_mesh,
    compiler_params=_sc_params,
    scratch_types=[
        pltpu.VMEM((CH, B), jnp.int32),
        pltpu.VMEM((B,), jnp.float32),
        pltpu.SemaphoreType.DMA,
        pltpu.VMEM_SHARED((NP,), jnp.float32),
    ],
)

_sc_agg = pl.kernel(
    _agg_kernel,
    out_type=jax.ShapeDtypeStruct((NC, NP, H), jnp.float32),
    mesh=_mesh,
    compiler_params=_sc_params,
    scratch_types=(
        [pltpu.VMEM((CH, B), jnp.int32)] * 2
        + [pltpu.VMEM((B, H), jnp.float32)] * K
        + [pltpu.SemaphoreType.DMA] * (2 * K)
        + [pltpu.VMEM_SHARED((NP, H), jnp.float32)]
        + [pltpu.VMEM_SHARED((NPAD, H), jnp.float32)]
    ),
)


def _tc_a_body(xp_ref, w1b_ref, dinvw_ref, z1_ref):
    y = jnp.dot(xp_ref[...], w1b_ref[...], preferred_element_type=jnp.float32)
    z1_ref[:N // 8, :] = y * dinvw_ref[:N // 8, :]
    z1_ref[N // 8:, :] = jnp.zeros((PR - N // 8, 128), jnp.float32)


def _tc_b_body(aggp_ref, z1_ref, dinvw_ref, b1w_ref, g1_ref):
    agg = aggp_ref[0, :PR, :] + aggp_ref[1, :PR, :] + z1_ref[...]
    h = jnp.maximum(agg * dinvw_ref[...] + b1w_ref[...], 0.0)
    g1_ref[...] = h * dinvw_ref[...]


def _tc_c_body(aggp_ref, g1_ref, dinvw_ref, w2b_ref, b2w_ref, g2_ref):
    s = aggp_ref[0, :PR, :] + aggp_ref[1, :PR, :] + g1_ref[...]
    t = jnp.dot(s, w2b_ref[...], preferred_element_type=jnp.float32)
    h = jnp.maximum(t * dinvw_ref[...] + b2w_ref[...], 0.0)
    g2_ref[...] = h * dinvw_ref[...]


def _tc_d_body(aggp_ref, g2_ref, dinv40_ref, w3b_ref, b3w_ref, out_ref):
    s = aggp_ref[0, :N // 8, :] + aggp_ref[1, :N // 8, :] + g2_ref[:N // 8, :]
    t = jnp.dot(s, w3b_ref[...], preferred_element_type=jnp.float32)
    logits = t * dinv40_ref[...] + b3w_ref[...]
    for seg in range(8):
        lg = logits[:, seg * C:(seg + 1) * C]
        m = jnp.max(lg, axis=1, keepdims=True)
        e = jnp.exp(lg - m)
        lse = jnp.log(jnp.sum(e, axis=1, keepdims=True)) + m
        out_ref[:, seg * C:(seg + 1) * C] = lg - lse


_tc_a = pl.pallas_call(
    _tc_a_body, out_shape=jax.ShapeDtypeStruct((PR, 128), jnp.float32))
_tc_b = pl.pallas_call(
    _tc_b_body, out_shape=jax.ShapeDtypeStruct((PR, 128), jnp.float32))
_tc_c = pl.pallas_call(
    _tc_c_body, out_shape=jax.ShapeDtypeStruct((PR, 128), jnp.float32))
_tc_d = pl.pallas_call(
    _tc_d_body, out_shape=jax.ShapeDtypeStruct((N // 8, 8 * C), jnp.float32))


@jax.jit
def kernel(x, edge_index, W1, b1, W2, b2, W3, b3):
    if edge_index.dtype != jnp.int32:
        edge_index = edge_index.astype(jnp.int32)
    e3d = edge_index.reshape(2, ER, B)
    xp = x.reshape(N // 8, 8 * D_IN)
    zflat = jnp.zeros((RPT,), jnp.float32)
    z2d = jnp.zeros((RPT, H), jnp.float32)
    eye8 = jnp.eye(8, dtype=jnp.float32)
    w1b = jnp.kron(eye8, W1)
    w2b = jnp.kron(eye8, W2)
    w3b = jnp.kron(eye8, W3)
    b1w = jnp.tile(b1, 8).reshape(1, 128)
    b2w = jnp.tile(b2, 8).reshape(1, 128)
    b3w = jnp.tile(b3, 8).reshape(1, 8 * C)

    degp = _sc_deg(e3d, zflat)
    deg = degp[0, :NPAD] + degp[1, :NPAD] + 1.0
    dinv = lax.rsqrt(deg)
    dinvw = jnp.repeat(dinv, H).reshape(PR, 128)
    dinv40 = jnp.repeat(dinv[:N], C).reshape(N // 8, 8 * C)

    z1p = _tc_a(xp, w1b, dinvw)
    aggp1 = _sc_agg(z1p.reshape(NPAD, H), e3d, z2d)
    g1p = _tc_b(aggp1.reshape(NC, NP // 8, 128), z1p, dinvw, b1w)
    aggp2 = _sc_agg(g1p.reshape(NPAD, H), e3d, z2d)
    g2p = _tc_c(aggp2.reshape(NC, NP // 8, 128), g1p, dinvw, w2b, b2w)
    aggp3 = _sc_agg(g2p.reshape(NPAD, H), e3d, z2d)
    outp = _tc_d(aggp3.reshape(NC, NP // 8, 128), g2p, dinv40, w3b, b3w)
    return outp.reshape(N, C)

# --- scband reference (transcript-rebuilt; emitter-appended) ---
"""Pipeline reference for scband-gcn-10960756539504 (READ-ONLY COPY).

The authoritative reference and input builder live on the scoring server;
editing this copy changes nothing except your own understanding.
"""

import jax, jax.numpy as jnp
import numpy as np

N = 10000
E = 320000
D_IN = 128
H = 16
C = 40


def gcn_conv(x, src, dst, W, b, n_nodes):
    # x: [N, d_in], src/dst: [E'] (self-loops already appended)
    x = x @ W
    ones = jnp.ones(src.shape[0], dtype=x.dtype)
    deg = jax.ops.segment_sum(ones, dst, num_segments=n_nodes)
    dinv = jnp.where(deg > 0, 1.0 / jnp.sqrt(deg), 0.0)
    norm = dinv[src] * dinv[dst]
    msg = x[src] * norm[:, None]
    out = jax.ops.segment_sum(msg, dst, num_segments=n_nodes)
    return out + b


def setup_inputs(seed: int = 0) -> dict:
    key = jax.random.key(seed)
    ks = jax.random.split(key, 9)
    x = jax.random.normal(ks[0], (N, D_IN), dtype=jnp.float32)
    edge_index = jax.random.randint(ks[1], (2, E), 0, N, dtype=jnp.int32).astype(jnp.int64)
    W1 = jax.random.normal(ks[2], (D_IN, H), dtype=jnp.float32) * (1.0 / np.sqrt(D_IN))
    b1 = jnp.zeros((H,), dtype=jnp.float32)
    W2 = jax.random.normal(ks[3], (H, H), dtype=jnp.float32) * (1.0 / np.sqrt(H))
    b2 = jnp.zeros((H,), dtype=jnp.float32)
    W3 = jax.random.normal(ks[4], (H, C), dtype=jnp.float32) * (1.0 / np.sqrt(H))
    b3 = jnp.zeros((C,), dtype=jnp.float32)
    return {"x": x, "edge_index": edge_index, "W1": W1, "b1": b1, "W2": W2, "b2": b2, "W3": W3, "b3": b3}


def reference(x, edge_index, W1, b1, W2, b2, W3, b3):
    src = edge_index[0]
    dst = edge_index[1]
    loop = jnp.arange(N, dtype=src.dtype)
    src = jnp.concatenate([src, loop])
    dst = jnp.concatenate([dst, loop])
    h = gcn_conv(x, src, dst, W1, b1, N)
    h = jax.nn.relu(h)
    h = gcn_conv(h, src, dst, W2, b2, N)
    h = jax.nn.relu(h)
    h = gcn_conv(h, src, dst, W3, b3, N)
    return jax.nn.log_softmax(h, axis=1)

if __name__ == "__main__":
    import jax
    _d = setup_inputs()
    print(jax.jit(kernel)(*tuple(_d.values())))

</pallas_src>

<mosaic_0001>
#map = affine_map<(d0, d1) -> (0, 0)>
#map1 = affine_map<(d0, d1) -> (0, 0, 0)>
module attributes {stable_mosaic.version = 14 : i64} {
  func.func @_agg_kernel(%arg0: i32, %arg1: i32, %arg2: memref<10016x16xf32, #tpu.memory_space<hbm>>, %arg3: memref<2x2500x128xi32, #tpu.memory_space<hbm>>, %arg4: memref<640x16xf32, #tpu.memory_space<hbm>>, %arg5: memref<2x10240x16xf32, #tpu.memory_space<hbm>>, %arg6: memref<80x128xi32, #tpu.memory_space<vmem>>, %arg7: memref<80x128xi32, #tpu.memory_space<vmem>>, %arg8: memref<128x16xf32, #tpu.memory_space<vmem>>, %arg9: memref<128x16xf32, #tpu.memory_space<vmem>>, %arg10: memref<128x16xf32, #tpu.memory_space<vmem>>, %arg11: memref<128x16xf32, #tpu.memory_space<vmem>>, %arg12: memref<128x16xf32, #tpu.memory_space<vmem>>, %arg13: memref<128x16xf32, #tpu.memory_space<vmem>>, %arg14: memref<128x16xf32, #tpu.memory_space<vmem>>, %arg15: memref<128x16xf32, #tpu.memory_space<vmem>>, %arg16: memref<!tpu.dma_semaphore, #tpu.memory_space<semaphore_mem>>, %arg17: memref<!tpu.dma_semaphore, #tpu.memory_space<semaphore_mem>>, %arg18: memref<!tpu.dma_semaphore, #tpu.memory_space<semaphore_mem>>, %arg19: memref<!tpu.dma_semaphore, #tpu.memory_space<semaphore_mem>>, %arg20: memref<!tpu.dma_semaphore, #tpu.memory_space<semaphore_mem>>, %arg21: memref<!tpu.dma_semaphore, #tpu.memory_space<semaphore_mem>>, %arg22: memref<!tpu.dma_semaphore, #tpu.memory_space<semaphore_mem>>, %arg23: memref<!tpu.dma_semaphore, #tpu.memory_space<semaphore_mem>>, %arg24: memref<!tpu.dma_semaphore, #tpu.memory_space<semaphore_mem>>, %arg25: memref<!tpu.dma_semaphore, #tpu.memory_space<semaphore_mem>>, %arg26: memref<!tpu.dma_semaphore, #tpu.memory_space<semaphore_mem>>, %arg27: memref<!tpu.dma_semaphore, #tpu.memory_space<semaphore_mem>>, %arg28: memref<!tpu.dma_semaphore, #tpu.memory_space<semaphore_mem>>, %arg29: memref<!tpu.dma_semaphore, #tpu.memory_space<semaphore_mem>>, %arg30: memref<!tpu.dma_semaphore, #tpu.memory_space<semaphore_mem>>, %arg31: memref<!tpu.dma_semaphore, #tpu.memory_space<semaphore_mem>>, %arg32: memref<10240x16xf32, #tpu.memory_space<vmem_shared>>, %arg33: memref<10016x16xf32, #tpu.memory_space<vmem_shared>>) attributes {dimension_semantics = [#tpu.dimension_semantics<core_parallel>, #tpu.dimension_semantics<subcore_parallel>], iteration_bounds = array<i64: 2, 16>, scalar_prefetch = 0 : i64, scratch_operands = 28 : i64, tpu.core_type = #tpu.core_type<sc_vector_subcore>, window_params = [{transform_indices = #map}, {transform_indices = #map1}, {transform_indices = #map}, {transform_indices = #map1}]} {
    %mul3A = arith.constant 16 : i32
    %mul3A_0 = arith.muli %arg0, %mul3A : i32
    %add3A = arith.addi %mul3A_0, %arg1 : i32
    %lt3A = arith.constant 31 : i32
    %lt3A_1 = arith.cmpi slt, %add3A, %lt3A : i32
    %convert_element_type3A = arith.extui %lt3A_1 : i1 to i32
    %cond3A = arith.constant 0 : i32
    %cond3A_2 = arith.constant 0 : i32
    %cond3A_3 = arith.cmpi ne, %convert_element_type3A, %cond3A_2 : i32
    scf.if %cond3A_3 {
      %mul3A_141 = arith.constant 80 : i32
      %mul3A_142 = arith.muli %add3A, %mul3A_141 : i32
      "tpu.region"() ({
        %run_scoped3A = tpu.sem_alloc : memref<!tpu.dma_semaphore, #tpu.memory_space<semaphore_mem>>
        %dma_start3A_143 = arith.constant 0 : i32
        %dma_start3A_144 = arith.constant 0 : i32
        %dma_start3A_145 = tpu.memref_slice %arg3[%cond3A, %dma_start3A_143, %dma_start3A_144] : memref<2x2500x128xi32, #tpu.memory_space<hbm>> -> memref<1x2500x128xi32, #tpu.memory_space<hbm>>
        %dma_start3A_146 = tpu.memref_squeeze %dma_start3A_145 : memref<1x2500x128xi32, #tpu.memory_space<hbm>> -> memref<2500x128xi32, #tpu.memory_space<hbm>>
        %dma_start3A_147 = arith.constant 0 : i32
        %dma_start3A_148 = tpu.memref_slice %dma_start3A_146[%mul3A_142, %dma_start3A_147] : memref<2500x128xi32, #tpu.memory_space<hbm>> -> memref<80x128xi32, #tpu.memory_space<hbm>>
        %dma_start3A_149 = arith.constant 0 : i32
        %dma_start3A_150 = arith.constant 0 : i32
        %dma_start3A_151 = tpu.memref_slice %arg3[%cond3A, %dma_start3A_149, %dma_start3A_150] : memref<2x2500x128xi32, #tpu.memory_space<hbm>> -> memref<1x2500x128xi32, #tpu.memory_space<hbm>>
        %dma_start3A_152 = tpu.memref_squeeze %dma_start3A_151 : memref<1x2500x128xi32, #tpu.memory_space<hbm>> -> memref<2500x128xi32, #tpu.memory_space<hbm>>
        %dma_start3A_153 = arith.constant 0 : i32
        %dma_start3A_154 = tpu.memref_slice %dma_start3A_152[%mul3A_142, %dma_start3A_153] : memref<2500x128xi32, #tpu.memory_space<hbm>> -> memref<80x128xi32, #tpu.memory_space<hbm>>
        tpu.enqueue_dma source(%dma_start3A_154 : memref<80x128xi32, #tpu.memory_space<hbm>>) target(%arg6 : memref<80x128xi32, #tpu.memory_space<vmem>>) target_semaphore(%run_scoped3A : memref<!tpu.dma_semaphore, #tpu.memory_space<semaphore_mem>>)
        %dma_wait3A_155 = arith.constant 0 : i32
        %dma_wait3A_156 = arith.constant 0 : i32
        %dma_wait3A_157 = tpu.memref_slice %arg3[%cond3A, %dma_wait3A_155, %dma_wait3A_156] : memref<2x2500x128xi32, #tpu.memory_space<hbm>> -> memref<1x2500x128xi32, #tpu.memory_space<hbm>>
        %dma_wait3A_158 = tpu.memref_squeeze %dma_wait3A_157 : memref<1x2500x128xi32, #tpu.memory_space<hbm>> -> memref<2500x128xi32, #tpu.memory_space<hbm>>
        %dma_wait3A_159 = arith.constant 0 : i32
        %dma_wait3A_160 = tpu.memref_slice %dma_wait3A_158[%mul3A_142, %dma_wait3A_159] : memref<2500x128xi32, #tpu.memory_space<hbm>> -> memref<80x128xi32, #tpu.memory_space<hbm>>
        %dma_wait3A_161 = arith.constant 0 : i32
        %dma_wait3A_162 = arith.constant 0 : i32
        %dma_wait3A_163 = tpu.memref_slice %arg3[%cond3A, %dma_wait3A_161, %dma_wait3A_162] : memref<2x2500x128xi32, #tpu.memory_space<hbm>> -> memref<1x2500x128xi32, #tpu.memory_space<hbm>>
        %dma_wait3A_164 = tpu.memref_squeeze %dma_wait3A_163 : memref<1x2500x128xi32, #tpu.memory_space<hbm>> -> memref<2500x128xi32, #tpu.memory_space<hbm>>
        %dma_wait3A_165 = arith.constant 0 : i32
        %dma_wait3A_166 = tpu.memref_slice %dma_wait3A_164[%mul3A_142, %dma_wait3A_165] : memref<2500x128xi32, #tpu.memory_space<hbm>> -> memref<80x128xi32, #tpu.memory_space<hbm>>
        tpu.wait_dma2 semaphore(%run_scoped3A : memref<!tpu.dma_semaphore, #tpu.memory_space<semaphore_mem>>) src(%dma_wait3A_166 : memref<80x128xi32, #tpu.memory_space<hbm>>) dst(%arg6 : memref<80x128xi32, #tpu.memory_space<vmem>>)
        tpu.yield
      }) : () -> ()
    } else {
    }
    %eq3A = arith.constant 31 : i32
    %eq3A_4 = arith.cmpi eq, %add3A, %eq3A : i32
    %convert_element_type3A_5 = arith.extui %eq3A_4 : i1 to i32
    %cond3A_6 = arith.constant 0 : i32
    %cond3A_7 = arith.constant 0 : i32
    %cond3A_8 = arith.cmpi ne, %convert_element_type3A_5, %cond3A_7 : i32
    scf.if %cond3A_8 {
      "tpu.region"() ({
        %run_scoped3A = tpu.sem_alloc : memref<!tpu.dma_semaphore, #tpu.memory_space<semaphore_mem>>
        %dma_start3A_148 = arith.constant 0 : i32
        %dma_start3A_149 = arith.constant 0 : i32
        %dma_start3A_150 = tpu.memref_slice %arg6[%dma_start3A_148, %dma_start3A_149] : memref<80x128xi32, #tpu.memory_space<vmem>> -> memref<20x128xi32, #tpu.memory_space<vmem>>
        %dma_start3A_151 = arith.constant 0 : i32
        %dma_start3A_152 = arith.constant 0 : i32
        %dma_start3A_153 = tpu.memref_slice %arg3[%cond3A_6, %dma_start3A_151, %dma_start3A_152] : memref<2x2500x128xi32, #tpu.memory_space<hbm>> -> memref<1x2500x128xi32, #tpu.memory_space<hbm>>
        %dma_start3A_154 = tpu.memref_squeeze %dma_start3A_153 : memref<1x2500x128xi32, #tpu.memory_space<hbm>> -> memref<2500x128xi32, #tpu.memory_space<hbm>>
        %dma_start3A_155 = arith.constant 2480 : i32
        %dma_start3A_156 = arith.constant 0 : i32
        %dma_start3A_157 = tpu.memref_slice %dma_start3A_154[%dma_start3A_155, %dma_start3A_156] : memref<2500x128xi32, #tpu.memory_space<hbm>> -> memref<20x128xi32, #tpu.memory_space<hbm>>
        %dma_start3A_158 = arith.constant 0 : i32
        %dma_start3A_159 = arith.constant 0 : i32
        %dma_start3A_160 = tpu.memref_slice %arg6[%dma_start3A_158, %dma_start3A_159] : memref<80x128xi32, #tpu.memory_space<vmem>> -> memref<20x128xi32, #tpu.memory_space<vmem>>
        %dma_start3A_161 = arith.constant 0 : i32
        %dma_start3A_162 = arith.constant 0 : i32
        %dma_start3A_163 = tpu.memref_slice %arg3[%cond3A_6, %dma_start3A_161, %dma_start3A_162] : memref<2x2500x128xi32, #tpu.memory_space<hbm>> -> memref<1x2500x128xi32, #tpu.memory_space<hbm>>
        %dma_start3A_164 = tpu.memref_squeeze %dma_start3A_163 : memref<1x2500x128xi32, #tpu.memory_space<hbm>> -> memref<2500x128xi32, #tpu.memory_space<hbm>>
        %dma_start3A_165 = arith.constant 2480 : i32
        %dma_start3A_166 = arith.constant 0 : i32
        %dma_start3A_167 = tpu.memref_slice %dma_start3A_164[%dma_start3A_165, %dma_start3A_166] : memref<2500x128xi32, #tpu.memory_space<hbm>> -> memref<20x128xi32, #tpu.memory_space<hbm>>
        tpu.enqueue_dma source(%dma_start3A_167 : memref<20x128xi32, #tpu.memory_space<hbm>>) target(%dma_start3A_160 : memref<20x128xi32, #tpu.memory_space<vmem>>) target_semaphore(%run_scoped3A : memref<!tpu.dma_semaphore, #tpu.memory_space<semaphore_mem>>)
        %dma_wait3A_168 = arith.constant 0 : i32
        %dma_wait3A_169 = arith.constant 0 : i32
        %dma_wait3A_170 = tpu.memref_slice %arg6[%dma_wait3A_168, %dma_wait3A_169] : memref<80x128xi32, #tpu.memory_space<vmem>> -> memref<20x128xi32, #tpu.memory_space<vmem>>
        %dma_wait3A_171 = arith.constant 0 : i32
        %dma_wait3A_172 = arith.constant 0 : i32
        %dma_wait3A_173 = tpu.memref_slice %arg3[%cond3A_6, %dma_wait3A_171, %dma_wait3A_172] : memref<2x2500x128xi32, #tpu.memory_space<hbm>> -> memref<1x2500x128xi32, #tpu.memory_space<hbm>>
        %dma_wait3A_174 = tpu.memref_squeeze %dma_wait3A_173 : memref<1x2500x128xi32, #tpu.memory_space<hbm>> -> memref<2500x128xi32, #tpu.memory_space<hbm>>
        %dma_wait3A_175 = arith.constant 2480 : i32
        %dma_wait3A_176 = arith.constant 0 : i32
        %dma_wait3A_177 = tpu.memref_slice %dma_wait3A_174[%dma_wait3A_175, %dma_wait3A_176] : memref<2500x128xi32, #tpu.memory_space<hbm>> -> memref<20x128xi32, #tpu.memory_space<hbm>>
        %dma_wait3A_178 = arith.constant 0 : i32
        %dma_wait3A_179 = arith.constant 0 : i32
        %dma_wait3A_180 = tpu.memref_slice %arg6[%dma_wait3A_178, %dma_wait3A_179] : memref<80x128xi32, #tpu.memory_space<vmem>> -> memref<20x128xi32, #tpu.memory_space<vmem>>
        %dma_wait3A_181 = arith.constant 0 : i32
        %dma_wait3A_182 = arith.constant 0 : i32
        %dma_wait3A_183 = tpu.memref_slice %arg3[%cond3A_6, %dma_wait3A_181, %dma_wait3A_182] : memref<2x2500x128xi32, #tpu.memory_space<hbm>> -> memref<1x2500x128xi32, #tpu.memory_space<hbm>>
        %dma_wait3A_184 = tpu.memref_squeeze %dma_wait3A_183 : memref<1x2500x128xi32, #tpu.memory_space<hbm>> -> memref<2500x128xi32, #tpu.memory_space<hbm>>
        %dma_wait3A_185 = arith.constant 2480 : i32
        %dma_wait3A_186 = arith.constant 0 : i32
        %dma_wait3A_187 = tpu.memref_slice %dma_wait3A_184[%dma_wait3A_185, %dma_wait3A_186] : memref<2500x128xi32, #tpu.memory_space<hbm>> -> memref<20x128xi32, #tpu.memory_space<hbm>>
        tpu.wait_dma2 semaphore(%run_scoped3A : memref<!tpu.dma_semaphore, #tpu.memory_space<semaphore_mem>>) src(%dma_wait3A_187 : memref<20x128xi32, #tpu.memory_space<hbm>>) dst(%dma_wait3A_180 : memref<20x128xi32, #tpu.memory_space<vmem>>)
        tpu.yield
      }) : () -> ()
      %scan3A_141 = arith.constant 0 : i32
      %scan3A_142 = arith.constant 20 : i32
      %scan3A_143 = arith.constant 60 : i32
      %scan3A_144 = arith.addi %scan3A_142, %scan3A_143 : i32
      %scan3A_145 = arith.constant 1 : i32
      %scan3A_146 = scf.for %scan3A_148 = %scan3A_142 to %scan3A_144 step %scan3A_145 iter_args(%scan3A_149 = %scan3A_141) -> (i32)  : i32 {
        %broadcast_in_dim3A = arith.constant 10000 : i32
        %broadcast_in_dim3A_150 = vector.broadcast %broadcast_in_dim3A : i32 to vector<16xi32>
        %swap3A = arith.index_cast %scan3A_148 : i32 to index
        %swap3A_151 = arith.constant 0 : index
        %swap3A_152 = tpu.vector_load %arg6[%swap3A, %swap3A_151] {strides = array<i32>} : memref<80x128xi32, #tpu.memory_space<vmem>>, vector<1x16xi32>,
        %swap3A_153 = vector.shape_cast %swap3A_152 : vector<1x16xi32> to vector<16xi32>
        %swap3A_154 = vector.shape_cast %broadcast_in_dim3A_150 : vector<16xi32> to vector<1x16xi32>
        tpu.vector_store %arg6[%swap3A, %swap3A_151], %swap3A_154 {strides = array<i32>} : memref<80x128xi32, #tpu.memory_space<vmem>>, vector<1x16xi32>,
        %broadcast_in_dim3A_155 = arith.constant 10000 : i32
        %broadcast_in_dim3A_156 = vector.broadcast %broadcast_in_dim3A_155 : i32 to vector<16xi32>
        %swap3A_157 = arith.index_cast %scan3A_148 : i32 to index
        %swap3A_158 = arith.constant 16 : index
        %swap3A_159 = tpu.vector_load %arg6[%swap3A_157, %swap3A_158] {strides = array<i32>} : memref<80x128xi32, #tpu.memory_space<vmem>>, vector<1x16xi32>,
        %swap3A_160 = vector.shape_cast %swap3A_159 : vector<1x16xi32> to vector<16xi32>
        %swap3A_161 = vector.shape_cast %broadcast_in_dim3A_156 : vector<16xi32> to vector<1x16xi32>
        tpu.vector_store %arg6[%swap3A_157, %swap3A_158], %swap3A_161 {strides = array<i32>} : memref<80x128xi32, #tpu.memory_space<vmem>>, vector<1x16xi32>,
        %broadcast_in_dim3A_162 = arith.constant 10000 : i32
        %broadcast_in_dim3A_163 = vector.broadcast %broadcast_in_dim3A_162 : i32 to vector<16xi32>
        %swap3A_164 = arith.index_cast %scan3A_148 : i32 to index
        %swap3A_165 = arith.constant 32 : index
        %swap3A_166 = tpu.vector_load %arg6[%swap3A_164, %swap3A_165] {strides = array<i32>} : memref<80x128xi32, #tpu.memory_space<vmem>>, vector<1x16xi32>,
        %swap3A_167 = vector.shape_cast %swap3A_166 : vector<1x16xi32> to vector<16xi32>
        %swap3A_168 = vector.shape_cast %broadcast_in_dim3A_163 : vector<16xi32> to vector<1x16xi32>
        tpu.vector_store %arg6[%swap3A_164, %swap3A_165], %swap3A_168 {strides = array<i32>} : memref<80x128xi32, #tpu.memory_space<vmem>>, vector<1x16xi32>,
        %broadcast_in_dim3A_169 = arith.constant 10000 : i32
        %broadcast_in_dim3A_170 = vector.broadcast %broadcast_in_dim3A_169 : i32 to vector<16xi32>
        %swap3A_171 = arith.index_cast %scan3A_148 : i32 to index
        %swap3A_172 = arith.constant 48 : index
        %swap3A_173 = tpu.vector_load %arg6[%swap3A_171, %swap3A_172] {strides = array<i32>} : memref<80x128xi32, #tpu.memory_space<vmem>>, vector<1x16xi32>,
        %swap3A_174 = vector.shape_cast %swap3A_173 : vector<1x16xi32> to vector<16xi32>
        %swap3A_175 = vector.shape_cast %broadcast_in_dim3A_170 : vector<16xi32> to vector<1x16xi32>
        tpu.vector_store %arg6[%swap3A_171, %swap3A_172], %swap3A_175 {strides = array<i32>} : memref<80x128xi32, #tpu.memory_space<vmem>>, vector<1x16xi32>,
        %broadcast_in_dim3A_176 = arith.constant 10000 : i32
        %broadcast_in_dim3A_177 = vector.broadcast %broadcast_in_dim3A_176 : i32 to vector<16xi32>
        %swap3A_178 = arith.index_cast %scan3A_148 : i32 to index
        %swap3A_179 = arith.constant 64 : index
        %swap3A_180 = tpu.vector_load %arg6[%swap3A_178, %swap3A_179] {strides = array<i32>} : memref<80x128xi32, #tpu.memory_space<vmem>>, vector<1x16xi32>,
        %swap3A_181 = vector.shape_cast %swap3A_180 : vector<1x16xi32> to vector<16xi32>
        %swap3A_182 = vector.shape_cast %broadcast_in_dim3A_177 : vector<16xi32> to vector<1x16xi32>
        tpu.vector_store %arg6[%swap3A_178, %swap3A_179], %swap3A_182 {strides = array<i32>} : memref<80x128xi32, #tpu.memory_space<vmem>>, vector<1x16xi32>,
        %broadcast_in_dim3A_183 = arith.constant 10000 : i32
        %broadcast_in_dim3A_184 = vector.broadcast %broadcast_in_dim3A_183 : i32 to vector<16xi32>
        %swap3A_185 = arith.index_cast %scan3A_148 : i32 to index
        %swap3A_186 = arith.constant 80 : index
        %swap3A_187 = tpu.vector_load %arg6[%swap3A_185, %swap3A_186] {strides = array<i32>} : memref<80x128xi32, #tpu.memory_space<vmem>>, vector<1x16xi32>,
        %swap3A_188 = vector.shape_cast %swap3A_187 : vector<1x16xi32> to vector<16xi32>
        %swap3A_189 = vector.shape_cast %broadcast_in_dim3A_184 : vector<16xi32> to vector<1x16xi32>
        tpu.vector_store %arg6[%swap3A_185, %swap3A_186], %swap3A_189 {strides = array<i32>} : memref<80x128xi32, #tpu.memory_space<vmem>>, vector<1x16xi32>,
        %broadcast_in_dim3A_190 = arith.constant 10000 : i32
        %broadcast_in_dim3A_191 = vector.broadcast %broadcast_in_dim3A_190 : i32 to vector<16xi32>
        %swap3A_192 = arith.index_cast %scan3A_148 : i32 to index
        %swap3A_193 = arith.constant 96 : index
        %swap3A_194 = tpu.vector_load %arg6[%swap3A_192, %swap3A_193] {strides = array<i32>} : memref<80x128xi32, #tpu.memory_space<vmem>>, vector<1x16xi32>,
        %swap3A_195 = vector.shape_cast %swap3A_194 : vector<1x16xi32> to vector<16xi32>
        %swap3A_196 = vector.shape_cast %broadcast_in_dim3A_191 : vector<16xi32> to vector<1x16xi32>
        tpu.vector_store %arg6[%swap3A_192, %swap3A_193], %swap3A_196 {strides = array<i32>} : memref<80x128xi32, #tpu.memory_space<vmem>>, vector<1x16xi32>,
        %broadcast_in_dim3A_197 = arith.constant 10000 : i32
        %broadcast_in_dim3A_198 = vector.broadcast %broadcast_in_dim3A_197 : i32 to vector<16xi32>
        %swap3A_199 = arith.index_cast %scan3A_148 : i32 to index
        %swap3A_200 = arith.constant 112 : index
        %swap3A_201 = tpu.vector_load %arg6[%swap3A_199, %swap3A_200] {strides = array<i32>} : memref<80x128xi32, #tpu.memory_space<vmem>>, vector<1x16xi32>,
        %swap3A_202 = vector.shape_cast %swap3A_201 : vector<1x16xi32> to vector<16xi32>
        %swap3A_203 = vector.shape_cast %broadcast_in_dim3A_198 : vector<16xi32> to vector<1x16xi32>
        tpu.vector_store %arg6[%swap3A_199, %swap3A_200], %swap3A_203 {strides = array<i32>} : memref<80x128xi32, #tpu.memory_space<vmem>>, vector<1x16xi32>,
        %scan3A_204 = arith.constant 0 : i32
        scf.yield %scan3A_204 : i32
      }
      %scan3A_147 = arith.constant 60 : i32
    } else {
    }
    %lt3A_9 = arith.constant 31 : i32
    %lt3A_10 = arith.cmpi slt, %add3A, %lt3A_9 : i32
    %convert_element_type3A_11 = arith.extui %lt3A_10 : i1 to i32
    %cond3A_12 = arith.constant 1 : i32
    %cond3A_13 = arith.constant 0 : i32
    %cond3A_14 = arith.cmpi ne, %convert_element_type3A_11, %cond3A_13 : i32
    scf.if %cond3A_14 {
      %mul3A_141 = arith.constant 80 : i32
      %mul3A_142 = arith.muli %add3A, %mul3A_141 : i32
      "tpu.region"() ({
        %run_scoped3A = tpu.sem_alloc : memref<!tpu.dma_semaphore, #tpu.memory_space<semaphore_mem>>
        %dma_start3A_143 = arith.constant 0 : i32
        %dma_start3A_144 = arith.constant 0 : i32
        %dma_start3A_145 = tpu.memref_slice %arg3[%cond3A_12, %dma_start3A_143, %dma_start3A_144] : memref<2x2500x128xi32, #tpu.memory_space<hbm>> -> memref<1x2500x128xi32, #tpu.memory_space<hbm>>
        %dma_start3A_146 = tpu.memref_squeeze %dma_start3A_145 : memref<1x2500x128xi32, #tpu.memory_space<hbm>> -> memref<2500x128xi32, #tpu.memory_space<hbm>>
        %dma_start3A_147 = arith.constant 0 : i32
        %dma_start3A_148 = tpu.memref_slice %dma_start3A_146[%mul3A_142, %dma_start3A_147] : memref<2500x128xi32, #tpu.memory_space<hbm>> -> memref<80x128xi32, #tpu.memory_space<hbm>>
        %dma_start3A_149 = arith.constant 0 : i32
        %dma_start3A_150 = arith.constant 0 : i32
        %dma_start3A_151 = tpu.memref_slice %arg3[%cond3A_12, %dma_start3A_149, %dma_start3A_150] : memref<2x2500x128xi32, #tpu.memory_space<hbm>> -> memref<1x2500x128xi32, #tpu.memory_space<hbm>>
        %dma_start3A_152 = tpu.memref_squeeze %dma_start3A_151 : memref<1x2500x128xi32, #tpu.memory_space<hbm>> -> memref<2500x128xi32, #tpu.memory_space<hbm>>
        %dma_start3A_153 = arith.constant 0 : i32
        %dma_start3A_154 = tpu.memref_slice %dma_start3A_152[%mul3A_142, %dma_start3A_153] : memref<2500x128xi32, #tpu.memory_space<hbm>> -> memref<80x128xi32, #tpu.memory_space<hbm>>
        tpu.enqueue_dma source(%dma_start3A_154 : memref<80x128xi32, #tpu.memory_space<hbm>>) target(%arg7 : memref<80x128xi32, #tpu.memory_space<vmem>>) target_semaphore(%run_scoped3A : memref<!tpu.dma_semaphore, #tpu.memory_space<semaphore_mem>>)
        %dma_wait3A_155 = arith.constant 0 : i32
        %dma_wait3A_156 = arith.constant 0 : i32
        %dma_wait3A_157 = tpu.memref_slice %arg3[%cond3A_12, %dma_wait3A_155, %dma_wait3A_156] : memref<2x2500x128xi32, #tpu.memory_space<hbm>> -> memref<1x2500x128xi32, #tpu.memory_space<hbm>>
        %dma_wait3A_158 = tpu.memref_squeeze %dma_wait3A_157 : memref<1x2500x128xi32, #tpu.memory_space<hbm>> -> memref<2500x128xi32, #tpu.memory_space<hbm>>
        %dma_wait3A_159 = arith.constant 0 : i32
        %dma_wait3A_160 = tpu.memref_slice %dma_wait3A_158[%mul3A_142, %dma_wait3A_159] : memref<2500x128xi32, #tpu.memory_space<hbm>> -> memref<80x128xi32, #tpu.memory_space<hbm>>
        %dma_wait3A_161 = arith.constant 0 : i32
        %dma_wait3A_162 = arith.constant 0 : i32
        %dma_wait3A_163 = tpu.memref_slice %arg3[%cond3A_12, %dma_wait3A_161, %dma_wait3A_162] : memref<2x2500x128xi32, #tpu.memory_space<hbm>> -> memref<1x2500x128xi32, #tpu.memory_space<hbm>>
        %dma_wait3A_164 = tpu.memref_squeeze %dma_wait3A_163 : memref<1x2500x128xi32, #tpu.memory_space<hbm>> -> memref<2500x128xi32, #tpu.memory_space<hbm>>
        %dma_wait3A_165 = arith.constant 0 : i32
        %dma_wait3A_166 = tpu.memref_slice %dma_wait3A_164[%mul3A_142, %dma_wait3A_165] : memref<2500x128xi32, #tpu.memory_space<hbm>> -> memref<80x128xi32, #tpu.memory_space<hbm>>
        tpu.wait_dma2 semaphore(%run_scoped3A : memref<!tpu.dma_semaphore, #tpu.memory_space<semaphore_mem>>) src(%dma_wait3A_166 : memref<80x128xi32, #tpu.memory_space<hbm>>) dst(%arg7 : memref<80x128xi32, #tpu.memory_space<vmem>>)
        tpu.yield
      }) : () -> ()
    } else {
    }
    %eq3A_15 = arith.constant 31 : i32
    %eq3A_16 = arith.cmpi eq, %add3A, %eq3A_15 : i32
    %convert_element_type3A_17 = arith.extui %eq3A_16 : i1 to i32
    %cond3A_18 = arith.constant 1 : i32
    %cond3A_19 = arith.constant 0 : i32
    %cond3A_20 = arith.cmpi ne, %convert_element_type3A_17, %cond3A_19 : i32
    scf.if %cond3A_20 {
      "tpu.region"() ({
        %run_scoped3A = tpu.sem_alloc : memref<!tpu.dma_semaphore, #tpu.memory_space<semaphore_mem>>
        %dma_start3A_148 = arith.constant 0 : i32
        %dma_start3A_149 = arith.constant 0 : i32
        %dma_start3A_150 = tpu.memref_slice %arg7[%dma_start3A_148, %dma_start3A_149] : memref<80x128xi32, #tpu.memory_space<vmem>> -> memref<20x128xi32, #tpu.memory_space<vmem>>
        %dma_start3A_151 = arith.constant 0 : i32
        %dma_start3A_152 = arith.constant 0 : i32
        %dma_start3A_153 = tpu.memref_slice %arg3[%cond3A_18, %dma_start3A_151, %dma_start3A_152] : memref<2x2500x128xi32, #tpu.memory_space<hbm>> -> memref<1x2500x128xi32, #tpu.memory_space<hbm>>
        %dma_start3A_154 = tpu.memref_squeeze %dma_start3A_153 : memref<1x2500x128xi32, #tpu.memory_space<hbm>> -> memref<2500x128xi32, #tpu.memory_space<hbm>>
        %dma_start3A_155 = arith.constant 2480 : i32
        %dma_start3A_156 = arith.constant 0 : i32
        %dma_start3A_157 = tpu.memref_slice %dma_start3A_154[%dma_start3A_155, %dma_start3A_156] : memref<2500x128xi32, #tpu.memory_space<hbm>> -> memref<20x128xi32, #tpu.memory_space<hbm>>
        %dma_start3A_158 = arith.constant 0 : i32
        %dma_start3A_159 = arith.constant 0 : i32
        %dma_start3A_160 = tpu.memref_slice %arg7[%dma_start3A_158, %dma_start3A_159] : memref<80x128xi32, #tpu.memory_space<vmem>> -> memref<20x128xi32, #tpu.memory_space<vmem>>
        %dma_start3A_161 = arith.constant 0 : i32
        %dma_start3A_162 = arith.constant 0 : i32
        %dma_start3A_163 = tpu.memref_slice %arg3[%cond3A_18, %dma_start3A_161, %dma_start3A_162] : memref<2x2500x128xi32, #tpu.memory_space<hbm>> -> memref<1x2500x128xi32, #tpu.memory_space<hbm>>
        %dma_start3A_164 = tpu.memref_squeeze %dma_start3A_163 : memref<1x2500x128xi32, #tpu.memory_space<hbm>> -> memref<2500x128xi32, #tpu.memory_space<hbm>>
        %dma_start3A_165 = arith.constant 2480 : i32
        %dma_start3A_166 = arith.constant 0 : i32
        %dma_start3A_167 = tpu.memref_slice %dma_start3A_164[%dma_start3A_165, %dma_start3A_166] : memref<2500x128xi32, #tpu.memory_space<hbm>> -> memref<20x128xi32, #tpu.memory_space<hbm>>
        tpu.enqueue_dma source(%dma_start3A_167 : memref<20x128xi32, #tpu.memory_space<hbm>>) target(%dma_start3A_160 : memref<20x128xi32, #tpu.memory_space<vmem>>) target_semaphore(%run_scoped3A : memref<!tpu.dma_semaphore, #tpu.memory_space<semaphore_mem>>)
        %dma_wait3A_168 = arith.constant 0 : i32
        %dma_wait3A_169 = arith.constant 0 : i32
        %dma_wait3A_170 = tpu.memref_slice %arg7[%dma_wait3A_168, %dma_wait3A_169] : memref<80x128xi32, #tpu.memory_space<vmem>> -> memref<20x128xi32, #tpu.memory_space<vmem>>
        %dma_wait3A_171 = arith.constant 0 : i32
        %dma_wait3A_172 = arith.constant 0 : i32
        %dma_wait3A_173 = tpu.memref_slice %arg3[%cond3A_18, %dma_wait3A_171, %dma_wait3A_172] : memref<2x2500x128xi32, #tpu.memory_space<hbm>> -> memref<1x2500x128xi32, #tpu.memory_space<hbm>>
        %dma_wait3A_174 = tpu.memref_squeeze %dma_wait3A_173 : memref<1x2500x128xi32, #tpu.memory_space<hbm>> -> memref<2500x128xi32, #tpu.memory_space<hbm>>
        %dma_wait3A_175 = arith.constant 2480 : i32
        %dma_wait3A_176 = arith.constant 0 : i32
        %dma_wait3A_177 = tpu.memref_slice %dma_wait3A_174[%dma_wait3A_175, %dma_wait3A_176] : memref<2500x128xi32, #tpu.memory_space<hbm>> -> memref<20x128xi32, #tpu.memory_space<hbm>>
        %dma_wait3A_178 = arith.constant 0 : i32
        %dma_wait3A_179 = arith.constant 0 : i32
        %dma_wait3A_180 = tpu.memref_slice %arg7[%dma_wait3A_178, %dma_wait3A_179] : memref<80x128xi32, #tpu.memory_space<vmem>> -> memref<20x128xi32, #tpu.memory_space<vmem>>
        %dma_wait3A_181 = arith.constant 0 : i32
        %dma_wait3A_182 = arith.constant 0 : i32
        %dma_wait3A_183 = tpu.memref_slice %arg3[%cond3A_18, %dma_wait3A_181, %dma_wait3A_182] : memref<2x2500x128xi32, #tpu.memory_space<hbm>> -> memref<1x2500x128xi32, #tpu.memory_space<hbm>>
        %dma_wait3A_184 = tpu.memref_squeeze %dma_wait3A_183 : memref<1x2500x128xi32, #tpu.memory_space<hbm>> -> memref<2500x128xi32, #tpu.memory_space<hbm>>
        %dma_wait3A_185 = arith.constant 2480 : i32
        %dma_wait3A_186 = arith.constant 0 : i32
        %dma_wait3A_187 = tpu.memref_slice %dma_wait3A_184[%dma_wait3A_185, %dma_wait3A_186] : memref<2500x128xi32, #tpu.memory_space<hbm>> -> memref<20x128xi32, #tpu.memory_space<hbm>>
        tpu.wait_dma2 semaphore(%run_scoped3A : memref<!tpu.dma_semaphore, #tpu.memory_space<semaphore_mem>>) src(%dma_wait3A_187 : memref<20x128xi32, #tpu.memory_space<hbm>>) dst(%dma_wait3A_180 : memref<20x128xi32, #tpu.memory_space<vmem>>)
        tpu.yield
      }) : () -> ()
      %scan3A_141 = arith.constant 0 : i32
      %scan3A_142 = arith.constant 20 : i32
      %scan3A_143 = arith.constant 60 : i32
      %scan3A_144 = arith.addi %scan3A_142, %scan3A_143 : i32
      %scan3A_145 = arith.constant 1 : i32
      %scan3A_146 = scf.for %scan3A_148 = %scan3A_142 to %scan3A_144 step %scan3A_145 iter_args(%scan3A_149 = %scan3A_141) -> (i32)  : i32 {
        %broadcast_in_dim3A = arith.constant 10000 : i32
        %broadcast_in_dim3A_150 = vector.broadcast %broadcast_in_dim3A : i32 to vector<16xi32>
        %swap3A = arith.index_cast %scan3A_148 : i32 to index
        %swap3A_151 = arith.constant 0 : index
        %swap3A_152 = tpu.vector_load %arg7[%swap3A, %swap3A_151] {strides = array<i32>} : memref<80x128xi32, #tpu.memory_space<vmem>>, vector<1x16xi32>,
        %swap3A_153 = vector.shape_cast %swap3A_152 : vector<1x16xi32> to vector<16xi32>
        %swap3A_154 = vector.shape_cast %broadcast_in_dim3A_150 : vector<16xi32> to vector<1x16xi32>
        tpu.vector_store %arg7[%swap3A, %swap3A_151], %swap3A_154 {strides = array<i32>} : memref<80x128xi32, #tpu.memory_space<vmem>>, vector<1x16xi32>,
        %broadcast_in_dim3A_155 = arith.constant 10000 : i32
        %broadcast_in_dim3A_156 = vector.broadcast %broadcast_in_dim3A_155 : i32 to vector<16xi32>
        %swap3A_157 = arith.index_cast %scan3A_148 : i32 to index
        %swap3A_158 = arith.constant 16 : index
        %swap3A_159 = tpu.vector_load %arg7[%swap3A_157, %swap3A_158] {strides = array<i32>} : memref<80x128xi32, #tpu.memory_space<vmem>>, vector<1x16xi32>,
        %swap3A_160 = vector.shape_cast %swap3A_159 : vector<1x16xi32> to vector<16xi32>
        %swap3A_161 = vector.shape_cast %broadcast_in_dim3A_156 : vector<16xi32> to vector<1x16xi32>
        tpu.vector_store %arg7[%swap3A_157, %swap3A_158], %swap3A_161 {strides = array<i32>} : memref<80x128xi32, #tpu.memory_space<vmem>>, vector<1x16xi32>,
        %broadcast_in_dim3A_162 = arith.constant 10000 : i32
        %broadcast_in_dim3A_163 = vector.broadcast %broadcast_in_dim3A_162 : i32 to vector<16xi32>
        %swap3A_164 = arith.index_cast %scan3A_148 : i32 to index
        %swap3A_165 = arith.constant 32 : index
        %swap3A_166 = tpu.vector_load %arg7[%swap3A_164, %swap3A_165] {strides = array<i32>} : memref<80x128xi32, #tpu.memory_space<vmem>>, vector<1x16xi32>,
        %swap3A_167 = vector.shape_cast %swap3A_166 : vector<1x16xi32> to vector<16xi32>
        %swap3A_168 = vector.shape_cast %broadcast_in_dim3A_163 : vector<16xi32> to vector<1x16xi32>
        tpu.vector_store %arg7[%swap3A_164, %swap3A_165], %swap3A_168 {strides = array<i32>} : memref<80x128xi32, #tpu.memory_space<vmem>>, vector<1x16xi32>,
        %broadcast_in_dim3A_169 = arith.constant 10000 : i32
        %broadcast_in_dim3A_170 = vector.broadcast %broadcast_in_dim3A_169 : i32 to vector<16xi32>
        %swap3A_171 = arith.index_cast %scan3A_148 : i32 to index
        %swap3A_172 = arith.constant 48 : index
        %swap3A_173 = tpu.vector_load %arg7[%swap3A_171, %swap3A_172] {strides = array<i32>} : memref<80x128xi32, #tpu.memory_space<vmem>>, vector<1x16xi32>,
        %swap3A_174 = vector.shape_cast %swap3A_173 : vector<1x16xi32> to vector<16xi32>
        %swap3A_175 = vector.shape_cast %broadcast_in_dim3A_170 : vector<16xi32> to vector<1x16xi32>
        tpu.vector_store %arg7[%swap3A_171, %swap3A_172], %swap3A_175 {strides = array<i32>} : memref<80x128xi32, #tpu.memory_space<vmem>>, vector<1x16xi32>,
        %broadcast_in_dim3A_176 = arith.constant 10000 : i32
        %broadcast_in_dim3A_177 = vector.broadcast %broadcast_in_dim3A_176 : i32 to vector<16xi32>
        %swap3A_178 = arith.index_cast %scan3A_148 : i32 to index
        %swap3A_179 = arith.constant 64 : index
        %swap3A_180 = tpu.vector_load %arg7[%swap3A_178, %swap3A_179] {strides = array<i32>} : memref<80x128xi32, #tpu.memory_space<vmem>>, vector<1x16xi32>,
        %swap3A_181 = vector.shape_cast %swap3A_180 : vector<1x16xi32> to vector<16xi32>
        %swap3A_182 = vector.shape_cast %broadcast_in_dim3A_177 : vector<16xi32> to vector<1x16xi32>
        tpu.vector_store %arg7[%swap3A_178, %swap3A_179], %swap3A_182 {strides = array<i32>} : memref<80x128xi32, #tpu.memory_space<vmem>>, vector<1x16xi32>,
        %broadcast_in_dim3A_183 = arith.constant 10000 : i32
        %broadcast_in_dim3A_184 = vector.broadcast %broadcast_in_dim3A_183 : i32 to vector<16xi32>
        %swap3A_185 = arith.index_cast %scan3A_148 : i32 to index
        %swap3A_186 = arith.constant 80 : index
        %swap3A_187 = tpu.vector_load %arg7[%swap3A_185, %swap3A_186] {strides = array<i32>} : memref<80x128xi32, #tpu.memory_space<vmem>>, vector<1x16xi32>,
        %swap3A_188 = vector.shape_cast %swap3A_187 : vector<1x16xi32> to vector<16xi32>
        %swap3A_189 = vector.shape_cast %broadcast_in_dim3A_184 : vector<16xi32> to vector<1x16xi32>
        tpu.vector_store %arg7[%swap3A_185, %swap3A_186], %swap3A_189 {strides = array<i32>} : memref<80x128xi32, #tpu.memory_space<vmem>>, vector<1x16xi32>,
        %broadcast_in_dim3A_190 = arith.constant 10000 : i32
        %broadcast_in_dim3A_191 = vector.broadcast %broadcast_in_dim3A_190 : i32 to vector<16xi32>
        %swap3A_192 = arith.index_cast %scan3A_148 : i32 to index
        %swap3A_193 = arith.constant 96 : index
        %swap3A_194 = tpu.vector_load %arg7[%swap3A_192, %swap3A_193] {strides = array<i32>} : memref<80x128xi32, #tpu.memory_space<vmem>>, vector<1x16xi32>,
        %swap3A_195 = vector.shape_cast %swap3A_194 : vector<1x16xi32> to vector<16xi32>
        %swap3A_196 = vector.shape_cast %broadcast_in_dim3A_191 : vector<16xi32> to vector<1x16xi32>
        tpu.vector_store %arg7[%swap3A_192, %swap3A_193], %swap3A_196 {strides = array<i32>} : memref<80x128xi32, #tpu.memory_space<vmem>>, vector<1x16xi32>,
        %broadcast_in_dim3A_197 = arith.constant 10000 : i32
        %broadcast_in_dim3A_198 = vector.broadcast %broadcast_in_dim3A_197 : i32 to vector<16xi32>
        %swap3A_199 = arith.index_cast %scan3A_148 : i32 to index
        %swap3A_200 = arith.constant 112 : index
        %swap3A_201 = tpu.vector_load %arg7[%swap3A_199, %swap3A_200] {strides = array<i32>} : memref<80x128xi32, #tpu.memory_space<vmem>>, vector<1x16xi32>,
        %swap3A_202 = vector.shape_cast %swap3A_201 : vector<1x16xi32> to vector<16xi32>
        %swap3A_203 = vector.shape_cast %broadcast_in_dim3A_198 : vector<16xi32> to vector<1x16xi32>
        tpu.vector_store %arg7[%swap3A_199, %swap3A_200], %swap3A_203 {strides = array<i32>} : memref<80x128xi32, #tpu.memory_space<vmem>>, vector<1x16xi32>,
        %scan3A_204 = arith.constant 0 : i32
        scf.yield %scan3A_204 : i32
      }
      %scan3A_147 = arith.constant 60 : i32
    } else {
    }
    %mul3A_21 = arith.constant 640 : i32
    %mul3A_22 = arith.muli %arg1, %mul3A_21 : i32
    "tpu.region"() ({
      %run_scoped3A = tpu.sem_alloc : memref<!tpu.dma_semaphore, #tpu.memory_space<semaphore_mem>>
      %dma_start3A_141 = arith.constant 0 : i32
      %dma_start3A_142 = tpu.memref_slice %arg32[%mul3A_22, %dma_start3A_141] : memref<10240x16xf32, #tpu.memory_space<vmem_shared>> -> memref<640x16xf32, #tpu.memory_space<vmem_shared>>
      tpu.enqueue_dma source(%arg4 : memref<640x16xf32, #tpu.memory_space<hbm>>) target(%dma_start3A_142 : memref<640x16xf32, #tpu.memory_space<vmem_shared>>) target_semaphore(%run_scoped3A : memref<!tpu.dma_semaphore, #tpu.memory_space<semaphore_mem>>)
      %dma_wait3A_143 = arith.constant 0 : i32
      %dma_wait3A_144 = tpu.memref_slice %arg32[%mul3A_22, %dma_wait3A_143] : memref<10240x16xf32, #tpu.memory_space<vmem_shared>> -> memref<640x16xf32, #tpu.memory_space<vmem_shared>>
      tpu.wait_dma2 semaphore(%run_scoped3A : memref<!tpu.dma_semaphore, #tpu.memory_space<semaphore_mem>>) src(%arg4 : memref<640x16xf32, #tpu.memory_space<hbm>>) dst(%dma_wait3A_144 : memref<640x16xf32, #tpu.memory_space<vmem_shared>>)
      tpu.yield
    }) : () -> ()
    %mul3A_23 = arith.constant 626 : i32
    %mul3A_24 = arith.muli %arg1, %mul3A_23 : i32
    %mul3A_25 = arith.constant 626 : i32
    %mul3A_26 = arith.muli %arg1, %mul3A_25 : i32
    "tpu.region"() ({
      %run_scoped3A = tpu.sem_alloc : memref<!tpu.dma_semaphore, #tpu.memory_space<semaphore_mem>>
      %dma_start3A_141 = arith.constant 0 : i32
      %dma_start3A_142 = tpu.memref_slice %arg33[%mul3A_26, %dma_start3A_141] : memref<10016x16xf32, #tpu.memory_space<vmem_shared>> -> memref<626x16xf32, #tpu.memory_space<vmem_shared>>
      %dma_start3A_143 = arith.constant 0 : i32
      %dma_start3A_144 = tpu.memref_slice %arg2[%mul3A_24, %dma_start3A_143] : memref<10016x16xf32, #tpu.memory_space<hbm>> -> memref<626x16xf32, #tpu.memory_space<hbm>>
      tpu.enqueue_dma source(%dma_start3A_144 : memref<626x16xf32, #tpu.memory_space<hbm>>) target(%dma_start3A_142 : memref<626x16xf32, #tpu.memory_space<vmem_shared>>) target_semaphore(%run_scoped3A : memref<!tpu.dma_semaphore, #tpu.memory_space<semaphore_mem>>)
      %dma_wait3A_145 = arith.constant 0 : i32
      %dma_wait3A_146 = tpu.memref_slice %arg33[%mul3A_26, %dma_wait3A_145] : memref<10016x16xf32, #tpu.memory_space<vmem_shared>> -> memref<626x16xf32, #tpu.memory_space<vmem_shared>>
      %dma_wait3A_147 = arith.constant 0 : i32
      %dma_wait3A_148 = tpu.memref_slice %arg2[%mul3A_24, %dma_wait3A_147] : memref<10016x16xf32, #tpu.memory_space<hbm>> -> memref<626x16xf32, #tpu.memory_space<hbm>>
      tpu.wait_dma2 semaphore(%run_scoped3A : memref<!tpu.dma_semaphore, #tpu.memory_space<semaphore_mem>>) src(%dma_wait3A_148 : memref<626x16xf32, #tpu.memory_space<hbm>>) dst(%dma_wait3A_146 : memref<626x16xf32, #tpu.memory_space<vmem_shared>>)
      tpu.yield
    }) : () -> ()
    %barrier3A = arith.constant 0 : index
    tpu.barrier barrier_id(%barrier3A)
    %dma_start3A = arith.constant 0 : i32
    %dma_start3A_27 = arith.constant 0 : i32
    %dma_start3A_28 = tpu.memref_slice %arg6[%dma_start3A, %dma_start3A_27] : memref<80x128xi32, #tpu.memory_space<vmem>> -> memref<1x128xi32, #tpu.memory_space<vmem>>
    %dma_start3A_29 = tpu.memref_squeeze %dma_start3A_28 : memref<1x128xi32, #tpu.memory_space<vmem>> -> memref<128xi32, #tpu.memory_space<vmem>>
    %dma_start3A_30 = arith.constant 0 : i32
    %dma_start3A_31 = arith.constant 0 : i32
    %dma_start3A_32 = tpu.memref_slice %arg33[%dma_start3A_30, %dma_start3A_31] : memref<10016x16xf32, #tpu.memory_space<vmem_shared>> -> memref<10016x16xf32, #tpu.memory_space<vmem_shared>>
    tpu.enqueue_indirect_dma source(%dma_start3A_32 : memref<10016x16xf32, #tpu.memory_space<vmem_shared>>) target(%arg8 : memref<128x16xf32, #tpu.memory_space<vmem>>) offsets(%dma_start3A_29 : memref<128xi32, #tpu.memory_space<vmem>>) semaphore(%arg16 : memref<!tpu.dma_semaphore, #tpu.memory_space<semaphore_mem>>)
    %dma_start3A_33 = arith.constant 1 : i32
    %dma_start3A_34 = arith.constant 0 : i32
    %dma_start3A_35 = tpu.memref_slice %arg6[%dma_start3A_33, %dma_start3A_34] : memref<80x128xi32, #tpu.memory_space<vmem>> -> memref<1x128xi32, #tpu.memory_space<vmem>>
    %dma_start3A_36 = tpu.memref_squeeze %dma_start3A_35 : memref<1x128xi32, #tpu.memory_space<vmem>> -> memref<128xi32, #tpu.memory_space<vmem>>
    %dma_start3A_37 = arith.constant 0 : i32
    %dma_start3A_38 = arith.constant 0 : i32
    %dma_start3A_39 = tpu.memref_slice %arg33[%dma_start3A_37, %dma_start3A_38] : memref<10016x16xf32, #tpu.memory_space<vmem_shared>> -> memref<10016x16xf32, #tpu.memory_space<vmem_shared>>
    tpu.enqueue_indirect_dma source(%dma_start3A_39 : memref<10016x16xf32, #tpu.memory_space<vmem_shared>>) target(%arg9 : memref<128x16xf32, #tpu.memory_space<vmem>>) offsets(%dma_start3A_36 : memref<128xi32, #tpu.memory_space<vmem>>) semaphore(%arg17 : memref<!tpu.dma_semaphore, #tpu.memory_space<semaphore_mem>>)
    %dma_start3A_40 = arith.constant 2 : i32
    %dma_start3A_41 = arith.constant 0 : i32
    %dma_start3A_42 = tpu.memref_slice %arg6[%dma_start3A_40, %dma_start3A_41] : memref<80x128xi32, #tpu.memory_space<vmem>> -> memref<1x128xi32, #tpu.memory_space<vmem>>
    %dma_start3A_43 = tpu.memref_squeeze %dma_start3A_42 : memref<1x128xi32, #tpu.memory_space<vmem>> -> memref<128xi32, #tpu.memory_space<vmem>>
    %dma_start3A_44 = arith.constant 0 : i32
    %dma_start3A_45 = arith.constant 0 : i32
    %dma_start3A_46 = tpu.memref_slice %arg33[%dma_start3A_44, %dma_start3A_45] : memref<10016x16xf32, #tpu.memory_space<vmem_shared>> -> memref<10016x16xf32, #tpu.memory_space<vmem_shared>>
    tpu.enqueue_indirect_dma source(%dma_start3A_46 : memref<10016x16xf32, #tpu.memory_space<vmem_shared>>) target(%arg10 : memref<128x16xf32, #tpu.memory_space<vmem>>) offsets(%dma_start3A_43 : memref<128xi32, #tpu.memory_space<vmem>>) semaphore(%arg18 : memref<!tpu.dma_semaphore, #tpu.memory_space<semaphore_mem>>)
    %dma_start3A_47 = arith.constant 3 : i32
    %dma_start3A_48 = arith.constant 0 : i32
    %dma_start3A_49 = tpu.memref_slice %arg6[%dma_start3A_47, %dma_start3A_48] : memref<80x128xi32, #tpu.memory_space<vmem>> -> memref<1x128xi32, #tpu.memory_space<vmem>>
    %dma_start3A_50 = tpu.memref_squeeze %dma_start3A_49 : memref<1x128xi32, #tpu.memory_space<vmem>> -> memref<128xi32, #tpu.memory_space<vmem>>
    %dma_start3A_51 = arith.constant 0 : i32
    %dma_start3A_52 = arith.constant 0 : i32
    %dma_start3A_53 = tpu.memref_slice %arg33[%dma_start3A_51, %dma_start3A_52] : memref<10016x16xf32, #tpu.memory_space<vmem_shared>> -> memref<10016x16xf32, #tpu.memory_space<vmem_shared>>
    tpu.enqueue_indirect_dma source(%dma_start3A_53 : memref<10016x16xf32, #tpu.memory_space<vmem_shared>>) target(%arg11 : memref<128x16xf32, #tpu.memory_space<vmem>>) offsets(%dma_start3A_50 : memref<128xi32, #tpu.memory_space<vmem>>) semaphore(%arg19 : memref<!tpu.dma_semaphore, #tpu.memory_space<semaphore_mem>>)
    %dma_start3A_54 = arith.constant 4 : i32
    %dma_start3A_55 = arith.constant 0 : i32
    %dma_start3A_56 = tpu.memref_slice %arg6[%dma_start3A_54, %dma_start3A_55] : memref<80x128xi32, #tpu.memory_space<vmem>> -> memref<1x128xi32, #tpu.memory_space<vmem>>
    %dma_start3A_57 = tpu.memref_squeeze %dma_start3A_56 : memref<1x128xi32, #tpu.memory_space<vmem>> -> memref<128xi32, #tpu.memory_space<vmem>>
    %dma_start3A_58 = arith.constant 0 : i32
    %dma_start3A_59 = arith.constant 0 : i32
    %dma_start3A_60 = tpu.memref_slice %arg33[%dma_start3A_58, %dma_start3A_59] : memref<10016x16xf32, #tpu.memory_space<vmem_shared>> -> memref<10016x16xf32, #tpu.memory_space<vmem_shared>>
    tpu.enqueue_indirect_dma source(%dma_start3A_60 : memref<10016x16xf32, #tpu.memory_space<vmem_shared>>) target(%arg12 : memref<128x16xf32, #tpu.memory_space<vmem>>) offsets(%dma_start3A_57 : memref<128xi32, #tpu.memory_space<vmem>>) semaphore(%arg20 : memref<!tpu.dma_semaphore, #tpu.memory_space<semaphore_mem>>)
    %dma_start3A_61 = arith.constant 5 : i32
    %dma_start3A_62 = arith.constant 0 : i32
    %dma_start3A_63 = tpu.memref_slice %arg6[%dma_start3A_61, %dma_start3A_62] : memref<80x128xi32, #tpu.memory_space<vmem>> -> memref<1x128xi32, #tpu.memory_space<vmem>>
    %dma_start3A_64 = tpu.memref_squeeze %dma_start3A_63 : memref<1x128xi32, #tpu.memory_space<vmem>> -> memref<128xi32, #tpu.memory_space<vmem>>
    %dma_start3A_65 = arith.constant 0 : i32
    %dma_start3A_66 = arith.constant 0 : i32
    %dma_start3A_67 = tpu.memref_slice %arg33[%dma_start3A_65, %dma_start3A_66] : memref<10016x16xf32, #tpu.memory_space<vmem_shared>> -> memref<10016x16xf32, #tpu.memory_space<vmem_shared>>
    tpu.enqueue_indirect_dma source(%dma_start3A_67 : memref<10016x16xf32, #tpu.memory_space<vmem_shared>>) target(%arg13 : memref<128x16xf32, #tpu.memory_space<vmem>>) offsets(%dma_start3A_64 : memref<128xi32, #tpu.memory_space<vmem>>) semaphore(%arg21 : memref<!tpu.dma_semaphore, #tpu.memory_space<semaphore_mem>>)
    %dma_start3A_68 = arith.constant 6 : i32
    %dma_start3A_69 = arith.constant 0 : i32
    %dma_start3A_70 = tpu.memref_slice %arg6[%dma_start3A_68, %dma_start3A_69] : memref<80x128xi32, #tpu.memory_space<vmem>> -> memref<1x128xi32, #tpu.memory_space<vmem>>
    %dma_start3A_71 = tpu.memref_squeeze %dma_start3A_70 : memref<1x128xi32, #tpu.memory_space<vmem>> -> memref<128xi32, #tpu.memory_space<vmem>>
    %dma_start3A_72 = arith.constant 0 : i32
    %dma_start3A_73 = arith.constant 0 : i32
    %dma_start3A_74 = tpu.memref_slice %arg33[%dma_start3A_72, %dma_start3A_73] : memref<10016x16xf32, #tpu.memory_space<vmem_shared>> -> memref<10016x16xf32, #tpu.memory_space<vmem_shared>>
    tpu.enqueue_indirect_dma source(%dma_start3A_74 : memref<10016x16xf32, #tpu.memory_space<vmem_shared>>) target(%arg14 : memref<128x16xf32, #tpu.memory_space<vmem>>) offsets(%dma_start3A_71 : memref<128xi32, #tpu.memory_space<vmem>>) semaphore(%arg22 : memref<!tpu.dma_semaphore, #tpu.memory_space<semaphore_mem>>)
    %scan3A = arith.constant 0 : i32
    %scan3A_75 = arith.constant 0 : i32
    %scan3A_76 = arith.constant 10 : i32
    %scan3A_77 = arith.addi %scan3A_75, %scan3A_76 : i32
    %scan3A_78 = arith.constant 1 : i32
    %scan3A_79 = scf.for %scan3A_141 = %scan3A_75 to %scan3A_77 step %scan3A_78 iter_args(%scan3A_142 = %scan3A) -> (i32)  : i32 {
      %mul3A_143 = arith.constant 8 : i32
      %mul3A_144 = arith.muli %mul3A_143, %scan3A_141 : i32
      %add3A_145 = arith.constant 0 : i32
      %add3A_146 = arith.addi %mul3A_144, %add3A_145 : i32
      %dma_wait3A_147 = arith.constant 0 : i32
      %dma_wait3A_148 = tpu.memref_slice %arg6[%add3A_146, %dma_wait3A_147] : memref<80x128xi32, #tpu.memory_space<vmem>> -> memref<1x128xi32, #tpu.memory_space<vmem>>
      %dma_wait3A_149 = tpu.memref_squeeze %dma_wait3A_148 : memref<1x128xi32, #tpu.memory_space<vmem>> -> memref<128xi32, #tpu.memory_space<vmem>>
      %dma_wait3A_150 = arith.constant 0 : i32
      %dma_wait3A_151 = arith.constant 0 : i32
      %dma_wait3A_152 = tpu.memref_slice %arg33[%dma_wait3A_150, %dma_wait3A_151] : memref<10016x16xf32, #tpu.memory_space<vmem_shared>> -> memref<10016x16xf32, #tpu.memory_space<vmem_shared>>
      tpu.wait_indirect_dma semaphore(%arg16 : memref<!tpu.dma_semaphore, #tpu.memory_space<semaphore_mem>>) src(%dma_wait3A_152 : memref<10016x16xf32, #tpu.memory_space<vmem_shared>>) dst(%arg8 : memref<128x16xf32, #tpu.memory_space<vmem>>)
      %dma_start3A_153 = arith.constant 0 : i32
      %dma_start3A_154 = tpu.memref_slice %arg7[%add3A_146, %dma_start3A_153] : memref<80x128xi32, #tpu.memory_space<vmem>> -> memref<1x128xi32, #tpu.memory_space<vmem>>
      %dma_start3A_155 = tpu.memref_squeeze %dma_start3A_154 : memref<1x128xi32, #tpu.memory_space<vmem>> -> memref<128xi32, #tpu.memory_space<vmem>>
      %dma_start3A_156 = arith.constant 0 : i32
      %dma_start3A_157 = arith.constant 0 : i32
      %dma_start3A_158 = tpu.memref_slice %arg32[%dma_start3A_156, %dma_start3A_157] : memref<10240x16xf32, #tpu.memory_space<vmem_shared>> -> memref<10240x16xf32, #tpu.memory_space<vmem_shared>>
      tpu.enqueue_indirect_dma source(%arg8 : memref<128x16xf32, #tpu.memory_space<vmem>>) target(%dma_start3A_158 : memref<10240x16xf32, #tpu.memory_space<vmem_shared>>) offsets(%dma_start3A_155 : memref<128xi32, #tpu.memory_space<vmem>>) semaphore(%arg24 : memref<!tpu.dma_semaphore, #tpu.memory_space<semaphore_mem>>) {add = true}
      %ge3A = arith.constant 1 : i32
      %ge3A_159 = arith.cmpi sge, %scan3A_141, %ge3A : i32
      %convert_element_type3A_160 = arith.extui %ge3A_159 : i1 to i32
      %cond3A_161 = arith.constant 0 : i32
      %cond3A_162 = arith.cmpi ne, %convert_element_type3A_160, %cond3A_161 : i32
      scf.if %cond3A_162 {
        %dma_wait3A_320 = arith.constant 0 : i32
        %dma_wait3A_321 = arith.constant 0 : i32
        %dma_wait3A_322 = tpu.memref_slice %arg7[%dma_wait3A_320, %dma_wait3A_321] : memref<80x128xi32, #tpu.memory_space<vmem>> -> memref<1x128xi32, #tpu.memory_space<vmem>>
        %dma_wait3A_323 = tpu.memref_squeeze %dma_wait3A_322 : memref<1x128xi32, #tpu.memory_space<vmem>> -> memref<128xi32, #tpu.memory_space<vmem>>
        %dma_wait3A_324 = arith.constant 0 : i32
        %dma_wait3A_325 = arith.constant 0 : i32
        %dma_wait3A_326 = tpu.memref_slice %arg32[%dma_wait3A_324, %dma_wait3A_325] : memref<10240x16xf32, #tpu.memory_space<vmem_shared>> -> memref<10240x16xf32, #tpu.memory_space<vmem_shared>>
        tpu.wait_indirect_dma semaphore(%arg31 : memref<!tpu.dma_semaphore, #tpu.memory_space<semaphore_mem>>) src(%arg15 : memref<128x16xf32, #tpu.memory_space<vmem>>) dst(%dma_wait3A_326 : memref<10240x16xf32, #tpu.memory_space<vmem_shared>>)
      } else {
      }
      %add3A_163 = arith.constant 8 : i32
      %add3A_164 = arith.addi %add3A_146, %add3A_163 : i32
      %sub3A = arith.constant 1 : i32
      %sub3A_165 = arith.subi %add3A_164, %sub3A : i32
      %dma_start3A_166 = arith.constant 0 : i32
      %dma_start3A_167 = tpu.memref_slice %arg6[%sub3A_165, %dma_start3A_166] : memref<80x128xi32, #tpu.memory_space<vmem>> -> memref<1x128xi32, #tpu.memory_space<vmem>>
      %dma_start3A_168 = tpu.memref_squeeze %dma_start3A_167 : memref<1x128xi32, #tpu.memory_space<vmem>> -> memref<128xi32, #tpu.memory_space<vmem>>
      %dma_start3A_169 = arith.constant 0 : i32
      %dma_start3A_170 = arith.constant 0 : i32
      %dma_start3A_171 = tpu.memref_slice %arg33[%dma_start3A_169, %dma_start3A_170] : memref<10016x16xf32, #tpu.memory_space<vmem_shared>> -> memref<10016x16xf32, #tpu.memory_space<vmem_shared>>
      tpu.enqueue_indirect_dma source(%dma_start3A_171 : memref<10016x16xf32, #tpu.memory_space<vmem_shared>>) target(%arg15 : memref<128x16xf32, #tpu.memory_space<vmem>>) offsets(%dma_start3A_168 : memref<128xi32, #tpu.memory_space<vmem>>) semaphore(%arg23 : memref<!tpu.dma_semaphore, #tpu.memory_space<semaphore_mem>>)
      %mul3A_172 = arith.constant 8 : i32
      %mul3A_173 = arith.muli %mul3A_172, %scan3A_141 : i32
      %add3A_174 = arith.constant 1 : i32
      %add3A_175 = arith.addi %mul3A_173, %add3A_174 : i32
      %dma_wait3A_176 = arith.constant 0 : i32
      %dma_wait3A_177 = tpu.memref_slice %arg6[%add3A_175, %dma_wait3A_176] : memref<80x128xi32, #tpu.memory_space<vmem>> -> memref<1x128xi32, #tpu.memory_space<vmem>>
      %dma_wait3A_178 = tpu.memref_squeeze %dma_wait3A_177 : memref<1x128xi32, #tpu.memory_space<vmem>> -> memref<128xi32, #tpu.memory_space<vmem>>
      %dma_wait3A_179 = arith.constant 0 : i32
      %dma_wait3A_180 = arith.constant 0 : i32
      %dma_wait3A_181 = tpu.memref_slice %arg33[%dma_wait3A_179, %dma_wait3A_180] : memref<10016x16xf32, #tpu.memory_space<vmem_shared>> -> memref<10016x16xf32, #tpu.memory_space<vmem_shared>>
      tpu.wait_indirect_dma semaphore(%arg17 : memref<!tpu.dma_semaphore, #tpu.memory_space<semaphore_mem>>) src(%dma_wait3A_181 : memref<10016x16xf32, #tpu.memory_space<vmem_shared>>) dst(%arg9 : memref<128x16xf32, #tpu.memory_space<vmem>>)
      %dma_start3A_182 = arith.constant 0 : i32
      %dma_start3A_183 = tpu.memref_slice %arg7[%add3A_175, %dma_start3A_182] : memref<80x128xi32, #tpu.memory_space<vmem>> -> memref<1x128xi32, #tpu.memory_space<vmem>>
      %dma_start3A_184 = tpu.memref_squeeze %dma_start3A_183 : memref<1x128xi32, #tpu.memory_space<vmem>> -> memref<128xi32, #tpu.memory_space<vmem>>
      %dma_start3A_185 = arith.constant 0 : i32
      %dma_start3A_186 = arith.constant 0 : i32
      %dma_start3A_187 = tpu.memref_slice %arg32[%dma_start3A_185, %dma_start3A_186] : memref<10240x16xf32, #tpu.memory_space<vmem_shared>> -> memref<10240x16xf32, #tpu.memory_space<vmem_shared>>
      tpu.enqueue_indirect_dma source(%arg9 : memref<128x16xf32, #tpu.memory_space<vmem>>) target(%dma_start3A_187 : memref<10240x16xf32, #tpu.memory_space<vmem_shared>>) offsets(%dma_start3A_184 : memref<128xi32, #tpu.memory_space<vmem>>) semaphore(%arg25 : memref<!tpu.dma_semaphore, #tpu.memory_space<semaphore_mem>>) {add = true}
      %lt3A_188 = arith.constant 9 : i32
      %lt3A_189 = arith.cmpi slt, %scan3A_141, %lt3A_188 : i32
      %convert_element_type3A_190 = arith.extui %lt3A_189 : i1 to i32
      %cond3A_191 = arith.constant 0 : i32
      %cond3A_192 = arith.cmpi ne, %convert_element_type3A_190, %cond3A_191 : i32
      scf.if %cond3A_192 {
        %dma_wait3A_320 = arith.constant 0 : i32
        %dma_wait3A_321 = arith.constant 0 : i32
        %dma_wait3A_322 = tpu.memref_slice %arg7[%dma_wait3A_320, %dma_wait3A_321] : memref<80x128xi32, #tpu.memory_space<vmem>> -> memref<1x128xi32, #tpu.memory_space<vmem>>
        %dma_wait3A_323 = tpu.memref_squeeze %dma_wait3A_322 : memref<1x128xi32, #tpu.memory_space<vmem>> -> memref<128xi32, #tpu.memory_space<vmem>>
        %dma_wait3A_324 = arith.constant 0 : i32
        %dma_wait3A_325 = arith.constant 0 : i32
        %dma_wait3A_326 = tpu.memref_slice %arg32[%dma_wait3A_324, %dma_wait3A_325] : memref<10240x16xf32, #tpu.memory_space<vmem_shared>> -> memref<10240x16xf32, #tpu.memory_space<vmem_shared>>
        tpu.wait_indirect_dma semaphore(%arg24 : memref<!tpu.dma_semaphore, #tpu.memory_space<semaphore_mem>>) src(%arg8 : memref<128x16xf32, #tpu.memory_space<vmem>>) dst(%dma_wait3A_326 : memref<10240x16xf32, #tpu.memory_space<vmem_shared>>)
        %add3A_327 = arith.constant 8 : i32
        %add3A_328 = arith.addi %add3A_175, %add3A_327 : i32
        %sub3A_329 = arith.constant 1 : i32
        %sub3A_330 = arith.subi %add3A_328, %sub3A_329 : i32
        %dma_start3A_331 = arith.constant 0 : i32
        %dma_start3A_332 = tpu.memref_slice %arg6[%sub3A_330, %dma_start3A_331] : memref<80x128xi32, #tpu.memory_space<vmem>> -> memref<1x128xi32, #tpu.memory_space<vmem>>
        %dma_start3A_333 = tpu.memref_squeeze %dma_start3A_332 : memref<1x128xi32, #tpu.memory_space<vmem>> -> memref<128xi32, #tpu.memory_space<vmem>>
        %dma_start3A_334 = arith.constant 0 : i32
        %dma_start3A_335 = arith.constant 0 : i32
        %dma_start3A_336 = tpu.memref_slice %arg33[%dma_start3A_334, %dma_start3A_335] : memref<10016x16xf32, #tpu.memory_space<vmem_shared>> -> memref<10016x16xf32, #tpu.memory_space<vmem_shared>>
        tpu.enqueue_indirect_dma source(%dma_start3A_336 : memref<10016x16xf32, #tpu.memory_space<vmem_shared>>) target(%arg8 : memref<128x16xf32, #tpu.memory_space<vmem>>) offsets(%dma_start3A_333 : memref<128xi32, #tpu.memory_space<vmem>>) semaphore(%arg16 : memref<!tpu.dma_semaphore, #tpu.memory_space<semaphore_mem>>)
      } else {
      }
      %mul3A_193 = arith.constant 8 : i32
      %mul3A_194 = arith.muli %mul3A_193, %scan3A_141 : i32
      %add3A_195 = arith.constant 2 : i32
      %add3A_196 = arith.addi %mul3A_194, %add3A_195 : i32
      %dma_wait3A_197 = arith.constant 0 : i32
      %dma_wait3A_198 = tpu.memref_slice %arg6[%add3A_196, %dma_wait3A_197] : memref<80x128xi32, #tpu.memory_space<vmem>> -> memref<1x128xi32, #tpu.memory_space<vmem>>
      %dma_wait3A_199 = tpu.memref_squeeze %dma_wait3A_198 : memref<1x128xi32, #tpu.memory_space<vmem>> -> memref<128xi32, #tpu.memory_space<vmem>>
      %dma_wait3A_200 = arith.constant 0 : i32
      %dma_wait3A_201 = arith.constant 0 : i32
      %dma_wait3A_202 = tpu.memref_slice %arg33[%dma_wait3A_200, %dma_wait3A_201] : memref<10016x16xf32, #tpu.memory_space<vmem_shared>> -> memref<10016x16xf32, #tpu.memory_space<vmem_shared>>
      tpu.wait_indirect_dma semaphore(%arg18 : memref<!tpu.dma_semaphore, #tpu.memory_space<semaphore_mem>>) src(%dma_wait3A_202 : memref<10016x16xf32, #tpu.memory_space<vmem_shared>>) dst(%arg10 : memref<128x16xf32, #tpu.memory_space<vmem>>)
      %dma_start3A_203 = arith.constant 0 : i32
      %dma_start3A_204 = tpu.memref_slice %arg7[%add3A_196, %dma_start3A_203] : memref<80x128xi32, #tpu.memory_space<vmem>> -> memref<1x128xi32, #tpu.memory_space<vmem>>
      %dma_start3A_205 = tpu.memref_squeeze %dma_start3A_204 : memref<1x128xi32, #tpu.memory_space<vmem>> -> memref<128xi32, #tpu.memory_space<vmem>>
      %dma_start3A_206 = arith.constant 0 : i32
      %dma_start3A_207 = arith.constant 0 : i32
      %dma_start3A_208 = tpu.memref_slice %arg32[%dma_start3A_206, %dma_start3A_207] : memref<10240x16xf32, #tpu.memory_space<vmem_shared>> -> memref<10240x16xf32, #tpu.memory_space<vmem_shared>>
      tpu.enqueue_indirect_dma source(%arg10 : memref<128x16xf32, #tpu.memory_space<vmem>>) target(%dma_start3A_208 : memref<10240x16xf32, #tpu.memory_space<vmem_shared>>) offsets(%dma_start3A_205 : memref<128xi32, #tpu.memory_space<vmem>>) semaphore(%arg26 : memref<!tpu.dma_semaphore, #tpu.memory_space<semaphore_mem>>) {add = true}
      %lt3A_209 = arith.constant 9 : i32
      %lt3A_210 = arith.cmpi slt, %scan3A_141, %lt3A_209 : i32
      %convert_element_type3A_211 = arith.extui %lt3A_210 : i1 to i32
      %cond3A_212 = arith.constant 0 : i32
      %cond3A_213 = arith.cmpi ne, %convert_element_type3A_211, %cond3A_212 : i32
      scf.if %cond3A_213 {
        %dma_wait3A_320 = arith.constant 0 : i32
        %dma_wait3A_321 = arith.constant 0 : i32
        %dma_wait3A_322 = tpu.memref_slice %arg7[%dma_wait3A_320, %dma_wait3A_321] : memref<80x128xi32, #tpu.memory_space<vmem>> -> memref<1x128xi32, #tpu.memory_space<vmem>>
        %dma_wait3A_323 = tpu.memref_squeeze %dma_wait3A_322 : memref<1x128xi32, #tpu.memory_space<vmem>> -> memref<128xi32, #tpu.memory_space<vmem>>
        %dma_wait3A_324 = arith.constant 0 : i32
        %dma_wait3A_325 = arith.constant 0 : i32
        %dma_wait3A_326 = tpu.memref_slice %arg32[%dma_wait3A_324, %dma_wait3A_325] : memref<10240x16xf32, #tpu.memory_space<vmem_shared>> -> memref<10240x16xf32, #tpu.memory_space<vmem_shared>>
        tpu.wait_indirect_dma semaphore(%arg25 : memref<!tpu.dma_semaphore, #tpu.memory_space<semaphore_mem>>) src(%arg9 : memref<128x16xf32, #tpu.memory_space<vmem>>) dst(%dma_wait3A_326 : memref<10240x16xf32, #tpu.memory_space<vmem_shared>>)
        %add3A_327 = arith.constant 8 : i32
        %add3A_328 = arith.addi %add3A_196, %add3A_327 : i32
        %sub3A_329 = arith.constant 1 : i32
        %sub3A_330 = arith.subi %add3A_328, %sub3A_329 : i32
        %dma_start3A_331 = arith.constant 0 : i32
        %dma_start3A_332 = tpu.memref_slice %arg6[%sub3A_330, %dma_start3A_331] : memref<80x128xi32, #tpu.memory_space<vmem>> -> memref<1x128xi32, #tpu.memory_space<vmem>>
        %dma_start3A_333 = tpu.memref_squeeze %dma_start3A_332 : memref<1x128xi32, #tpu.memory_space<vmem>> -> memref<128xi32, #tpu.memory_space<vmem>>
        %dma_start3A_334 = arith.constant 0 : i32
        %dma_start3A_335 = arith.constant 0 : i32
        %dma_start3A_336 = tpu.memref_slice %arg33[%dma_start3A_334, %dma_start3A_335] : memref<10016x16xf32, #tpu.memory_space<vmem_shared>> -> memref<10016x16xf32, #tpu.memory_space<vmem_shared>>
        tpu.enqueue_indirect_dma source(%dma_start3A_336 : memref<10016x16xf32, #tpu.memory_space<vmem_shared>>) target(%arg9 : memref<128x16xf32, #tpu.memory_space<vmem>>) offsets(%dma_start3A_333 : memref<128xi32, #tpu.memory_space<vmem>>) semaphore(%arg17 : memref<!tpu.dma_semaphore, #tpu.memory_space<semaphore_mem>>)
      } else {
      }
      %mul3A_214 = arith.constant 8 : i32
      %mul3A_215 = arith.muli %mul3A_214, %scan3A_141 : i32
      %add3A_216 = arith.constant 3 : i32
      %add3A_217 = arith.addi %mul3A_215, %add3A_216 : i32
      %dma_wait3A_218 = arith.constant 0 : i32
      %dma_wait3A_219 = tpu.memref_slice %arg6[%add3A_217, %dma_wait3A_218] : memref<80x128xi32, #tpu.memory_space<vmem>> -> memref<1x128xi32, #tpu.memory_space<vmem>>
      %dma_wait3A_220 = tpu.memref_squeeze %dma_wait3A_219 : memref<1x128xi32, #tpu.memory_space<vmem>> -> memref<128xi32, #tpu.memory_space<vmem>>
      %dma_wait3A_221 = arith.constant 0 : i32
      %dma_wait3A_222 = arith.constant 0 : i32
      %dma_wait3A_223 = tpu.memref_slice %arg33[%dma_wait3A_221, %dma_wait3A_222] : memref<10016x16xf32, #tpu.memory_space<vmem_shared>> -> memref<10016x16xf32, #tpu.memory_space<vmem_shared>>
      tpu.wait_indirect_dma semaphore(%arg19 : memref<!tpu.dma_semaphore, #tpu.memory_space<semaphore_mem>>) src(%dma_wait3A_223 : memref<10016x16xf32, #tpu.memory_space<vmem_shared>>) dst(%arg11 : memref<128x16xf32, #tpu.memory_space<vmem>>)
      %dma_start3A_224 = arith.constant 0 : i32
      %dma_start3A_225 = tpu.memref_slice %arg7[%add3A_217, %dma_start3A_224] : memref<80x128xi32, #tpu.memory_space<vmem>> -> memref<1x128xi32, #tpu.memory_space<vmem>>
      %dma_start3A_226 = tpu.memref_squeeze %dma_start3A_225 : memref<1x128xi32, #tpu.memory_space<vmem>> -> memref<128xi32, #tpu.memory_space<vmem>>
      %dma_start3A_227 = arith.constant 0 : i32
      %dma_start3A_228 = arith.constant 0 : i32
      %dma_start3A_229 = tpu.memref_slice %arg32[%dma_start3A_227, %dma_start3A_228] : memref<10240x16xf32, #tpu.memory_space<vmem_shared>> -> memref<10240x16xf32, #tpu.memory_space<vmem_shared>>
      tpu.enqueue_indirect_dma source(%arg11 : memref<128x16xf32, #tpu.memory_space<vmem>>) target(%dma_start3A_229 : memref<10240x16xf32, #tpu.memory_space<vmem_shared>>) offsets(%dma_start3A_226 : memref<128xi32, #tpu.memory_space<vmem>>) semaphore(%arg27 : memref<!tpu.dma_semaphore, #tpu.memory_space<semaphore_mem>>) {add = true}
      %lt3A_230 = arith.constant 9 : i32
      %lt3A_231 = arith.cmpi slt, %scan3A_141, %lt3A_230 : i32
      %convert_element_type3A_232 = arith.extui %lt3A_231 : i1 to i32
      %cond3A_233 = arith.constant 0 : i32
      %cond3A_234 = arith.cmpi ne, %convert_element_type3A_232, %cond3A_233 : i32
      scf.if %cond3A_234 {
        %dma_wait3A_320 = arith.constant 0 : i32
        %dma_wait3A_321 = arith.constant 0 : i32
        %dma_wait3A_322 = tpu.memref_slice %arg7[%dma_wait3A_320, %dma_wait3A_321] : memref<80x128xi32, #tpu.memory_space<vmem>> -> memref<1x128xi32, #tpu.memory_space<vmem>>
        %dma_wait3A_323 = tpu.memref_squeeze %dma_wait3A_322 : memref<1x128xi32, #tpu.memory_space<vmem>> -> memref<128xi32, #tpu.memory_space<vmem>>
        %dma_wait3A_324 = arith.constant 0 : i32
        %dma_wait3A_325 = arith.constant 0 : i32
        %dma_wait3A_326 = tpu.memref_slice %arg32[%dma_wait3A_324, %dma_wait3A_325] : memref<10240x16xf32, #tpu.memory_space<vmem_shared>> -> memref<10240x16xf32, #tpu.memory_space<vmem_shared>>
        tpu.wait_indirect_dma semaphore(%arg26 : memref<!tpu.dma_semaphore, #tpu.memory_space<semaphore_mem>>) src(%arg10 : memref<128x16xf32, #tpu.memory_space<vmem>>) dst(%dma_wait3A_326 : memref<10240x16xf32, #tpu.memory_space<vmem_shared>>)
        %add3A_327 = arith.constant 8 : i32
        %add3A_328 = arith.addi %add3A_217, %add3A_327 : i32
        %sub3A_329 = arith.constant 1 : i32
        %sub3A_330 = arith.subi %add3A_328, %sub3A_329 : i32
        %dma_start3A_331 = arith.constant 0 : i32
        %dma_start3A_332 = tpu.memref_slice %arg6[%sub3A_330, %dma_start3A_331] : memref<80x128xi32, #tpu.memory_space<vmem>> -> memref<1x128xi32, #tpu.memory_space<vmem>>
        %dma_start3A_333 = tpu.memref_squeeze %dma_start3A_332 : memref<1x128xi32, #tpu.memory_space<vmem>> -> memref<128xi32, #tpu.memory_space<vmem>>
        %dma_start3A_334 = arith.constant 0 : i32
        %dma_start3A_335 = arith.constant 0 : i32
        %dma_start3A_336 = tpu.memref_slice %arg33[%dma_start3A_334, %dma_start3A_335] : memref<10016x16xf32, #tpu.memory_space<vmem_shared>> -> memref<10016x16xf32, #tpu.memory_space<vmem_shared>>
        tpu.enqueue_indirect_dma source(%dma_start3A_336 : memref<10016x16xf32, #tpu.memory_space<vmem_shared>>) target(%arg10 : memref<128x16xf32, #tpu.memory_space<vmem>>) offsets(%dma_start3A_333 : memref<128xi32, #tpu.memory_space<vmem>>) semaphore(%arg18 : memref<!tpu.dma_semaphore, #tpu.memory_space<semaphore_mem>>)
      } else {
      }
      %mul3A_235 = arith.constant 8 : i32
      %mul3A_236 = arith.muli %mul3A_235, %scan3A_141 : i32
      %add3A_237 = arith.constant 4 : i32
      %add3A_238 = arith.addi %mul3A_236, %add3A_237 : i32
      %dma_wait3A_239 = arith.constant 0 : i32
      %dma_wait3A_240 = tpu.memref_slice %arg6[%add3A_238, %dma_wait3A_239] : memref<80x128xi32, #tpu.memory_space<vmem>> -> memref<1x128xi32, #tpu.memory_space<vmem>>
      %dma_wait3A_241 = tpu.memref_squeeze %dma_wait3A_240 : memref<1x128xi32, #tpu.memory_space<vmem>> -> memref<128xi32, #tpu.memory_space<vmem>>
      %dma_wait3A_242 = arith.constant 0 : i32
      %dma_wait3A_243 = arith.constant 0 : i32
      %dma_wait3A_244 = tpu.memref_slice %arg33[%dma_wait3A_242, %dma_wait3A_243] : memref<10016x16xf32, #tpu.memory_space<vmem_shared>> -> memref<10016x16xf32, #tpu.memory_space<vmem_shared>>
      tpu.wait_indirect_dma semaphore(%arg20 : memref<!tpu.dma_semaphore, #tpu.memory_space<semaphore_mem>>) src(%dma_wait3A_244 : memref<10016x16xf32, #tpu.memory_space<vmem_shared>>) dst(%arg12 : memref<128x16xf32, #tpu.memory_space<vmem>>)
      %dma_start3A_245 = arith.constant 0 : i32
      %dma_start3A_246 = tpu.memref_slice %arg7[%add3A_238, %dma_start3A_245] : memref<80x128xi32, #tpu.memory_space<vmem>> -> memref<1x128xi32, #tpu.memory_space<vmem>>
      %dma_start3A_247 = tpu.memref_squeeze %dma_start3A_246 : memref<1x128xi32, #tpu.memory_space<vmem>> -> memref<128xi32, #tpu.memory_space<vmem>>
      %dma_start3A_248 = arith.constant 0 : i32
      %dma_start3A_249 = arith.constant 0 : i32
      %dma_start3A_250 = tpu.memref_slice %arg32[%dma_start3A_248, %dma_start3A_249] : memref<10240x16xf32, #tpu.memory_space<vmem_shared>> -> memref<10240x16xf32, #tpu.memory_space<vmem_shared>>
      tpu.enqueue_indirect_dma source(%arg12 : memref<128x16xf32, #tpu.memory_space<vmem>>) target(%dma_start3A_250 : memref<10240x16xf32, #tpu.memory_space<vmem_shared>>) offsets(%dma_start3A_247 : memref<128xi32, #tpu.memory_space<vmem>>) semaphore(%arg28 : memref<!tpu.dma_semaphore, #tpu.memory_space<semaphore_mem>>) {add = true}
      %lt3A_251 = arith.constant 9 : i32
      %lt3A_252 = arith.cmpi slt, %scan3A_141, %lt3A_251 : i32
      %convert_element_type3A_253 = arith.extui %lt3A_252 : i1 to i32
      %cond3A_254 = arith.constant 0 : i32
      %cond3A_255 = arith.cmpi ne, %convert_element_type3A_253, %cond3A_254 : i32
      scf.if %cond3A_255 {
        %dma_wait3A_320 = arith.constant 0 : i32
        %dma_wait3A_321 = arith.constant 0 : i32
        %dma_wait3A_322 = tpu.memref_slice %arg7[%dma_wait3A_320, %dma_wait3A_321] : memref<80x128xi32, #tpu.memory_space<vmem>> -> memref<1x128xi32, #tpu.memory_space<vmem>>
        %dma_wait3A_323 = tpu.memref_squeeze %dma_wait3A_322 : memref<1x128xi32, #tpu.memory_space<vmem>> -> memref<128xi32, #tpu.memory_space<vmem>>
        %dma_wait3A_324 = arith.constant 0 : i32
        %dma_wait3A_325 = arith.constant 0 : i32
        %dma_wait3A_326 = tpu.memref_slice %arg32[%dma_wait3A_324, %dma_wait3A_325] : memref<10240x16xf32, #tpu.memory_space<vmem_shared>> -> memref<10240x16xf32, #tpu.memory_space<vmem_shared>>
        tpu.wait_indirect_dma semaphore(%arg27 : memref<!tpu.dma_semaphore, #tpu.memory_space<semaphore_mem>>) src(%arg11 : memref<128x16xf32, #tpu.memory_space<vmem>>) dst(%dma_wait3A_326 : memref<10240x16xf32, #tpu.memory_space<vmem_shared>>)
        %add3A_327 = arith.constant 8 : i32
        %add3A_328 = arith.addi %add3A_238, %add3A_327 : i32
        %sub3A_329 = arith.constant 1 : i32
        %sub3A_330 = arith.subi %add3A_328, %sub3A_329 : i32
        %dma_start3A_331 = arith.constant 0 : i32
        %dma_start3A_332 = tpu.memref_slice %arg6[%sub3A_330, %dma_start3A_331] : memref<80x128xi32, #tpu.memory_space<vmem>> -> memref<1x128xi32, #tpu.memory_space<vmem>>
        %dma_start3A_333 = tpu.memref_squeeze %dma_start3A_332 : memref<1x128xi32, #tpu.memory_space<vmem>> -> memref<128xi32, #tpu.memory_space<vmem>>
        %dma_start3A_334 = arith.constant 0 : i32
        %dma_start3A_335 = arith.constant 0 : i32
        %dma_start3A_336 = tpu.memref_slice %arg33[%dma_start3A_334, %dma_start3A_335] : memref<10016x16xf32, #tpu.memory_space<vmem_shared>> -> memref<10016x16xf32, #tpu.memory_space<vmem_shared>>
        tpu.enqueue_indirect_dma source(%dma_start3A_336 : memref<10016x16xf32, #tpu.memory_space<vmem_shared>>) target(%arg11 : memref<128x16xf32, #tpu.memory_space<vmem>>) offsets(%dma_start3A_333 : memref<128xi32, #tpu.memory_space<vmem>>) semaphore(%arg19 : memref<!tpu.dma_semaphore, #tpu.memory_space<semaphore_mem>>)
      } else {
      }
      %mul3A_256 = arith.constant 8 : i32
      %mul3A_257 = arith.muli %mul3A_256, %scan3A_141 : i32
      %add3A_258 = arith.constant 5 : i32
      %add3A_259 = arith.addi %mul3A_257, %add3A_258 : i32
      %dma_wait3A_260 = arith.constant 0 : i32
      %dma_wait3A_261 = tpu.memref_slice %arg6[%add3A_259, %dma_wait3A_260] : memref<80x128xi32, #tpu.memory_space<vmem>> -> memref<1x128xi32, #tpu.memory_space<vmem>>
      %dma_wait3A_262 = tpu.memref_squeeze %dma_wait3A_261 : memref<1x128xi32, #tpu.memory_space<vmem>> -> memref<128xi32, #tpu.memory_space<vmem>>
      %dma_wait3A_263 = arith.constant 0 : i32
      %dma_wait3A_264 = arith.constant 0 : i32
      %dma_wait3A_265 = tpu.memref_slice %arg33[%dma_wait3A_263, %dma_wait3A_264] : memref<10016x16xf32, #tpu.memory_space<vmem_shared>> -> memref<10016x16xf32, #tpu.memory_space<vmem_shared>>
      tpu.wait_indirect_dma semaphore(%arg21 : memref<!tpu.dma_semaphore, #tpu.memory_space<semaphore_mem>>) src(%dma_wait3A_265 : memref<10016x16xf32, #tpu.memory_space<vmem_shared>>) dst(%arg13 : memref<128x16xf32, #tpu.memory_space<vmem>>)
      %dma_start3A_266 = arith.constant 0 : i32
      %dma_start3A_267 = tpu.memref_slice %arg7[%add3A_259, %dma_start3A_266] : memref<80x128xi32, #tpu.memory_space<vmem>> -> memref<1x128xi32, #tpu.memory_space<vmem>>
      %dma_start3A_268 = tpu.memref_squeeze %dma_start3A_267 : memref<1x128xi32, #tpu.memory_space<vmem>> -> memref<128xi32, #tpu.memory_space<vmem>>
      %dma_start3A_269 = arith.constant 0 : i32
      %dma_start3A_270 = arith.constant 0 : i32
      %dma_start3A_271 = tpu.memref_slice %arg32[%dma_start3A_269, %dma_start3A_270] : memref<10240x16xf32, #tpu.memory_space<vmem_shared>> -> memref<10240x16xf32, #tpu.memory_space<vmem_shared>>
      tpu.enqueue_indirect_dma source(%arg13 : memref<128x16xf32, #tpu.memory_space<vmem>>) target(%dma_start3A_271 : memref<10240x16xf32, #tpu.memory_space<vmem_shared>>) offsets(%dma_start3A_268 : memref<128xi32, #tpu.memory_space<vmem>>) semaphore(%arg29 : memref<!tpu.dma_semaphore, #tpu.memory_space<semaphore_mem>>) {add = true}
      %lt3A_272 = arith.constant 9 : i32
      %lt3A_273 = arith.cmpi slt, %scan3A_141, %lt3A_272 : i32
      %convert_element_type3A_274 = arith.extui %lt3A_273 : i1 to i32
      %cond3A_275 = arith.constant 0 : i32
      %cond3A_276 = arith.cmpi ne, %convert_element_type3A_274, %cond3A_275 : i32
      scf.if %cond3A_276 {
        %dma_wait3A_320 = arith.constant 0 : i32
        %dma_wait3A_321 = arith.constant 0 : i32
        %dma_wait3A_322 = tpu.memref_slice %arg7[%dma_wait3A_320, %dma_wait3A_321] : memref<80x128xi32, #tpu.memory_space<vmem>> -> memref<1x128xi32, #tpu.memory_space<vmem>>
        %dma_wait3A_323 = tpu.memref_squeeze %dma_wait3A_322 : memref<1x128xi32, #tpu.memory_space<vmem>> -> memref<128xi32, #tpu.memory_space<vmem>>
        %dma_wait3A_324 = arith.constant 0 : i32
        %dma_wait3A_325 = arith.constant 0 : i32
        %dma_wait3A_326 = tpu.memref_slice %arg32[%dma_wait3A_324, %dma_wait3A_325] : memref<10240x16xf32, #tpu.memory_space<vmem_shared>> -> memref<10240x16xf32, #tpu.memory_space<vmem_shared>>
        tpu.wait_indirect_dma semaphore(%arg28 : memref<!tpu.dma_semaphore, #tpu.memory_space<semaphore_mem>>) src(%arg12 : memref<128x16xf32, #tpu.memory_space<vmem>>) dst(%dma_wait3A_326 : memref<10240x16xf32, #tpu.memory_space<vmem_shared>>)
        %add3A_327 = arith.constant 8 : i32
        %add3A_328 = arith.addi %add3A_259, %add3A_327 : i32
        %sub3A_329 = arith.constant 1 : i32
        %sub3A_330 = arith.subi %add3A_328, %sub3A_329 : i32
        %dma_start3A_331 = arith.constant 0 : i32
        %dma_start3A_332 = tpu.memref_slice %arg6[%sub3A_330, %dma_start3A_331] : memref<80x128xi32, #tpu.memory_space<vmem>> -> memref<1x128xi32, #tpu.memory_space<vmem>>
        %dma_start3A_333 = tpu.memref_squeeze %dma_start3A_332 : memref<1x128xi32, #tpu.memory_space<vmem>> -> memref<128xi32, #tpu.memory_space<vmem>>
        %dma_start3A_334 = arith.constant 0 : i32
        %dma_start3A_335 = arith.constant 0 : i32
        %dma_start3A_336 = tpu.memref_slice %arg33[%dma_start3A_334, %dma_start3A_335] : memref<10016x16xf32, #tpu.memory_space<vmem_shared>> -> memref<10016x16xf32, #tpu.memory_space<vmem_shared>>
        tpu.enqueue_indirect_dma source(%dma_start3A_336 : memref<10016x16xf32, #tpu.memory_space<vmem_shared>>) target(%arg12 : memref<128x16xf32, #tpu.memory_space<vmem>>) offsets(%dma_start3A_333 : memref<128xi32, #tpu.memory_space<vmem>>) semaphore(%arg20 : memref<!tpu.dma_semaphore, #tpu.memory_space<semaphore_mem>>)
      } else {
      }
      %mul3A_277 = arith.constant 8 : i32
      %mul3A_278 = arith.muli %mul3A_277, %scan3A_141 : i32
      %add3A_279 = arith.constant 6 : i32
      %add3A_280 = arith.addi %mul3A_278, %add3A_279 : i32
      %dma_wait3A_281 = arith.constant 0 : i32
      %dma_wait3A_282 = tpu.memref_slice %arg6[%add3A_280, %dma_wait3A_281] : memref<80x128xi32, #tpu.memory_space<vmem>> -> memref<1x128xi32, #tpu.memory_space<vmem>>
      %dma_wait3A_283 = tpu.memref_squeeze %dma_wait3A_282 : memref<1x128xi32, #tpu.memory_space<vmem>> -> memref<128xi32, #tpu.memory_space<vmem>>
      %dma_wait3A_284 = arith.constant 0 : i32
      %dma_wait3A_285 = arith.constant 0 : i32
      %dma_wait3A_286 = tpu.memref_slice %arg33[%dma_wait3A_284, %dma_wait3A_285] : memref<10016x16xf32, #tpu.memory_space<vmem_shared>> -> memref<10016x16xf32, #tpu.memory_space<vmem_shared>>
      tpu.wait_indirect_dma semaphore(%arg22 : memref<!tpu.dma_semaphore, #tpu.memory_space<semaphore_mem>>) src(%dma_wait3A_286 : memref<10016x16xf32, #tpu.memory_space<vmem_shared>>) dst(%arg14 : memref<128x16xf32, #tpu.memory_space<vmem>>)
      %dma_start3A_287 = arith.constant 0 : i32
      %dma_start3A_288 = tpu.memref_slice %arg7[%add3A_280, %dma_start3A_287] : memref<80x128xi32, #tpu.memory_space<vmem>> -> memref<1x128xi32, #tpu.memory_space<vmem>>
      %dma_start3A_289 = tpu.memref_squeeze %dma_start3A_288 : memref<1x128xi32, #tpu.memory_space<vmem>> -> memref<128xi32, #tpu.memory_space<vmem>>
      %dma_start3A_290 = arith.constant 0 : i32
      %dma_start3A_291 = arith.constant 0 : i32
      %dma_start3A_292 = tpu.memref_slice %arg32[%dma_start3A_290, %dma_start3A_291] : memref<10240x16xf32, #tpu.memory_space<vmem_shared>> -> memref<10240x16xf32, #tpu.memory_space<vmem_shared>>
      tpu.enqueue_indirect_dma source(%arg14 : memref<128x16xf32, #tpu.memory_space<vmem>>) target(%dma_start3A_292 : memref<10240x16xf32, #tpu.memory_space<vmem_shared>>) offsets(%dma_start3A_289 : memref<128xi32, #tpu.memory_space<vmem>>) semaphore(%arg30 : memref<!tpu.dma_semaphore, #tpu.memory_space<semaphore_mem>>) {add = true}
      %lt3A_293 = arith.constant 9 : i32
      %lt3A_294 = arith.cmpi slt, %scan3A_141, %lt3A_293 : i32
      %convert_element_type3A_295 = arith.extui %lt3A_294 : i1 to i32
      %cond3A_296 = arith.constant 0 : i32
      %cond3A_297 = arith.cmpi ne, %convert_element_type3A_295, %cond3A_296 : i32
      scf.if %cond3A_297 {
        %dma_wait3A_320 = arith.constant 0 : i32
        %dma_wait3A_321 = arith.constant 0 : i32
        %dma_wait3A_322 = tpu.memref_slice %arg7[%dma_wait3A_320, %dma_wait3A_321] : memref<80x128xi32, #tpu.memory_space<vmem>> -> memref<1x128xi32, #tpu.memory_space<vmem>>
        %dma_wait3A_323 = tpu.memref_squeeze %dma_wait3A_322 : memref<1x128xi32, #tpu.memory_space<vmem>> -> memref<128xi32, #tpu.memory_space<vmem>>
        %dma_wait3A_324 = arith.constant 0 : i32
        %dma_wait3A_325 = arith.constant 0 : i32
        %dma_wait3A_326 = tpu.memref_slice %arg32[%dma_wait3A_324, %dma_wait3A_325] : memref<10240x16xf32, #tpu.memory_space<vmem_shared>> -> memref<10240x16xf32, #tpu.memory_space<vmem_shared>>
        tpu.wait_indirect_dma semaphore(%arg29 : memref<!tpu.dma_semaphore, #tpu.memory_space<semaphore_mem>>) src(%arg13 : memref<128x16xf32, #tpu.memory_space<vmem>>) dst(%dma_wait3A_326 : memref<10240x16xf32, #tpu.memory_space<vmem_shared>>)
        %add3A_327 = arith.constant 8 : i32
        %add3A_328 = arith.addi %add3A_280, %add3A_327 : i32
        %sub3A_329 = arith.constant 1 : i32
        %sub3A_330 = arith.subi %add3A_328, %sub3A_329 : i32
        %dma_start3A_331 = arith.constant 0 : i32
        %dma_start3A_332 = tpu.memref_slice %arg6[%sub3A_330, %dma_start3A_331] : memref<80x128xi32, #tpu.memory_space<vmem>> -> memref<1x128xi32, #tpu.memory_space<vmem>>
        %dma_start3A_333 = tpu.memref_squeeze %dma_start3A_332 : memref<1x128xi32, #tpu.memory_space<vmem>> -> memref<128xi32, #tpu.memory_space<vmem>>
        %dma_start3A_334 = arith.constant 0 : i32
        %dma_start3A_335 = arith.constant 0 : i32
        %dma_start3A_336 = tpu.memref_slice %arg33[%dma_start3A_334, %dma_start3A_335] : memref<10016x16xf32, #tpu.memory_space<vmem_shared>> -> memref<10016x16xf32, #tpu.memory_space<vmem_shared>>
        tpu.enqueue_indirect_dma source(%dma_start3A_336 : memref<10016x16xf32, #tpu.memory_space<vmem_shared>>) target(%arg13 : memref<128x16xf32, #tpu.memory_space<vmem>>) offsets(%dma_start3A_333 : memref<128xi32, #tpu.memory_space<vmem>>) semaphore(%arg21 : memref<!tpu.dma_semaphore, #tpu.memory_space<semaphore_mem>>)
      } else {
      }
      %mul3A_298 = arith.constant 8 : i32
      %mul3A_299 = arith.muli %mul3A_298, %scan3A_141 : i32
      %add3A_300 = arith.constant 7 : i32
      %add3A_301 = arith.addi %mul3A_299, %add3A_300 : i32
      %dma_wait3A_302 = arith.constant 0 : i32
      %dma_wait3A_303 = tpu.memref_slice %arg6[%add3A_301, %dma_wait3A_302] : memref<80x128xi32, #tpu.memory_space<vmem>> -> memref<1x128xi32, #tpu.memory_space<vmem>>
      %dma_wait3A_304 = tpu.memref_squeeze %dma_wait3A_303 : memref<1x128xi32, #tpu.memory_space<vmem>> -> memref<128xi32, #tpu.memory_space<vmem>>
      %dma_wait3A_305 = arith.constant 0 : i32
      %dma_wait3A_306 = arith.constant 0 : i32
      %dma_wait3A_307 = tpu.memref_slice %arg33[%dma_wait3A_305, %dma_wait3A_306] : memref<10016x16xf32, #tpu.memory_space<vmem_shared>> -> memref<10016x16xf32, #tpu.memory_space<vmem_shared>>
      tpu.wait_indirect_dma semaphore(%arg23 : memref<!tpu.dma_semaphore, #tpu.memory_space<semaphore_mem>>) src(%dma_wait3A_307 : memref<10016x16xf32, #tpu.memory_space<vmem_shared>>) dst(%arg15 : memref<128x16xf32, #tpu.memory_space<vmem>>)
      %dma_start3A_308 = arith.constant 0 : i32
      %dma_start3A_309 = tpu.memref_slice %arg7[%add3A_301, %dma_start3A_308] : memref<80x128xi32, #tpu.memory_space<vmem>> -> memref<1x128xi32, #tpu.memory_space<vmem>>
      %dma_start3A_310 = tpu.memref_squeeze %dma_start3A_309 : memref<1x128xi32, #tpu.memory_space<vmem>> -> memref<128xi32, #tpu.memory_space<vmem>>
      %dma_start3A_311 = arith.constant 0 : i32
      %dma_start3A_312 = arith.constant 0 : i32
      %dma_start3A_313 = tpu.memref_slice %arg32[%dma_start3A_311, %dma_start3A_312] : memref<10240x16xf32, #tpu.memory_space<vmem_shared>> -> memref<10240x16xf32, #tpu.memory_space<vmem_shared>>
      tpu.enqueue_indirect_dma source(%arg15 : memref<128x16xf32, #tpu.memory_space<vmem>>) target(%dma_start3A_313 : memref<10240x16xf32, #tpu.memory_space<vmem_shared>>) offsets(%dma_start3A_310 : memref<128xi32, #tpu.memory_space<vmem>>) semaphore(%arg31 : memref<!tpu.dma_semaphore, #tpu.memory_space<semaphore_mem>>) {add = true}
      %lt3A_314 = arith.constant 9 : i32
      %lt3A_315 = arith.cmpi slt, %scan3A_141, %lt3A_314 : i32
      %convert_element_type3A_316 = arith.extui %lt3A_315 : i1 to i32
      %cond3A_317 = arith.constant 0 : i32
      %cond3A_318 = arith.cmpi ne, %convert_element_type3A_316, %cond3A_317 : i32
      scf.if %cond3A_318 {
        %dma_wait3A_320 = arith.constant 0 : i32
        %dma_wait3A_321 = arith.constant 0 : i32
        %dma_wait3A_322 = tpu.memref_slice %arg7[%dma_wait3A_320, %dma_wait3A_321] : memref<80x128xi32, #tpu.memory_space<vmem>> -> memref<1x128xi32, #tpu.memory_space<vmem>>
        %dma_wait3A_323 = tpu.memref_squeeze %dma_wait3A_322 : memref<1x128xi32, #tpu.memory_space<vmem>> -> memref<128xi32, #tpu.memory_space<vmem>>
        %dma_wait3A_324 = arith.constant 0 : i32
        %dma_wait3A_325 = arith.constant 0 : i32
        %dma_wait3A_326 = tpu.memref_slice %arg32[%dma_wait3A_324, %dma_wait3A_325] : memref<10240x16xf32, #tpu.memory_space<vmem_shared>> -> memref<10240x16xf32, #tpu.memory_space<vmem_shared>>
        tpu.wait_indirect_dma semaphore(%arg30 : memref<!tpu.dma_semaphore, #tpu.memory_space<semaphore_mem>>) src(%arg14 : memref<128x16xf32, #tpu.memory_space<vmem>>) dst(%dma_wait3A_326 : memref<10240x16xf32, #tpu.memory_space<vmem_shared>>)
        %add3A_327 = arith.constant 8 : i32
        %add3A_328 = arith.addi %add3A_301, %add3A_327 : i32
        %sub3A_329 = arith.constant 1 : i32
        %sub3A_330 = arith.subi %add3A_328, %sub3A_329 : i32
        %dma_start3A_331 = arith.constant 0 : i32
        %dma_start3A_332 = tpu.memref_slice %arg6[%sub3A_330, %dma_start3A_331] : memref<80x128xi32, #tpu.memory_space<vmem>> -> memref<1x128xi32, #tpu.memory_space<vmem>>
        %dma_start3A_333 = tpu.memref_squeeze %dma_start3A_332 : memref<1x128xi32, #tpu.memory_space<vmem>> -> memref<128xi32, #tpu.memory_space<vmem>>
        %dma_start3A_334 = arith.constant 0 : i32
        %dma_start3A_335 = arith.constant 0 : i32
        %dma_start3A_336 = tpu.memref_slice %arg33[%dma_start3A_334, %dma_start3A_335] : memref<10016x16xf32, #tpu.memory_space<vmem_shared>> -> memref<10016x16xf32, #tpu.memory_space<vmem_shared>>
        tpu.enqueue_indirect_dma source(%dma_start3A_336 : memref<10016x16xf32, #tpu.memory_space<vmem_shared>>) target(%arg14 : memref<128x16xf32, #tpu.memory_space<vmem>>) offsets(%dma_start3A_333 : memref<128xi32, #tpu.memory_space<vmem>>) semaphore(%arg22 : memref<!tpu.dma_semaphore, #tpu.memory_space<semaphore_mem>>)
      } else {
      }
      %scan3A_319 = arith.constant 0 : i32
      scf.yield %scan3A_319 : i32
    }
    %scan3A_80 = arith.constant 10 : i32
    %dma_wait3A = arith.constant 0 : i32
    %dma_wait3A_81 = arith.constant 0 : i32
    %dma_wait3A_82 = tpu.memref_slice %arg7[%dma_wait3A, %dma_wait3A_81] : memref<80x128xi32, #tpu.memory_space<vmem>> -> memref<1x128xi32, #tpu.memory_space<vmem>>
    %dma_wait3A_83 = tpu.memref_squeeze %dma_wait3A_82 : memref<1x128xi32, #tpu.memory_space<vmem>> -> memref<128xi32, #tpu.memory_space<vmem>>
    %dma_wait3A_84 = arith.constant 0 : i32
    %dma_wait3A_85 = arith.constant 0 : i32
    %dma_wait3A_86 = tpu.memref_slice %arg32[%dma_wait3A_84, %dma_wait3A_85] : memref<10240x16xf32, #tpu.memory_space<vmem_shared>> -> memref<10240x16xf32, #tpu.memory_space<vmem_shared>>
    tpu.wait_indirect_dma semaphore(%arg24 : memref<!tpu.dma_semaphore, #tpu.memory_space<semaphore_mem>>) src(%arg8 : memref<128x16xf32, #tpu.memory_space<vmem>>) dst(%dma_wait3A_86 : memref<10240x16xf32, #tpu.memory_space<vmem_shared>>)
    %dma_wait3A_87 = arith.constant 0 : i32
    %dma_wait3A_88 = arith.constant 0 : i32
    %dma_wait3A_89 = tpu.memref_slice %arg7[%dma_wait3A_87, %dma_wait3A_88] : memref<80x128xi32, #tpu.memory_space<vmem>> -> memref<1x128xi32, #tpu.memory_space<vmem>>
    %dma_wait3A_90 = tpu.memref_squeeze %dma_wait3A_89 : memref<1x128xi32, #tpu.memory_space<vmem>> -> memref<128xi32, #tpu.memory_space<vmem>>
    %dma_wait3A_91 = arith.constant 0 : i32
    %dma_wait3A_92 = arith.constant 0 : i32
    %dma_wait3A_93 = tpu.memref_slice %arg32[%dma_wait3A_91, %dma_wait3A_92] : memref<10240x16xf32, #tpu.memory_space<vmem_shared>> -> memref<10240x16xf32, #tpu.memory_space<vmem_shared>>
    tpu.wait_indirect_dma semaphore(%arg25 : memref<!tpu.dma_semaphore, #tpu.memory_space<semaphore_mem>>) src(%arg9 : memref<128x16xf32, #tpu.memory_space<vmem>>) dst(%dma_wait3A_93 : memref<10240x16xf32, #tpu.memory_space<vmem_shared>>)
    %dma_wait3A_94 = arith.constant 0 : i32
    %dma_wait3A_95 = arith.constant 0 : i32
    %dma_wait3A_96 = tpu.memref_slice %arg7[%dma_wait3A_94, %dma_wait3A_95] : memref<80x128xi32, #tpu.memory_space<vmem>> -> memref<1x128xi32, #tpu.memory_space<vmem>>
    %dma_wait3A_97 = tpu.memref_squeeze %dma_wait3A_96 : memref<1x128xi32, #tpu.memory_space<vmem>> -> memref<128xi32, #tpu.memory_space<vmem>>
    %dma_wait3A_98 = arith.constant 0 : i32
    %dma_wait3A_99 = arith.constant 0 : i32
    %dma_wait3A_100 = tpu.memref_slice %arg32[%dma_wait3A_98, %dma_wait3A_99] : memref<10240x16xf32, #tpu.memory_space<vmem_shared>> -> memref<10240x16xf32, #tpu.memory_space<vmem_shared>>
    tpu.wait_indirect_dma semaphore(%arg26 : memref<!tpu.dma_semaphore, #tpu.memory_space<semaphore_mem>>) src(%arg10 : memref<128x16xf32, #tpu.memory_space<vmem>>) dst(%dma_wait3A_100 : memref<10240x16xf32, #tpu.memory_space<vmem_shared>>)
    %dma_wait3A_101 = arith.constant 0 : i32
    %dma_wait3A_102 = arith.constant 0 : i32
    %dma_wait3A_103 = tpu.memref_slice %arg7[%dma_wait3A_101, %dma_wait3A_102] : memref<80x128xi32, #tpu.memory_space<vmem>> -> memref<1x128xi32, #tpu.memory_space<vmem>>
    %dma_wait3A_104 = tpu.memref_squeeze %dma_wait3A_103 : memref<1x128xi32, #tpu.memory_space<vmem>> -> memref<128xi32, #tpu.memory_space<vmem>>
    %dma_wait3A_105 = arith.constant 0 : i32
    %dma_wait3A_106 = arith.constant 0 : i32
    %dma_wait3A_107 = tpu.memref_slice %arg32[%dma_wait3A_105, %dma_wait3A_106] : memref<10240x16xf32, #tpu.memory_space<vmem_shared>> -> memref<10240x16xf32, #tpu.memory_space<vmem_shared>>
    tpu.wait_indirect_dma semaphore(%arg27 : memref<!tpu.dma_semaphore, #tpu.memory_space<semaphore_mem>>) src(%arg11 : memref<128x16xf32, #tpu.memory_space<vmem>>) dst(%dma_wait3A_107 : memref<10240x16xf32, #tpu.memory_space<vmem_shared>>)
    %dma_wait3A_108 = arith.constant 0 : i32
    %dma_wait3A_109 = arith.constant 0 : i32
    %dma_wait3A_110 = tpu.memref_slice %arg7[%dma_wait3A_108, %dma_wait3A_109] : memref<80x128xi32, #tpu.memory_space<vmem>> -> memref<1x128xi32, #tpu.memory_space<vmem>>
    %dma_wait3A_111 = tpu.memref_squeeze %dma_wait3A_110 : memref<1x128xi32, #tpu.memory_space<vmem>> -> memref<128xi32, #tpu.memory_space<vmem>>
    %dma_wait3A_112 = arith.constant 0 : i32
    %dma_wait3A_113 = arith.constant 0 : i32
    %dma_wait3A_114 = tpu.memref_slice %arg32[%dma_wait3A_112, %dma_wait3A_113] : memref<10240x16xf32, #tpu.memory_space<vmem_shared>> -> memref<10240x16xf32, #tpu.memory_space<vmem_shared>>
    tpu.wait_indirect_dma semaphore(%arg28 : memref<!tpu.dma_semaphore, #tpu.memory_space<semaphore_mem>>) src(%arg12 : memref<128x16xf32, #tpu.memory_space<vmem>>) dst(%dma_wait3A_114 : memref<10240x16xf32, #tpu.memory_space<vmem_shared>>)
    %dma_wait3A_115 = arith.constant 0 : i32
    %dma_wait3A_116 = arith.constant 0 : i32
    %dma_wait3A_117 = tpu.memref_slice %arg7[%dma_wait3A_115, %dma_wait3A_116] : memref<80x128xi32, #tpu.memory_space<vmem>> -> memref<1x128xi32, #tpu.memory_space<vmem>>
    %dma_wait3A_118 = tpu.memref_squeeze %dma_wait3A_117 : memref<1x128xi32, #tpu.memory_space<vmem>> -> memref<128xi32, #tpu.memory_space<vmem>>
    %dma_wait3A_119 = arith.constant 0 : i32
    %dma_wait3A_120 = arith.constant 0 : i32
    %dma_wait3A_121 = tpu.memref_slice %arg32[%dma_wait3A_119, %dma_wait3A_120] : memref<10240x16xf32, #tpu.memory_space<vmem_shared>> -> memref<10240x16xf32, #tpu.memory_space<vmem_shared>>
    tpu.wait_indirect_dma semaphore(%arg29 : memref<!tpu.dma_semaphore, #tpu.memory_space<semaphore_mem>>) src(%arg13 : memref<128x16xf32, #tpu.memory_space<vmem>>) dst(%dma_wait3A_121 : memref<10240x16xf32, #tpu.memory_space<vmem_shared>>)
    %dma_wait3A_122 = arith.constant 0 : i32
    %dma_wait3A_123 = arith.constant 0 : i32
    %dma_wait3A_124 = tpu.memref_slice %arg7[%dma_wait3A_122, %dma_wait3A_123] : memref<80x128xi32, #tpu.memory_space<vmem>> -> memref<1x128xi32, #tpu.memory_space<vmem>>
    %dma_wait3A_125 = tpu.memref_squeeze %dma_wait3A_124 : memref<1x128xi32, #tpu.memory_space<vmem>> -> memref<128xi32, #tpu.memory_space<vmem>>
    %dma_wait3A_126 = arith.constant 0 : i32
    %dma_wait3A_127 = arith.constant 0 : i32
    %dma_wait3A_128 = tpu.memref_slice %arg32[%dma_wait3A_126, %dma_wait3A_127] : memref<10240x16xf32, #tpu.memory_space<vmem_shared>> -> memref<10240x16xf32, #tpu.memory_space<vmem_shared>>
    tpu.wait_indirect_dma semaphore(%arg30 : memref<!tpu.dma_semaphore, #tpu.memory_space<semaphore_mem>>) src(%arg14 : memref<128x16xf32, #tpu.memory_space<vmem>>) dst(%dma_wait3A_128 : memref<10240x16xf32, #tpu.memory_space<vmem_shared>>)
    %dma_wait3A_129 = arith.constant 0 : i32
    %dma_wait3A_130 = arith.constant 0 : i32
    %dma_wait3A_131 = tpu.memref_slice %arg7[%dma_wait3A_129, %dma_wait3A_130] : memref<80x128xi32, #tpu.memory_space<vmem>> -> memref<1x128xi32, #tpu.memory_space<vmem>>
    %dma_wait3A_132 = tpu.memref_squeeze %dma_wait3A_131 : memref<1x128xi32, #tpu.memory_space<vmem>> -> memref<128xi32, #tpu.memory_space<vmem>>
    %dma_wait3A_133 = arith.constant 0 : i32
    %dma_wait3A_134 = arith.constant 0 : i32
    %dma_wait3A_135 = tpu.memref_slice %arg32[%dma_wait3A_133, %dma_wait3A_134] : memref<10240x16xf32, #tpu.memory_space<vmem_shared>> -> memref<10240x16xf32, #tpu.memory_space<vmem_shared>>
    tpu.wait_indirect_dma semaphore(%arg31 : memref<!tpu.dma_semaphore, #tpu.memory_space<semaphore_mem>>) src(%arg15 : memref<128x16xf32, #tpu.memory_space<vmem>>) dst(%dma_wait3A_135 : memref<10240x16xf32, #tpu.memory_space<vmem_shared>>)
    %barrier3A_136 = arith.constant 0 : index
    tpu.barrier barrier_id(%barrier3A_136)
    %mul3A_137 = arith.constant 640 : i32
    %mul3A_138 = arith.muli %arg1, %mul3A_137 : i32
    %mul3A_139 = arith.constant 640 : i32
    %mul3A_140 = arith.muli %arg1, %mul3A_139 : i32
    "tpu.region"() ({
      %run_scoped3A = tpu.sem_alloc : memref<!tpu.dma_semaphore, #tpu.memory_space<semaphore_mem>>
      %dma_start3A_141 = arith.constant 0 : i32
      %dma_start3A_142 = arith.constant 0 : i32
      %dma_start3A_143 = tpu.memref_slice %arg5[%arg0, %dma_start3A_141, %dma_start3A_142] : memref<2x10240x16xf32, #tpu.memory_space<hbm>> -> memref<1x10240x16xf32, #tpu.memory_space<hbm>>
      %dma_start3A_144 = tpu.memref_squeeze %dma_start3A_143 : memref<1x10240x16xf32, #tpu.memory_space<hbm>> -> memref<10240x16xf32, #tpu.memory_space<hbm>>
      %dma_start3A_145 = arith.constant 0 : i32
      %dma_start3A_146 = tpu.memref_slice %dma_start3A_144[%mul3A_140, %dma_start3A_145] : memref<10240x16xf32, #tpu.memory_space<hbm>> -> memref<640x16xf32, #tpu.memory_space<hbm>>
      %dma_start3A_147 = arith.constant 0 : i32
      %dma_start3A_148 = tpu.memref_slice %arg32[%mul3A_138, %dma_start3A_147] : memref<10240x16xf32, #tpu.memory_space<vmem_shared>> -> memref<640x16xf32, #tpu.memory_space<vmem_shared>>
      tpu.enqueue_dma source(%dma_start3A_148 : memref<640x16xf32, #tpu.memory_space<vmem_shared>>) target(%dma_start3A_146 : memref<640x16xf32, #tpu.memory_space<hbm>>) target_semaphore(%run_scoped3A : memref<!tpu.dma_semaphore, #tpu.memory_space<semaphore_mem>>)
      %dma_wait3A_149 = arith.constant 0 : i32
      %dma_wait3A_150 = arith.constant 0 : i32
      %dma_wait3A_151 = tpu.memref_slice %arg5[%arg0, %dma_wait3A_149, %dma_wait3A_150] : memref<2x10240x16xf32, #tpu.memory_space<hbm>> -> memref<1x10240x16xf32, #tpu.memory_space<hbm>>
      %dma_wait3A_152 = tpu.memref_squeeze %dma_wait3A_151 : memref<1x10240x16xf32, #tpu.memory_space<hbm>> -> memref<10240x16xf32, #tpu.memory_space<hbm>>
      %dma_wait3A_153 = arith.constant 0 : i32
      %dma_wait3A_154 = tpu.memref_slice %dma_wait3A_152[%mul3A_140, %dma_wait3A_153] : memref<10240x16xf32, #tpu.memory_space<hbm>> -> memref<640x16xf32, #tpu.memory_space<hbm>>
      %dma_wait3A_155 = arith.constant 0 : i32
      %dma_wait3A_156 = tpu.memref_slice %arg32[%mul3A_138, %dma_wait3A_155] : memref<10240x16xf32, #tpu.memory_space<vmem_shared>> -> memref<640x16xf32, #tpu.memory_space<vmem_shared>>
      tpu.wait_dma2 semaphore(%run_scoped3A : memref<!tpu.dma_semaphore, #tpu.memory_space<semaphore_mem>>) src(%dma_wait3A_156 : memref<640x16xf32, #tpu.memory_space<vmem_shared>>) dst(%dma_wait3A_154 : memref<640x16xf32, #tpu.memory_space<hbm>>)
      tpu.yield
    }) : () -> ()
    return
  }
}

#map = affine_map<(d0, d1) -> (0, 0, 0)>
#map1 = affine_map<(d0, d1) -> (0)>
#map2 = affine_map<(d0, d1) -> (0, 0)>
module attributes {stable_mosaic.version = 14 : i64} {
  func.func @_deg_kernel(%arg0: i32, %arg1: i32, %arg2: memref<2x2500x128xi32, #tpu.memory_space<hbm>>, %arg3: memref<640xf32, #tpu.memory_space<hbm>>, %arg4: memref<2x10240xf32, #tpu.memory_space<hbm>>, %arg5: memref<80x128xi32, #tpu.memory_space<vmem>>, %arg6: memref<128xf32, #tpu.memory_space<vmem>>, %arg7: memref<!tpu.dma_semaphore, #tpu.memory_space<semaphore_mem>>, %arg8: memref<10240xf32, #tpu.memory_space<vmem_shared>>) attributes {dimension_semantics = [#tpu.dimension_semantics<core_parallel>, #tpu.dimension_semantics<subcore_parallel>], iteration_bounds = array<i64: 2, 16>, scalar_prefetch = 0 : i64, scratch_operands = 4 : i64, tpu.core_type = #tpu.core_type<sc_vector_subcore>, window_params = [{transform_indices = #map}, {transform_indices = #map1}, {transform_indices = #map2}]} {
    %mul3A = arith.constant 16 : i32
    %mul3A_0 = arith.muli %arg0, %mul3A : i32
    %add3A = arith.addi %mul3A_0, %arg1 : i32
    %lt3A = arith.constant 31 : i32
    %lt3A_1 = arith.cmpi slt, %add3A, %lt3A : i32
    %convert_element_type3A = arith.extui %lt3A_1 : i1 to i32
    %cond3A = arith.constant 1 : i32
    %cond3A_2 = arith.constant 0 : i32
    %cond3A_3 = arith.cmpi ne, %convert_element_type3A, %cond3A_2 : i32
    scf.if %cond3A_3 {
      %mul3A_75 = arith.constant 80 : i32
      %mul3A_76 = arith.muli %add3A, %mul3A_75 : i32
      "tpu.region"() ({
        %run_scoped3A = tpu.sem_alloc : memref<!tpu.dma_semaphore, #tpu.memory_space<semaphore_mem>>
        %dma_start3A = arith.constant 0 : i32
        %dma_start3A_77 = arith.constant 0 : i32
        %dma_start3A_78 = tpu.memref_slice %arg2[%cond3A, %dma_start3A, %dma_start3A_77] : memref<2x2500x128xi32, #tpu.memory_space<hbm>> -> memref<1x2500x128xi32, #tpu.memory_space<hbm>>
        %dma_start3A_79 = tpu.memref_squeeze %dma_start3A_78 : memref<1x2500x128xi32, #tpu.memory_space<hbm>> -> memref<2500x128xi32, #tpu.memory_space<hbm>>
        %dma_start3A_80 = arith.constant 0 : i32
        %dma_start3A_81 = tpu.memref_slice %dma_start3A_79[%mul3A_76, %dma_start3A_80] : memref<2500x128xi32, #tpu.memory_space<hbm>> -> memref<80x128xi32, #tpu.memory_space<hbm>>
        %dma_start3A_82 = arith.constant 0 : i32
        %dma_start3A_83 = arith.constant 0 : i32
        %dma_start3A_84 = tpu.memref_slice %arg2[%cond3A, %dma_start3A_82, %dma_start3A_83] : memref<2x2500x128xi32, #tpu.memory_space<hbm>> -> memref<1x2500x128xi32, #tpu.memory_space<hbm>>
        %dma_start3A_85 = tpu.memref_squeeze %dma_start3A_84 : memref<1x2500x128xi32, #tpu.memory_space<hbm>> -> memref<2500x128xi32, #tpu.memory_space<hbm>>
        %dma_start3A_86 = arith.constant 0 : i32
        %dma_start3A_87 = tpu.memref_slice %dma_start3A_85[%mul3A_76, %dma_start3A_86] : memref<2500x128xi32, #tpu.memory_space<hbm>> -> memref<80x128xi32, #tpu.memory_space<hbm>>
        tpu.enqueue_dma source(%dma_start3A_87 : memref<80x128xi32, #tpu.memory_space<hbm>>) target(%arg5 : memref<80x128xi32, #tpu.memory_space<vmem>>) target_semaphore(%run_scoped3A : memref<!tpu.dma_semaphore, #tpu.memory_space<semaphore_mem>>)
        %dma_wait3A = arith.constant 0 : i32
        %dma_wait3A_88 = arith.constant 0 : i32
        %dma_wait3A_89 = tpu.memref_slice %arg2[%cond3A, %dma_wait3A, %dma_wait3A_88] : memref<2x2500x128xi32, #tpu.memory_space<hbm>> -> memref<1x2500x128xi32, #tpu.memory_space<hbm>>
        %dma_wait3A_90 = tpu.memref_squeeze %dma_wait3A_89 : memref<1x2500x128xi32, #tpu.memory_space<hbm>> -> memref<2500x128xi32, #tpu.memory_space<hbm>>
        %dma_wait3A_91 = arith.constant 0 : i32
        %dma_wait3A_92 = tpu.memref_slice %dma_wait3A_90[%mul3A_76, %dma_wait3A_91] : memref<2500x128xi32, #tpu.memory_space<hbm>> -> memref<80x128xi32, #tpu.memory_space<hbm>>
        %dma_wait3A_93 = arith.constant 0 : i32
        %dma_wait3A_94 = arith.constant 0 : i32
        %dma_wait3A_95 = tpu.memref_slice %arg2[%cond3A, %dma_wait3A_93, %dma_wait3A_94] : memref<2x2500x128xi32, #tpu.memory_space<hbm>> -> memref<1x2500x128xi32, #tpu.memory_space<hbm>>
        %dma_wait3A_96 = tpu.memref_squeeze %dma_wait3A_95 : memref<1x2500x128xi32, #tpu.memory_space<hbm>> -> memref<2500x128xi32, #tpu.memory_space<hbm>>
        %dma_wait3A_97 = arith.constant 0 : i32
        %dma_wait3A_98 = tpu.memref_slice %dma_wait3A_96[%mul3A_76, %dma_wait3A_97] : memref<2500x128xi32, #tpu.memory_space<hbm>> -> memref<80x128xi32, #tpu.memory_space<hbm>>
        tpu.wait_dma2 semaphore(%run_scoped3A : memref<!tpu.dma_semaphore, #tpu.memory_space<semaphore_mem>>) src(%dma_wait3A_98 : memref<80x128xi32, #tpu.memory_space<hbm>>) dst(%arg5 : memref<80x128xi32, #tpu.memory_space<vmem>>)
        tpu.yield
      }) : () -> ()
    } else {
    }
    %eq3A = arith.constant 31 : i32
    %eq3A_4 = arith.cmpi eq, %add3A, %eq3A : i32
    %convert_element_type3A_5 = arith.extui %eq3A_4 : i1 to i32
    %cond3A_6 = arith.constant 1 : i32
    %cond3A_7 = arith.constant 0 : i32
    %cond3A_8 = arith.cmpi ne, %convert_element_type3A_5, %cond3A_7 : i32
    scf.if %cond3A_8 {
      "tpu.region"() ({
        %run_scoped3A = tpu.sem_alloc : memref<!tpu.dma_semaphore, #tpu.memory_space<semaphore_mem>>
        %dma_start3A = arith.constant 0 : i32
        %dma_start3A_82 = arith.constant 0 : i32
        %dma_start3A_83 = tpu.memref_slice %arg5[%dma_start3A, %dma_start3A_82] : memref<80x128xi32, #tpu.memory_space<vmem>> -> memref<20x128xi32, #tpu.memory_space<vmem>>
        %dma_start3A_84 = arith.constant 0 : i32
        %dma_start3A_85 = arith.constant 0 : i32
        %dma_start3A_86 = tpu.memref_slice %arg2[%cond3A_6, %dma_start3A_84, %dma_start3A_85] : memref<2x2500x128xi32, #tpu.memory_space<hbm>> -> memref<1x2500x128xi32, #tpu.memory_space<hbm>>
        %dma_start3A_87 = tpu.memref_squeeze %dma_start3A_86 : memref<1x2500x128xi32, #tpu.memory_space<hbm>> -> memref<2500x128xi32, #tpu.memory_space<hbm>>
        %dma_start3A_88 = arith.constant 2480 : i32
        %dma_start3A_89 = arith.constant 0 : i32
        %dma_start3A_90 = tpu.memref_slice %dma_start3A_87[%dma_start3A_88, %dma_start3A_89] : memref<2500x128xi32, #tpu.memory_space<hbm>> -> memref<20x128xi32, #tpu.memory_space<hbm>>
        %dma_start3A_91 = arith.constant 0 : i32
        %dma_start3A_92 = arith.constant 0 : i32
        %dma_start3A_93 = tpu.memref_slice %arg5[%dma_start3A_91, %dma_start3A_92] : memref<80x128xi32, #tpu.memory_space<vmem>> -> memref<20x128xi32, #tpu.memory_space<vmem>>
        %dma_start3A_94 = arith.constant 0 : i32
        %dma_start3A_95 = arith.constant 0 : i32
        %dma_start3A_96 = tpu.memref_slice %arg2[%cond3A_6, %dma_start3A_94, %dma_start3A_95] : memref<2x2500x128xi32, #tpu.memory_space<hbm>> -> memref<1x2500x128xi32, #tpu.memory_space<hbm>>
        %dma_start3A_97 = tpu.memref_squeeze %dma_start3A_96 : memref<1x2500x128xi32, #tpu.memory_space<hbm>> -> memref<2500x128xi32, #tpu.memory_space<hbm>>
        %dma_start3A_98 = arith.constant 2480 : i32
        %dma_start3A_99 = arith.constant 0 : i32
        %dma_start3A_100 = tpu.memref_slice %dma_start3A_97[%dma_start3A_98, %dma_start3A_99] : memref<2500x128xi32, #tpu.memory_space<hbm>> -> memref<20x128xi32, #tpu.memory_space<hbm>>
        tpu.enqueue_dma source(%dma_start3A_100 : memref<20x128xi32, #tpu.memory_space<hbm>>) target(%dma_start3A_93 : memref<20x128xi32, #tpu.memory_space<vmem>>) target_semaphore(%run_scoped3A : memref<!tpu.dma_semaphore, #tpu.memory_space<semaphore_mem>>)
        %dma_wait3A = arith.constant 0 : i32
        %dma_wait3A_101 = arith.constant 0 : i32
        %dma_wait3A_102 = tpu.memref_slice %arg5[%dma_wait3A, %dma_wait3A_101] : memref<80x128xi32, #tpu.memory_space<vmem>> -> memref<20x128xi32, #tpu.memory_space<vmem>>
        %dma_wait3A_103 = arith.constant 0 : i32
        %dma_wait3A_104 = arith.constant 0 : i32
        %dma_wait3A_105 = tpu.memref_slice %arg2[%cond3A_6, %dma_wait3A_103, %dma_wait3A_104] : memref<2x2500x128xi32, #tpu.memory_space<hbm>> -> memref<1x2500x128xi32, #tpu.memory_space<hbm>>
        %dma_wait3A_106 = tpu.memref_squeeze %dma_wait3A_105 : memref<1x2500x128xi32, #tpu.memory_space<hbm>> -> memref<2500x128xi32, #tpu.memory_space<hbm>>
        %dma_wait3A_107 = arith.constant 2480 : i32
        %dma_wait3A_108 = arith.constant 0 : i32
        %dma_wait3A_109 = tpu.memref_slice %dma_wait3A_106[%dma_wait3A_107, %dma_wait3A_108] : memref<2500x128xi32, #tpu.memory_space<hbm>> -> memref<20x128xi32, #tpu.memory_space<hbm>>
        %dma_wait3A_110 = arith.constant 0 : i32
        %dma_wait3A_111 = arith.constant 0 : i32
        %dma_wait3A_112 = tpu.memref_slice %arg5[%dma_wait3A_110, %dma_wait3A_111] : memref<80x128xi32, #tpu.memory_space<vmem>> -> memref<20x128xi32, #tpu.memory_space<vmem>>
        %dma_wait3A_113 = arith.constant 0 : i32
        %dma_wait3A_114 = arith.constant 0 : i32
        %dma_wait3A_115 = tpu.memref_slice %arg2[%cond3A_6, %dma_wait3A_113, %dma_wait3A_114] : memref<2x2500x128xi32, #tpu.memory_space<hbm>> -> memref<1x2500x128xi32, #tpu.memory_space<hbm>>
        %dma_wait3A_116 = tpu.memref_squeeze %dma_wait3A_115 : memref<1x2500x128xi32, #tpu.memory_space<hbm>> -> memref<2500x128xi32, #tpu.memory_space<hbm>>
        %dma_wait3A_117 = arith.constant 2480 : i32
        %dma_wait3A_118 = arith.constant 0 : i32
        %dma_wait3A_119 = tpu.memref_slice %dma_wait3A_116[%dma_wait3A_117, %dma_wait3A_118] : memref<2500x128xi32, #tpu.memory_space<hbm>> -> memref<20x128xi32, #tpu.memory_space<hbm>>
        tpu.wait_dma2 semaphore(%run_scoped3A : memref<!tpu.dma_semaphore, #tpu.memory_space<semaphore_mem>>) src(%dma_wait3A_119 : memref<20x128xi32, #tpu.memory_space<hbm>>) dst(%dma_wait3A_112 : memref<20x128xi32, #tpu.memory_space<vmem>>)
        tpu.yield
      }) : () -> ()
      %scan3A_75 = arith.constant 0 : i32
      %scan3A_76 = arith.constant 20 : i32
      %scan3A_77 = arith.constant 60 : i32
      %scan3A_78 = arith.addi %scan3A_76, %scan3A_77 : i32
      %scan3A_79 = arith.constant 1 : i32
      %scan3A_80 = scf.for %scan3A_82 = %scan3A_76 to %scan3A_78 step %scan3A_79 iter_args(%scan3A_83 = %scan3A_75) -> (i32)  : i32 {
        %broadcast_in_dim3A_84 = arith.constant 10000 : i32
        %broadcast_in_dim3A_85 = vector.broadcast %broadcast_in_dim3A_84 : i32 to vector<16xi32>
        %swap3A_86 = arith.index_cast %scan3A_82 : i32 to index
        %swap3A_87 = arith.constant 0 : index
        %swap3A_88 = tpu.vector_load %arg5[%swap3A_86, %swap3A_87] {strides = array<i32>} : memref<80x128xi32, #tpu.memory_space<vmem>>, vector<1x16xi32>,
        %swap3A_89 = vector.shape_cast %swap3A_88 : vector<1x16xi32> to vector<16xi32>
        %swap3A_90 = vector.shape_cast %broadcast_in_dim3A_85 : vector<16xi32> to vector<1x16xi32>
        tpu.vector_store %arg5[%swap3A_86, %swap3A_87], %swap3A_90 {strides = array<i32>} : memref<80x128xi32, #tpu.memory_space<vmem>>, vector<1x16xi32>,
        %broadcast_in_dim3A_91 = arith.constant 10000 : i32
        %broadcast_in_dim3A_92 = vector.broadcast %broadcast_in_dim3A_91 : i32 to vector<16xi32>
        %swap3A_93 = arith.index_cast %scan3A_82 : i32 to index
        %swap3A_94 = arith.constant 16 : index
        %swap3A_95 = tpu.vector_load %arg5[%swap3A_93, %swap3A_94] {strides = array<i32>} : memref<80x128xi32, #tpu.memory_space<vmem>>, vector<1x16xi32>,
        %swap3A_96 = vector.shape_cast %swap3A_95 : vector<1x16xi32> to vector<16xi32>
        %swap3A_97 = vector.shape_cast %broadcast_in_dim3A_92 : vector<16xi32> to vector<1x16xi32>
        tpu.vector_store %arg5[%swap3A_93, %swap3A_94], %swap3A_97 {strides = array<i32>} : memref<80x128xi32, #tpu.memory_space<vmem>>, vector<1x16xi32>,
        %broadcast_in_dim3A_98 = arith.constant 10000 : i32
        %broadcast_in_dim3A_99 = vector.broadcast %broadcast_in_dim3A_98 : i32 to vector<16xi32>
        %swap3A_100 = arith.index_cast %scan3A_82 : i32 to index
        %swap3A_101 = arith.constant 32 : index
        %swap3A_102 = tpu.vector_load %arg5[%swap3A_100, %swap3A_101] {strides = array<i32>} : memref<80x128xi32, #tpu.memory_space<vmem>>, vector<1x16xi32>,
        %swap3A_103 = vector.shape_cast %swap3A_102 : vector<1x16xi32> to vector<16xi32>
        %swap3A_104 = vector.shape_cast %broadcast_in_dim3A_99 : vector<16xi32> to vector<1x16xi32>
        tpu.vector_store %arg5[%swap3A_100, %swap3A_101], %swap3A_104 {strides = array<i32>} : memref<80x128xi32, #tpu.memory_space<vmem>>, vector<1x16xi32>,
        %broadcast_in_dim3A_105 = arith.constant 10000 : i32
        %broadcast_in_dim3A_106 = vector.broadcast %broadcast_in_dim3A_105 : i32 to vector<16xi32>
        %swap3A_107 = arith.index_cast %scan3A_82 : i32 to index
        %swap3A_108 = arith.constant 48 : index
        %swap3A_109 = tpu.vector_load %arg5[%swap3A_107, %swap3A_108] {strides = array<i32>} : memref<80x128xi32, #tpu.memory_space<vmem>>, vector<1x16xi32>,
        %swap3A_110 = vector.shape_cast %swap3A_109 : vector<1x16xi32> to vector<16xi32>
        %swap3A_111 = vector.shape_cast %broadcast_in_dim3A_106 : vector<16xi32> to vector<1x16xi32>
        tpu.vector_store %arg5[%swap3A_107, %swap3A_108], %swap3A_111 {strides = array<i32>} : memref<80x128xi32, #tpu.memory_space<vmem>>, vector<1x16xi32>,
        %broadcast_in_dim3A_112 = arith.constant 10000 : i32
        %broadcast_in_dim3A_113 = vector.broadcast %broadcast_in_dim3A_112 : i32 to vector<16xi32>
        %swap3A_114 = arith.index_cast %scan3A_82 : i32 to index
        %swap3A_115 = arith.constant 64 : index
        %swap3A_116 = tpu.vector_load %arg5[%swap3A_114, %swap3A_115] {strides = array<i32>} : memref<80x128xi32, #tpu.memory_space<vmem>>, vector<1x16xi32>,
        %swap3A_117 = vector.shape_cast %swap3A_116 : vector<1x16xi32> to vector<16xi32>
        %swap3A_118 = vector.shape_cast %broadcast_in_dim3A_113 : vector<16xi32> to vector<1x16xi32>
        tpu.vector_store %arg5[%swap3A_114, %swap3A_115], %swap3A_118 {strides = array<i32>} : memref<80x128xi32, #tpu.memory_space<vmem>>, vector<1x16xi32>,
        %broadcast_in_dim3A_119 = arith.constant 10000 : i32
        %broadcast_in_dim3A_120 = vector.broadcast %broadcast_in_dim3A_119 : i32 to vector<16xi32>
        %swap3A_121 = arith.index_cast %scan3A_82 : i32 to index
        %swap3A_122 = arith.constant 80 : index
        %swap3A_123 = tpu.vector_load %arg5[%swap3A_121, %swap3A_122] {strides = array<i32>} : memref<80x128xi32, #tpu.memory_space<vmem>>, vector<1x16xi32>,
        %swap3A_124 = vector.shape_cast %swap3A_123 : vector<1x16xi32> to vector<16xi32>
        %swap3A_125 = vector.shape_cast %broadcast_in_dim3A_120 : vector<16xi32> to vector<1x16xi32>
        tpu.vector_store %arg5[%swap3A_121, %swap3A_122], %swap3A_125 {strides = array<i32>} : memref<80x128xi32, #tpu.memory_space<vmem>>, vector<1x16xi32>,
        %broadcast_in_dim3A_126 = arith.constant 10000 : i32
        %broadcast_in_dim3A_127 = vector.broadcast %broadcast_in_dim3A_126 : i32 to vector<16xi32>
        %swap3A_128 = arith.index_cast %scan3A_82 : i32 to index
        %swap3A_129 = arith.constant 96 : index
        %swap3A_130 = tpu.vector_load %arg5[%swap3A_128, %swap3A_129] {strides = array<i32>} : memref<80x128xi32, #tpu.memory_space<vmem>>, vector<1x16xi32>,
        %swap3A_131 = vector.shape_cast %swap3A_130 : vector<1x16xi32> to vector<16xi32>
        %swap3A_132 = vector.shape_cast %broadcast_in_dim3A_127 : vector<16xi32> to vector<1x16xi32>
        tpu.vector_store %arg5[%swap3A_128, %swap3A_129], %swap3A_132 {strides = array<i32>} : memref<80x128xi32, #tpu.memory_space<vmem>>, vector<1x16xi32>,
        %broadcast_in_dim3A_133 = arith.constant 10000 : i32
        %broadcast_in_dim3A_134 = vector.broadcast %broadcast_in_dim3A_133 : i32 to vector<16xi32>
        %swap3A_135 = arith.index_cast %scan3A_82 : i32 to index
        %swap3A_136 = arith.constant 112 : index
        %swap3A_137 = tpu.vector_load %arg5[%swap3A_135, %swap3A_136] {strides = array<i32>} : memref<80x128xi32, #tpu.memory_space<vmem>>, vector<1x16xi32>,
        %swap3A_138 = vector.shape_cast %swap3A_137 : vector<1x16xi32> to vector<16xi32>
        %swap3A_139 = vector.shape_cast %broadcast_in_dim3A_134 : vector<16xi32> to vector<1x16xi32>
        tpu.vector_store %arg5[%swap3A_135, %swap3A_136], %swap3A_139 {strides = array<i32>} : memref<80x128xi32, #tpu.memory_space<vmem>>, vector<1x16xi32>,
        %scan3A_140 = arith.constant 0 : i32
        scf.yield %scan3A_140 : i32
      }
      %scan3A_81 = arith.constant 60 : i32
    } else {
    }
    %broadcast_in_dim3A = arith.constant 1.000000e+00 : f32
    %broadcast_in_dim3A_9 = vector.broadcast %broadcast_in_dim3A : f32 to vector<16xf32>
    %swap3A = arith.constant 0 : index
    %swap3A_10 = tpu.vector_load %arg6[%swap3A] {strides = array<i32>} : memref<128xf32, #tpu.memory_space<vmem>>, vector<16xf32>,
    %swap3A_11 = vector.shape_cast %swap3A_10 : vector<16xf32> to vector<16xf32>
    %swap3A_12 = vector.shape_cast %broadcast_in_dim3A_9 : vector<16xf32> to vector<16xf32>
    tpu.vector_store %arg6[%swap3A], %swap3A_12 {strides = array<i32>} : memref<128xf32, #tpu.memory_space<vmem>>, vector<16xf32>,
    %broadcast_in_dim3A_13 = arith.constant 1.000000e+00 : f32
    %broadcast_in_dim3A_14 = vector.broadcast %broadcast_in_dim3A_13 : f32 to vector<16xf32>
    %swap3A_15 = arith.constant 16 : index
    %swap3A_16 = tpu.vector_load %arg6[%swap3A_15] {strides = array<i32>} : memref<128xf32, #tpu.memory_space<vmem>>, vector<16xf32>,
    %swap3A_17 = vector.shape_cast %swap3A_16 : vector<16xf32> to vector<16xf32>
    %swap3A_18 = vector.shape_cast %broadcast_in_dim3A_14 : vector<16xf32> to vector<16xf32>
    tpu.vector_store %arg6[%swap3A_15], %swap3A_18 {strides = array<i32>} : memref<128xf32, #tpu.memory_space<vmem>>, vector<16xf32>,
    %broadcast_in_dim3A_19 = arith.constant 1.000000e+00 : f32
    %broadcast_in_dim3A_20 = vector.broadcast %broadcast_in_dim3A_19 : f32 to vector<16xf32>
    %swap3A_21 = arith.constant 32 : index
    %swap3A_22 = tpu.vector_load %arg6[%swap3A_21] {strides = array<i32>} : memref<128xf32, #tpu.memory_space<vmem>>, vector<16xf32>,
    %swap3A_23 = vector.shape_cast %swap3A_22 : vector<16xf32> to vector<16xf32>
    %swap3A_24 = vector.shape_cast %broadcast_in_dim3A_20 : vector<16xf32> to vector<16xf32>
    tpu.vector_store %arg6[%swap3A_21], %swap3A_24 {strides = array<i32>} : memref<128xf32, #tpu.memory_space<vmem>>, vector<16xf32>,
    %broadcast_in_dim3A_25 = arith.constant 1.000000e+00 : f32
    %broadcast_in_dim3A_26 = vector.broadcast %broadcast_in_dim3A_25 : f32 to vector<16xf32>
    %swap3A_27 = arith.constant 48 : index
    %swap3A_28 = tpu.vector_load %arg6[%swap3A_27] {strides = array<i32>} : memref<128xf32, #tpu.memory_space<vmem>>, vector<16xf32>,
    %swap3A_29 = vector.shape_cast %swap3A_28 : vector<16xf32> to vector<16xf32>
    %swap3A_30 = vector.shape_cast %broadcast_in_dim3A_26 : vector<16xf32> to vector<16xf32>
    tpu.vector_store %arg6[%swap3A_27], %swap3A_30 {strides = array<i32>} : memref<128xf32, #tpu.memory_space<vmem>>, vector<16xf32>,
    %broadcast_in_dim3A_31 = arith.constant 1.000000e+00 : f32
    %broadcast_in_dim3A_32 = vector.broadcast %broadcast_in_dim3A_31 : f32 to vector<16xf32>
    %swap3A_33 = arith.constant 64 : index
    %swap3A_34 = tpu.vector_load %arg6[%swap3A_33] {strides = array<i32>} : memref<128xf32, #tpu.memory_space<vmem>>, vector<16xf32>,
    %swap3A_35 = vector.shape_cast %swap3A_34 : vector<16xf32> to vector<16xf32>
    %swap3A_36 = vector.shape_cast %broadcast_in_dim3A_32 : vector<16xf32> to vector<16xf32>
    tpu.vector_store %arg6[%swap3A_33], %swap3A_36 {strides = array<i32>} : memref<128xf32, #tpu.memory_space<vmem>>, vector<16xf32>,
    %broadcast_in_dim3A_37 = arith.constant 1.000000e+00 : f32
    %broadcast_in_dim3A_38 = vector.broadcast %broadcast_in_dim3A_37 : f32 to vector<16xf32>
    %swap3A_39 = arith.constant 80 : index
    %swap3A_40 = tpu.vector_load %arg6[%swap3A_39] {strides = array<i32>} : memref<128xf32, #tpu.memory_space<vmem>>, vector<16xf32>,
    %swap3A_41 = vector.shape_cast %swap3A_40 : vector<16xf32> to vector<16xf32>
    %swap3A_42 = vector.shape_cast %broadcast_in_dim3A_38 : vector<16xf32> to vector<16xf32>
    tpu.vector_store %arg6[%swap3A_39], %swap3A_42 {strides = array<i32>} : memref<128xf32, #tpu.memory_space<vmem>>, vector<16xf32>,
    %broadcast_in_dim3A_43 = arith.constant 1.000000e+00 : f32
    %broadcast_in_dim3A_44 = vector.broadcast %broadcast_in_dim3A_43 : f32 to vector<16xf32>
    %swap3A_45 = arith.constant 96 : index
    %swap3A_46 = tpu.vector_load %arg6[%swap3A_45] {strides = array<i32>} : memref<128xf32, #tpu.memory_space<vmem>>, vector<16xf32>,
    %swap3A_47 = vector.shape_cast %swap3A_46 : vector<16xf32> to vector<16xf32>
    %swap3A_48 = vector.shape_cast %broadcast_in_dim3A_44 : vector<16xf32> to vector<16xf32>
    tpu.vector_store %arg6[%swap3A_45], %swap3A_48 {strides = array<i32>} : memref<128xf32, #tpu.memory_space<vmem>>, vector<16xf32>,
    %broadcast_in_dim3A_49 = arith.constant 1.000000e+00 : f32
    %broadcast_in_dim3A_50 = vector.broadcast %broadcast_in_dim3A_49 : f32 to vector<16xf32>
    %swap3A_51 = arith.constant 112 : index
    %swap3A_52 = tpu.vector_load %arg6[%swap3A_51] {strides = array<i32>} : memref<128xf32, #tpu.memory_space<vmem>>, vector<16xf32>,
    %swap3A_53 = vector.shape_cast %swap3A_52 : vector<16xf32> to vector<16xf32>
    %swap3A_54 = vector.shape_cast %broadcast_in_dim3A_50 : vector<16xf32> to vector<16xf32>
    tpu.vector_store %arg6[%swap3A_51], %swap3A_54 {strides = array<i32>} : memref<128xf32, #tpu.memory_space<vmem>>, vector<16xf32>,
    %mul3A_55 = arith.constant 640 : i32
    %mul3A_56 = arith.muli %arg1, %mul3A_55 : i32
    "tpu.region"() ({
      %run_scoped3A = tpu.sem_alloc : memref<!tpu.dma_semaphore, #tpu.memory_space<semaphore_mem>>
      %dma_start3A = tpu.memref_slice %arg8[%mul3A_56] : memref<10240xf32, #tpu.memory_space<vmem_shared>> -> memref<640xf32, #tpu.memory_space<vmem_shared>>
      tpu.enqueue_dma source(%arg3 : memref<640xf32, #tpu.memory_space<hbm>>) target(%dma_start3A : memref<640xf32, #tpu.memory_space<vmem_shared>>) target_semaphore(%run_scoped3A : memref<!tpu.dma_semaphore, #tpu.memory_space<semaphore_mem>>)
      %dma_wait3A = tpu.memref_slice %arg8[%mul3A_56] : memref<10240xf32, #tpu.memory_space<vmem_shared>> -> memref<640xf32, #tpu.memory_space<vmem_shared>>
      tpu.wait_dma2 semaphore(%run_scoped3A : memref<!tpu.dma_semaphore, #tpu.memory_space<semaphore_mem>>) src(%arg3 : memref<640xf32, #tpu.memory_space<hbm>>) dst(%dma_wait3A : memref<640xf32, #tpu.memory_space<vmem_shared>>)
      tpu.yield
    }) : () -> ()
    %barrier3A = arith.constant 0 : index
    tpu.barrier barrier_id(%barrier3A)
    %scan3A = arith.constant 0 : i32
    %scan3A_57 = arith.constant 0 : i32
    %scan3A_58 = arith.constant 80 : i32
    %scan3A_59 = arith.addi %scan3A_57, %scan3A_58 : i32
    %scan3A_60 = arith.constant 1 : i32
    %scan3A_61 = scf.for %scan3A_75 = %scan3A_57 to %scan3A_59 step %scan3A_60 iter_args(%scan3A_76 = %scan3A) -> (i32)  : i32 {
      %dma_start3A = arith.constant 0 : i32
      %dma_start3A_77 = tpu.memref_slice %arg5[%scan3A_75, %dma_start3A] : memref<80x128xi32, #tpu.memory_space<vmem>> -> memref<1x128xi32, #tpu.memory_space<vmem>>
      %dma_start3A_78 = tpu.memref_squeeze %dma_start3A_77 : memref<1x128xi32, #tpu.memory_space<vmem>> -> memref<128xi32, #tpu.memory_space<vmem>>
      %dma_start3A_79 = arith.constant 0 : i32
      %dma_start3A_80 = tpu.memref_slice %arg8[%dma_start3A_79] : memref<10240xf32, #tpu.memory_space<vmem_shared>> -> memref<10240xf32, #tpu.memory_space<vmem_shared>>
      tpu.enqueue_indirect_dma source(%arg6 : memref<128xf32, #tpu.memory_space<vmem>>) target(%dma_start3A_80 : memref<10240xf32, #tpu.memory_space<vmem_shared>>) offsets(%dma_start3A_78 : memref<128xi32, #tpu.memory_space<vmem>>) semaphore(%arg7 : memref<!tpu.dma_semaphore, #tpu.memory_space<semaphore_mem>>) {add = true}
      %scan3A_81 = arith.constant 0 : i32
      scf.yield %scan3A_81 : i32
    }
    %scan3A_62 = arith.constant 80 : i32
    %scan3A_63 = arith.constant 0 : i32
    %scan3A_64 = arith.constant 0 : i32
    %scan3A_65 = arith.constant 80 : i32
    %scan3A_66 = arith.addi %scan3A_64, %scan3A_65 : i32
    %scan3A_67 = arith.constant 1 : i32
    %scan3A_68 = scf.for %scan3A_75 = %scan3A_64 to %scan3A_66 step %scan3A_67 iter_args(%scan3A_76 = %scan3A_63) -> (i32)  : i32 {
      %dma_wait3A = arith.constant 0 : i32
      %dma_wait3A_77 = arith.constant 0 : i32
      %dma_wait3A_78 = tpu.memref_slice %arg5[%dma_wait3A, %dma_wait3A_77] : memref<80x128xi32, #tpu.memory_space<vmem>> -> memref<1x128xi32, #tpu.memory_space<vmem>>
      %dma_wait3A_79 = tpu.memref_squeeze %dma_wait3A_78 : memref<1x128xi32, #tpu.memory_space<vmem>> -> memref<128xi32, #tpu.memory_space<vmem>>
      %dma_wait3A_80 = arith.constant 0 : i32
      %dma_wait3A_81 = tpu.memref_slice %arg8[%dma_wait3A_80] : memref<10240xf32, #tpu.memory_space<vmem_shared>> -> memref<10240xf32, #tpu.memory_space<vmem_shared>>
      tpu.wait_indirect_dma semaphore(%arg7 : memref<!tpu.dma_semaphore, #tpu.memory_space<semaphore_mem>>) src(%arg6 : memref<128xf32, #tpu.memory_space<vmem>>) dst(%dma_wait3A_81 : memref<10240xf32, #tpu.memory_space<vmem_shared>>)
      %scan3A_82 = arith.constant 0 : i32
      scf.yield %scan3A_82 : i32
    }
    %scan3A_69 = arith.constant 80 : i32
    %barrier3A_70 = arith.constant 0 : index
    tpu.barrier barrier_id(%barrier3A_70)
    %mul3A_71 = arith.constant 640 : i32
    %mul3A_72 = arith.muli %arg1, %mul3A_71 : i32
    %mul3A_73 = arith.constant 640 : i32
    %mul3A_74 = arith.muli %arg1, %mul3A_73 : i32
    "tpu.region"() ({
      %run_scoped3A = tpu.sem_alloc : memref<!tpu.dma_semaphore, #tpu.memory_space<semaphore_mem>>
      %dma_start3A = arith.constant 0 : i32
      %dma_start3A_75 = tpu.memref_slice %arg4[%arg0, %dma_start3A] : memref<2x10240xf32, #tpu.memory_space<hbm>> -> memref<1x10240xf32, #tpu.memory_space<hbm>>
      %dma_start3A_76 = tpu.memref_squeeze %dma_start3A_75 : memref<1x10240xf32, #tpu.memory_space<hbm>> -> memref<10240xf32, #tpu.memory_space<hbm>>
      %dma_start3A_77 = tpu.memref_slice %dma_start3A_76[%mul3A_74] : memref<10240xf32, #tpu.memory_space<hbm>> -> memref<640xf32, #tpu.memory_space<hbm>>
      %dma_start3A_78 = tpu.memref_slice %arg8[%mul3A_72] : memref<10240xf32, #tpu.memory_space<vmem_shared>> -> memref<640xf32, #tpu.memory_space<vmem_shared>>
      tpu.enqueue_dma source(%dma_start3A_78 : memref<640xf32, #tpu.memory_space<vmem_shared>>) target(%dma_start3A_77 : memref<640xf32, #tpu.memory_space<hbm>>) target_semaphore(%run_scoped3A : memref<!tpu.dma_semaphore, #tpu.memory_space<semaphore_mem>>)
      %dma_wait3A = arith.constant 0 : i32
      %dma_wait3A_79 = tpu.memref_slice %arg4[%arg0, %dma_wait3A] : memref<2x10240xf32, #tpu.memory_space<hbm>> -> memref<1x10240xf32, #tpu.memory_space<hbm>>
      %dma_wait3A_80 = tpu.memref_squeeze %dma_wait3A_79 : memref<1x10240xf32, #tpu.memory_space<hbm>> -> memref<10240xf32, #tpu.memory_space<hbm>>
      %dma_wait3A_81 = tpu.memref_slice %dma_wait3A_80[%mul3A_74] : memref<10240xf32, #tpu.memory_space<hbm>> -> memref<640xf32, #tpu.memory_space<hbm>>
      %dma_wait3A_82 = tpu.memref_slice %arg8[%mul3A_72] : memref<10240xf32, #tpu.memory_space<vmem_shared>> -> memref<640xf32, #tpu.memory_space<vmem_shared>>
      tpu.wait_dma2 semaphore(%run_scoped3A : memref<!tpu.dma_semaphore, #tpu.memory_space<semaphore_mem>>) src(%dma_wait3A_82 : memref<640xf32, #tpu.memory_space<vmem_shared>>) dst(%dma_wait3A_81 : memref<640xf32, #tpu.memory_space<hbm>>)
      tpu.yield
    }) : () -> ()
    return
  }
}

#map = affine_map<(d0, d1) -> (0, 0)>
#map1 = affine_map<(d0, d1) -> (0, 0, 0)>
module attributes {stable_mosaic.version = 14 : i64} {
  func.func @_agg_kernel(%arg0: i32, %arg1: i32, %arg2: memref<10016x16xf32, #tpu.memory_space<hbm>>, %arg3: memref<2x2500x128xi32, #tpu.memory_space<hbm>>, %arg4: memref<640x16xf32, #tpu.memory_space<hbm>>, %arg5: memref<2x10240x16xf32, #tpu.memory_space<hbm>>, %arg6: memref<80x128xi32, #tpu.memory_space<vmem>>, %arg7: memref<80x128xi32, #tpu.memory_space<vmem>>, %arg8: memref<128x16xf32, #tpu.memory_space<vmem>>, %arg9: memref<128x16xf32, #tpu.memory_space<vmem>>, %arg10: memref<128x16xf32, #tpu.memory_space<vmem>>, %arg11: memref<128x16xf32, #tpu.memory_space<vmem>>, %arg12: memref<128x16xf32, #tpu.memory_space<vmem>>, %arg13: memref<128x16xf32, #tpu.memory_space<vmem>>, %arg14: memref<128x16xf32, #tpu.memory_space<vmem>>, %arg15: memref<128x16xf32, #tpu.memory_space<vmem>>, %arg16: memref<!tpu.dma_semaphore, #tpu.memory_space<semaphore_mem>>, %arg17: memref<!tpu.dma_semaphore, #tpu.memory_space<semaphore_mem>>, %arg18: memref<!tpu.dma_semaphore, #tpu.memory_space<semaphore_mem>>, %arg19: memref<!tpu.dma_semaphore, #tpu.memory_space<semaphore_mem>>, %arg20: memref<!tpu.dma_semaphore, #tpu.memory_space<semaphore_mem>>, %arg21: memref<!tpu.dma_semaphore, #tpu.memory_space<semaphore_mem>>, %arg22: memref<!tpu.dma_semaphore, #tpu.memory_space<semaphore_mem>>, %arg23: memref<!tpu.dma_semaphore, #tpu.memory_space<semaphore_mem>>, %arg24: memref<!tpu.dma_semaphore, #tpu.memory_space<semaphore_mem>>, %arg25: memref<!tpu.dma_semaphore, #tpu.memory_space<semaphore_mem>>, %arg26: memref<!tpu.dma_semaphore, #tpu.memory_space<semaphore_mem>>, %arg27: memref<!tpu.dma_semaphore, #tpu.memory_space<semaphore_mem>>, %arg28: memref<!tpu.dma_semaphore, #tpu.memory_space<semaphore_mem>>, %arg29: memref<!tpu.dma_semaphore, #tpu.memory_space<semaphore_mem>>, %arg30: memref<!tpu.dma_semaphore, #tpu.memory_space<semaphore_mem>>, %arg31: memref<!tpu.dma_semaphore, #tpu.memory_space<semaphore_mem>>, %arg32: memref<10240x16xf32, #tpu.memory_space<vmem_shared>>, %arg33: memref<10016x16xf32, #tpu.memory_space<vmem_shared>>) attributes {dimension_semantics = [#tpu.dimension_semantics<core_parallel>, #tpu.dimension_semantics<subcore_parallel>], iteration_bounds = array<i64: 2, 16>, scalar_prefetch = 0 : i64, scratch_operands = 28 : i64, tpu.core_type = #tpu.core_type<sc_vector_subcore>, window_params = [{transform_indices = #map}, {transform_indices = #map1}, {transform_indices = #map}, {transform_indices = #map1}]} {
    %mul3A = arith.constant 16 : i32
    %mul3A_0 = arith.muli %arg0, %mul3A : i32
    %add3A = arith.addi %mul3A_0, %arg1 : i32
    %lt3A = arith.constant 31 : i32
    %lt3A_1 = arith.cmpi slt, %add3A, %lt3A : i32
    %convert_element_type3A = arith.extui %lt3A_1 : i1 to i32
    %cond3A = arith.constant 0 : i32
    %cond3A_2 = arith.constant 0 : i32
    %cond3A_3 = arith.cmpi ne, %convert_element_type3A, %cond3A_2 : i32
    scf.if %cond3A_3 {
      %mul3A_141 = arith.constant 80 : i32
      %mul3A_142 = arith.muli %add3A, %mul3A_141 : i32
      "tpu.region"() ({
        %run_scoped3A = tpu.sem_alloc : memref<!tpu.dma_semaphore, #tpu.memory_space<semaphore_mem>>
        %dma_start3A_143 = arith.constant 0 : i32
        %dma_start3A_144 = arith.constant 0 : i32
        %dma_start3A_145 = tpu.memref_slice %arg3[%cond3A, %dma_start3A_143, %dma_start3A_144] : memref<2x2500x128xi32, #tpu.memory_space<hbm>> -> memref<1x2500x128xi32, #tpu.memory_space<hbm>>
        %dma_start3A_146 = tpu.memref_squeeze %dma_start3A_145 : memref<1x2500x128xi32, #tpu.memory_space<hbm>> -> memref<2500x128xi32, #tpu.memory_space<hbm>>
        %dma_start3A_147 = arith.constant 0 : i32
        %dma_start3A_148 = tpu.memref_slice %dma_start3A_146[%mul3A_142, %dma_start3A_147] : memref<2500x128xi32, #tpu.memory_space<hbm>> -> memref<80x128xi32, #tpu.memory_space<hbm>>
        %dma_start3A_149 = arith.constant 0 : i32
        %dma_start3A_150 = arith.constant 0 : i32
        %dma_start3A_151 = tpu.memref_slice %arg3[%cond3A, %dma_start3A_149, %dma_start3A_150] : memref<2x2500x128xi32, #tpu.memory_space<hbm>> -> memref<1x2500x128xi32, #tpu.memory_space<hbm>>
        %dma_start3A_152 = tpu.memref_squeeze %dma_start3A_151 : memref<1x2500x128xi32, #tpu.memory_space<hbm>> -> memref<2500x128xi32, #tpu.memory_space<hbm>>
        %dma_start3A_153 = arith.constant 0 : i32
        %dma_start3A_154 = tpu.memref_slice %dma_start3A_152[%mul3A_142, %dma_start3A_153] : memref<2500x128xi32, #tpu.memory_space<hbm>> -> memref<80x128xi32, #tpu.memory_space<hbm>>
        tpu.enqueue_dma source(%dma_start3A_154 : memref<80x128xi32, #tpu.memory_space<hbm>>) target(%arg6 : memref<80x128xi32, #tpu.memory_space<vmem>>) target_semaphore(%run_scoped3A : memref<!tpu.dma_semaphore, #tpu.memory_space<semaphore_mem>>)
        %dma_wait3A_155 = arith.constant 0 : i32
        %dma_wait3A_156 = arith.constant 0 : i32
        %dma_wait3A_157 = tpu.memref_slice %arg3[%cond3A, %dma_wait3A_155, %dma_wait3A_156] : memref<2x2500x128xi32, #tpu.memory_space<hbm>> -> memref<1x2500x128xi32, #tpu.memory_space<hbm>>
        %dma_wait3A_158 = tpu.memref_squeeze %dma_wait3A_157 : memref<1x2500x128xi32, #tpu.memory_space<hbm>> -> memref<2500x128xi32, #tpu.memory_space<hbm>>
        %dma_wait3A_159 = arith.constant 0 : i32
        %dma_wait3A_160 = tpu.memref_slice %dma_wait3A_158[%mul3A_142, %dma_wait3A_159] : memref<2500x128xi32, #tpu.memory_space<hbm>> -> memref<80x128xi32, #tpu.memory_space<hbm>>
        %dma_wait3A_161 = arith.constant 0 : i32
        %dma_wait3A_162 = arith.constant 0 : i32
        %dma_wait3A_163 = tpu.memref_slice %arg3[%cond3A, %dma_wait3A_161, %dma_wait3A_162] : memref<2x2500x128xi32, #tpu.memory_space<hbm>> -> memref<1x2500x128xi32, #tpu.memory_space<hbm>>
        %dma_wait3A_164 = tpu.memref_squeeze %dma_wait3A_163 : memref<1x2500x128xi32, #tpu.memory_space<hbm>> -> memref<2500x128xi32, #tpu.memory_space<hbm>>
        %dma_wait3A_165 = arith.constant 0 : i32
        %dma_wait3A_166 = tpu.memref_slice %dma_wait3A_164[%mul3A_142, %dma_wait3A_165] : memref<2500x128xi32, #tpu.memory_space<hbm>> -> memref<80x128xi32, #tpu.memory_space<hbm>>
        tpu.wait_dma2 semaphore(%run_scoped3A : memref<!tpu.dma_semaphore, #tpu.memory_space<semaphore_mem>>) src(%dma_wait3A_166 : memref<80x128xi32, #tpu.memory_space<hbm>>) dst(%arg6 : memref<80x128xi32, #tpu.memory_space<vmem>>)
        tpu.yield
      }) : () -> ()
    } else {
    }
    %eq3A = arith.constant 31 : i32
    %eq3A_4 = arith.cmpi eq, %add3A, %eq3A : i32
    %convert_element_type3A_5 = arith.extui %eq3A_4 : i1 to i32
    %cond3A_6 = arith.constant 0 : i32
    %cond3A_7 = arith.constant 0 : i32
    %cond3A_8 = arith.cmpi ne, %convert_element_type3A_5, %cond3A_7 : i32
    scf.if %cond3A_8 {
      "tpu.region"() ({
        %run_scoped3A = tpu.sem_alloc : memref<!tpu.dma_semaphore, #tpu.memory_space<semaphore_mem>>
        %dma_start3A_148 = arith.constant 0 : i32
        %dma_start3A_149 = arith.constant 0 : i32
        %dma_start3A_150 = tpu.memref_slice %arg6[%dma_start3A_148, %dma_start3A_149] : memref<80x128xi32, #tpu.memory_space<vmem>> -> memref<20x128xi32, #tpu.memory_space<vmem>>
        %dma_start3A_151 = arith.constant 0 : i32
        %dma_start3A_152 = arith.constant 0 : i32
        %dma_start3A_153 = tpu.memref_slice %arg3[%cond3A_6, %dma_start3A_151, %dma_start3A_152] : memref<2x2500x128xi32, #tpu.memory_space<hbm>> -> memref<1x2500x128xi32, #tpu.memory_space<hbm>>
        %dma_start3A_154 = tpu.memref_squeeze %dma_start3A_153 : memref<1x2500x128xi32, #tpu.memory_space<hbm>> -> memref<2500x128xi32, #tpu.memory_space<hbm>>
        %dma_start3A_155 = arith.constant 2480 : i32
        %dma_start3A_156 = arith.constant 0 : i32
        %dma_start3A_157 = tpu.memref_slice %dma_start3A_154[%dma_start3A_155, %dma_start3A_156] : memref<2500x128xi32, #tpu.memory_space<hbm>> -> memref<20x128xi32, #tpu.memory_space<hbm>>
        %dma_start3A_158 = arith.constant 0 : i32
        %dma_start3A_159 = arith.constant 0 : i32
        %dma_start3A_160 = tpu.memref_slice %arg6[%dma_start3A_158, %dma_start3A_159] : memref<80x128xi32, #tpu.memory_space<vmem>> -> memref<20x128xi32, #tpu.memory_space<vmem>>
        %dma_start3A_161 = arith.constant 0 : i32
        %dma_start3A_162 = arith.constant 0 : i32
        %dma_start3A_163 = tpu.memref_slice %arg3[%cond3A_6, %dma_start3A_161, %dma_start3A_162] : memref<2x2500x128xi32, #tpu.memory_space<hbm>> -> memref<1x2500x128xi32, #tpu.memory_space<hbm>>
        %dma_start3A_164 = tpu.memref_squeeze %dma_start3A_163 : memref<1x2500x128xi32, #tpu.memory_space<hbm>> -> memref<2500x128xi32, #tpu.memory_space<hbm>>
        %dma_start3A_165 = arith.constant 2480 : i32
        %dma_start3A_166 = arith.constant 0 : i32
        %dma_start3A_167 = tpu.memref_slice %dma_start3A_164[%dma_start3A_165, %dma_start3A_166] : memref<2500x128xi32, #tpu.memory_space<hbm>> -> memref<20x128xi32, #tpu.memory_space<hbm>>
        tpu.enqueue_dma source(%dma_start3A_167 : memref<20x128xi32, #tpu.memory_space<hbm>>) target(%dma_start3A_160 : memref<20x128xi32, #tpu.memory_space<vmem>>) target_semaphore(%run_scoped3A : memref<!tpu.dma_semaphore, #tpu.memory_space<semaphore_mem>>)
        %dma_wait3A_168 = arith.constant 0 : i32
        %dma_wait3A_169 = arith.constant 0 : i32
        %dma_wait3A_170 = tpu.memref_slice %arg6[%dma_wait3A_168, %dma_wait3A_169] : memref<80x128xi32, #tpu.memory_space<vmem>> -> memref<20x128xi32, #tpu.memory_space<vmem>>
        %dma_wait3A_171 = arith.constant 0 : i32
        %dma_wait3A_172 = arith.constant 0 : i32
        %dma_wait3A_173 = tpu.memref_slice %arg3[%cond3A_6, %dma_wait3A_171, %dma_wait3A_172] : memref<2x2500x128xi32, #tpu.memory_space<hbm>> -> memref<1x2500x128xi32, #tpu.memory_space<hbm>>
        %dma_wait3A_174 = tpu.memref_squeeze %dma_wait3A_173 : memref<1x2500x128xi32, #tpu.memory_space<hbm>> -> memref<2500x128xi32, #tpu.memory_space<hbm>>
        %dma_wait3A_175 = arith.constant 2480 : i32
        %dma_wait3A_176 = arith.constant 0 : i32
        %dma_wait3A_177 = tpu.memref_slice %dma_wait3A_174[%dma_wait3A_175, %dma_wait3A_176] : memref<2500x128xi32, #tpu.memory_space<hbm>> -> memref<20x128xi32, #tpu.memory_space<hbm>>
        %dma_wait3A_178 = arith.constant 0 : i32
        %dma_wait3A_179 = arith.constant 0 : i32
        %dma_wait3A_180 = tpu.memref_slice %arg6[%dma_wait3A_178, %dma_wait3A_179] : memref<80x128xi32, #tpu.memory_space<vmem>> -> memref<20x128xi32, #tpu.memory_space<vmem>>
        %dma_wait3A_181 = arith.constant 0 : i32
        %dma_wait3A_182 = arith.constant 0 : i32
        %dma_wait3A_183 = tpu.memref_slice %arg3[%cond3A_6, %dma_wait3A_181, %dma_wait3A_182] : memref<2x2500x128xi32, #tpu.memory_space<hbm>> -> memref<1x2500x128xi32, #tpu.memory_space<hbm>>
        %dma_wait3A_184 = tpu.memref_squeeze %dma_wait3A_183 : memref<1x2500x128xi32, #tpu.memory_space<hbm>> -> memref<2500x128xi32, #tpu.memory_space<hbm>>
        %dma_wait3A_185 = arith.constant 2480 : i32
        %dma_wait3A_186 = arith.constant 0 : i32
        %dma_wait3A_187 = tpu.memref_slice %dma_wait3A_184[%dma_wait3A_185, %dma_wait3A_186] : memref<2500x128xi32, #tpu.memory_space<hbm>> -> memref<20x128xi32, #tpu.memory_space<hbm>>
        tpu.wait_dma2 semaphore(%run_scoped3A : memref<!tpu.dma_semaphore, #tpu.memory_space<semaphore_mem>>) src(%dma_wait3A_187 : memref<20x128xi32, #tpu.memory_space<hbm>>) dst(%dma_wait3A_180 : memref<20x128xi32, #tpu.memory_space<vmem>>)
        tpu.yield
      }) : () -> ()
      %scan3A_141 = arith.constant 0 : i32
      %scan3A_142 = arith.constant 20 : i32
      %scan3A_143 = arith.constant 60 : i32
      %scan3A_144 = arith.addi %scan3A_142, %scan3A_143 : i32
      %scan3A_145 = arith.constant 1 : i32
      %scan3A_146 = scf.for %scan3A_148 = %scan3A_142 to %scan3A_144 step %scan3A_145 iter_args(%scan3A_149 = %scan3A_141) -> (i32)  : i32 {
        %broadcast_in_dim3A = arith.constant 10000 : i32
        %broadcast_in_dim3A_150 = vector.broadcast %broadcast_in_dim3A : i32 to vector<16xi32>
        %swap3A = arith.index_cast %scan3A_148 : i32 to index
        %swap3A_151 = arith.constant 0 : index
        %swap3A_152 = tpu.vector_load %arg6[%swap3A, %swap3A_151] {strides = array<i32>} : memref<80x128xi32, #tpu.memory_space<vmem>>, vector<1x16xi32>,
        %swap3A_153 = vector.shape_cast %swap3A_152 : vector<1x16xi32> to vector<16xi32>
        %swap3A_154 = vector.shape_cast %broadcast_in_dim3A_150 : vector<16xi32> to vector<1x16xi32>
        tpu.vector_store %arg6[%swap3A, %swap3A_151], %swap3A_154 {strides = array<i32>} : memref<80x128xi32, #tpu.memory_space<vmem>>, vector<1x16xi32>,
        %broadcast_in_dim3A_155 = arith.constant 10000 : i32
        %broadcast_in_dim3A_156 = vector.broadcast %broadcast_in_dim3A_155 : i32 to vector<16xi32>
        %swap3A_157 = arith.index_cast %scan3A_148 : i32 to index
        %swap3A_158 = arith.constant 16 : index
        %swap3A_159 = tpu.vector_load %arg6[%swap3A_157, %swap3A_158] {strides = array<i32>} : memref<80x128xi32, #tpu.memory_space<vmem>>, vector<1x16xi32>,
        %swap3A_160 = vector.shape_cast %swap3A_159 : vector<1x16xi32> to vector<16xi32>
        %swap3A_161 = vector.shape_cast %broadcast_in_dim3A_156 : vector<16xi32> to vector<1x16xi32>
        tpu.vector_store %arg6[%swap3A_157, %swap3A_158], %swap3A_161 {strides = array<i32>} : memref<80x128xi32, #tpu.memory_space<vmem>>, vector<1x16xi32>,
        %broadcast_in_dim3A_162 = arith.constant 10000 : i32
        %broadcast_in_dim3A_163 = vector.broadcast %broadcast_in_dim3A_162 : i32 to vector<16xi32>
        %swap3A_164 = arith.index_cast %scan3A_148 : i32 to index
        %swap3A_165 = arith.constant 32 : index
        %swap3A_166 = tpu.vector_load %arg6[%swap3A_164, %swap3A_165] {strides = array<i32>} : memref<80x128xi32, #tpu.memory_space<vmem>>, vector<1x16xi32>,
        %swap3A_167 = vector.shape_cast %swap3A_166 : vector<1x16xi32> to vector<16xi32>
        %swap3A_168 = vector.shape_cast %broadcast_in_dim3A_163 : vector<16xi32> to vector<1x16xi32>
        tpu.vector_store %arg6[%swap3A_164, %swap3A_165], %swap3A_168 {strides = array<i32>} : memref<80x128xi32, #tpu.memory_space<vmem>>, vector<1x16xi32>,
        %broadcast_in_dim3A_169 = arith.constant 10000 : i32
        %broadcast_in_dim3A_170 = vector.broadcast %broadcast_in_dim3A_169 : i32 to vector<16xi32>
        %swap3A_171 = arith.index_cast %scan3A_148 : i32 to index
        %swap3A_172 = arith.constant 48 : index
        %swap3A_173 = tpu.vector_load %arg6[%swap3A_171, %swap3A_172] {strides = array<i32>} : memref<80x128xi32, #tpu.memory_space<vmem>>, vector<1x16xi32>,
        %swap3A_174 = vector.shape_cast %swap3A_173 : vector<1x16xi32> to vector<16xi32>
        %swap3A_175 = vector.shape_cast %broadcast_in_dim3A_170 : vector<16xi32> to vector<1x16xi32>
        tpu.vector_store %arg6[%swap3A_171, %swap3A_172], %swap3A_175 {strides = array<i32>} : memref<80x128xi32, #tpu.memory_space<vmem>>, vector<1x16xi32>,
        %broadcast_in_dim3A_176 = arith.constant 10000 : i32
        %broadcast_in_dim3A_177 = vector.broadcast %broadcast_in_dim3A_176 : i32 to vector<16xi32>
        %swap3A_178 = arith.index_cast %scan3A_148 : i32 to index
        %swap3A_179 = arith.constant 64 : index
        %swap3A_180 = tpu.vector_load %arg6[%swap3A_178, %swap3A_179] {strides = array<i32>} : memref<80x128xi32, #tpu.memory_space<vmem>>, vector<1x16xi32>,
        %swap3A_181 = vector.shape_cast %swap3A_180 : vector<1x16xi32> to vector<16xi32>
        %swap3A_182 = vector.shape_cast %broadcast_in_dim3A_177 : vector<16xi32> to vector<1x16xi32>
        tpu.vector_store %arg6[%swap3A_178, %swap3A_179], %swap3A_182 {strides = array<i32>} : memref<80x128xi32, #tpu.memory_space<vmem>>, vector<1x16xi32>,
        %broadcast_in_dim3A_183 = arith.constant 10000 : i32
        %broadcast_in_dim3A_184 = vector.broadcast %broadcast_in_dim3A_183 : i32 to vector<16xi32>
        %swap3A_185 = arith.index_cast %scan3A_148 : i32 to index
        %swap3A_186 = arith.constant 80 : index
        %swap3A_187 = tpu.vector_load %arg6[%swap3A_185, %swap3A_186] {strides = array<i32>} : memref<80x128xi32, #tpu.memory_space<vmem>>, vector<1x16xi32>,
        %swap3A_188 = vector.shape_cast %swap3A_187 : vector<1x16xi32> to vector<16xi32>
        %swap3A_189 = vector.shape_cast %broadcast_in_dim3A_184 : vector<16xi32> to vector<1x16xi32>
        tpu.vector_store %arg6[%swap3A_185, %swap3A_186], %swap3A_189 {strides = array<i32>} : memref<80x128xi32, #tpu.memory_space<vmem>>, vector<1x16xi32>,
        %broadcast_in_dim3A_190 = arith.constant 10000 : i32
        %broadcast_in_dim3A_191 = vector.broadcast %broadcast_in_dim3A_190 : i32 to vector<16xi32>
        %swap3A_192 = arith.index_cast %scan3A_148 : i32 to index
        %swap3A_193 = arith.constant 96 : index
        %swap3A_194 = tpu.vector_load %arg6[%swap3A_192, %swap3A_193] {strides = array<i32>} : memref<80x128xi32, #tpu.memory_space<vmem>>, vector<1x16xi32>,
        %swap3A_195 = vector.shape_cast %swap3A_194 : vector<1x16xi32> to vector<16xi32>
        %swap3A_196 = vector.shape_cast %broadcast_in_dim3A_191 : vector<16xi32> to vector<1x16xi32>
        tpu.vector_store %arg6[%swap3A_192, %swap3A_193], %swap3A_196 {strides = array<i32>} : memref<80x128xi32, #tpu.memory_space<vmem>>, vector<1x16xi32>,
        %broadcast_in_dim3A_197 = arith.constant 10000 : i32
        %broadcast_in_dim3A_198 = vector.broadcast %broadcast_in_dim3A_197 : i32 to vector<16xi32>
        %swap3A_199 = arith.index_cast %scan3A_148 : i32 to index
        %swap3A_200 = arith.constant 112 : index
        %swap3A_201 = tpu.vector_load %arg6[%swap3A_199, %swap3A_200] {strides = array<i32>} : memref<80x128xi32, #tpu.memory_space<vmem>>, vector<1x16xi32>,
        %swap3A_202 = vector.shape_cast %swap3A_201 : vector<1x16xi32> to vector<16xi32>
        %swap3A_203 = vector.shape_cast %broadcast_in_dim3A_198 : vector<16xi32> to vector<1x16xi32>
        tpu.vector_store %arg6[%swap3A_199, %swap3A_200], %swap3A_203 {strides = array<i32>} : memref<80x128xi32, #tpu.memory_space<vmem>>, vector<1x16xi32>,
        %scan3A_204 = arith.constant 0 : i32
        scf.yield %scan3A_204 : i32
      }
      %scan3A_147 = arith.constant 60 : i32
    } else {
    }
    %lt3A_9 = arith.constant 31 : i32
    %lt3A_10 = arith.cmpi slt, %add3A, %lt3A_9 : i32
    %convert_element_type3A_11 = arith.extui %lt3A_10 : i1 to i32
    %cond3A_12 = arith.constant 1 : i32
    %cond3A_13 = arith.constant 0 : i32
    %cond3A_14 = arith.cmpi ne, %convert_element_type3A_11, %cond3A_13 : i32
    scf.if %cond3A_14 {
      %mul3A_141 = arith.constant 80 : i32
      %mul3A_142 = arith.muli %add3A, %mul3A_141 : i32
      "tpu.region"() ({
        %run_scoped3A = tpu.sem_alloc : memref<!tpu.dma_semaphore, #tpu.memory_space<semaphore_mem>>
        %dma_start3A_143 = arith.constant 0 : i32
        %dma_start3A_144 = arith.constant 0 : i32
        %dma_start3A_145 = tpu.memref_slice %arg3[%cond3A_12, %dma_start3A_143, %dma_start3A_144] : memref<2x2500x128xi32, #tpu.memory_space<hbm>> -> memref<1x2500x128xi32, #tpu.memory_space<hbm>>
        %dma_start3A_146 = tpu.memref_squeeze %dma_start3A_145 : memref<1x2500x128xi32, #tpu.memory_space<hbm>> -> memref<2500x128xi32, #tpu.memory_space<hbm>>
        %dma_start3A_147 = arith.constant 0 : i32
        %dma_start3A_148 = tpu.memref_slice %dma_start3A_146[%mul3A_142, %dma_start3A_147] : memref<2500x128xi32, #tpu.memory_space<hbm>> -> memref<80x128xi32, #tpu.memory_space<hbm>>
        %dma_start3A_149 = arith.constant 0 : i32
        %dma_start3A_150 = arith.constant 0 : i32
        %dma_start3A_151 = tpu.memref_slice %arg3[%cond3A_12, %dma_start3A_149, %dma_start3A_150] : memref<2x2500x128xi32, #tpu.memory_space<hbm>> -> memref<1x2500x128xi32, #tpu.memory_space<hbm>>
        %dma_start3A_152 = tpu.memref_squeeze %dma_start3A_151 : memref<1x2500x128xi32, #tpu.memory_space<hbm>> -> memref<2500x128xi32, #tpu.memory_space<hbm>>
        %dma_start3A_153 = arith.constant 0 : i32
        %dma_start3A_154 = tpu.memref_slice %dma_start3A_152[%mul3A_142, %dma_start3A_153] : memref<2500x128xi32, #tpu.memory_space<hbm>> -> memref<80x128xi32, #tpu.memory_space<hbm>>
        tpu.enqueue_dma source(%dma_start3A_154 : memref<80x128xi32, #tpu.memory_space<hbm>>) target(%arg7 : memref<80x128xi32, #tpu.memory_space<vmem>>) target_semaphore(%run_scoped3A : memref<!tpu.dma_semaphore, #tpu.memory_space<semaphore_mem>>)
        %dma_wait3A_155 = arith.constant 0 : i32
        %dma_wait3A_156 = arith.constant 0 : i32
        %dma_wait3A_157 = tpu.memref_slice %arg3[%cond3A_12, %dma_wait3A_155, %dma_wait3A_156] : memref<2x2500x128xi32, #tpu.memory_space<hbm>> -> memref<1x2500x128xi32, #tpu.memory_space<hbm>>
        %dma_wait3A_158 = tpu.memref_squeeze %dma_wait3A_157 : memref<1x2500x128xi32, #tpu.memory_space<hbm>> -> memref<2500x128xi32, #tpu.memory_space<hbm>>
        %dma_wait3A_159 = arith.constant 0 : i32
        %dma_wait3A_160 = tpu.memref_slice %dma_wait3A_158[%mul3A_142, %dma_wait3A_159] : memref<2500x128xi32, #tpu.memory_space<hbm>> -> memref<80x128xi32, #tpu.memory_space<hbm>>
        %dma_wait3A_161 = arith.constant 0 : i32
        %dma_wait3A_162 = arith.constant 0 : i32
        %dma_wait3A_163 = tpu.memref_slice %arg3[%cond3A_12, %dma_wait3A_161, %dma_wait3A_162] : memref<2x2500x128xi32, #tpu.memory_space<hbm>> -> memref<1x2500x128xi32, #tpu.memory_space<hbm>>
        %dma_wait3A_164 = tpu.memref_squeeze %dma_wait3A_163 : memref<1x2500x128xi32, #tpu.memory_space<hbm>> -> memref<2500x128xi32, #tpu.memory_space<hbm>>
        %dma_wait3A_165 = arith.constant 0 : i32
        %dma_wait3A_166 = tpu.memref_slice %dma_wait3A_164[%mul3A_142, %dma_wait3A_165] : memref<2500x128xi32, #tpu.memory_space<hbm>> -> memref<80x128xi32, #tpu.memory_space<hbm>>
        tpu.wait_dma2 semaphore(%run_scoped3A : memref<!tpu.dma_semaphore, #tpu.memory_space<semaphore_mem>>) src(%dma_wait3A_166 : memref<80x128xi32, #tpu.memory_space<hbm>>) dst(%arg7 : memref<80x128xi32, #tpu.memory_space<vmem>>)
        tpu.yield
      }) : () -> ()
    } else {
    }
    %eq3A_15 = arith.constant 31 : i32
    %eq3A_16 = arith.cmpi eq, %add3A, %eq3A_15 : i32
    %convert_element_type3A_17 = arith.extui %eq3A_16 : i1 to i32
    %cond3A_18 = arith.constant 1 : i32
    %cond3A_19 = arith.constant 0 : i32
    %cond3A_20 = arith.cmpi ne, %convert_element_type3A_17, %cond3A_19 : i32
    scf.if %cond3A_20 {
      "tpu.region"() ({
        %run_scoped3A = tpu.sem_alloc : memref<!tpu.dma_semaphore, #tpu.memory_space<semaphore_mem>>
        %dma_start3A_148 = arith.constant 0 : i32
        %dma_start3A_149 = arith.constant 0 : i32
        %dma_start3A_150 = tpu.memref_slice %arg7[%dma_start3A_148, %dma_start3A_149] : memref<80x128xi32, #tpu.memory_space<vmem>> -> memref<20x128xi32, #tpu.memory_space<vmem>>
        %dma_start3A_151 = arith.constant 0 : i32
        %dma_start3A_152 = arith.constant 0 : i32
        %dma_start3A_153 = tpu.memref_slice %arg3[%cond3A_18, %dma_start3A_151, %dma_start3A_152] : memref<2x2500x128xi32, #tpu.memory_space<hbm>> -> memref<1x2500x128xi32, #tpu.memory_space<hbm>>
        %dma_start3A_154 = tpu.memref_squeeze %dma_start3A_153 : memref<1x2500x128xi32, #tpu.memory_space<hbm>> -> memref<2500x128xi32, #tpu.memory_space<hbm>>
        %dma_start3A_155 = arith.constant 2480 : i32
        %dma_start3A_156 = arith.constant 0 : i32
        %dma_start3A_157 = tpu.memref_slice %dma_start3A_154[%dma_start3A_155, %dma_start3A_156] : memref<2500x128xi32, #tpu.memory_space<hbm>> -> memref<20x128xi32, #tpu.memory_space<hbm>>
        %dma_start3A_158 = arith.constant 0 : i32
        %dma_start3A_159 = arith.constant 0 : i32
        %dma_start3A_160 = tpu.memref_slice %arg7[%dma_start3A_158, %dma_start3A_159] : memref<80x128xi32, #tpu.memory_space<vmem>> -> memref<20x128xi32, #tpu.memory_space<vmem>>
        %dma_start3A_161 = arith.constant 0 : i32
        %dma_start3A_162 = arith.constant 0 : i32
        %dma_start3A_163 = tpu.memref_slice %arg3[%cond3A_18, %dma_start3A_161, %dma_start3A_162] : memref<2x2500x128xi32, #tpu.memory_space<hbm>> -> memref<1x2500x128xi32, #tpu.memory_space<hbm>>
        %dma_start3A_164 = tpu.memref_squeeze %dma_start3A_163 : memref<1x2500x128xi32, #tpu.memory_space<hbm>> -> memref<2500x128xi32, #tpu.memory_space<hbm>>
        %dma_start3A_165 = arith.constant 2480 : i32
        %dma_start3A_166 = arith.constant 0 : i32
        %dma_start3A_167 = tpu.memref_slice %dma_start3A_164[%dma_start3A_165, %dma_start3A_166] : memref<2500x128xi32, #tpu.memory_space<hbm>> -> memref<20x128xi32, #tpu.memory_space<hbm>>
        tpu.enqueue_dma source(%dma_start3A_167 : memref<20x128xi32, #tpu.memory_space<hbm>>) target(%dma_start3A_160 : memref<20x128xi32, #tpu.memory_space<vmem>>) target_semaphore(%run_scoped3A : memref<!tpu.dma_semaphore, #tpu.memory_space<semaphore_mem>>)
        %dma_wait3A_168 = arith.constant 0 : i32
        %dma_wait3A_169 = arith.constant 0 : i32
        %dma_wait3A_170 = tpu.memref_slice %arg7[%dma_wait3A_168, %dma_wait3A_169] : memref<80x128xi32, #tpu.memory_space<vmem>> -> memref<20x128xi32, #tpu.memory_space<vmem>>
        %dma_wait3A_171 = arith.constant 0 : i32
        %dma_wait3A_172 = arith.constant 0 : i32
        %dma_wait3A_173 = tpu.memref_slice %arg3[%cond3A_18, %dma_wait3A_171, %dma_wait3A_172] : memref<2x2500x128xi32, #tpu.memory_space<hbm>> -> memref<1x2500x128xi32, #tpu.memory_space<hbm>>
        %dma_wait3A_174 = tpu.memref_squeeze %dma_wait3A_173 : memref<1x2500x128xi32, #tpu.memory_space<hbm>> -> memref<2500x128xi32, #tpu.memory_space<hbm>>
        %dma_wait3A_175 = arith.constant 2480 : i32
        %dma_wait3A_176 = arith.constant 0 : i32
        %dma_wait3A_177 = tpu.memref_slice %dma_wait3A_174[%dma_wait3A_175, %dma_wait3A_176] : memref<2500x128xi32, #tpu.memory_space<hbm>> -> memref<20x128xi32, #tpu.memory_space<hbm>>
        %dma_wait3A_178 = arith.constant 0 : i32
        %dma_wait3A_179 = arith.constant 0 : i32
        %dma_wait3A_180 = tpu.memref_slice %arg7[%dma_wait3A_178, %dma_wait3A_179] : memref<80x128xi32, #tpu.memory_space<vmem>> -> memref<20x128xi32, #tpu.memory_space<vmem>>
        %dma_wait3A_181 = arith.constant 0 : i32
        %dma_wait3A_182 = arith.constant 0 : i32
        %dma_wait3A_183 = tpu.memref_slice %arg3[%cond3A_18, %dma_wait3A_181, %dma_wait3A_182] : memref<2x2500x128xi32, #tpu.memory_space<hbm>> -> memref<1x2500x128xi32, #tpu.memory_space<hbm>>
        %dma_wait3A_184 = tpu.memref_squeeze %dma_wait3A_183 : memref<1x2500x128xi32, #tpu.memory_space<hbm>> -> memref<2500x128xi32, #tpu.memory_space<hbm>>
        %dma_wait3A_185 = arith.constant 2480 : i32
        %dma_wait3A_186 = arith.constant 0 : i32
        %dma_wait3A_187 = tpu.memref_slice %dma_wait3A_184[%dma_wait3A_185, %dma_wait3A_186] : memref<2500x128xi32, #tpu.memory_space<hbm>> -> memref<20x128xi32, #tpu.memory_space<hbm>>
        tpu.wait_dma2 semaphore(%run_scoped3A : memref<!tpu.dma_semaphore, #tpu.memory_space<semaphore_mem>>) src(%dma_wait3A_187 : memref<20x128xi32, #tpu.memory_space<hbm>>) dst(%dma_wait3A_180 : memref<20x128xi32, #tpu.memory_space<vmem>>)
        tpu.yield
      }) : () -> ()
      %scan3A_141 = arith.constant 0 : i32
      %scan3A_142 = arith.constant 20 : i32
      %scan3A_143 = arith.constant 60 : i32
      %scan3A_144 = arith.addi %scan3A_142, %scan3A_143 : i32
      %scan3A_145 = arith.constant 1 : i32
      %scan3A_146 = scf.for %scan3A_148 = %scan3A_142 to %scan3A_144 step %scan3A_145 iter_args(%scan3A_149 = %scan3A_141) -> (i32)  : i32 {
        %broadcast_in_dim3A = arith.constant 10000 : i32
        %broadcast_in_dim3A_150 = vector.broadcast %broadcast_in_dim3A : i32 to vector<16xi32>
        %swap3A = arith.index_cast %scan3A_148 : i32 to index
        %swap3A_151 = arith.constant 0 : index
        %swap3A_152 = tpu.vector_load %arg7[%swap3A, %swap3A_151] {strides = array<i32>} : memref<80x128xi32, #tpu.memory_space<vmem>>, vector<1x16xi32>,
        %swap3A_153 = vector.shape_cast %swap3A_152 : vector<1x16xi32> to vector<16xi32>
        %swap3A_154 = vector.shape_cast %broadcast_in_dim3A_150 : vector<16xi32> to vector<1x16xi32>
        tpu.vector_store %arg7[%swap3A, %swap3A_151], %swap3A_154 {strides = array<i32>} : memref<80x128xi32, #tpu.memory_space<vmem>>, vector<1x16xi32>,
        %broadcast_in_dim3A_155 = arith.constant 10000 : i32
        %broadcast_in_dim3A_156 = vector.broadcast %broadcast_in_dim3A_155 : i32 to vector<16xi32>
        %swap3A_157 = arith.index_cast %scan3A_148 : i32 to index
        %swap3A_158 = arith.constant 16 : index
        %swap3A_159 = tpu.vector_load %arg7[%swap3A_157, %swap3A_158] {strides = array<i32>} : memref<80x128xi32, #tpu.memory_space<vmem>>, vector<1x16xi32>,
        %swap3A_160 = vector.shape_cast %swap3A_159 : vector<1x16xi32> to vector<16xi32>
        %swap3A_161 = vector.shape_cast %broadcast_in_dim3A_156 : vector<16xi32> to vector<1x16xi32>
        tpu.vector_store %arg7[%swap3A_157, %swap3A_158], %swap3A_161 {strides = array<i32>} : memref<80x128xi32, #tpu.memory_space<vmem>>, vector<1x16xi32>,
        %broadcast_in_dim3A_162 = arith.constant 10000 : i32
        %broadcast_in_dim3A_163 = vector.broadcast %broadcast_in_dim3A_162 : i32 to vector<16xi32>
        %swap3A_164 = arith.index_cast %scan3A_148 : i32 to index
        %swap3A_165 = arith.constant 32 : index
        %swap3A_166 = tpu.vector_load %arg7[%swap3A_164, %swap3A_165] {strides = array<i32>} : memref<80x128xi32, #tpu.memory_space<vmem>>, vector<1x16xi32>,
        %swap3A_167 = vector.shape_cast %swap3A_166 : vector<1x16xi32> to vector<16xi32>
        %swap3A_168 = vector.shape_cast %broadcast_in_dim3A_163 : vector<16xi32> to vector<1x16xi32>
        tpu.vector_store %arg7[%swap3A_164, %swap3A_165], %swap3A_168 {strides = array<i32>} : memref<80x128xi32, #tpu.memory_space<vmem>>, vector<1x16xi32>,
        %broadcast_in_dim3A_169 = arith.constant 10000 : i32
        %broadcast_in_dim3A_170 = vector.broadcast %broadcast_in_dim3A_169 : i32 to vector<16xi32>
        %swap3A_171 = arith.index_cast %scan3A_148 : i32 to index
        %swap3A_172 = arith.constant 48 : index
        %swap3A_173 = tpu.vector_load %arg7[%swap3A_171, %swap3A_172] {strides = array<i32>} : memref<80x128xi32, #tpu.memory_space<vmem>>, vector<1x16xi32>,
        %swap3A_174 = vector.shape_cast %swap3A_173 : vector<1x16xi32> to vector<16xi32>
        %swap3A_175 = vector.shape_cast %broadcast_in_dim3A_170 : vector<16xi32> to vector<1x16xi32>
        tpu.vector_store %arg7[%swap3A_171, %swap3A_172], %swap3A_175 {strides = array<i32>} : memref<80x128xi32, #tpu.memory_space<vmem>>, vector<1x16xi32>,
        %broadcast_in_dim3A_176 = arith.constant 10000 : i32
        %broadcast_in_dim3A_177 = vector.broadcast %broadcast_in_dim3A_176 : i32 to vector<16xi32>
        %swap3A_178 = arith.index_cast %scan3A_148 : i32 to index
        %swap3A_179 = arith.constant 64 : index
        %swap3A_180 = tpu.vector_load %arg7[%swap3A_178, %swap3A_179] {strides = array<i32>} : memref<80x128xi32, #tpu.memory_space<vmem>>, vector<1x16xi32>,
        %swap3A_181 = vector.shape_cast %swap3A_180 : vector<1x16xi32> to vector<16xi32>
        %swap3A_182 = vector.shape_cast %broadcast_in_dim3A_177 : vector<16xi32> to vector<1x16xi32>
        tpu.vector_store %arg7[%swap3A_178, %swap3A_179], %swap3A_182 {strides = array<i32>} : memref<80x128xi32, #tpu.memory_space<vmem>>, vector<1x16xi32>,
        %broadcast_in_dim3A_183 = arith.constant 10000 : i32
        %broadcast_in_dim3A_184 = vector.broadcast %broadcast_in_dim3A_183 : i32 to vector<16xi32>
        %swap3A_185 = arith.index_cast %scan3A_148 : i32 to index
        %swap3A_186 = arith.constant 80 : index
        %swap3A_187 = tpu.vector_load %arg7[%swap3A_185, %swap3A_186] {strides = array<i32>} : memref<80x128xi32, #tpu.memory_space<vmem>>, vector<1x16xi32>,
        %swap3A_188 = vector.shape_cast %swap3A_187 : vector<1x16xi32> to vector<16xi32>
        %swap3A_189 = vector.shape_cast %broadcast_in_dim3A_184 : vector<16xi32> to vector<1x16xi32>
        tpu.vector_store %arg7[%swap3A_185, %swap3A_186], %swap3A_189 {strides = array<i32>} : memref<80x128xi32, #tpu.memory_space<vmem>>, vector<1x16xi32>,
        %broadcast_in_dim3A_190 = arith.constant 10000 : i32
        %broadcast_in_dim3A_191 = vector.broadcast %broadcast_in_dim3A_190 : i32 to vector<16xi32>
        %swap3A_192 = arith.index_cast %scan3A_148 : i32 to index
        %swap3A_193 = arith.constant 96 : index
        %swap3A_194 = tpu.vector_load %arg7[%swap3A_192, %swap3A_193] {strides = array<i32>} : memref<80x128xi32, #tpu.memory_space<vmem>>, vector<1x16xi32>,
        %swap3A_195 = vector.shape_cast %swap3A_194 : vector<1x16xi32> to vector<16xi32>
        %swap3A_196 = vector.shape_cast %broadcast_in_dim3A_191 : vector<16xi32> to vector<1x16xi32>
        tpu.vector_store %arg7[%swap3A_192, %swap3A_193], %swap3A_196 {strides = array<i32>} : memref<80x128xi32, #tpu.memory_space<vmem>>, vector<1x16xi32>,
        %broadcast_in_dim3A_197 = arith.constant 10000 : i32
        %broadcast_in_dim3A_198 = vector.broadcast %broadcast_in_dim3A_197 : i32 to vector<16xi32>
        %swap3A_199 = arith.index_cast %scan3A_148 : i32 to index
        %swap3A_200 = arith.constant 112 : index
        %swap3A_201 = tpu.vector_load %arg7[%swap3A_199, %swap3A_200] {strides = array<i32>} : memref<80x128xi32, #tpu.memory_space<vmem>>, vector<1x16xi32>,
        %swap3A_202 = vector.shape_cast %swap3A_201 : vector<1x16xi32> to vector<16xi32>
        %swap3A_203 = vector.shape_cast %broadcast_in_dim3A_198 : vector<16xi32> to vector<1x16xi32>
        tpu.vector_store %arg7[%swap3A_199, %swap3A_200], %swap3A_203 {strides = array<i32>} : memref<80x128xi32, #tpu.memory_space<vmem>>, vector<1x16xi32>,
        %scan3A_204 = arith.constant 0 : i32
        scf.yield %scan3A_204 : i32
      }
      %scan3A_147 = arith.constant 60 : i32
    } else {
    }
    %mul3A_21 = arith.constant 640 : i32
    %mul3A_22 = arith.muli %arg1, %mul3A_21 : i32
    "tpu.region"() ({
      %run_scoped3A = tpu.sem_alloc : memref<!tpu.dma_semaphore, #tpu.memory_space<semaphore_mem>>
      %dma_start3A_141 = arith.constant 0 : i32
      %dma_start3A_142 = tpu.memref_slice %arg32[%mul3A_22, %dma_start3A_141] : memref<10240x16xf32, #tpu.memory_space<vmem_shared>> -> memref<640x16xf32, #tpu.memory_space<vmem_shared>>
      tpu.enqueue_dma source(%arg4 : memref<640x16xf32, #tpu.memory_space<hbm>>) target(%dma_start3A_142 : memref<640x16xf32, #tpu.memory_space<vmem_shared>>) target_semaphore(%run_scoped3A : memref<!tpu.dma_semaphore, #tpu.memory_space<semaphore_mem>>)
      %dma_wait3A_143 = arith.constant 0 : i32
      %dma_wait3A_144 = tpu.memref_slice %arg32[%mul3A_22, %dma_wait3A_143] : memref<10240x16xf32, #tpu.memory_space<vmem_shared>> -> memref<640x16xf32, #tpu.memory_space<vmem_shared>>
      tpu.wait_dma2 semaphore(%run_scoped3A : memref<!tpu.dma_semaphore, #tpu.memory_space<semaphore_mem>>) src(%arg4 : memref<640x16xf32, #tpu.memory_space<hbm>>) dst(%dma_wait3A_144 : memref<640x16xf32, #tpu.memory_space<vmem_shared>>)
      tpu.yield
    }) : () -> ()
    %mul3A_23 = arith.constant 626 : i32
    %mul3A_24 = arith.muli %arg1, %mul3A_23 : i32
    %mul3A_25 = arith.constant 626 : i32
    %mul3A_26 = arith.muli %arg1, %mul3A_25 : i32
    "tpu.region"() ({
      %run_scoped3A = tpu.sem_alloc : memref<!tpu.dma_semaphore, #tpu.memory_space<semaphore_mem>>
      %dma_start3A_141 = arith.constant 0 : i32
      %dma_start3A_142 = tpu.memref_slice %arg33[%mul3A_26, %dma_start3A_141] : memref<10016x16xf32, #tpu.memory_space<vmem_shared>> -> memref<626x16xf32, #tpu.memory_space<vmem_shared>>
      %dma_start3A_143 = arith.constant 0 : i32
      %dma_start3A_144 = tpu.memref_slice %arg2[%mul3A_24, %dma_start3A_143] : memref<10016x16xf32, #tpu.memory_space<hbm>> -> memref<626x16xf32, #tpu.memory_space<hbm>>
      tpu.enqueue_dma source(%dma_start3A_144 : memref<626x16xf32, #tpu.memory_space<hbm>>) target(%dma_start3A_142 : memref<626x16xf32, #tpu.memory_space<vmem_shared>>) target_semaphore(%run_scoped3A : memref<!tpu.dma_semaphore, #tpu.memory_space<semaphore_mem>>)
      %dma_wait3A_145 = arith.constant 0 : i32
      %dma_wait3A_146 = tpu.memref_slice %arg33[%mul3A_26, %dma_wait3A_145] : memref<10016x16xf32, #tpu.memory_space<vmem_shared>> -> memref<626x16xf32, #tpu.memory_space<vmem_shared>>
      %dma_wait3A_147 = arith.constant 0 : i32
      %dma_wait3A_148 = tpu.memref_slice %arg2[%mul3A_24, %dma_wait3A_147] : memref<10016x16xf32, #tpu.memory_space<hbm>> -> memref<626x16xf32, #tpu.memory_space<hbm>>
      tpu.wait_dma2 semaphore(%run_scoped3A : memref<!tpu.dma_semaphore, #tpu.memory_space<semaphore_mem>>) src(%dma_wait3A_148 : memref<626x16xf32, #tpu.memory_space<hbm>>) dst(%dma_wait3A_146 : memref<626x16xf32, #tpu.memory_space<vmem_shared>>)
      tpu.yield
    }) : () -> ()
    %barrier3A = arith.constant 0 : index
    tpu.barrier barrier_id(%barrier3A)
    %dma_start3A = arith.constant 0 : i32
    %dma_start3A_27 = arith.constant 0 : i32
    %dma_start3A_28 = tpu.memref_slice %arg6[%dma_start3A, %dma_start3A_27] : memref<80x128xi32, #tpu.memory_space<vmem>> -> memref<1x128xi32, #tpu.memory_space<vmem>>
    %dma_start3A_29 = tpu.memref_squeeze %dma_start3A_28 : memref<1x128xi32, #tpu.memory_space<vmem>> -> memref<128xi32, #tpu.memory_space<vmem>>
    %dma_start3A_30 = arith.constant 0 : i32
    %dma_start3A_31 = arith.constant 0 : i32
    %dma_start3A_32 = tpu.memref_slice %arg33[%dma_start3A_30, %dma_start3A_31] : memref<10016x16xf32, #tpu.memory_space<vmem_shared>> -> memref<10016x16xf32, #tpu.memory_space<vmem_shared>>
    tpu.enqueue_indirect_dma source(%dma_start3A_32 : memref<10016x16xf32, #tpu.memory_space<vmem_shared>>) target(%arg8 : memref<128x16xf32, #tpu.memory_space<vmem>>) offsets(%dma_start3A_29 : memref<128xi32, #tpu.memory_space<vmem>>) semaphore(%arg16 : memref<!tpu.dma_semaphore, #tpu.memory_space<semaphore_mem>>)
    %dma_start3A_33 = arith.constant 1 : i32
    %dma_start3A_34 = arith.constant 0 : i32
    %dma_start3A_35 = tpu.memref_slice %arg6[%dma_start3A_33, %dma_start3A_34] : memref<80x128xi32, #tpu.memory_space<vmem>> -> memref<1x128xi32, #tpu.memory_space<vmem>>
    %dma_start3A_36 = tpu.memref_squeeze %dma_start3A_35 : memref<1x128xi32, #tpu.memory_space<vmem>> -> memref<128xi32, #tpu.memory_space<vmem>>
    %dma_start3A_37 = arith.constant 0 : i32
    %dma_start3A_38 = arith.constant 0 : i32
    %dma_start3A_39 = tpu.memref_slice %arg33[%dma_start3A_37, %dma_start3A_38] : memref<10016x16xf32, #tpu.memory_space<vmem_shared>> -> memref<10016x16xf32, #tpu.memory_space<vmem_shared>>
    tpu.enqueue_indirect_dma source(%dma_start3A_39 : memref<10016x16xf32, #tpu.memory_space<vmem_shared>>) target(%arg9 : memref<128x16xf32, #tpu.memory_space<vmem>>) offsets(%dma_start3A_36 : memref<128xi32, #tpu.memory_space<vmem>>) semaphore(%arg17 : memref<!tpu.dma_semaphore, #tpu.memory_space<semaphore_mem>>)
    %dma_start3A_40 = arith.constant 2 : i32
    %dma_start3A_41 = arith.constant 0 : i32
    %dma_start3A_42 = tpu.memref_slice %arg6[%dma_start3A_40, %dma_start3A_41] : memref<80x128xi32, #tpu.memory_space<vmem>> -> memref<1x128xi32, #tpu.memory_space<vmem>>
    %dma_start3A_43 = tpu.memref_squeeze %dma_start3A_42 : memref<1x128xi32, #tpu.memory_space<vmem>> -> memref<128xi32, #tpu.memory_space<vmem>>
    %dma_start3A_44 = arith.constant 0 : i32
    %dma_start3A_45 = arith.constant 0 : i32
    %dma_start3A_46 = tpu.memref_slice %arg33[%dma_start3A_44, %dma_start3A_45] : memref<10016x16xf32, #tpu.memory_space<vmem_shared>> -> memref<10016x16xf32, #tpu.memory_space<vmem_shared>>
    tpu.enqueue_indirect_dma source(%dma_start3A_46 : memref<10016x16xf32, #tpu.memory_space<vmem_shared>>) target(%arg10 : memref<128x16xf32, #tpu.memory_space<vmem>>) offsets(%dma_start3A_43 : memref<128xi32, #tpu.memory_space<vmem>>) semaphore(%arg18 : memref<!tpu.dma_semaphore, #tpu.memory_space<semaphore_mem>>)
    %dma_start3A_47 = arith.constant 3 : i32
    %dma_start3A_48 = arith.constant 0 : i32
    %dma_start3A_49 = tpu.memref_slice %arg6[%dma_start3A_47, %dma_start3A_48] : memref<80x128xi32, #tpu.memory_space<vmem>> -> memref<1x128xi32, #tpu.memory_space<vmem>>
    %dma_start3A_50 = tpu.memref_squeeze %dma_start3A_49 : memref<1x128xi32, #tpu.memory_space<vmem>> -> memref<128xi32, #tpu.memory_space<vmem>>
    %dma_start3A_51 = arith.constant 0 : i32
    %dma_start3A_52 = arith.constant 0 : i32
    %dma_start3A_53 = tpu.memref_slice %arg33[%dma_start3A_51, %dma_start3A_52] : memref<10016x16xf32, #tpu.memory_space<vmem_shared>> -> memref<10016x16xf32, #tpu.memory_space<vmem_shared>>
    tpu.enqueue_indirect_dma source(%dma_start3A_53 : memref<10016x16xf32, #tpu.memory_space<vmem_shared>>) target(%arg11 : memref<128x16xf32, #tpu.memory_space<vmem>>) offsets(%dma_start3A_50 : memref<128xi32, #tpu.memory_space<vmem>>) semaphore(%arg19 : memref<!tpu.dma_semaphore, #tpu.memory_space<semaphore_mem>>)
    %dma_start3A_54 = arith.constant 4 : i32
    %dma_start3A_55 = arith.constant 0 : i32
    %dma_start3A_56 = tpu.memref_slice %arg6[%dma_start3A_54, %dma_start3A_55] : memref<80x128xi32, #tpu.memory_space<vmem>> -> memref<1x128xi32, #tpu.memory_space<vmem>>
    %dma_start3A_57 = tpu.memref_squeeze %dma_start3A_56 : memref<1x128xi32, #tpu.memory_space<vmem>> -> memref<128xi32, #tpu.memory_space<vmem>>
    %dma_start3A_58 = arith.constant 0 : i32
    %dma_start3A_59 = arith.constant 0 : i32
    %dma_start3A_60 = tpu.memref_slice %arg33[%dma_start3A_58, %dma_start3A_59] : memref<10016x16xf32, #tpu.memory_space<vmem_shared>> -> memref<10016x16xf32, #tpu.memory_space<vmem_shared>>
    tpu.enqueue_indirect_dma source(%dma_start3A_60 : memref<10016x16xf32, #tpu.memory_space<vmem_shared>>) target(%arg12 : memref<128x16xf32, #tpu.memory_space<vmem>>) offsets(%dma_start3A_57 : memref<128xi32, #tpu.memory_space<vmem>>) semaphore(%arg20 : memref<!tpu.dma_semaphore, #tpu.memory_space<semaphore_mem>>)
    %dma_start3A_61 = arith.constant 5 : i32
    %dma_start3A_62 = arith.constant 0 : i32
    %dma_start3A_63 = tpu.memref_slice %arg6[%dma_start3A_61, %dma_start3A_62] : memref<80x128xi32, #tpu.memory_space<vmem>> -> memref<1x128xi32, #tpu.memory_space<vmem>>
    %dma_start3A_64 = tpu.memref_squeeze %dma_start3A_63 : memref<1x128xi32, #tpu.memory_space<vmem>> -> memref<128xi32, #tpu.memory_space<vmem>>
    %dma_start3A_65 = arith.constant 0 : i32
    %dma_start3A_66 = arith.constant 0 : i32
    %dma_start3A_67 = tpu.memref_slice %arg33[%dma_start3A_65, %dma_start3A_66] : memref<10016x16xf32, #tpu.memory_space<vmem_shared>> -> memref<10016x16xf32, #tpu.memory_space<vmem_shared>>
    tpu.enqueue_indirect_dma source(%dma_start3A_67 : memref<10016x16xf32, #tpu.memory_space<vmem_shared>>) target(%arg13 : memref<128x16xf32, #tpu.memory_space<vmem>>) offsets(%dma_start3A_64 : memref<128xi32, #tpu.memory_space<vmem>>) semaphore(%arg21 : memref<!tpu.dma_semaphore, #tpu.memory_space<semaphore_mem>>)
    %dma_start3A_68 = arith.constant 6 : i32
    %dma_start3A_69 = arith.constant 0 : i32
    %dma_start3A_70 = tpu.memref_slice %arg6[%dma_start3A_68, %dma_start3A_69] : memref<80x128xi32, #tpu.memory_space<vmem>> -> memref<1x128xi32, #tpu.memory_space<vmem>>
    %dma_start3A_71 = tpu.memref_squeeze %dma_start3A_70 : memref<1x128xi32, #tpu.memory_space<vmem>> -> memref<128xi32, #tpu.memory_space<vmem>>
    %dma_start3A_72 = arith.constant 0 : i32
    %dma_start3A_73 = arith.constant 0 : i32
    %dma_start3A_74 = tpu.memref_slice %arg33[%dma_start3A_72, %dma_start3A_73] : memref<10016x16xf32, #tpu.memory_space<vmem_shared>> -> memref<10016x16xf32, #tpu.memory_space<vmem_shared>>
    tpu.enqueue_indirect_dma source(%dma_start3A_74 : memref<10016x16xf32, #tpu.memory_space<vmem_shared>>) target(%arg14 : memref<128x16xf32, #tpu.memory_space<vmem>>) offsets(%dma_start3A_71 : memref<128xi32, #tpu.memory_space<vmem>>) semaphore(%arg22 : memref<!tpu.dma_semaphore, #tpu.memory_space<semaphore_mem>>)
    %scan3A = arith.constant 0 : i32
    %scan3A_75 = arith.constant 0 : i32
    %scan3A_76 = arith.constant 10 : i32
    %scan3A_77 = arith.addi %scan3A_75, %scan3A_76 : i32
    %scan3A_78 = arith.constant 1 : i32
    %scan3A_79 = scf.for %scan3A_141 = %scan3A_75 to %scan3A_77 step %scan3A_78 iter_args(%scan3A_142 = %scan3A) -> (i32)  : i32 {
      %mul3A_143 = arith.constant 8 : i32
      %mul3A_144 = arith.muli %mul3A_143, %scan3A_141 : i32
      %add3A_145 = arith.constant 0 : i32
      %add3A_146 = arith.addi %mul3A_144, %add3A_145 : i32
      %dma_wait3A_147 = arith.constant 0 : i32
      %dma_wait3A_148 = tpu.memref_slice %arg6[%add3A_146, %dma_wait3A_147] : memref<80x128xi32, #tpu.memory_space<vmem>> -> memref<1x128xi32, #tpu.memory_space<vmem>>
      %dma_wait3A_149 = tpu.memref_squeeze %dma_wait3A_148 : memref<1x128xi32, #tpu.memory_space<vmem>> -> memref<128xi32, #tpu.memory_space<vmem>>
      %dma_wait3A_150 = arith.constant 0 : i32
      %dma_wait3A_151 = arith.constant 0 : i32
      %dma_wait3A_152 = tpu.memref_slice %arg33[%dma_wait3A_150, %dma_wait3A_151] : memref<10016x16xf32, #tpu.memory_space<vmem_shared>> -> memref<10016x16xf32, #tpu.memory_space<vmem_shared>>
      tpu.wait_indirect_dma semaphore(%arg16 : memref<!tpu.dma_semaphore, #tpu.memory_space<semaphore_mem>>) src(%dma_wait3A_152 : memref<10016x16xf32, #tpu.memory_space<vmem_shared>>) dst(%arg8 : memref<128x16xf32, #tpu.memory_space<vmem>>)
      %dma_start3A_153 = arith.constant 0 : i32
      %dma_start3A_154 = tpu.memref_slice %arg7[%add3A_146, %dma_start3A_153] : memref<80x128xi32, #tpu.memory_space<vmem>> -> memref<1x128xi32, #tpu.memory_space<vmem>>
      %dma_start3A_155 = tpu.memref_squeeze %dma_start3A_154 : memref<1x128xi32, #tpu.memory_space<vmem>> -> memref<128xi32, #tpu.memory_space<vmem>>
      %dma_start3A_156 = arith.constant 0 : i32
      %dma_start3A_157 = arith.constant 0 : i32
      %dma_start3A_158 = tpu.memref_slice %arg32[%dma_start3A_156, %dma_start3A_157] : memref<10240x16xf32, #tpu.memory_space<vmem_shared>> -> memref<10240x16xf32, #tpu.memory_space<vmem_shared>>
      tpu.enqueue_indirect_dma source(%arg8 : memref<128x16xf32, #tpu.memory_space<vmem>>) target(%dma_start3A_158 : memref<10240x16xf32, #tpu.memory_space<vmem_shared>>) offsets(%dma_start3A_155 : memref<128xi32, #tpu.memory_space<vmem>>) semaphore(%arg24 : memref<!tpu.dma_semaphore, #tpu.memory_space<semaphore_mem>>) {add = true}
      %ge3A = arith.constant 1 : i32
      %ge3A_159 = arith.cmpi sge, %scan3A_141, %ge3A : i32
      %convert_element_type3A_160 = arith.extui %ge3A_159 : i1 to i32
      %cond3A_161 = arith.constant 0 : i32
      %cond3A_162 = arith.cmpi ne, %convert_element_type3A_160, %cond3A_161 : i32
      scf.if %cond3A_162 {
        %dma_wait3A_320 = arith.constant 0 : i32
        %dma_wait3A_321 = arith.constant 0 : i32
        %dma_wait3A_322 = tpu.memref_slice %arg7[%dma_wait3A_320, %dma_wait3A_321] : memref<80x128xi32, #tpu.memory_space<vmem>> -> memref<1x128xi32, #tpu.memory_space<vmem>>
        %dma_wait3A_323 = tpu.memref_squeeze %dma_wait3A_322 : memref<1x128xi32, #tpu.memory_space<vmem>> -> memref<128xi32, #tpu.memory_space<vmem>>
        %dma_wait3A_324 = arith.constant 0 : i32
        %dma_wait3A_325 = arith.constant 0 : i32
        %dma_wait3A_326 = tpu.memref_slice %arg32[%dma_wait3A_324, %dma_wait3A_325] : memref<10240x16xf32, #tpu.memory_space<vmem_shared>> -> memref<10240x16xf32, #tpu.memory_space<vmem_shared>>
        tpu.wait_indirect_dma semaphore(%arg31 : memref<!tpu.dma_semaphore, #tpu.memory_space<semaphore_mem>>) src(%arg15 : memref<128x16xf32, #tpu.memory_space<vmem>>) dst(%dma_wait3A_326 : memref<10240x16xf32, #tpu.memory_space<vmem_shared>>)
      } else {
      }
      %add3A_163 = arith.constant 8 : i32
      %add3A_164 = arith.addi %add3A_146, %add3A_163 : i32
      %sub3A = arith.constant 1 : i32
      %sub3A_165 = arith.subi %add3A_164, %sub3A : i32
      %dma_start3A_166 = arith.constant 0 : i32
      %dma_start3A_167 = tpu.memref_slice %arg6[%sub3A_165, %dma_start3A_166] : memref<80x128xi32, #tpu.memory_space<vmem>> -> memref<1x128xi32, #tpu.memory_space<vmem>>
      %dma_start3A_168 = tpu.memref_squeeze %dma_start3A_167 : memref<1x128xi32, #tpu.memory_space<vmem>> -> memref<128xi32, #tpu.memory_space<vmem>>
      %dma_start3A_169 = arith.constant 0 : i32
      %dma_start3A_170 = arith.constant 0 : i32
      %dma_start3A_171 = tpu.memref_slice %arg33[%dma_start3A_169, %dma_start3A_170] : memref<10016x16xf32, #tpu.memory_space<vmem_shared>> -> memref<10016x16xf32, #tpu.memory_space<vmem_shared>>
      tpu.enqueue_indirect_dma source(%dma_start3A_171 : memref<10016x16xf32, #tpu.memory_space<vmem_shared>>) target(%arg15 : memref<128x16xf32, #tpu.memory_space<vmem>>) offsets(%dma_start3A_168 : memref<128xi32, #tpu.memory_space<vmem>>) semaphore(%arg23 : memref<!tpu.dma_semaphore, #tpu.memory_space<semaphore_mem>>)
      %mul3A_172 = arith.constant 8 : i32
      %mul3A_173 = arith.muli %mul3A_172, %scan3A_141 : i32
      %add3A_174 = arith.constant 1 : i32
      %add3A_175 = arith.addi %mul3A_173, %add3A_174 : i32
      %dma_wait3A_176 = arith.constant 0 : i32
      %dma_wait3A_177 = tpu.memref_slice %arg6[%add3A_175, %dma_wait3A_176] : memref<80x128xi32, #tpu.memory_space<vmem>> -> memref<1x128xi32, #tpu.memory_space<vmem>>
      %dma_wait3A_178 = tpu.memref_squeeze %dma_wait3A_177 : memref<1x128xi32, #tpu.memory_space<vmem>> -> memref<128xi32, #tpu.memory_space<vmem>>
      %dma_wait3A_179 = arith.constant 0 : i32
      %dma_wait3A_180 = arith.constant 0 : i32
      %dma_wait3A_181 = tpu.memref_slice %arg33[%dma_wait3A_179, %dma_wait3A_180] : memref<10016x16xf32, #tpu.memory_space<vmem_shared>> -> memref<10016x16xf32, #tpu.memory_space<vmem_shared>>
      tpu.wait_indirect_dma semaphore(%arg17 : memref<!tpu.dma_semaphore, #tpu.memory_space<semaphore_mem>>) src(%dma_wait3A_181 : memref<10016x16xf32, #tpu.memory_space<vmem_shared>>) dst(%arg9 : memref<128x16xf32, #tpu.memory_space<vmem>>)
      %dma_start3A_182 = arith.constant 0 : i32
      %dma_start3A_183 = tpu.memref_slice %arg7[%add3A_175, %dma_start3A_182] : memref<80x128xi32, #tpu.memory_space<vmem>> -> memref<1x128xi32, #tpu.memory_space<vmem>>
      %dma_start3A_184 = tpu.memref_squeeze %dma_start3A_183 : memref<1x128xi32, #tpu.memory_space<vmem>> -> memref<128xi32, #tpu.memory_space<vmem>>
      %dma_start3A_185 = arith.constant 0 : i32
      %dma_start3A_186 = arith.constant 0 : i32
      %dma_start3A_187 = tpu.memref_slice %arg32[%dma_start3A_185, %dma_start3A_186] : memref<10240x16xf32, #tpu.memory_space<vmem_shared>> -> memref<10240x16xf32, #tpu.memory_space<vmem_shared>>
      tpu.enqueue_indirect_dma source(%arg9 : memref<128x16xf32, #tpu.memory_space<vmem>>) target(%dma_start3A_187 : memref<10240x16xf32, #tpu.memory_space<vmem_shared>>) offsets(%dma_start3A_184 : memref<128xi32, #tpu.memory_space<vmem>>) semaphore(%arg25 : memref<!tpu.dma_semaphore, #tpu.memory_space<semaphore_mem>>) {add = true}
      %lt3A_188 = arith.constant 9 : i32
      %lt3A_189 = arith.cmpi slt, %scan3A_141, %lt3A_188 : i32
      %convert_element_type3A_190 = arith.extui %lt3A_189 : i1 to i32
      %cond3A_191 = arith.constant 0 : i32
      %cond3A_192 = arith.cmpi ne, %convert_element_type3A_190, %cond3A_191 : i32
      scf.if %cond3A_192 {
        %dma_wait3A_320 = arith.constant 0 : i32
        %dma_wait3A_321 = arith.constant 0 : i32
        %dma_wait3A_322 = tpu.memref_slice %arg7[%dma_wait3A_320, %dma_wait3A_321] : memref<80x128xi32, #tpu.memory_space<vmem>> -> memref<1x128xi32, #tpu.memory_space<vmem>>
        %dma_wait3A_323 = tpu.memref_squeeze %dma_wait3A_322 : memref<1x128xi32, #tpu.memory_space<vmem>> -> memref<128xi32, #tpu.memory_space<vmem>>
        %dma_wait3A_324 = arith.constant 0 : i32
        %dma_wait3A_325 = arith.constant 0 : i32
        %dma_wait3A_326 = tpu.memref_slice %arg32[%dma_wait3A_324, %dma_wait3A_325] : memref<10240x16xf32, #tpu.memory_space<vmem_shared>> -> memref<10240x16xf32, #tpu.memory_space<vmem_shared>>
        tpu.wait_indirect_dma semaphore(%arg24 : memref<!tpu.dma_semaphore, #tpu.memory_space<semaphore_mem>>) src(%arg8 : memref<128x16xf32, #tpu.memory_space<vmem>>) dst(%dma_wait3A_326 : memref<10240x16xf32, #tpu.memory_space<vmem_shared>>)
        %add3A_327 = arith.constant 8 : i32
        %add3A_328 = arith.addi %add3A_175, %add3A_327 : i32
        %sub3A_329 = arith.constant 1 : i32
        %sub3A_330 = arith.subi %add3A_328, %sub3A_329 : i32
        %dma_start3A_331 = arith.constant 0 : i32
        %dma_start3A_332 = tpu.memref_slice %arg6[%sub3A_330, %dma_start3A_331] : memref<80x128xi32, #tpu.memory_space<vmem>> -> memref<1x128xi32, #tpu.memory_space<vmem>>
        %dma_start3A_333 = tpu.memref_squeeze %dma_start3A_332 : memref<1x128xi32, #tpu.memory_space<vmem>> -> memref<128xi32, #tpu.memory_space<vmem>>
        %dma_start3A_334 = arith.constant 0 : i32
        %dma_start3A_335 = arith.constant 0 : i32
        %dma_start3A_336 = tpu.memref_slice %arg33[%dma_start3A_334, %dma_start3A_335] : memref<10016x16xf32, #tpu.memory_space<vmem_shared>> -> memref<10016x16xf32, #tpu.memory_space<vmem_shared>>
        tpu.enqueue_indirect_dma source(%dma_start3A_336 : memref<10016x16xf32, #tpu.memory_space<vmem_shared>>) target(%arg8 : memref<128x16xf32, #tpu.memory_space<vmem>>) offsets(%dma_start3A_333 : memref<128xi32, #tpu.memory_space<vmem>>) semaphore(%arg16 : memref<!tpu.dma_semaphore, #tpu.memory_space<semaphore_mem>>)
      } else {
      }
      %mul3A_193 = arith.constant 8 : i32
      %mul3A_194 = arith.muli %mul3A_193, %scan3A_141 : i32
      %add3A_195 = arith.constant 2 : i32
      %add3A_196 = arith.addi %mul3A_194, %add3A_195 : i32
      %dma_wait3A_197 = arith.constant 0 : i32
      %dma_wait3A_198 = tpu.memref_slice %arg6[%add3A_196, %dma_wait3A_197] : memref<80x128xi32, #tpu.memory_space<vmem>> -> memref<1x128xi32, #tpu.memory_space<vmem>>
      %dma_wait3A_199 = tpu.memref_squeeze %dma_wait3A_198 : memref<1x128xi32, #tpu.memory_space<vmem>> -> memref<128xi32, #tpu.memory_space<vmem>>
      %dma_wait3A_200 = arith.constant 0 : i32
      %dma_wait3A_201 = arith.constant 0 : i32
      %dma_wait3A_202 = tpu.memref_slice %arg33[%dma_wait3A_200, %dma_wait3A_201] : memref<10016x16xf32, #tpu.memory_space<vmem_shared>> -> memref<10016x16xf32, #tpu.memory_space<vmem_shared>>
      tpu.wait_indirect_dma semaphore(%arg18 : memref<!tpu.dma_semaphore, #tpu.memory_space<semaphore_mem>>) src(%dma_wait3A_202 : memref<10016x16xf32, #tpu.memory_space<vmem_shared>>) dst(%arg10 : memref<128x16xf32, #tpu.memory_space<vmem>>)
      %dma_start3A_203 = arith.constant 0 : i32
      %dma_start3A_204 = tpu.memref_slice %arg7[%add3A_196, %dma_start3A_203] : memref<80x128xi32, #tpu.memory_space<vmem>> -> memref<1x128xi32, #tpu.memory_space<vmem>>
      %dma_start3A_205 = tpu.memref_squeeze %dma_start3A_204 : memref<1x128xi32, #tpu.memory_space<vmem>> -> memref<128xi32, #tpu.memory_space<vmem>>
      %dma_start3A_206 = arith.constant 0 : i32
      %dma_start3A_207 = arith.constant 0 : i32
      %dma_start3A_208 = tpu.memref_slice %arg32[%dma_start3A_206, %dma_start3A_207] : memref<10240x16xf32, #tpu.memory_space<vmem_shared>> -> memref<10240x16xf32, #tpu.memory_space<vmem_shared>>
      tpu.enqueue_indirect_dma source(%arg10 : memref<128x16xf32, #tpu.memory_space<vmem>>) target(%dma_start3A_208 : memref<10240x16xf32, #tpu.memory_space<vmem_shared>>) offsets(%dma_start3A_205 : memref<128xi32, #tpu.memory_space<vmem>>) semaphore(%arg26 : memref<!tpu.dma_semaphore, #tpu.memory_space<semaphore_mem>>) {add = true}
      %lt3A_209 = arith.constant 9 : i32
      %lt3A_210 = arith.cmpi slt, %scan3A_141, %lt3A_209 : i32
      %convert_element_type3A_211 = arith.extui %lt3A_210 : i1 to i32
      %cond3A_212 = arith.constant 0 : i32
      %cond3A_213 = arith.cmpi ne, %convert_element_type3A_211, %cond3A_212 : i32
      scf.if %cond3A_213 {
        %dma_wait3A_320 = arith.constant 0 : i32
        %dma_wait3A_321 = arith.constant 0 : i32
        %dma_wait3A_322 = tpu.memref_slice %arg7[%dma_wait3A_320, %dma_wait3A_321] : memref<80x128xi32, #tpu.memory_space<vmem>> -> memref<1x128xi32, #tpu.memory_space<vmem>>
        %dma_wait3A_323 = tpu.memref_squeeze %dma_wait3A_322 : memref<1x128xi32, #tpu.memory_space<vmem>> -> memref<128xi32, #tpu.memory_space<vmem>>
        %dma_wait3A_324 = arith.constant 0 : i32
        %dma_wait3A_325 = arith.constant 0 : i32
        %dma_wait3A_326 = tpu.memref_slice %arg32[%dma_wait3A_324, %dma_wait3A_325] : memref<10240x16xf32, #tpu.memory_space<vmem_shared>> -> memref<10240x16xf32, #tpu.memory_space<vmem_shared>>
        tpu.wait_indirect_dma semaphore(%arg25 : memref<!tpu.dma_semaphore, #tpu.memory_space<semaphore_mem>>) src(%arg9 : memref<128x16xf32, #tpu.memory_space<vmem>>) dst(%dma_wait3A_326 : memref<10240x16xf32, #tpu.memory_space<vmem_shared>>)
        %add3A_327 = arith.constant 8 : i32
        %add3A_328 = arith.addi %add3A_196, %add3A_327 : i32
        %sub3A_329 = arith.constant 1 : i32
        %sub3A_330 = arith.subi %add3A_328, %sub3A_329 : i32
        %dma_start3A_331 = arith.constant 0 : i32
        %dma_start3A_332 = tpu.memref_slice %arg6[%sub3A_330, %dma_start3A_331] : memref<80x128xi32, #tpu.memory_space<vmem>> -> memref<1x128xi32, #tpu.memory_space<vmem>>
        %dma_start3A_333 = tpu.memref_squeeze %dma_start3A_332 : memref<1x128xi32, #tpu.memory_space<vmem>> -> memref<128xi32, #tpu.memory_space<vmem>>
        %dma_start3A_334 = arith.constant 0 : i32
        %dma_start3A_335 = arith.constant 0 : i32
        %dma_start3A_336 = tpu.memref_slice %arg33[%dma_start3A_334, %dma_start3A_335] : memref<10016x16xf32, #tpu.memory_space<vmem_shared>> -> memref<10016x16xf32, #tpu.memory_space<vmem_shared>>
        tpu.enqueue_indirect_dma source(%dma_start3A_336 : memref<10016x16xf32, #tpu.memory_space<vmem_shared>>) target(%arg9 : memref<128x16xf32, #tpu.memory_space<vmem>>) offsets(%dma_start3A_333 : memref<128xi32, #tpu.memory_space<vmem>>) semaphore(%arg17 : memref<!tpu.dma_semaphore, #tpu.memory_space<semaphore_mem>>)
      } else {
      }
      %mul3A_214 = arith.constant 8 : i32
      %mul3A_215 = arith.muli %mul3A_214, %scan3A_141 : i32
      %add3A_216 = arith.constant 3 : i32
      %add3A_217 = arith.addi %mul3A_215, %add3A_216 : i32
      %dma_wait3A_218 = arith.constant 0 : i32
      %dma_wait3A_219 = tpu.memref_slice %arg6[%add3A_217, %dma_wait3A_218] : memref<80x128xi32, #tpu.memory_space<vmem>> -> memref<1x128xi32, #tpu.memory_space<vmem>>
      %dma_wait3A_220 = tpu.memref_squeeze %dma_wait3A_219 : memref<1x128xi32, #tpu.memory_space<vmem>> -> memref<128xi32, #tpu.memory_space<vmem>>
      %dma_wait3A_221 = arith.constant 0 : i32
      %dma_wait3A_222 = arith.constant 0 : i32
      %dma_wait3A_223 = tpu.memref_slice %arg33[%dma_wait3A_221, %dma_wait3A_222] : memref<10016x16xf32, #tpu.memory_space<vmem_shared>> -> memref<10016x16xf32, #tpu.memory_space<vmem_shared>>
      tpu.wait_indirect_dma semaphore(%arg19 : memref<!tpu.dma_semaphore, #tpu.memory_space<semaphore_mem>>) src(%dma_wait3A_223 : memref<10016x16xf32, #tpu.memory_space<vmem_shared>>) dst(%arg11 : memref<128x16xf32, #tpu.memory_space<vmem>>)
      %dma_start3A_224 = arith.constant 0 : i32
      %dma_start3A_225 = tpu.memref_slice %arg7[%add3A_217, %dma_start3A_224] : memref<80x128xi32, #tpu.memory_space<vmem>> -> memref<1x128xi32, #tpu.memory_space<vmem>>
      %dma_start3A_226 = tpu.memref_squeeze %dma_start3A_225 : memref<1x128xi32, #tpu.memory_space<vmem>> -> memref<128xi32, #tpu.memory_space<vmem>>
      %dma_start3A_227 = arith.constant 0 : i32
      %dma_start3A_228 = arith.constant 0 : i32
      %dma_start3A_229 = tpu.memref_slice %arg32[%dma_start3A_227, %dma_start3A_228] : memref<10240x16xf32, #tpu.memory_space<vmem_shared>> -> memref<10240x16xf32, #tpu.memory_space<vmem_shared>>
      tpu.enqueue_indirect_dma source(%arg11 : memref<128x16xf32, #tpu.memory_space<vmem>>) target(%dma_start3A_229 : memref<10240x16xf32, #tpu.memory_space<vmem_shared>>) offsets(%dma_start3A_226 : memref<128xi32, #tpu.memory_space<vmem>>) semaphore(%arg27 : memref<!tpu.dma_semaphore, #tpu.memory_space<semaphore_mem>>) {add = true}
      %lt3A_230 = arith.constant 9 : i32
      %lt3A_231 = arith.cmpi slt, %scan3A_141, %lt3A_230 : i32
      %convert_element_type3A_232 = arith.extui %lt3A_231 : i1 to i32
      %cond3A_233 = arith.constant 0 : i32
      %cond3A_234 = arith.cmpi ne, %convert_element_type3A_232, %cond3A_233 : i32
      scf.if %cond3A_234 {
        %dma_wait3A_320 = arith.constant 0 : i32
        %dma_wait3A_321 = arith.constant 0 : i32
        %dma_wait3A_322 = tpu.memref_slice %arg7[%dma_wait3A_320, %dma_wait3A_321] : memref<80x128xi32, #tpu.memory_space<vmem>> -> memref<1x128xi32, #tpu.memory_space<vmem>>
        %dma_wait3A_323 = tpu.memref_squeeze %dma_wait3A_322 : memref<1x128xi32, #tpu.memory_space<vmem>> -> memref<128xi32, #tpu.memory_space<vmem>>
        %dma_wait3A_324 = arith.constant 0 : i32
        %dma_wait3A_325 = arith.constant 0 : i32
        %dma_wait3A_326 = tpu.memref_slice %arg32[%dma_wait3A_324, %dma_wait3A_325] : memref<10240x16xf32, #tpu.memory_space<vmem_shared>> -> memref<10240x16xf32, #tpu.memory_space<vmem_shared>>
        tpu.wait_indirect_dma semaphore(%arg26 : memref<!tpu.dma_semaphore, #tpu.memory_space<semaphore_mem>>) src(%arg10 : memref<128x16xf32, #tpu.memory_space<vmem>>) dst(%dma_wait3A_326 : memref<10240x16xf32, #tpu.memory_space<vmem_shared>>)
        %add3A_327 = arith.constant 8 : i32
        %add3A_328 = arith.addi %add3A_217, %add3A_327 : i32
        %sub3A_329 = arith.constant 1 : i32
        %sub3A_330 = arith.subi %add3A_328, %sub3A_329 : i32
        %dma_start3A_331 = arith.constant 0 : i32
        %dma_start3A_332 = tpu.memref_slice %arg6[%sub3A_330, %dma_start3A_331] : memref<80x128xi32, #tpu.memory_space<vmem>> -> memref<1x128xi32, #tpu.memory_space<vmem>>
        %dma_start3A_333 = tpu.memref_squeeze %dma_start3A_332 : memref<1x128xi32, #tpu.memory_space<vmem>> -> memref<128xi32, #tpu.memory_space<vmem>>
        %dma_start3A_334 = arith.constant 0 : i32
        %dma_start3A_335 = arith.constant 0 : i32
        %dma_start3A_336 = tpu.memref_slice %arg33[%dma_start3A_334, %dma_start3A_335] : memref<10016x16xf32, #tpu.memory_space<vmem_shared>> -> memref<10016x16xf32, #tpu.memory_space<vmem_shared>>
        tpu.enqueue_indirect_dma source(%dma_start3A_336 : memref<10016x16xf32, #tpu.memory_space<vmem_shared>>) target(%arg10 : memref<128x16xf32, #tpu.memory_space<vmem>>) offsets(%dma_start3A_333 : memref<128xi32, #tpu.memory_space<vmem>>) semaphore(%arg18 : memref<!tpu.dma_semaphore, #tpu.memory_space<semaphore_mem>>)
      } else {
      }
      %mul3A_235 = arith.constant 8 : i32
      %mul3A_236 = arith.muli %mul3A_235, %scan3A_141 : i32
      %add3A_237 = arith.constant 4 : i32
      %add3A_238 = arith.addi %mul3A_236, %add3A_237 : i32
      %dma_wait3A_239 = arith.constant 0 : i32
      %dma_wait3A_240 = tpu.memref_slice %arg6[%add3A_238, %dma_wait3A_239] : memref<80x128xi32, #tpu.memory_space<vmem>> -> memref<1x128xi32, #tpu.memory_space<vmem>>
      %dma_wait3A_241 = tpu.memref_squeeze %dma_wait3A_240 : memref<1x128xi32, #tpu.memory_space<vmem>> -> memref<128xi32, #tpu.memory_space<vmem>>
      %dma_wait3A_242 = arith.constant 0 : i32
      %dma_wait3A_243 = arith.constant 0 : i32
      %dma_wait3A_244 = tpu.memref_slice %arg33[%dma_wait3A_242, %dma_wait3A_243] : memref<10016x16xf32, #tpu.memory_space<vmem_shared>> -> memref<10016x16xf32, #tpu.memory_space<vmem_shared>>
      tpu.wait_indirect_dma semaphore(%arg20 : memref<!tpu.dma_semaphore, #tpu.memory_space<semaphore_mem>>) src(%dma_wait3A_244 : memref<10016x16xf32, #tpu.memory_space<vmem_shared>>) dst(%arg12 : memref<128x16xf32, #tpu.memory_space<vmem>>)
      %dma_start3A_245 = arith.constant 0 : i32
      %dma_start3A_246 = tpu.memref_slice %arg7[%add3A_238, %dma_start3A_245] : memref<80x128xi32, #tpu.memory_space<vmem>> -> memref<1x128xi32, #tpu.memory_space<vmem>>
      %dma_start3A_247 = tpu.memref_squeeze %dma_start3A_246 : memref<1x128xi32, #tpu.memory_space<vmem>> -> memref<128xi32, #tpu.memory_space<vmem>>
      %dma_start3A_248 = arith.constant 0 : i32
      %dma_start3A_249 = arith.constant 0 : i32
      %dma_start3A_250 = tpu.memref_slice %arg32[%dma_start3A_248, %dma_start3A_249] : memref<10240x16xf32, #tpu.memory_space<vmem_shared>> -> memref<10240x16xf32, #tpu.memory_space<vmem_shared>>
      tpu.enqueue_indirect_dma source(%arg12 : memref<128x16xf32, #tpu.memory_space<vmem>>) target(%dma_start3A_250 : memref<10240x16xf32, #tpu.memory_space<vmem_shared>>) offsets(%dma_start3A_247 : memref<128xi32, #tpu.memory_space<vmem>>) semaphore(%arg28 : memref<!tpu.dma_semaphore, #tpu.memory_space<semaphore_mem>>) {add = true}
      %lt3A_251 = arith.constant 9 : i32
      %lt3A_252 = arith.cmpi slt, %scan3A_141, %lt3A_251 : i32
      %convert_element_type3A_253 = arith.extui %lt3A_252 : i1 to i32
      %cond3A_254 = arith.constant 0 : i32
      %cond3A_255 = arith.cmpi ne, %convert_element_type3A_253, %cond3A_254 : i32
      scf.if %cond3A_255 {
        %dma_wait3A_320 = arith.constant 0 : i32
        %dma_wait3A_321 = arith.constant 0 : i32
        %dma_wait3A_322 = tpu.memref_slice %arg7[%dma_wait3A_320, %dma_wait3A_321] : memref<80x128xi32, #tpu.memory_space<vmem>> -> memref<1x128xi32, #tpu.memory_space<vmem>>
        %dma_wait3A_323 = tpu.memref_squeeze %dma_wait3A_322 : memref<1x128xi32, #tpu.memory_space<vmem>> -> memref<128xi32, #tpu.memory_space<vmem>>
        %dma_wait3A_324 = arith.constant 0 : i32
        %dma_wait3A_325 = arith.constant 0 : i32
        %dma_wait3A_326 = tpu.memref_slice %arg32[%dma_wait3A_324, %dma_wait3A_325] : memref<10240x16xf32, #tpu.memory_space<vmem_shared>> -> memref<10240x16xf32, #tpu.memory_space<vmem_shared>>
        tpu.wait_indirect_dma semaphore(%arg27 : memref<!tpu.dma_semaphore, #tpu.memory_space<semaphore_mem>>) src(%arg11 : memref<128x16xf32, #tpu.memory_space<vmem>>) dst(%dma_wait3A_326 : memref<10240x16xf32, #tpu.memory_space<vmem_shared>>)
        %add3A_327 = arith.constant 8 : i32
        %add3A_328 = arith.addi %add3A_238, %add3A_327 : i32
        %sub3A_329 = arith.constant 1 : i32
        %sub3A_330 = arith.subi %add3A_328, %sub3A_329 : i32
        %dma_start3A_331 = arith.constant 0 : i32
        %dma_start3A_332 = tpu.memref_slice %arg6[%sub3A_330, %dma_start3A_331] : memref<80x128xi32, #tpu.memory_space<vmem>> -> memref<1x128xi32, #tpu.memory_space<vmem>>
        %dma_start3A_333 = tpu.memref_squeeze %dma_start3A_332 : memref<1x128xi32, #tpu.memory_space<vmem>> -> memref<128xi32, #tpu.memory_space<vmem>>
        %dma_start3A_334 = arith.constant 0 : i32
        %dma_start3A_335 = arith.constant 0 : i32
        %dma_start3A_336 = tpu.memref_slice %arg33[%dma_start3A_334, %dma_start3A_335] : memref<10016x16xf32, #tpu.memory_space<vmem_shared>> -> memref<10016x16xf32, #tpu.memory_space<vmem_shared>>
        tpu.enqueue_indirect_dma source(%dma_start3A_336 : memref<10016x16xf32, #tpu.memory_space<vmem_shared>>) target(%arg11 : memref<128x16xf32, #tpu.memory_space<vmem>>) offsets(%dma_start3A_333 : memref<128xi32, #tpu.memory_space<vmem>>) semaphore(%arg19 : memref<!tpu.dma_semaphore, #tpu.memory_space<semaphore_mem>>)
      } else {
      }
      %mul3A_256 = arith.constant 8 : i32
      %mul3A_257 = arith.muli %mul3A_256, %scan3A_141 : i32
      %add3A_258 = arith.constant 5 : i32
      %add3A_259 = arith.addi %mul3A_257, %add3A_258 : i32
      %dma_wait3A_260 = arith.constant 0 : i32
      %dma_wait3A_261 = tpu.memref_slice %arg6[%add3A_259, %dma_wait3A_260] : memref<80x128xi32, #tpu.memory_space<vmem>> -> memref<1x128xi32, #tpu.memory_space<vmem>>
      %dma_wait3A_262 = tpu.memref_squeeze %dma_wait3A_261 : memref<1x128xi32, #tpu.memory_space<vmem>> -> memref<128xi32, #tpu.memory_space<vmem>>
      %dma_wait3A_263 = arith.constant 0 : i32
      %dma_wait3A_264 = arith.constant 0 : i32
      %dma_wait3A_265 = tpu.memref_slice %arg33[%dma_wait3A_263, %dma_wait3A_264] : memref<10016x16xf32, #tpu.memory_space<vmem_shared>> -> memref<10016x16xf32, #tpu.memory_space<vmem_shared>>
      tpu.wait_indirect_dma semaphore(%arg21 : memref<!tpu.dma_semaphore, #tpu.memory_space<semaphore_mem>>) src(%dma_wait3A_265 : memref<10016x16xf32, #tpu.memory_space<vmem_shared>>) dst(%arg13 : memref<128x16xf32, #tpu.memory_space<vmem>>)
      %dma_start3A_266 = arith.constant 0 : i32
      %dma_start3A_267 = tpu.memref_slice %arg7[%add3A_259, %dma_start3A_266] : memref<80x128xi32, #tpu.memory_space<vmem>> -> memref<1x128xi32, #tpu.memory_space<vmem>>
      %dma_start3A_268 = tpu.memref_squeeze %dma_start3A_267 : memref<1x128xi32, #tpu.memory_space<vmem>> -> memref<128xi32, #tpu.memory_space<vmem>>
      %dma_start3A_269 = arith.constant 0 : i32
      %dma_start3A_270 = arith.constant 0 : i32
      %dma_start3A_271 = tpu.memref_slice %arg32[%dma_start3A_269, %dma_start3A_270] : memref<10240x16xf32, #tpu.memory_space<vmem_shared>> -> memref<10240x16xf32, #tpu.memory_space<vmem_shared>>
      tpu.enqueue_indirect_dma source(%arg13 : memref<128x16xf32, #tpu.memory_space<vmem>>) target(%dma_start3A_271 : memref<10240x16xf32, #tpu.memory_space<vmem_shared>>) offsets(%dma_start3A_268 : memref<128xi32, #tpu.memory_space<vmem>>) semaphore(%arg29 : memref<!tpu.dma_semaphore, #tpu.memory_space<semaphore_mem>>) {add = true}
      %lt3A_272 = arith.constant 9 : i32
      %lt3A_273 = arith.cmpi slt, %scan3A_141, %lt3A_272 : i32
      %convert_element_type3A_274 = arith.extui %lt3A_273 : i1 to i32
      %cond3A_275 = arith.constant 0 : i32
      %cond3A_276 = arith.cmpi ne, %convert_element_type3A_274, %cond3A_275 : i32
      scf.if %cond3A_276 {
        %dma_wait3A_320 = arith.constant 0 : i32
        %dma_wait3A_321 = arith.constant 0 : i32
        %dma_wait3A_322 = tpu.memref_slice %arg7[%dma_wait3A_320, %dma_wait3A_321] : memref<80x128xi32, #tpu.memory_space<vmem>> -> memref<1x128xi32, #tpu.memory_space<vmem>>
        %dma_wait3A_323 = tpu.memref_squeeze %dma_wait3A_322 : memref<1x128xi32, #tpu.memory_space<vmem>> -> memref<128xi32, #tpu.memory_space<vmem>>
        %dma_wait3A_324 = arith.constant 0 : i32
        %dma_wait3A_325 = arith.constant 0 : i32
        %dma_wait3A_326 = tpu.memref_slice %arg32[%dma_wait3A_324, %dma_wait3A_325] : memref<10240x16xf32, #tpu.memory_space<vmem_shared>> -> memref<10240x16xf32, #tpu.memory_space<vmem_shared>>
        tpu.wait_indirect_dma semaphore(%arg28 : memref<!tpu.dma_semaphore, #tpu.memory_space<semaphore_mem>>) src(%arg12 : memref<128x16xf32, #tpu.memory_space<vmem>>) dst(%dma_wait3A_326 : memref<10240x16xf32, #tpu.memory_space<vmem_shared>>)
        %add3A_327 = arith.constant 8 : i32
        %add3A_328 = arith.addi %add3A_259, %add3A_327 : i32
        %sub3A_329 = arith.constant 1 : i32
        %sub3A_330 = arith.subi %add3A_328, %sub3A_329 : i32
        %dma_start3A_331 = arith.constant 0 : i32
        %dma_start3A_332 = tpu.memref_slice %arg6[%sub3A_330, %dma_start3A_331] : memref<80x128xi32, #tpu.memory_space<vmem>> -> memref<1x128xi32, #tpu.memory_space<vmem>>
        %dma_start3A_333 = tpu.memref_squeeze %dma_start3A_332 : memref<1x128xi32, #tpu.memory_space<vmem>> -> memref<128xi32, #tpu.memory_space<vmem>>
        %dma_start3A_334 = arith.constant 0 : i32
        %dma_start3A_335 = arith.constant 0 : i32
        %dma_start3A_336 = tpu.memref_slice %arg33[%dma_start3A_334, %dma_start3A_335] : memref<10016x16xf32, #tpu.memory_space<vmem_shared>> -> memref<10016x16xf32, #tpu.memory_space<vmem_shared>>
        tpu.enqueue_indirect_dma source(%dma_start3A_336 : memref<10016x16xf32, #tpu.memory_space<vmem_shared>>) target(%arg12 : memref<128x16xf32, #tpu.memory_space<vmem>>) offsets(%dma_start3A_333 : memref<128xi32, #tpu.memory_space<vmem>>) semaphore(%arg20 : memref<!tpu.dma_semaphore, #tpu.memory_space<semaphore_mem>>)
      } else {
      }
      %mul3A_277 = arith.constant 8 : i32
      %mul3A_278 = arith.muli %mul3A_277, %scan3A_141 : i32
      %add3A_279 = arith.constant 6 : i32
      %add3A_280 = arith.addi %mul3A_278, %add3A_279 : i32
      %dma_wait3A_281 = arith.constant 0 : i32
      %dma_wait3A_282 = tpu.memref_slice %arg6[%add3A_280, %dma_wait3A_281] : memref<80x128xi32, #tpu.memory_space<vmem>> -> memref<1x128xi32, #tpu.memory_space<vmem>>
      %dma_wait3A_283 = tpu.memref_squeeze %dma_wait3A_282 : memref<1x128xi32, #tpu.memory_space<vmem>> -> memref<128xi32, #tpu.memory_space<vmem>>
      %dma_wait3A_284 = arith.constant 0 : i32
      %dma_wait3A_285 = arith.constant 0 : i32
      %dma_wait3A_286 = tpu.memref_slice %arg33[%dma_wait3A_284, %dma_wait3A_285] : memref<10016x16xf32, #tpu.memory_space<vmem_shared>> -> memref<10016x16xf32, #tpu.memory_space<vmem_shared>>
      tpu.wait_indirect_dma semaphore(%arg22 : memref<!tpu.dma_semaphore, #tpu.memory_space<semaphore_mem>>) src(%dma_wait3A_286 : memref<10016x16xf32, #tpu.memory_space<vmem_shared>>) dst(%arg14 : memref<128x16xf32, #tpu.memory_space<vmem>>)
      %dma_start3A_287 = arith.constant 0 : i32
      %dma_start3A_288 = tpu.memref_slice %arg7[%add3A_280, %dma_start3A_287] : memref<80x128xi32, #tpu.memory_space<vmem>> -> memref<1x128xi32, #tpu.memory_space<vmem>>
      %dma_start3A_289 = tpu.memref_squeeze %dma_start3A_288 : memref<1x128xi32, #tpu.memory_space<vmem>> -> memref<128xi32, #tpu.memory_space<vmem>>
      %dma_start3A_290 = arith.constant 0 : i32
      %dma_start3A_291 = arith.constant 0 : i32
      %dma_start3A_292 = tpu.memref_slice %arg32[%dma_start3A_290, %dma_start3A_291] : memref<10240x16xf32, #tpu.memory_space<vmem_shared>> -> memref<10240x16xf32, #tpu.memory_space<vmem_shared>>
      tpu.enqueue_indirect_dma source(%arg14 : memref<128x16xf32, #tpu.memory_space<vmem>>) target(%dma_start3A_292 : memref<10240x16xf32, #tpu.memory_space<vmem_shared>>) offsets(%dma_start3A_289 : memref<128xi32, #tpu.memory_space<vmem>>) semaphore(%arg30 : memref<!tpu.dma_semaphore, #tpu.memory_space<semaphore_mem>>) {add = true}
      %lt3A_293 = arith.constant 9 : i32
      %lt3A_294 = arith.cmpi slt, %scan3A_141, %lt3A_293 : i32
      %convert_element_type3A_295 = arith.extui %lt3A_294 : i1 to i32
      %cond3A_296 = arith.constant 0 : i32
      %cond3A_297 = arith.cmpi ne, %convert_element_type3A_295, %cond3A_296 : i32
      scf.if %cond3A_297 {
        %dma_wait3A_320 = arith.constant 0 : i32
        %dma_wait3A_321 = arith.constant 0 : i32
        %dma_wait3A_322 = tpu.memref_slice %arg7[%dma_wait3A_320, %dma_wait3A_321] : memref<80x128xi32, #tpu.memory_space<vmem>> -> memref<1x128xi32, #tpu.memory_space<vmem>>
        %dma_wait3A_323 = tpu.memref_squeeze %dma_wait3A_322 : memref<1x128xi32, #tpu.memory_space<vmem>> -> memref<128xi32, #tpu.memory_space<vmem>>
        %dma_wait3A_324 = arith.constant 0 : i32
        %dma_wait3A_325 = arith.constant 0 : i32
        %dma_wait3A_326 = tpu.memref_slice %arg32[%dma_wait3A_324, %dma_wait3A_325] : memref<10240x16xf32, #tpu.memory_space<vmem_shared>> -> memref<10240x16xf32, #tpu.memory_space<vmem_shared>>
        tpu.wait_indirect_dma semaphore(%arg29 : memref<!tpu.dma_semaphore, #tpu.memory_space<semaphore_mem>>) src(%arg13 : memref<128x16xf32, #tpu.memory_space<vmem>>) dst(%dma_wait3A_326 : memref<10240x16xf32, #tpu.memory_space<vmem_shared>>)
        %add3A_327 = arith.constant 8 : i32
        %add3A_328 = arith.addi %add3A_280, %add3A_327 : i32
        %sub3A_329 = arith.constant 1 : i32
        %sub3A_330 = arith.subi %add3A_328, %sub3A_329 : i32
        %dma_start3A_331 = arith.constant 0 : i32
        %dma_start3A_332 = tpu.memref_slice %arg6[%sub3A_330, %dma_start3A_331] : memref<80x128xi32, #tpu.memory_space<vmem>> -> memref<1x128xi32, #tpu.memory_space<vmem>>
        %dma_start3A_333 = tpu.memref_squeeze %dma_start3A_332 : memref<1x128xi32, #tpu.memory_space<vmem>> -> memref<128xi32, #tpu.memory_space<vmem>>
        %dma_start3A_334 = arith.constant 0 : i32
        %dma_start3A_335 = arith.constant 0 : i32
        %dma_start3A_336 = tpu.memref_slice %arg33[%dma_start3A_334, %dma_start3A_335] : memref<10016x16xf32, #tpu.memory_space<vmem_shared>> -> memref<10016x16xf32, #tpu.memory_space<vmem_shared>>
        tpu.enqueue_indirect_dma source(%dma_start3A_336 : memref<10016x16xf32, #tpu.memory_space<vmem_shared>>) target(%arg13 : memref<128x16xf32, #tpu.memory_space<vmem>>) offsets(%dma_start3A_333 : memref<128xi32, #tpu.memory_space<vmem>>) semaphore(%arg21 : memref<!tpu.dma_semaphore, #tpu.memory_space<semaphore_mem>>)
      } else {
      }
      %mul3A_298 = arith.constant 8 : i32
      %mul3A_299 = arith.muli %mul3A_298, %scan3A_141 : i32
      %add3A_300 = arith.constant 7 : i32
      %add3A_301 = arith.addi %mul3A_299, %add3A_300 : i32
      %dma_wait3A_302 = arith.constant 0 : i32
      %dma_wait3A_303 = tpu.memref_slice %arg6[%add3A_301, %dma_wait3A_302] : memref<80x128xi32, #tpu.memory_space<vmem>> -> memref<1x128xi32, #tpu.memory_space<vmem>>
      %dma_wait3A_304 = tpu.memref_squeeze %dma_wait3A_303 : memref<1x128xi32, #tpu.memory_space<vmem>> -> memref<128xi32, #tpu.memory_space<vmem>>
      %dma_wait3A_305 = arith.constant 0 : i32
      %dma_wait3A_306 = arith.constant 0 : i32
      %dma_wait3A_307 = tpu.memref_slice %arg33[%dma_wait3A_305, %dma_wait3A_306] : memref<10016x16xf32, #tpu.memory_space<vmem_shared>> -> memref<10016x16xf32, #tpu.memory_space<vmem_shared>>
      tpu.wait_indirect_dma semaphore(%arg23 : memref<!tpu.dma_semaphore, #tpu.memory_space<semaphore_mem>>) src(%dma_wait3A_307 : memref<10016x16xf32, #tpu.memory_space<vmem_shared>>) dst(%arg15 : memref<128x16xf32, #tpu.memory_space<vmem>>)
      %dma_start3A_308 = arith.constant 0 : i32
      %dma_start3A_309 = tpu.memref_slice %arg7[%add3A_301, %dma_start3A_308] : memref<80x128xi32, #tpu.memory_space<vmem>> -> memref<1x128xi32, #tpu.memory_space<vmem>>
      %dma_start3A_310 = tpu.memref_squeeze %dma_start3A_309 : memref<1x128xi32, #tpu.memory_space<vmem>> -> memref<128xi32, #tpu.memory_space<vmem>>
      %dma_start3A_311 = arith.constant 0 : i32
      %dma_start3A_312 = arith.constant 0 : i32
      %dma_start3A_313 = tpu.memref_slice %arg32[%dma_start3A_311, %dma_start3A_312] : memref<10240x16xf32, #tpu.memory_space<vmem_shared>> -> memref<10240x16xf32, #tpu.memory_space<vmem_shared>>
      tpu.enqueue_indirect_dma source(%arg15 : memref<128x16xf32, #tpu.memory_space<vmem>>) target(%dma_start3A_313 : memref<10240x16xf32, #tpu.memory_space<vmem_shared>>) offsets(%dma_start3A_310 : memref<128xi32, #tpu.memory_space<vmem>>) semaphore(%arg31 : memref<!tpu.dma_semaphore, #tpu.memory_space<semaphore_mem>>) {add = true}
      %lt3A_314 = arith.constant 9 : i32
      %lt3A_315 = arith.cmpi slt, %scan3A_141, %lt3A_314 : i32
      %convert_element_type3A_316 = arith.extui %lt3A_315 : i1 to i32
      %cond3A_317 = arith.constant 0 : i32
      %cond3A_318 = arith.cmpi ne, %convert_element_type3A_316, %cond3A_317 : i32
      scf.if %cond3A_318 {
        %dma_wait3A_320 = arith.constant 0 : i32
        %dma_wait3A_321 = arith.constant 0 : i32
        %dma_wait3A_322 = tpu.memref_slice %arg7[%dma_wait3A_320, %dma_wait3A_321] : memref<80x128xi32, #tpu.memory_space<vmem>> -> memref<1x128xi32, #tpu.memory_space<vmem>>
        %dma_wait3A_323 = tpu.memref_squeeze %dma_wait3A_322 : memref<1x128xi32, #tpu.memory_space<vmem>> -> memref<128xi32, #tpu.memory_space<vmem>>
        %dma_wait3A_324 = arith.constant 0 : i32
        %dma_wait3A_325 = arith.constant 0 : i32
        %dma_wait3A_326 = tpu.memref_slice %arg32[%dma_wait3A_324, %dma_wait3A_325] : memref<10240x16xf32, #tpu.memory_space<vmem_shared>> -> memref<10240x16xf32, #tpu.memory_space<vmem_shared>>
        tpu.wait_indirect_dma semaphore(%arg30 : memref<!tpu.dma_semaphore, #tpu.memory_space<semaphore_mem>>) src(%arg14 : memref<128x16xf32, #tpu.memory_space<vmem>>) dst(%dma_wait3A_326 : memref<10240x16xf32, #tpu.memory_space<vmem_shared>>)
        %add3A_327 = arith.constant 8 : i32
        %add3A_328 = arith.addi %add3A_301, %add3A_327 : i32
        %sub3A_329 = arith.constant 1 : i32
        %sub3A_330 = arith.subi %add3A_328, %sub3A_329 : i32
        %dma_start3A_331 = arith.constant 0 : i32
        %dma_start3A_332 = tpu.memref_slice %arg6[%sub3A_330, %dma_start3A_331] : memref<80x128xi32, #tpu.memory_space<vmem>> -> memref<1x128xi32, #tpu.memory_space<vmem>>
        %dma_start3A_333 = tpu.memref_squeeze %dma_start3A_332 : memref<1x128xi32, #tpu.memory_space<vmem>> -> memref<128xi32, #tpu.memory_space<vmem>>
        %dma_start3A_334 = arith.constant 0 : i32
        %dma_start3A_335 = arith.constant 0 : i32
        %dma_start3A_336 = tpu.memref_slice %arg33[%dma_start3A_334, %dma_start3A_335] : memref<10016x16xf32, #tpu.memory_space<vmem_shared>> -> memref<10016x16xf32, #tpu.memory_space<vmem_shared>>
        tpu.enqueue_indirect_dma source(%dma_start3A_336 : memref<10016x16xf32, #tpu.memory_space<vmem_shared>>) target(%arg14 : memref<128x16xf32, #tpu.memory_space<vmem>>) offsets(%dma_start3A_333 : memref<128xi32, #tpu.memory_space<vmem>>) semaphore(%arg22 : memref<!tpu.dma_semaphore, #tpu.memory_space<semaphore_mem>>)
      } else {
      }
      %scan3A_319 = arith.constant 0 : i32
      scf.yield %scan3A_319 : i32
    }
    %scan3A_80 = arith.constant 10 : i32
    %dma_wait3A = arith.constant 0 : i32
    %dma_wait3A_81 = arith.constant 0 : i32
    %dma_wait3A_82 = tpu.memref_slice %arg7[%dma_wait3A, %dma_wait3A_81] : memref<80x128xi32, #tpu.memory_space<vmem>> -> memref<1x128xi32, #tpu.memory_space<vmem>>
    %dma_wait3A_83 = tpu.memref_squeeze %dma_wait3A_82 : memref<1x128xi32, #tpu.memory_space<vmem>> -> memref<128xi32, #tpu.memory_space<vmem>>
    %dma_wait3A_84 = arith.constant 0 : i32
    %dma_wait3A_85 = arith.constant 0 : i32
    %dma_wait3A_86 = tpu.memref_slice %arg32[%dma_wait3A_84, %dma_wait3A_85] : memref<10240x16xf32, #tpu.memory_space<vmem_shared>> -> memref<10240x16xf32, #tpu.memory_space<vmem_shared>>
    tpu.wait_indirect_dma semaphore(%arg24 : memref<!tpu.dma_semaphore, #tpu.memory_space<semaphore_mem>>) src(%arg8 : memref<128x16xf32, #tpu.memory_space<vmem>>) dst(%dma_wait3A_86 : memref<10240x16xf32, #tpu.memory_space<vmem_shared>>)
    %dma_wait3A_87 = arith.constant 0 : i32
    %dma_wait3A_88 = arith.constant 0 : i32
    %dma_wait3A_89 = tpu.memref_slice %arg7[%dma_wait3A_87, %dma_wait3A_88] : memref<80x128xi32, #tpu.memory_space<vmem>> -> memref<1x128xi32, #tpu.memory_space<vmem>>
    %dma_wait3A_90 = tpu.memref_squeeze %dma_wait3A_89 : memref<1x128xi32, #tpu.memory_space<vmem>> -> memref<128xi32, #tpu.memory_space<vmem>>
    %dma_wait3A_91 = arith.constant 0 : i32
    %dma_wait3A_92 = arith.constant 0 : i32
    %dma_wait3A_93 = tpu.memref_slice %arg32[%dma_wait3A_91, %dma_wait3A_92] : memref<10240x16xf32, #tpu.memory_space<vmem_shared>> -> memref<10240x16xf32, #tpu.memory_space<vmem_shared>>
    tpu.wait_indirect_dma semaphore(%arg25 : memref<!tpu.dma_semaphore, #tpu.memory_space<semaphore_mem>>) src(%arg9 : memref<128x16xf32, #tpu.memory_space<vmem>>) dst(%dma_wait3A_93 : memref<10240x16xf32, #tpu.memory_space<vmem_shared>>)
    %dma_wait3A_94 = arith.constant 0 : i32
    %dma_wait3A_95 = arith.constant 0 : i32
    %dma_wait3A_96 = tpu.memref_slice %arg7[%dma_wait3A_94, %dma_wait3A_95] : memref<80x128xi32, #tpu.memory_space<vmem>> -> memref<1x128xi32, #tpu.memory_space<vmem>>
    %dma_wait3A_97 = tpu.memref_squeeze %dma_wait3A_96 : memref<1x128xi32, #tpu.memory_space<vmem>> -> memref<128xi32, #tpu.memory_space<vmem>>
    %dma_wait3A_98 = arith.constant 0 : i32
    %dma_wait3A_99 = arith.constant 0 : i32
    %dma_wait3A_100 = tpu.memref_slice %arg32[%dma_wait3A_98, %dma_wait3A_99] : memref<10240x16xf32, #tpu.memory_space<vmem_shared>> -> memref<10240x16xf32, #tpu.memory_space<vmem_shared>>
    tpu.wait_indirect_dma semaphore(%arg26 : memref<!tpu.dma_semaphore, #tpu.memory_space<semaphore_mem>>) src(%arg10 : memref<128x16xf32, #tpu.memory_space<vmem>>) dst(%dma_wait3A_100 : memref<10240x16xf32, #tpu.memory_space<vmem_shared>>)
    %dma_wait3A_101 = arith.constant 0 : i32
    %dma_wait3A_102 = arith.constant 0 : i32
    %dma_wait3A_103 = tpu.memref_slice %arg7[%dma_wait3A_101, %dma_wait3A_102] : memref<80x128xi32, #tpu.memory_space<vmem>> -> memref<1x128xi32, #tpu.memory_space<vmem>>
    %dma_wait3A_104 = tpu.memref_squeeze %dma_wait3A_103 : memref<1x128xi32, #tpu.memory_space<vmem>> -> memref<128xi32, #tpu.memory_space<vmem>>
    %dma_wait3A_105 = arith.constant 0 : i32
    %dma_wait3A_106 = arith.constant 0 : i32
    %dma_wait3A_107 = tpu.memref_slice %arg32[%dma_wait3A_105, %dma_wait3A_106] : memref<10240x16xf32, #tpu.memory_space<vmem_shared>> -> memref<10240x16xf32, #tpu.memory_space<vmem_shared>>
    tpu.wait_indirect_dma semaphore(%arg27 : memref<!tpu.dma_semaphore, #tpu.memory_space<semaphore_mem>>) src(%arg11 : memref<128x16xf32, #tpu.memory_space<vmem>>) dst(%dma_wait3A_107 : memref<10240x16xf32, #tpu.memory_space<vmem_shared>>)
    %dma_wait3A_108 = arith.constant 0 : i32
    %dma_wait3A_109 = arith.constant 0 : i32
    %dma_wait3A_110 = tpu.memref_slice %arg7[%dma_wait3A_108, %dma_wait3A_109] : memref<80x128xi32, #tpu.memory_space<vmem>> -> memref<1x128xi32, #tpu.memory_space<vmem>>
    %dma_wait3A_111 = tpu.memref_squeeze %dma_wait3A_110 : memref<1x128xi32, #tpu.memory_space<vmem>> -> memref<128xi32, #tpu.memory_space<vmem>>
    %dma_wait3A_112 = arith.constant 0 : i32
    %dma_wait3A_113 = arith.constant 0 : i32
    %dma_wait3A_114 = tpu.memref_slice %arg32[%dma_wait3A_112, %dma_wait3A_113] : memref<10240x16xf32, #tpu.memory_space<vmem_shared>> -> memref<10240x16xf32, #tpu.memory_space<vmem_shared>>
    tpu.wait_indirect_dma semaphore(%arg28 : memref<!tpu.dma_semaphore, #tpu.memory_space<semaphore_mem>>) src(%arg12 : memref<128x16xf32, #tpu.memory_space<vmem>>) dst(%dma_wait3A_114 : memref<10240x16xf32, #tpu.memory_space<vmem_shared>>)
    %dma_wait3A_115 = arith.constant 0 : i32
    %dma_wait3A_116 = arith.constant 0 : i32
    %dma_wait3A_117 = tpu.memref_slice %arg7[%dma_wait3A_115, %dma_wait3A_116] : memref<80x128xi32, #tpu.memory_space<vmem>> -> memref<1x128xi32, #tpu.memory_space<vmem>>
    %dma_wait3A_118 = tpu.memref_squeeze %dma_wait3A_117 : memref<1x128xi32, #tpu.memory_space<vmem>> -> memref<128xi32, #tpu.memory_space<vmem>>
    %dma_wait3A_119 = arith.constant 0 : i32
    %dma_wait3A_120 = arith.constant 0 : i32
    %dma_wait3A_121 = tpu.memref_slice %arg32[%dma_wait3A_119, %dma_wait3A_120] : memref<10240x16xf32, #tpu.memory_space<vmem_shared>> -> memref<10240x16xf32, #tpu.memory_space<vmem_shared>>
    tpu.wait_indirect_dma semaphore(%arg29 : memref<!tpu.dma_semaphore, #tpu.memory_space<semaphore_mem>>) src(%arg13 : memref<128x16xf32, #tpu.memory_space<vmem>>) dst(%dma_wait3A_121 : memref<10240x16xf32, #tpu.memory_space<vmem_shared>>)
    %dma_wait3A_122 = arith.constant 0 : i32
    %dma_wait3A_123 = arith.constant 0 : i32
    %dma_wait3A_124 = tpu.memref_slice %arg7[%dma_wait3A_122, %dma_wait3A_123] : memref<80x128xi32, #tpu.memory_space<vmem>> -> memref<1x128xi32, #tpu.memory_space<vmem>>
    %dma_wait3A_125 = tpu.memref_squeeze %dma_wait3A_124 : memref<1x128xi32, #tpu.memory_space<vmem>> -> memref<128xi32, #tpu.memory_space<vmem>>
    %dma_wait3A_126 = arith.constant 0 : i32
    %dma_wait3A_127 = arith.constant 0 : i32
    %dma_wait3A_128 = tpu.memref_slice %arg32[%dma_wait3A_126, %dma_wait3A_127] : memref<10240x16xf32, #tpu.memory_space<vmem_shared>> -> memref<10240x16xf32, #tpu.memory_space<vmem_shared>>
    tpu.wait_indirect_dma semaphore(%arg30 : memref<!tpu.dma_semaphore, #tpu.memory_space<semaphore_mem>>) src(%arg14 : memref<128x16xf32, #tpu.memory_space<vmem>>) dst(%dma_wait3A_128 : memref<10240x16xf32, #tpu.memory_space<vmem_shared>>)
    %dma_wait3A_129 = arith.constant 0 : i32
    %dma_wait3A_130 = arith.constant 0 : i32
    %dma_wait3A_131 = tpu.memref_slice %arg7[%dma_wait3A_129, %dma_wait3A_130] : memref<80x128xi32, #tpu.memory_space<vmem>> -> memref<1x128xi32, #tpu.memory_space<vmem>>
    %dma_wait3A_132 = tpu.memref_squeeze %dma_wait3A_131 : memref<1x128xi32, #tpu.memory_space<vmem>> -> memref<128xi32, #tpu.memory_space<vmem>>
    %dma_wait3A_133 = arith.constant 0 : i32
    %dma_wait3A_134 = arith.constant 0 : i32
    %dma_wait3A_135 = tpu.memref_slice %arg32[%dma_wait3A_133, %dma_wait3A_134] : memref<10240x16xf32, #tpu.memory_space<vmem_shared>> -> memref<10240x16xf32, #tpu.memory_space<vmem_shared>>
    tpu.wait_indirect_dma semaphore(%arg31 : memref<!tpu.dma_semaphore, #tpu.memory_space<semaphore_mem>>) src(%arg15 : memref<128x16xf32, #tpu.memory_space<vmem>>) dst(%dma_wait3A_135 : memref<10240x16xf32, #tpu.memory_space<vmem_shared>>)
    %barrier3A_136 = arith.constant 0 : index
    tpu.barrier barrier_id(%barrier3A_136)
    %mul3A_137 = arith.constant 640 : i32
    %mul3A_138 = arith.muli %arg1, %mul3A_137 : i32
    %mul3A_139 = arith.constant 640 : i32
    %mul3A_140 = arith.muli %arg1, %mul3A_139 : i32
    "tpu.region"() ({
      %run_scoped3A = tpu.sem_alloc : memref<!tpu.dma_semaphore, #tpu.memory_space<semaphore_mem>>
      %dma_start3A_141 = arith.constant 0 : i32
      %dma_start3A_142 = arith.constant 0 : i32
      %dma_start3A_143 = tpu.memref_slice %arg5[%arg0, %dma_start3A_141, %dma_start3A_142] : memref<2x10240x16xf32, #tpu.memory_space<hbm>> -> memref<1x10240x16xf32, #tpu.memory_space<hbm>>
      %dma_start3A_144 = tpu.memref_squeeze %dma_start3A_143 : memref<1x10240x16xf32, #tpu.memory_space<hbm>> -> memref<10240x16xf32, #tpu.memory_space<hbm>>
      %dma_start3A_145 = arith.constant 0 : i32
      %dma_start3A_146 = tpu.memref_slice %dma_start3A_144[%mul3A_140, %dma_start3A_145] : memref<10240x16xf32, #tpu.memory_space<hbm>> -> memref<640x16xf32, #tpu.memory_space<hbm>>
      %dma_start3A_147 = arith.constant 0 : i32
      %dma_start3A_148 = tpu.memref_slice %arg32[%mul3A_138, %dma_start3A_147] : memref<10240x16xf32, #tpu.memory_space<vmem_shared>> -> memref<640x16xf32, #tpu.memory_space<vmem_shared>>
      tpu.enqueue_dma source(%dma_start3A_148 : memref<640x16xf32, #tpu.memory_space<vmem_shared>>) target(%dma_start3A_146 : memref<640x16xf32, #tpu.memory_space<hbm>>) target_semaphore(%run_scoped3A : memref<!tpu.dma_semaphore, #tpu.memory_space<semaphore_mem>>)
      %dma_wait3A_149 = arith.constant 0 : i32
      %dma_wait3A_150 = arith.constant 0 : i32
      %dma_wait3A_151 = tpu.memref_slice %arg5[%arg0, %dma_wait3A_149, %dma_wait3A_150] : memref<2x10240x16xf32, #tpu.memory_space<hbm>> -> memref<1x10240x16xf32, #tpu.memory_space<hbm>>
      %dma_wait3A_152 = tpu.memref_squeeze %dma_wait3A_151 : memref<1x10240x16xf32, #tpu.memory_space<hbm>> -> memref<10240x16xf32, #tpu.memory_space<hbm>>
      %dma_wait3A_153 = arith.constant 0 : i32
      %dma_wait3A_154 = tpu.memref_slice %dma_wait3A_152[%mul3A_140, %dma_wait3A_153] : memref<10240x16xf32, #tpu.memory_space<hbm>> -> memref<640x16xf32, #tpu.memory_space<hbm>>
      %dma_wait3A_155 = arith.constant 0 : i32
      %dma_wait3A_156 = tpu.memref_slice %arg32[%mul3A_138, %dma_wait3A_155] : memref<10240x16xf32, #tpu.memory_space<vmem_shared>> -> memref<640x16xf32, #tpu.memory_space<vmem_shared>>
      tpu.wait_dma2 semaphore(%run_scoped3A : memref<!tpu.dma_semaphore, #tpu.memory_space<semaphore_mem>>) src(%dma_wait3A_156 : memref<640x16xf32, #tpu.memory_space<vmem_shared>>) dst(%dma_wait3A_154 : memref<640x16xf32, #tpu.memory_space<hbm>>)
      tpu.yield
    }) : () -> ()
    return
  }
}

#map = affine_map<(d0, d1) -> (0, 0)>
#map1 = affine_map<(d0, d1) -> (0, 0, 0)>
module attributes {stable_mosaic.version = 14 : i64} {
  func.func @_agg_kernel(%arg0: i32, %arg1: i32, %arg2: memref<10016x16xf32, #tpu.memory_space<hbm>>, %arg3: memref<2x2500x128xi32, #tpu.memory_space<hbm>>, %arg4: memref<640x16xf32, #tpu.memory_space<hbm>>, %arg5: memref<2x10240x16xf32, #tpu.memory_space<hbm>>, %arg6: memref<80x128xi32, #tpu.memory_space<vmem>>, %arg7: memref<80x128xi32, #tpu.memory_space<vmem>>, %arg8: memref<128x16xf32, #tpu.memory_space<vmem>>, %arg9: memref<128x16xf32, #tpu.memory_space<vmem>>, %arg10: memref<128x16xf32, #tpu.memory_space<vmem>>, %arg11: memref<128x16xf32, #tpu.memory_space<vmem>>, %arg12: memref<128x16xf32, #tpu.memory_space<vmem>>, %arg13: memref<128x16xf32, #tpu.memory_space<vmem>>, %arg14: memref<128x16xf32, #tpu.memory_space<vmem>>, %arg15: memref<128x16xf32, #tpu.memory_space<vmem>>, %arg16: memref<!tpu.dma_semaphore, #tpu.memory_space<semaphore_mem>>, %arg17: memref<!tpu.dma_semaphore, #tpu.memory_space<semaphore_mem>>, %arg18: memref<!tpu.dma_semaphore, #tpu.memory_space<semaphore_mem>>, %arg19: memref<!tpu.dma_semaphore, #tpu.memory_space<semaphore_mem>>, %arg20: memref<!tpu.dma_semaphore, #tpu.memory_space<semaphore_mem>>, %arg21: memref<!tpu.dma_semaphore, #tpu.memory_space<semaphore_mem>>, %arg22: memref<!tpu.dma_semaphore, #tpu.memory_space<semaphore_mem>>, %arg23: memref<!tpu.dma_semaphore, #tpu.memory_space<semaphore_mem>>, %arg24: memref<!tpu.dma_semaphore, #tpu.memory_space<semaphore_mem>>, %arg25: memref<!tpu.dma_semaphore, #tpu.memory_space<semaphore_mem>>, %arg26: memref<!tpu.dma_semaphore, #tpu.memory_space<semaphore_mem>>, %arg27: memref<!tpu.dma_semaphore, #tpu.memory_space<semaphore_mem>>, %arg28: memref<!tpu.dma_semaphore, #tpu.memory_space<semaphore_mem>>, %arg29: memref<!tpu.dma_semaphore, #tpu.memory_space<semaphore_mem>>, %arg30: memref<!tpu.dma_semaphore, #tpu.memory_space<semaphore_mem>>, %arg31: memref<!tpu.dma_semaphore, #tpu.memory_space<semaphore_mem>>, %arg32: memref<10240x16xf32, #tpu.memory_space<vmem_shared>>, %arg33: memref<10016x16xf32, #tpu.memory_space<vmem_shared>>) attributes {dimension_semantics = [#tpu.dimension_semantics<core_parallel>, #tpu.dimension_semantics<subcore_parallel>], iteration_bounds = array<i64: 2, 16>, scalar_prefetch = 0 : i64, scratch_operands = 28 : i64, tpu.core_type = #tpu.core_type<sc_vector_subcore>, window_params = [{transform_indices = #map}, {transform_indices = #map1}, {transform_indices = #map}, {transform_indices = #map1}]} {
    %mul3A = arith.constant 16 : i32
    %mul3A_0 = arith.muli %arg0, %mul3A : i32
    %add3A = arith.addi %mul3A_0, %arg1 : i32
    %lt3A = arith.constant 31 : i32
    %lt3A_1 = arith.cmpi slt, %add3A, %lt3A : i32
    %convert_element_type3A = arith.extui %lt3A_1 : i1 to i32
    %cond3A = arith.constant 0 : i32
    %cond3A_2 = arith.constant 0 : i32
    %cond3A_3 = arith.cmpi ne, %convert_element_type3A, %cond3A_2 : i32
    scf.if %cond3A_3 {
      %mul3A_141 = arith.constant 80 : i32
      %mul3A_142 = arith.muli %add3A, %mul3A_141 : i32
      "tpu.region"() ({
        %run_scoped3A = tpu.sem_alloc : memref<!tpu.dma_semaphore, #tpu.memory_space<semaphore_mem>>
        %dma_start3A_143 = arith.constant 0 : i32
        %dma_start3A_144 = arith.constant 0 : i32
        %dma_start3A_145 = tpu.memref_slice %arg3[%cond3A, %dma_start3A_143, %dma_start3A_144] : memref<2x2500x128xi32, #tpu.memory_space<hbm>> -> memref<1x2500x128xi32, #tpu.memory_space<hbm>>
        %dma_start3A_146 = tpu.memref_squeeze %dma_start3A_145 : memref<1x2500x128xi32, #tpu.memory_space<hbm>> -> memref<2500x128xi32, #tpu.memory_space<hbm>>
        %dma_start3A_147 = arith.constant 0 : i32
        %dma_start3A_148 = tpu.memref_slice %dma_start3A_146[%mul3A_142, %dma_start3A_147] : memref<2500x128xi32, #tpu.memory_space<hbm>> -> memref<80x128xi32, #tpu.memory_space<hbm>>
        %dma_start3A_149 = arith.constant 0 : i32
        %dma_start3A_150 = arith.constant 0 : i32
        %dma_start3A_151 = tpu.memref_slice %arg3[%cond3A, %dma_start3A_149, %dma_start3A_150] : memref<2x2500x128xi32, #tpu.memory_space<hbm>> -> memref<1x2500x128xi32, #tpu.memory_space<hbm>>
        %dma_start3A_152 = tpu.memref_squeeze %dma_start3A_151 : memref<1x2500x128xi32, #tpu.memory_space<hbm>> -> memref<2500x128xi32, #tpu.memory_space<hbm>>
        %dma_start3A_153 = arith.constant 0 : i32
        %dma_start3A_154 = tpu.memref_slice %dma_start3A_152[%mul3A_142, %dma_start3A_153] : memref<2500x128xi32, #tpu.memory_space<hbm>> -> memref<80x128xi32, #tpu.memory_space<hbm>>
        tpu.enqueue_dma source(%dma_start3A_154 : memref<80x128xi32, #tpu.memory_space<hbm>>) target(%arg6 : memref<80x128xi32, #tpu.memory_space<vmem>>) target_semaphore(%run_scoped3A : memref<!tpu.dma_semaphore, #tpu.memory_space<semaphore_mem>>)
        %dma_wait3A_155 = arith.constant 0 : i32
        %dma_wait3A_156 = arith.constant 0 : i32
        %dma_wait3A_157 = tpu.memref_slice %arg3[%cond3A, %dma_wait3A_155, %dma_wait3A_156] : memref<2x2500x128xi32, #tpu.memory_space<hbm>> -> memref<1x2500x128xi32, #tpu.memory_space<hbm>>
        %dma_wait3A_158 = tpu.memref_squeeze %dma_wait3A_157 : memref<1x2500x128xi32, #tpu.memory_space<hbm>> -> memref<2500x128xi32, #tpu.memory_space<hbm>>
        %dma_wait3A_159 = arith.constant 0 : i32
        %dma_wait3A_160 = tpu.memref_slice %dma_wait3A_158[%mul3A_142, %dma_wait3A_159] : memref<2500x128xi32, #tpu.memory_space<hbm>> -> memref<80x128xi32, #tpu.memory_space<hbm>>
        %dma_wait3A_161 = arith.constant 0 : i32
        %dma_wait3A_162 = arith.constant 0 : i32
        %dma_wait3A_163 = tpu.memref_slice %arg3[%cond3A, %dma_wait3A_161, %dma_wait3A_162] : memref<2x2500x128xi32, #tpu.memory_space<hbm>> -> memref<1x2500x128xi32, #tpu.memory_space<hbm>>
        %dma_wait3A_164 = tpu.memref_squeeze %dma_wait3A_163 : memref<1x2500x128xi32, #tpu.memory_space<hbm>> -> memref<2500x128xi32, #tpu.memory_space<hbm>>
        %dma_wait3A_165 = arith.constant 0 : i32
        %dma_wait3A_166 = tpu.memref_slice %dma_wait3A_164[%mul3A_142, %dma_wait3A_165] : memref<2500x128xi32, #tpu.memory_space<hbm>> -> memref<80x128xi32, #tpu.memory_space<hbm>>
        tpu.wait_dma2 semaphore(%run_scoped3A : memref<!tpu.dma_semaphore, #tpu.memory_space<semaphore_mem>>) src(%dma_wait3A_166 : memref<80x128xi32, #tpu.memory_space<hbm>>) dst(%arg6 : memref<80x128xi32, #tpu.memory_space<vmem>>)
        tpu.yield
      }) : () -> ()
    } else {
    }
    %eq3A = arith.constant 31 : i32
    %eq3A_4 = arith.cmpi eq, %add3A, %eq3A : i32
    %convert_element_type3A_5 = arith.extui %eq3A_4 : i1 to i32
    %cond3A_6 = arith.constant 0 : i32
    %cond3A_7 = arith.constant 0 : i32
    %cond3A_8 = arith.cmpi ne, %convert_element_type3A_5, %cond3A_7 : i32
    scf.if %cond3A_8 {
      "tpu.region"() ({
        %run_scoped3A = tpu.sem_alloc : memref<!tpu.dma_semaphore, #tpu.memory_space<semaphore_mem>>
        %dma_start3A_148 = arith.constant 0 : i32
        %dma_start3A_149 = arith.constant 0 : i32
        %dma_start3A_150 = tpu.memref_slice %arg6[%dma_start3A_148, %dma_start3A_149] : memref<80x128xi32, #tpu.memory_space<vmem>> -> memref<20x128xi32, #tpu.memory_space<vmem>>
        %dma_start3A_151 = arith.constant 0 : i32
        %dma_start3A_152 = arith.constant 0 : i32
        %dma_start3A_153 = tpu.memref_slice %arg3[%cond3A_6, %dma_start3A_151, %dma_start3A_152] : memref<2x2500x128xi32, #tpu.memory_space<hbm>> -> memref<1x2500x128xi32, #tpu.memory_space<hbm>>
        %dma_start3A_154 = tpu.memref_squeeze %dma_start3A_153 : memref<1x2500x128xi32, #tpu.memory_space<hbm>> -> memref<2500x128xi32, #tpu.memory_space<hbm>>
        %dma_start3A_155 = arith.constant 2480 : i32
        %dma_start3A_156 = arith.constant 0 : i32
        %dma_start3A_157 = tpu.memref_slice %dma_start3A_154[%dma_start3A_155, %dma_start3A_156] : memref<2500x128xi32, #tpu.memory_space<hbm>> -> memref<20x128xi32, #tpu.memory_space<hbm>>
        %dma_start3A_158 = arith.constant 0 : i32
        %dma_start3A_159 = arith.constant 0 : i32
        %dma_start3A_160 = tpu.memref_slice %arg6[%dma_start3A_158, %dma_start3A_159] : memref<80x128xi32, #tpu.memory_space<vmem>> -> memref<20x128xi32, #tpu.memory_space<vmem>>
        %dma_start3A_161 = arith.constant 0 : i32
        %dma_start3A_162 = arith.constant 0 : i32
        %dma_start3A_163 = tpu.memref_slice %arg3[%cond3A_6, %dma_start3A_161, %dma_start3A_162] : memref<2x2500x128xi32, #tpu.memory_space<hbm>> -> memref<1x2500x128xi32, #tpu.memory_space<hbm>>
        %dma_start3A_164 = tpu.memref_squeeze %dma_start3A_163 : memref<1x2500x128xi32, #tpu.memory_space<hbm>> -> memref<2500x128xi32, #tpu.memory_space<hbm>>
        %dma_start3A_165 = arith.constant 2480 : i32
        %dma_start3A_166 = arith.constant 0 : i32
        %dma_start3A_167 = tpu.memref_slice %dma_start3A_164[%dma_start3A_165, %dma_start3A_166] : memref<2500x128xi32, #tpu.memory_space<hbm>> -> memref<20x128xi32, #tpu.memory_space<hbm>>
        tpu.enqueue_dma source(%dma_start3A_167 : memref<20x128xi32, #tpu.memory_space<hbm>>) target(%dma_start3A_160 : memref<20x128xi32, #tpu.memory_space<vmem>>) target_semaphore(%run_scoped3A : memref<!tpu.dma_semaphore, #tpu.memory_space<semaphore_mem>>)
        %dma_wait3A_168 = arith.constant 0 : i32
        %dma_wait3A_169 = arith.constant 0 : i32
        %dma_wait3A_170 = tpu.memref_slice %arg6[%dma_wait3A_168, %dma_wait3A_169] : memref<80x128xi32, #tpu.memory_space<vmem>> -> memref<20x128xi32, #tpu.memory_space<vmem>>
        %dma_wait3A_171 = arith.constant 0 : i32
        %dma_wait3A_172 = arith.constant 0 : i32
        %dma_wait3A_173 = tpu.memref_slice %arg3[%cond3A_6, %dma_wait3A_171, %dma_wait3A_172] : memref<2x2500x128xi32, #tpu.memory_space<hbm>> -> memref<1x2500x128xi32, #tpu.memory_space<hbm>>
        %dma_wait3A_174 = tpu.memref_squeeze %dma_wait3A_173 : memref<1x2500x128xi32, #tpu.memory_space<hbm>> -> memref<2500x128xi32, #tpu.memory_space<hbm>>
        %dma_wait3A_175 = arith.constant 2480 : i32
        %dma_wait3A_176 = arith.constant 0 : i32
        %dma_wait3A_177 = tpu.memref_slice %dma_wait3A_174[%dma_wait3A_175, %dma_wait3A_176] : memref<2500x128xi32, #tpu.memory_space<hbm>> -> memref<20x128xi32, #tpu.memory_space<hbm>>
        %dma_wait3A_178 = arith.constant 0 : i32
        %dma_wait3A_179 = arith.constant 0 : i32
        %dma_wait3A_180 = tpu.memref_slice %arg6[%dma_wait3A_178, %dma_wait3A_179] : memref<80x128xi32, #tpu.memory_space<vmem>> -> memref<20x128xi32, #tpu.memory_space<vmem>>
        %dma_wait3A_181 = arith.constant 0 : i32
        %dma_wait3A_182 = arith.constant 0 : i32
        %dma_wait3A_183 = tpu.memref_slice %arg3[%cond3A_6, %dma_wait3A_181, %dma_wait3A_182] : memref<2x2500x128xi32, #tpu.memory_space<hbm>> -> memref<1x2500x128xi32, #tpu.memory_space<hbm>>
        %dma_wait3A_184 = tpu.memref_squeeze %dma_wait3A_183 : memref<1x2500x128xi32, #tpu.memory_space<hbm>> -> memref<2500x128xi32, #tpu.memory_space<hbm>>
        %dma_wait3A_185 = arith.constant 2480 : i32
        %dma_wait3A_186 = arith.constant 0 : i32
        %dma_wait3A_187 = tpu.memref_slice %dma_wait3A_184[%dma_wait3A_185, %dma_wait3A_186] : memref<2500x128xi32, #tpu.memory_space<hbm>> -> memref<20x128xi32, #tpu.memory_space<hbm>>
        tpu.wait_dma2 semaphore(%run_scoped3A : memref<!tpu.dma_semaphore, #tpu.memory_space<semaphore_mem>>) src(%dma_wait3A_187 : memref<20x128xi32, #tpu.memory_space<hbm>>) dst(%dma_wait3A_180 : memref<20x128xi32, #tpu.memory_space<vmem>>)
        tpu.yield
      }) : () -> ()
      %scan3A_141 = arith.constant 0 : i32
      %scan3A_142 = arith.constant 20 : i32
      %scan3A_143 = arith.constant 60 : i32
      %scan3A_144 = arith.addi %scan3A_142, %scan3A_143 : i32
      %scan3A_145 = arith.constant 1 : i32
      %scan3A_146 = scf.for %scan3A_148 = %scan3A_142 to %scan3A_144 step %scan3A_145 iter_args(%scan3A_149 = %scan3A_141) -> (i32)  : i32 {
        %broadcast_in_dim3A = arith.constant 10000 : i32
        %broadcast_in_dim3A_150 = vector.broadcast %broadcast_in_dim3A : i32 to vector<16xi32>
        %swap3A = arith.index_cast %scan3A_148 : i32 to index
        %swap3A_151 = arith.constant 0 : index
        %swap3A_152 = tpu.vector_load %arg6[%swap3A, %swap3A_151] {strides = array<i32>} : memref<80x128xi32, #tpu.memory_space<vmem>>, vector<1x16xi32>,
        %swap3A_153 = vector.shape_cast %swap3A_152 : vector<1x16xi32> to vector<16xi32>
        %swap3A_154 = vector.shape_cast %broadcast_in_dim3A_150 : vector<16xi32> to vector<1x16xi32>
        tpu.vector_store %arg6[%swap3A, %swap3A_151], %swap3A_154 {strides = array<i32>} : memref<80x128xi32, #tpu.memory_space<vmem>>, vector<1x16xi32>,
        %broadcast_in_dim3A_155 = arith.constant 10000 : i32
        %broadcast_in_dim3A_156 = vector.broadcast %broadcast_in_dim3A_155 : i32 to vector<16xi32>
        %swap3A_157 = arith.index_cast %scan3A_148 : i32 to index
        %swap3A_158 = arith.constant 16 : index
        %swap3A_159 = tpu.vector_load %arg6[%swap3A_157, %swap3A_158] {strides = array<i32>} : memref<80x128xi32, #tpu.memory_space<vmem>>, vector<1x16xi32>,
        %swap3A_160 = vector.shape_cast %swap3A_159 : vector<1x16xi32> to vector<16xi32>
        %swap3A_161 = vector.shape_cast %broadcast_in_dim3A_156 : vector<16xi32> to vector<1x16xi32>
        tpu.vector_store %arg6[%swap3A_157, %swap3A_158], %swap3A_161 {strides = array<i32>} : memref<80x128xi32, #tpu.memory_space<vmem>>, vector<1x16xi32>,
        %broadcast_in_dim3A_162 = arith.constant 10000 : i32
        %broadcast_in_dim3A_163 = vector.broadcast %broadcast_in_dim3A_162 : i32 to vector<16xi32>
        %swap3A_164 = arith.index_cast %scan3A_148 : i32 to index
        %swap3A_165 = arith.constant 32 : index
        %swap3A_166 = tpu.vector_load %arg6[%swap3A_164, %swap3A_165] {strides = array<i32>} : memref<80x128xi32, #tpu.memory_space<vmem>>, vector<1x16xi32>,
        %swap3A_167 = vector.shape_cast %swap3A_166 : vector<1x16xi32> to vector<16xi32>
        %swap3A_168 = vector.shape_cast %broadcast_in_dim3A_163 : vector<16xi32> to vector<1x16xi32>
        tpu.vector_store %arg6[%swap3A_164, %swap3A_165], %swap3A_168 {strides = array<i32>} : memref<80x128xi32, #tpu.memory_space<vmem>>, vector<1x16xi32>,
        %broadcast_in_dim3A_169 = arith.constant 10000 : i32
        %broadcast_in_dim3A_170 = vector.broadcast %broadcast_in_dim3A_169 : i32 to vector<16xi32>
        %swap3A_171 = arith.index_cast %scan3A_148 : i32 to index
        %swap3A_172 = arith.constant 48 : index
        %swap3A_173 = tpu.vector_load %arg6[%swap3A_171, %swap3A_172] {strides = array<i32>} : memref<80x128xi32, #tpu.memory_space<vmem>>, vector<1x16xi32>,
        %swap3A_174 = vector.shape_cast %swap3A_173 : vector<1x16xi32> to vector<16xi32>
        %swap3A_175 = vector.shape_cast %broadcast_in_dim3A_170 : vector<16xi32> to vector<1x16xi32>
        tpu.vector_store %arg6[%swap3A_171, %swap3A_172], %swap3A_175 {strides = array<i32>} : memref<80x128xi32, #tpu.memory_space<vmem>>, vector<1x16xi32>,
        %broadcast_in_dim3A_176 = arith.constant 10000 : i32
        %broadcast_in_dim3A_177 = vector.broadcast %broadcast_in_dim3A_176 : i32 to vector<16xi32>
        %swap3A_178 = arith.index_cast %scan3A_148 : i32 to index
        %swap3A_179 = arith.constant 64 : index
        %swap3A_180 = tpu.vector_load %arg6[%swap3A_178, %swap3A_179] {strides = array<i32>} : memref<80x128xi32, #tpu.memory_space<vmem>>, vector<1x16xi32>,
        %swap3A_181 = vector.shape_cast %swap3A_180 : vector<1x16xi32> to vector<16xi32>
        %swap3A_182 = vector.shape_cast %broadcast_in_dim3A_177 : vector<16xi32> to vector<1x16xi32>
        tpu.vector_store %arg6[%swap3A_178, %swap3A_179], %swap3A_182 {strides = array<i32>} : memref<80x128xi32, #tpu.memory_space<vmem>>, vector<1x16xi32>,
        %broadcast_in_dim3A_183 = arith.constant 10000 : i32
        %broadcast_in_dim3A_184 = vector.broadcast %broadcast_in_dim3A_183 : i32 to vector<16xi32>
        %swap3A_185 = arith.index_cast %scan3A_148 : i32 to index
        %swap3A_186 = arith.constant 80 : index
        %swap3A_187 = tpu.vector_load %arg6[%swap3A_185, %swap3A_186] {strides = array<i32>} : memref<80x128xi32, #tpu.memory_space<vmem>>, vector<1x16xi32>,
        %swap3A_188 = vector.shape_cast %swap3A_187 : vector<1x16xi32> to vector<16xi32>
        %swap3A_189 = vector.shape_cast %broadcast_in_dim3A_184 : vector<16xi32> to vector<1x16xi32>
        tpu.vector_store %arg6[%swap3A_185, %swap3A_186], %swap3A_189 {strides = array<i32>} : memref<80x128xi32, #tpu.memory_space<vmem>>, vector<1x16xi32>,
        %broadcast_in_dim3A_190 = arith.constant 10000 : i32
        %broadcast_in_dim3A_191 = vector.broadcast %broadcast_in_dim3A_190 : i32 to vector<16xi32>
        %swap3A_192 = arith.index_cast %scan3A_148 : i32 to index
        %swap3A_193 = arith.constant 96 : index
        %swap3A_194 = tpu.vector_load %arg6[%swap3A_192, %swap3A_193] {strides = array<i32>} : memref<80x128xi32, #tpu.memory_space<vmem>>, vector<1x16xi32>,
        %swap3A_195 = vector.shape_cast %swap3A_194 : vector<1x16xi32> to vector<16xi32>
        %swap3A_196 = vector.shape_cast %broadcast_in_dim3A_191 : vector<16xi32> to vector<1x16xi32>
        tpu.vector_store %arg6[%swap3A_192, %swap3A_193], %swap3A_196 {strides = array<i32>} : memref<80x128xi32, #tpu.memory_space<vmem>>, vector<1x16xi32>,
        %broadcast_in_dim3A_197 = arith.constant 10000 : i32
        %broadcast_in_dim3A_198 = vector.broadcast %broadcast_in_dim3A_197 : i32 to vector<16xi32>
        %swap3A_199 = arith.index_cast %scan3A_148 : i32 to index
        %swap3A_200 = arith.constant 112 : index
        %swap3A_201 = tpu.vector_load %arg6[%swap3A_199, %swap3A_200] {strides = array<i32>} : memref<80x128xi32, #tpu.memory_space<vmem>>, vector<1x16xi32>,
        %swap3A_202 = vector.shape_cast %swap3A_201 : vector<1x16xi32> to vector<16xi32>
        %swap3A_203 = vector.shape_cast %broadcast_in_dim3A_198 : vector<16xi32> to vector<1x16xi32>
        tpu.vector_store %arg6[%swap3A_199, %swap3A_200], %swap3A_203 {strides = array<i32>} : memref<80x128xi32, #tpu.memory_space<vmem>>, vector<1x16xi32>,
        %scan3A_204 = arith.constant 0 : i32
        scf.yield %scan3A_204 : i32
      }
      %scan3A_147 = arith.constant 60 : i32
    } else {
    }
    %lt3A_9 = arith.constant 31 : i32
    %lt3A_10 = arith.cmpi slt, %add3A, %lt3A_9 : i32
    %convert_element_type3A_11 = arith.extui %lt3A_10 : i1 to i32
    %cond3A_12 = arith.constant 1 : i32
    %cond3A_13 = arith.constant 0 : i32
    %cond3A_14 = arith.cmpi ne, %convert_element_type3A_11, %cond3A_13 : i32
    scf.if %cond3A_14 {
      %mul3A_141 = arith.constant 80 : i32
      %mul3A_142 = arith.muli %add3A, %mul3A_141 : i32
      "tpu.region"() ({
        %run_scoped3A = tpu.sem_alloc : memref<!tpu.dma_semaphore, #tpu.memory_space<semaphore_mem>>
        %dma_start3A_143 = arith.constant 0 : i32
        %dma_start3A_144 = arith.constant 0 : i32
        %dma_start3A_145 = tpu.memref_slice %arg3[%cond3A_12, %dma_start3A_143, %dma_start3A_144] : memref<2x2500x128xi32, #tpu.memory_space<hbm>> -> memref<1x2500x128xi32, #tpu.memory_space<hbm>>
        %dma_start3A_146 = tpu.memref_squeeze %dma_start3A_145 : memref<1x2500x128xi32, #tpu.memory_space<hbm>> -> memref<2500x128xi32, #tpu.memory_space<hbm>>
        %dma_start3A_147 = arith.constant 0 : i32
        %dma_start3A_148 = tpu.memref_slice %dma_start3A_146[%mul3A_142, %dma_start3A_147] : memref<2500x128xi32, #tpu.memory_space<hbm>> -> memref<80x128xi32, #tpu.memory_space<hbm>>
        %dma_start3A_149 = arith.constant 0 : i32
        %dma_start3A_150 = arith.constant 0 : i32
        %dma_start3A_151 = tpu.memref_slice %arg3[%cond3A_12, %dma_start3A_149, %dma_start3A_150] : memref<2x2500x128xi32, #tpu.memory_space<hbm>> -> memref<1x2500x128xi32, #tpu.memory_space<hbm>>
        %dma_start3A_152 = tpu.memref_squeeze %dma_start3A_151 : memref<1x2500x128xi32, #tpu.memory_space<hbm>> -> memref<2500x128xi32, #tpu.memory_space<hbm>>
        %dma_start3A_153 = arith.constant 0 : i32
        %dma_start3A_154 = tpu.memref_slice %dma_start3A_152[%mul3A_142, %dma_start3A_153] : memref<2500x128xi32, #tpu.memory_space<hbm>> -> memref<80x128xi32, #tpu.memory_space<hbm>>
        tpu.enqueue_dma source(%dma_start3A_154 : memref<80x128xi32, #tpu.memory_space<hbm>>) target(%arg7 : memref<80x128xi32, #tpu.memory_space<vmem>>) target_semaphore(%run_scoped3A : memref<!tpu.dma_semaphore, #tpu.memory_space<semaphore_mem>>)
        %dma_wait3A_155 = arith.constant 0 : i32
        %dma_wait3A_156 = arith.constant 0 : i32
        %dma_wait3A_157 = tpu.memref_slice %arg3[%cond3A_12, %dma_wait3A_155, %dma_wait3A_156] : memref<2x2500x128xi32, #tpu.memory_space<hbm>> -> memref<1x2500x128xi32, #tpu.memory_space<hbm>>
        %dma_wait3A_158 = tpu.memref_squeeze %dma_wait3A_157 : memref<1x2500x128xi32, #tpu.memory_space<hbm>> -> memref<2500x128xi32, #tpu.memory_space<hbm>>
        %dma_wait3A_159 = arith.constant 0 : i32
        %dma_wait3A_160 = tpu.memref_slice %dma_wait3A_158[%mul3A_142, %dma_wait3A_159] : memref<2500x128xi32, #tpu.memory_space<hbm>> -> memref<80x128xi32, #tpu.memory_space<hbm>>
        %dma_wait3A_161 = arith.constant 0 : i32
        %dma_wait3A_162 = arith.constant 0 : i32
        %dma_wait3A_163 = tpu.memref_slice %arg3[%cond3A_12, %dma_wait3A_161, %dma_wait3A_162] : memref<2x2500x128xi32, #tpu.memory_space<hbm>> -> memref<1x2500x128xi32, #tpu.memory_space<hbm>>
        %dma_wait3A_164 = tpu.memref_squeeze %dma_wait3A_163 : memref<1x2500x128xi32, #tpu.memory_space<hbm>> -> memref<2500x128xi32, #tpu.memory_space<hbm>>
        %dma_wait3A_165 = arith.constant 0 : i32
        %dma_wait3A_166 = tpu.memref_slice %dma_wait3A_164[%mul3A_142, %dma_wait3A_165] : memref<2500x128xi32, #tpu.memory_space<hbm>> -> memref<80x128xi32, #tpu.memory_space<hbm>>
        tpu.wait_dma2 semaphore(%run_scoped3A : memref<!tpu.dma_semaphore, #tpu.memory_space<semaphore_mem>>) src(%dma_wait3A_166 : memref<80x128xi32, #tpu.memory_space<hbm>>) dst(%arg7 : memref<80x128xi32, #tpu.memory_space<vmem>>)
        tpu.yield
      }) : () -> ()
    } else {
    }
    %eq3A_15 = arith.constant 31 : i32
    %eq3A_16 = arith.cmpi eq, %add3A, %eq3A_15 : i32
    %convert_element_type3A_17 = arith.extui %eq3A_16 : i1 to i32
    %cond3A_18 = arith.constant 1 : i32
    %cond3A_19 = arith.constant 0 : i32
    %cond3A_20 = arith.cmpi ne, %convert_element_type3A_17, %cond3A_19 : i32
    scf.if %cond3A_20 {
      "tpu.region"() ({
        %run_scoped3A = tpu.sem_alloc : memref<!tpu.dma_semaphore, #tpu.memory_space<semaphore_mem>>
        %dma_start3A_148 = arith.constant 0 : i32
        %dma_start3A_149 = arith.constant 0 : i32
        %dma_start3A_150 = tpu.memref_slice %arg7[%dma_start3A_148, %dma_start3A_149] : memref<80x128xi32, #tpu.memory_space<vmem>> -> memref<20x128xi32, #tpu.memory_space<vmem>>
        %dma_start3A_151 = arith.constant 0 : i32
        %dma_start3A_152 = arith.constant 0 : i32
        %dma_start3A_153 = tpu.memref_slice %arg3[%cond3A_18, %dma_start3A_151, %dma_start3A_152] : memref<2x2500x128xi32, #tpu.memory_space<hbm>> -> memref<1x2500x128xi32, #tpu.memory_space<hbm>>
        %dma_start3A_154 = tpu.memref_squeeze %dma_start3A_153 : memref<1x2500x128xi32, #tpu.memory_space<hbm>> -> memref<2500x128xi32, #tpu.memory_space<hbm>>
        %dma_start3A_155 = arith.constant 2480 : i32
        %dma_start3A_156 = arith.constant 0 : i32
        %dma_start3A_157 = tpu.memref_slice %dma_start3A_154[%dma_start3A_155, %dma_start3A_156] : memref<2500x128xi32, #tpu.memory_space<hbm>> -> memref<20x128xi32, #tpu.memory_space<hbm>>
        %dma_start3A_158 = arith.constant 0 : i32
        %dma_start3A_159 = arith.constant 0 : i32
        %dma_start3A_160 = tpu.memref_slice %arg7[%dma_start3A_158, %dma_start3A_159] : memref<80x128xi32, #tpu.memory_space<vmem>> -> memref<20x128xi32, #tpu.memory_space<vmem>>
        %dma_start3A_161 = arith.constant 0 : i32
        %dma_start3A_162 = arith.constant 0 : i32
        %dma_start3A_163 = tpu.memref_slice %arg3[%cond3A_18, %dma_start3A_161, %dma_start3A_162] : memref<2x2500x128xi32, #tpu.memory_space<hbm>> -> memref<1x2500x128xi32, #tpu.memory_space<hbm>>
        %dma_start3A_164 = tpu.memref_squeeze %dma_start3A_163 : memref<1x2500x128xi32, #tpu.memory_space<hbm>> -> memref<2500x128xi32, #tpu.memory_space<hbm>>
        %dma_start3A_165 = arith.constant 2480 : i32
        %dma_start3A_166 = arith.constant 0 : i32
        %dma_start3A_167 = tpu.memref_slice %dma_start3A_164[%dma_start3A_165, %dma_start3A_166] : memref<2500x128xi32, #tpu.memory_space<hbm>> -> memref<20x128xi32, #tpu.memory_space<hbm>>
        tpu.enqueue_dma source(%dma_start3A_167 : memref<20x128xi32, #tpu.memory_space<hbm>>) target(%dma_start3A_160 : memref<20x128xi32, #tpu.memory_space<vmem>>) target_semaphore(%run_scoped3A : memref<!tpu.dma_semaphore, #tpu.memory_space<semaphore_mem>>)
        %dma_wait3A_168 = arith.constant 0 : i32
        %dma_wait3A_169 = arith.constant 0 : i32
        %dma_wait3A_170 = tpu.memref_slice %arg7[%dma_wait3A_168, %dma_wait3A_169] : memref<80x128xi32, #tpu.memory_space<vmem>> -> memref<20x128xi32, #tpu.memory_space<vmem>>
        %dma_wait3A_171 = arith.constant 0 : i32
        %dma_wait3A_172 = arith.constant 0 : i32
        %dma_wait3A_173 = tpu.memref_slice %arg3[%cond3A_18, %dma_wait3A_171, %dma_wait3A_172] : memref<2x2500x128xi32, #tpu.memory_space<hbm>> -> memref<1x2500x128xi32, #tpu.memory_space<hbm>>
        %dma_wait3A_174 = tpu.memref_squeeze %dma_wait3A_173 : memref<1x2500x128xi32, #tpu.memory_space<hbm>> -> memref<2500x128xi32, #tpu.memory_space<hbm>>
        %dma_wait3A_175 = arith.constant 2480 : i32
        %dma_wait3A_176 = arith.constant 0 : i32
        %dma_wait3A_177 = tpu.memref_slice %dma_wait3A_174[%dma_wait3A_175, %dma_wait3A_176] : memref<2500x128xi32, #tpu.memory_space<hbm>> -> memref<20x128xi32, #tpu.memory_space<hbm>>
        %dma_wait3A_178 = arith.constant 0 : i32
        %dma_wait3A_179 = arith.constant 0 : i32
        %dma_wait3A_180 = tpu.memref_slice %arg7[%dma_wait3A_178, %dma_wait3A_179] : memref<80x128xi32, #tpu.memory_space<vmem>> -> memref<20x128xi32, #tpu.memory_space<vmem>>
        %dma_wait3A_181 = arith.constant 0 : i32
        %dma_wait3A_182 = arith.constant 0 : i32
        %dma_wait3A_183 = tpu.memref_slice %arg3[%cond3A_18, %dma_wait3A_181, %dma_wait3A_182] : memref<2x2500x128xi32, #tpu.memory_space<hbm>> -> memref<1x2500x128xi32, #tpu.memory_space<hbm>>
        %dma_wait3A_184 = tpu.memref_squeeze %dma_wait3A_183 : memref<1x2500x128xi32, #tpu.memory_space<hbm>> -> memref<2500x128xi32, #tpu.memory_space<hbm>>
        %dma_wait3A_185 = arith.constant 2480 : i32
        %dma_wait3A_186 = arith.constant 0 : i32
        %dma_wait3A_187 = tpu.memref_slice %dma_wait3A_184[%dma_wait3A_185, %dma_wait3A_186] : memref<2500x128xi32, #tpu.memory_space<hbm>> -> memref<20x128xi32, #tpu.memory_space<hbm>>
        tpu.wait_dma2 semaphore(%run_scoped3A : memref<!tpu.dma_semaphore, #tpu.memory_space<semaphore_mem>>) src(%dma_wait3A_187 : memref<20x128xi32, #tpu.memory_space<hbm>>) dst(%dma_wait3A_180 : memref<20x128xi32, #tpu.memory_space<vmem>>)
        tpu.yield
      }) : () -> ()
      %scan3A_141 = arith.constant 0 : i32
      %scan3A_142 = arith.constant 20 : i32
      %scan3A_143 = arith.constant 60 : i32
      %scan3A_144 = arith.addi %scan3A_142, %scan3A_143 : i32
      %scan3A_145 = arith.constant 1 : i32
      %scan3A_146 = scf.for %scan3A_148 = %scan3A_142 to %scan3A_144 step %scan3A_145 iter_args(%scan3A_149 = %scan3A_141) -> (i32)  : i32 {
        %broadcast_in_dim3A = arith.constant 10000 : i32
        %broadcast_in_dim3A_150 = vector.broadcast %broadcast_in_dim3A : i32 to vector<16xi32>
        %swap3A = arith.index_cast %scan3A_148 : i32 to index
        %swap3A_151 = arith.constant 0 : index
        %swap3A_152 = tpu.vector_load %arg7[%swap3A, %swap3A_151] {strides = array<i32>} : memref<80x128xi32, #tpu.memory_space<vmem>>, vector<1x16xi32>,
        %swap3A_153 = vector.shape_cast %swap3A_152 : vector<1x16xi32> to vector<16xi32>
        %swap3A_154 = vector.shape_cast %broadcast_in_dim3A_150 : vector<16xi32> to vector<1x16xi32>
        tpu.vector_store %arg7[%swap3A, %swap3A_151], %swap3A_154 {strides = array<i32>} : memref<80x128xi32, #tpu.memory_space<vmem>>, vector<1x16xi32>,
        %broadcast_in_dim3A_155 = arith.constant 10000 : i32
        %broadcast_in_dim3A_156 = vector.broadcast %broadcast_in_dim3A_155 : i32 to vector<16xi32>
        %swap3A_157 = arith.index_cast %scan3A_148 : i32 to index
        %swap3A_158 = arith.constant 16 : index
        %swap3A_159 = tpu.vector_load %arg7[%swap3A_157, %swap3A_158] {strides = array<i32>} : memref<80x128xi32, #tpu.memory_space<vmem>>, vector<1x16xi32>,
        %swap3A_160 = vector.shape_cast %swap3A_159 : vector<1x16xi32> to vector<16xi32>
        %swap3A_161 = vector.shape_cast %broadcast_in_dim3A_156 : vector<16xi32> to vector<1x16xi32>
        tpu.vector_store %arg7[%swap3A_157, %swap3A_158], %swap3A_161 {strides = array<i32>} : memref<80x128xi32, #tpu.memory_space<vmem>>, vector<1x16xi32>,
        %broadcast_in_dim3A_162 = arith.constant 10000 : i32
        %broadcast_in_dim3A_163 = vector.broadcast %broadcast_in_dim3A_162 : i32 to vector<16xi32>
        %swap3A_164 = arith.index_cast %scan3A_148 : i32 to index
        %swap3A_165 = arith.constant 32 : index
        %swap3A_166 = tpu.vector_load %arg7[%swap3A_164, %swap3A_165] {strides = array<i32>} : memref<80x128xi32, #tpu.memory_space<vmem>>, vector<1x16xi32>,
        %swap3A_167 = vector.shape_cast %swap3A_166 : vector<1x16xi32> to vector<16xi32>
        %swap3A_168 = vector.shape_cast %broadcast_in_dim3A_163 : vector<16xi32> to vector<1x16xi32>
        tpu.vector_store %arg7[%swap3A_164, %swap3A_165], %swap3A_168 {strides = array<i32>} : memref<80x128xi32, #tpu.memory_space<vmem>>, vector<1x16xi32>,
        %broadcast_in_dim3A_169 = arith.constant 10000 : i32
        %broadcast_in_dim3A_170 = vector.broadcast %broadcast_in_dim3A_169 : i32 to vector<16xi32>
        %swap3A_171 = arith.index_cast %scan3A_148 : i32 to index
        %swap3A_172 = arith.constant 48 : index
        %swap3A_173 = tpu.vector_load %arg7[%swap3A_171, %swap3A_172] {strides = array<i32>} : memref<80x128xi32, #tpu.memory_space<vmem>>, vector<1x16xi32>,
        %swap3A_174 = vector.shape_cast %swap3A_173 : vector<1x16xi32> to vector<16xi32>
        %swap3A_175 = vector.shape_cast %broadcast_in_dim3A_170 : vector<16xi32> to vector<1x16xi32>
        tpu.vector_store %arg7[%swap3A_171, %swap3A_172], %swap3A_175 {strides = array<i32>} : memref<80x128xi32, #tpu.memory_space<vmem>>, vector<1x16xi32>,
        %broadcast_in_dim3A_176 = arith.constant 10000 : i32
        %broadcast_in_dim3A_177 = vector.broadcast %broadcast_in_dim3A_176 : i32 to vector<16xi32>
        %swap3A_178 = arith.index_cast %scan3A_148 : i32 to index
        %swap3A_179 = arith.constant 64 : index
        %swap3A_180 = tpu.vector_load %arg7[%swap3A_178, %swap3A_179] {strides = array<i32>} : memref<80x128xi32, #tpu.memory_space<vmem>>, vector<1x16xi32>,
        %swap3A_181 = vector.shape_cast %swap3A_180 : vector<1x16xi32> to vector<16xi32>
        %swap3A_182 = vector.shape_cast %broadcast_in_dim3A_177 : vector<16xi32> to vector<1x16xi32>
        tpu.vector_store %arg7[%swap3A_178, %swap3A_179], %swap3A_182 {strides = array<i32>} : memref<80x128xi32, #tpu.memory_space<vmem>>, vector<1x16xi32>,
        %broadcast_in_dim3A_183 = arith.constant 10000 : i32
        %broadcast_in_dim3A_184 = vector.broadcast %broadcast_in_dim3A_183 : i32 to vector<16xi32>
        %swap3A_185 = arith.index_cast %scan3A_148 : i32 to index
        %swap3A_186 = arith.constant 80 : index
        %swap3A_187 = tpu.vector_load %arg7[%swap3A_185, %swap3A_186] {strides = array<i32>} : memref<80x128xi32, #tpu.memory_space<vmem>>, vector<1x16xi32>,
        %swap3A_188 = vector.shape_cast %swap3A_187 : vector<1x16xi32> to vector<16xi32>
        %swap3A_189 = vector.shape_cast %broadcast_in_dim3A_184 : vector<16xi32> to vector<1x16xi32>
        tpu.vector_store %arg7[%swap3A_185, %swap3A_186], %swap3A_189 {strides = array<i32>} : memref<80x128xi32, #tpu.memory_space<vmem>>, vector<1x16xi32>,
        %broadcast_in_dim3A_190 = arith.constant 10000 : i32
        %broadcast_in_dim3A_191 = vector.broadcast %broadcast_in_dim3A_190 : i32 to vector<16xi32>
        %swap3A_192 = arith.index_cast %scan3A_148 : i32 to index
        %swap3A_193 = arith.constant 96 : index
        %swap3A_194 = tpu.vector_load %arg7[%swap3A_192, %swap3A_193] {strides = array<i32>} : memref<80x128xi32, #tpu.memory_space<vmem>>, vector<1x16xi32>,
        %swap3A_195 = vector.shape_cast %swap3A_194 : vector<1x16xi32> to vector<16xi32>
        %swap3A_196 = vector.shape_cast %broadcast_in_dim3A_191 : vector<16xi32> to vector<1x16xi32>
        tpu.vector_store %arg7[%swap3A_192, %swap3A_193], %swap3A_196 {strides = array<i32>} : memref<80x128xi32, #tpu.memory_space<vmem>>, vector<1x16xi32>,
        %broadcast_in_dim3A_197 = arith.constant 10000 : i32
        %broadcast_in_dim3A_198 = vector.broadcast %broadcast_in_dim3A_197 : i32 to vector<16xi32>
        %swap3A_199 = arith.index_cast %scan3A_148 : i32 to index
        %swap3A_200 = arith.constant 112 : index
        %swap3A_201 = tpu.vector_load %arg7[%swap3A_199, %swap3A_200] {strides = array<i32>} : memref<80x128xi32, #tpu.memory_space<vmem>>, vector<1x16xi32>,
        %swap3A_202 = vector.shape_cast %swap3A_201 : vector<1x16xi32> to vector<16xi32>
        %swap3A_203 = vector.shape_cast %broadcast_in_dim3A_198 : vector<16xi32> to vector<1x16xi32>
        tpu.vector_store %arg7[%swap3A_199, %swap3A_200], %swap3A_203 {strides = array<i32>} : memref<80x128xi32, #tpu.memory_space<vmem>>, vector<1x16xi32>,
        %scan3A_204 = arith.constant 0 : i32
        scf.yield %scan3A_204 : i32
      }
      %scan3A_147 = arith.constant 60 : i32
    } else {
    }
    %mul3A_21 = arith.constant 640 : i32
    %mul3A_22 = arith.muli %arg1, %mul3A_21 : i32
    "tpu.region"() ({
      %run_scoped3A = tpu.sem_alloc : memref<!tpu.dma_semaphore, #tpu.memory_space<semaphore_mem>>
      %dma_start3A_141 = arith.constant 0 : i32
      %dma_start3A_142 = tpu.memref_slice %arg32[%mul3A_22, %dma_start3A_141] : memref<10240x16xf32, #tpu.memory_space<vmem_shared>> -> memref<640x16xf32, #tpu.memory_space<vmem_shared>>
      tpu.enqueue_dma source(%arg4 : memref<640x16xf32, #tpu.memory_space<hbm>>) target(%dma_start3A_142 : memref<640x16xf32, #tpu.memory_space<vmem_shared>>) target_semaphore(%run_scoped3A : memref<!tpu.dma_semaphore, #tpu.memory_space<semaphore_mem>>)
      %dma_wait3A_143 = arith.constant 0 : i32
      %dma_wait3A_144 = tpu.memref_slice %arg32[%mul3A_22, %dma_wait3A_143] : memref<10240x16xf32, #tpu.memory_space<vmem_shared>> -> memref<640x16xf32, #tpu.memory_space<vmem_shared>>
      tpu.wait_dma2 semaphore(%run_scoped3A : memref<!tpu.dma_semaphore, #tpu.memory_space<semaphore_mem>>) src(%arg4 : memref<640x16xf32, #tpu.memory_space<hbm>>) dst(%dma_wait3A_144 : memref<640x16xf32, #tpu.memory_space<vmem_shared>>)
      tpu.yield
    }) : () -> ()
    %mul3A_23 = arith.constant 626 : i32
    %mul3A_24 = arith.muli %arg1, %mul3A_23 : i32
    %mul3A_25 = arith.constant 626 : i32
    %mul3A_26 = arith.muli %arg1, %mul3A_25 : i32
    "tpu.region"() ({
      %run_scoped3A = tpu.sem_alloc : memref<!tpu.dma_semaphore, #tpu.memory_space<semaphore_mem>>
      %dma_start3A_141 = arith.constant 0 : i32
      %dma_start3A_142 = tpu.memref_slice %arg33[%mul3A_26, %dma_start3A_141] : memref<10016x16xf32, #tpu.memory_space<vmem_shared>> -> memref<626x16xf32, #tpu.memory_space<vmem_shared>>
      %dma_start3A_143 = arith.constant 0 : i32
      %dma_start3A_144 = tpu.memref_slice %arg2[%mul3A_24, %dma_start3A_143] : memref<10016x16xf32, #tpu.memory_space<hbm>> -> memref<626x16xf32, #tpu.memory_space<hbm>>
      tpu.enqueue_dma source(%dma_start3A_144 : memref<626x16xf32, #tpu.memory_space<hbm>>) target(%dma_start3A_142 : memref<626x16xf32, #tpu.memory_space<vmem_shared>>) target_semaphore(%run_scoped3A : memref<!tpu.dma_semaphore, #tpu.memory_space<semaphore_mem>>)
      %dma_wait3A_145 = arith.constant 0 : i32
      %dma_wait3A_146 = tpu.memref_slice %arg33[%mul3A_26, %dma_wait3A_145] : memref<10016x16xf32, #tpu.memory_space<vmem_shared>> -> memref<626x16xf32, #tpu.memory_space<vmem_shared>>
      %dma_wait3A_147 = arith.constant 0 : i32
      %dma_wait3A_148 = tpu.memref_slice %arg2[%mul3A_24, %dma_wait3A_147] : memref<10016x16xf32, #tpu.memory_space<hbm>> -> memref<626x16xf32, #tpu.memory_space<hbm>>
      tpu.wait_dma2 semaphore(%run_scoped3A : memref<!tpu.dma_semaphore, #tpu.memory_space<semaphore_mem>>) src(%dma_wait3A_148 : memref<626x16xf32, #tpu.memory_space<hbm>>) dst(%dma_wait3A_146 : memref<626x16xf32, #tpu.memory_space<vmem_shared>>)
      tpu.yield
    }) : () -> ()
    %barrier3A = arith.constant 0 : index
    tpu.barrier barrier_id(%barrier3A)
    %dma_start3A = arith.constant 0 : i32
    %dma_start3A_27 = arith.constant 0 : i32
    %dma_start3A_28 = tpu.memref_slice %arg6[%dma_start3A, %dma_start3A_27] : memref<80x128xi32, #tpu.memory_space<vmem>> -> memref<1x128xi32, #tpu.memory_space<vmem>>
    %dma_start3A_29 = tpu.memref_squeeze %dma_start3A_28 : memref<1x128xi32, #tpu.memory_space<vmem>> -> memref<128xi32, #tpu.memory_space<vmem>>
    %dma_start3A_30 = arith.constant 0 : i32
    %dma_start3A_31 = arith.constant 0 : i32
    %dma_start3A_32 = tpu.memref_slice %arg33[%dma_start3A_30, %dma_start3A_31] : memref<10016x16xf32, #tpu.memory_space<vmem_shared>> -> memref<10016x16xf32, #tpu.memory_space<vmem_shared>>
    tpu.enqueue_indirect_dma source(%dma_start3A_32 : memref<10016x16xf32, #tpu.memory_space<vmem_shared>>) target(%arg8 : memref<128x16xf32, #tpu.memory_space<vmem>>) offsets(%dma_start3A_29 : memref<128xi32, #tpu.memory_space<vmem>>) semaphore(%arg16 : memref<!tpu.dma_semaphore, #tpu.memory_space<semaphore_mem>>)
    %dma_start3A_33 = arith.constant 1 : i32
    %dma_start3A_34 = arith.constant 0 : i32
    %dma_start3A_35 = tpu.memref_slice %arg6[%dma_start3A_33, %dma_start3A_34] : memref<80x128xi32, #tpu.memory_space<vmem>> -> memref<1x128xi32, #tpu.memory_space<vmem>>
    %dma_start3A_36 = tpu.memref_squeeze %dma_start3A_35 : memref<1x128xi32, #tpu.memory_space<vmem>> -> memref<128xi32, #tpu.memory_space<vmem>>
    %dma_start3A_37 = arith.constant 0 : i32
    %dma_start3A_38 = arith.constant 0 : i32
    %dma_start3A_39 = tpu.memref_slice %arg33[%dma_start3A_37, %dma_start3A_38] : memref<10016x16xf32, #tpu.memory_space<vmem_shared>> -> memref<10016x16xf32, #tpu.memory_space<vmem_shared>>
    tpu.enqueue_indirect_dma source(%dma_start3A_39 : memref<10016x16xf32, #tpu.memory_space<vmem_shared>>) target(%arg9 : memref<128x16xf32, #tpu.memory_space<vmem>>) offsets(%dma_start3A_36 : memref<128xi32, #tpu.memory_space<vmem>>) semaphore(%arg17 : memref<!tpu.dma_semaphore, #tpu.memory_space<semaphore_mem>>)
    %dma_start3A_40 = arith.constant 2 : i32
    %dma_start3A_41 = arith.constant 0 : i32
    %dma_start3A_42 = tpu.memref_slice %arg6[%dma_start3A_40, %dma_start3A_41] : memref<80x128xi32, #tpu.memory_space<vmem>> -> memref<1x128xi32, #tpu.memory_space<vmem>>
    %dma_start3A_43 = tpu.memref_squeeze %dma_start3A_42 : memref<1x128xi32, #tpu.memory_space<vmem>> -> memref<128xi32, #tpu.memory_space<vmem>>
    %dma_start3A_44 = arith.constant 0 : i32
    %dma_start3A_45 = arith.constant 0 : i32
    %dma_start3A_46 = tpu.memref_slice %arg33[%dma_start3A_44, %dma_start3A_45] : memref<10016x16xf32, #tpu.memory_space<vmem_shared>> -> memref<10016x16xf32, #tpu.memory_space<vmem_shared>>
    tpu.enqueue_indirect_dma source(%dma_start3A_46 : memref<10016x16xf32, #tpu.memory_space<vmem_shared>>) target(%arg10 : memref<128x16xf32, #tpu.memory_space<vmem>>) offsets(%dma_start3A_43 : memref<128xi32, #tpu.memory_space<vmem>>) semaphore(%arg18 : memref<!tpu.dma_semaphore, #tpu.memory_space<semaphore_mem>>)
    %dma_start3A_47 = arith.constant 3 : i32
    %dma_start3A_48 = arith.constant 0 : i32
    %dma_start3A_49 = tpu.memref_slice %arg6[%dma_start3A_47, %dma_start3A_48] : memref<80x128xi32, #tpu.memory_space<vmem>> -> memref<1x128xi32, #tpu.memory_space<vmem>>
    %dma_start3A_50 = tpu.memref_squeeze %dma_start3A_49 : memref<1x128xi32, #tpu.memory_space<vmem>> -> memref<128xi32, #tpu.memory_space<vmem>>
    %dma_start3A_51 = arith.constant 0 : i32
    %dma_start3A_52 = arith.constant 0 : i32
    %dma_start3A_53 = tpu.memref_slice %arg33[%dma_start3A_51, %dma_start3A_52] : memref<10016x16xf32, #tpu.memory_space<vmem_shared>> -> memref<10016x16xf32, #tpu.memory_space<vmem_shared>>
    tpu.enqueue_indirect_dma source(%dma_start3A_53 : memref<10016x16xf32, #tpu.memory_space<vmem_shared>>) target(%arg11 : memref<128x16xf32, #tpu.memory_space<vmem>>) offsets(%dma_start3A_50 : memref<128xi32, #tpu.memory_space<vmem>>) semaphore(%arg19 : memref<!tpu.dma_semaphore, #tpu.memory_space<semaphore_mem>>)
    %dma_start3A_54 = arith.constant 4 : i32
    %dma_start3A_55 = arith.constant 0 : i32
    %dma_start3A_56 = tpu.memref_slice %arg6[%dma_start3A_54, %dma_start3A_55] : memref<80x128xi32, #tpu.memory_space<vmem>> -> memref<1x128xi32, #tpu.memory_space<vmem>>
    %dma_start3A_57 = tpu.memref_squeeze %dma_start3A_56 : memref<1x128xi32, #tpu.memory_space<vmem>> -> memref<128xi32, #tpu.memory_space<vmem>>
    %dma_start3A_58 = arith.constant 0 : i32
    %dma_start3A_59 = arith.constant 0 : i32
    %dma_start3A_60 = tpu.memref_slice %arg33[%dma_start3A_58, %dma_start3A_59] : memref<10016x16xf32, #tpu.memory_space<vmem_shared>> -> memref<10016x16xf32, #tpu.memory_space<vmem_shared>>
    tpu.enqueue_indirect_dma source(%dma_start3A_60 : memref<10016x16xf32, #tpu.memory_space<vmem_shared>>) target(%arg12 : memref<128x16xf32, #tpu.memory_space<vmem>>) offsets(%dma_start3A_57 : memref<128xi32, #tpu.memory_space<vmem>>) semaphore(%arg20 : memref<!tpu.dma_semaphore, #tpu.memory_space<semaphore_mem>>)
    %dma_start3A_61 = arith.constant 5 : i32
    %dma_start3A_62 = arith.constant 0 : i32
    %dma_start3A_63 = tpu.memref_slice %arg6[%dma_start3A_61, %dma_start3A_62] : memref<80x128xi32, #tpu.memory_space<vmem>> -> memref<1x128xi32, #tpu.memory_space<vmem>>
    %dma_start3A_64 = tpu.memref_squeeze %dma_start3A_63 : memref<1x128xi32, #tpu.memory_space<vmem>> -> memref<128xi32, #tpu.memory_space<vmem>>
    %dma_start3A_65 = arith.constant 0 : i32
    %dma_start3A_66 = arith.constant 0 : i32
    %dma_start3A_67 = tpu.memref_slice %arg33[%dma_start3A_65, %dma_start3A_66] : memref<10016x16xf32, #tpu.memory_space<vmem_shared>> -> memref<10016x16xf32, #tpu.memory_space<vmem_shared>>
    tpu.enqueue_indirect_dma source(%dma_start3A_67 : memref<10016x16xf32, #tpu.memory_space<vmem_shared>>) target(%arg13 : memref<128x16xf32, #tpu.memory_space<vmem>>) offsets(%dma_start3A_64 : memref<128xi32, #tpu.memory_space<vmem>>) semaphore(%arg21 : memref<!tpu.dma_semaphore, #tpu.memory_space<semaphore_mem>>)
    %dma_start3A_68 = arith.constant 6 : i32
    %dma_start3A_69 = arith.constant 0 : i32
    %dma_start3A_70 = tpu.memref_slice %arg6[%dma_start3A_68, %dma_start3A_69] : memref<80x128xi32, #tpu.memory_space<vmem>> -> memref<1x128xi32, #tpu.memory_space<vmem>>
    %dma_start3A_71 = tpu.memref_squeeze %dma_start3A_70 : memref<1x128xi32, #tpu.memory_space<vmem>> -> memref<128xi32, #tpu.memory_space<vmem>>
    %dma_start3A_72 = arith.constant 0 : i32
    %dma_start3A_73 = arith.constant 0 : i32
    %dma_start3A_74 = tpu.memref_slice %arg33[%dma_start3A_72, %dma_start3A_73] : memref<10016x16xf32, #tpu.memory_space<vmem_shared>> -> memref<10016x16xf32, #tpu.memory_space<vmem_shared>>
    tpu.enqueue_indirect_dma source(%dma_start3A_74 : memref<10016x16xf32, #tpu.memory_space<vmem_shared>>) target(%arg14 : memref<128x16xf32, #tpu.memory_space<vmem>>) offsets(%dma_start3A_71 : memref<128xi32, #tpu.memory_space<vmem>>) semaphore(%arg22 : memref<!tpu.dma_semaphore, #tpu.memory_space<semaphore_mem>>)
    %scan3A = arith.constant 0 : i32
    %scan3A_75 = arith.constant 0 : i32
    %scan3A_76 = arith.constant 10 : i32
    %scan3A_77 = arith.addi %scan3A_75, %scan3A_76 : i32
    %scan3A_78 = arith.constant 1 : i32
    %scan3A_79 = scf.for %scan3A_141 = %scan3A_75 to %scan3A_77 step %scan3A_78 iter_args(%scan3A_142 = %scan3A) -> (i32)  : i32 {
      %mul3A_143 = arith.constant 8 : i32
      %mul3A_144 = arith.muli %mul3A_143, %scan3A_141 : i32
      %add3A_145 = arith.constant 0 : i32
      %add3A_146 = arith.addi %mul3A_144, %add3A_145 : i32
      %dma_wait3A_147 = arith.constant 0 : i32
      %dma_wait3A_148 = tpu.memref_slice %arg6[%add3A_146, %dma_wait3A_147] : memref<80x128xi32, #tpu.memory_space<vmem>> -> memref<1x128xi32, #tpu.memory_space<vmem>>
      %dma_wait3A_149 = tpu.memref_squeeze %dma_wait3A_148 : memref<1x128xi32, #tpu.memory_space<vmem>> -> memref<128xi32, #tpu.memory_space<vmem>>
      %dma_wait3A_150 = arith.constant 0 : i32
      %dma_wait3A_151 = arith.constant 0 : i32
      %dma_wait3A_152 = tpu.memref_slice %arg33[%dma_wait3A_150, %dma_wait3A_151] : memref<10016x16xf32, #tpu.memory_space<vmem_shared>> -> memref<10016x16xf32, #tpu.memory_space<vmem_shared>>
      tpu.wait_indirect_dma semaphore(%arg16 : memref<!tpu.dma_semaphore, #tpu.memory_space<semaphore_mem>>) src(%dma_wait3A_152 : memref<10016x16xf32, #tpu.memory_space<vmem_shared>>) dst(%arg8 : memref<128x16xf32, #tpu.memory_space<vmem>>)
      %dma_start3A_153 = arith.constant 0 : i32
      %dma_start3A_154 = tpu.memref_slice %arg7[%add3A_146, %dma_start3A_153] : memref<80x128xi32, #tpu.memory_space<vmem>> -> memref<1x128xi32, #tpu.memory_space<vmem>>
      %dma_start3A_155 = tpu.memref_squeeze %dma_start3A_154 : memref<1x128xi32, #tpu.memory_space<vmem>> -> memref<128xi32, #tpu.memory_space<vmem>>
      %dma_start3A_156 = arith.constant 0 : i32
      %dma_start3A_157 = arith.constant 0 : i32
      %dma_start3A_158 = tpu.memref_slice %arg32[%dma_start3A_156, %dma_start3A_157] : memref<10240x16xf32, #tpu.memory_space<vmem_shared>> -> memref<10240x16xf32, #tpu.memory_space<vmem_shared>>
      tpu.enqueue_indirect_dma source(%arg8 : memref<128x16xf32, #tpu.memory_space<vmem>>) target(%dma_start3A_158 : memref<10240x16xf32, #tpu.memory_space<vmem_shared>>) offsets(%dma_start3A_155 : memref<128xi32, #tpu.memory_space<vmem>>) semaphore(%arg24 : memref<!tpu.dma_semaphore, #tpu.memory_space<semaphore_mem>>) {add = true}
      %ge3A = arith.constant 1 : i32
      %ge3A_159 = arith.cmpi sge, %scan3A_141, %ge3A : i32
      %convert_element_type3A_160 = arith.extui %ge3A_159 : i1 to i32
      %cond3A_161 = arith.constant 0 : i32
      %cond3A_162 = arith.cmpi ne, %convert_element_type3A_160, %cond3A_161 : i32
      scf.if %cond3A_162 {
        %dma_wait3A_320 = arith.constant 0 : i32
        %dma_wait3A_321 = arith.constant 0 : i32
        %dma_wait3A_322 = tpu.memref_slice %arg7[%dma_wait3A_320, %dma_wait3A_321] : memref<80x128xi32, #tpu.memory_space<vmem>> -> memref<1x128xi32, #tpu.memory_space<vmem>>
        %dma_wait3A_323 = tpu.memref_squeeze %dma_wait3A_322 : memref<1x128xi32, #tpu.memory_space<vmem>> -> memref<128xi32, #tpu.memory_space<vmem>>
        %dma_wait3A_324 = arith.constant 0 : i32
        %dma_wait3A_325 = arith.constant 0 : i32
        %dma_wait3A_326 = tpu.memref_slice %arg32[%dma_wait3A_324, %dma_wait3A_325] : memref<10240x16xf32, #tpu.memory_space<vmem_shared>> -> memref<10240x16xf32, #tpu.memory_space<vmem_shared>>
        tpu.wait_indirect_dma semaphore(%arg31 : memref<!tpu.dma_semaphore, #tpu.memory_space<semaphore_mem>>) src(%arg15 : memref<128x16xf32, #tpu.memory_space<vmem>>) dst(%dma_wait3A_326 : memref<10240x16xf32, #tpu.memory_space<vmem_shared>>)
      } else {
      }
      %add3A_163 = arith.constant 8 : i32
      %add3A_164 = arith.addi %add3A_146, %add3A_163 : i32
      %sub3A = arith.constant 1 : i32
      %sub3A_165 = arith.subi %add3A_164, %sub3A : i32
      %dma_start3A_166 = arith.constant 0 : i32
      %dma_start3A_167 = tpu.memref_slice %arg6[%sub3A_165, %dma_start3A_166] : memref<80x128xi32, #tpu.memory_space<vmem>> -> memref<1x128xi32, #tpu.memory_space<vmem>>
      %dma_start3A_168 = tpu.memref_squeeze %dma_start3A_167 : memref<1x128xi32, #tpu.memory_space<vmem>> -> memref<128xi32, #tpu.memory_space<vmem>>
      %dma_start3A_169 = arith.constant 0 : i32
      %dma_start3A_170 = arith.constant 0 : i32
      %dma_start3A_171 = tpu.memref_slice %arg33[%dma_start3A_169, %dma_start3A_170] : memref<10016x16xf32, #tpu.memory_space<vmem_shared>> -> memref<10016x16xf32, #tpu.memory_space<vmem_shared>>
      tpu.enqueue_indirect_dma source(%dma_start3A_171 : memref<10016x16xf32, #tpu.memory_space<vmem_shared>>) target(%arg15 : memref<128x16xf32, #tpu.memory_space<vmem>>) offsets(%dma_start3A_168 : memref<128xi32, #tpu.memory_space<vmem>>) semaphore(%arg23 : memref<!tpu.dma_semaphore, #tpu.memory_space<semaphore_mem>>)
      %mul3A_172 = arith.constant 8 : i32
      %mul3A_173 = arith.muli %mul3A_172, %scan3A_141 : i32
      %add3A_174 = arith.constant 1 : i32
      %add3A_175 = arith.addi %mul3A_173, %add3A_174 : i32
      %dma_wait3A_176 = arith.constant 0 : i32
      %dma_wait3A_177 = tpu.memref_slice %arg6[%add3A_175, %dma_wait3A_176] : memref<80x128xi32, #tpu.memory_space<vmem>> -> memref<1x128xi32, #tpu.memory_space<vmem>>
      %dma_wait3A_178 = tpu.memref_squeeze %dma_wait3A_177 : memref<1x128xi32, #tpu.memory_space<vmem>> -> memref<128xi32, #tpu.memory_space<vmem>>
      %dma_wait3A_179 = arith.constant 0 : i32
      %dma_wait3A_180 = arith.constant 0 : i32
      %dma_wait3A_181 = tpu.memref_slice %arg33[%dma_wait3A_179, %dma_wait3A_180] : memref<10016x16xf32, #tpu.memory_space<vmem_shared>> -> memref<10016x16xf32, #tpu.memory_space<vmem_shared>>
      tpu.wait_indirect_dma semaphore(%arg17 : memref<!tpu.dma_semaphore, #tpu.memory_space<semaphore_mem>>) src(%dma_wait3A_181 : memref<10016x16xf32, #tpu.memory_space<vmem_shared>>) dst(%arg9 : memref<128x16xf32, #tpu.memory_space<vmem>>)
      %dma_start3A_182 = arith.constant 0 : i32
      %dma_start3A_183 = tpu.memref_slice %arg7[%add3A_175, %dma_start3A_182] : memref<80x128xi32, #tpu.memory_space<vmem>> -> memref<1x128xi32, #tpu.memory_space<vmem>>
      %dma_start3A_184 = tpu.memref_squeeze %dma_start3A_183 : memref<1x128xi32, #tpu.memory_space<vmem>> -> memref<128xi32, #tpu.memory_space<vmem>>
      %dma_start3A_185 = arith.constant 0 : i32
      %dma_start3A_186 = arith.constant 0 : i32
      %dma_start3A_187 = tpu.memref_slice %arg32[%dma_start3A_185, %dma_start3A_186] : memref<10240x16xf32, #tpu.memory_space<vmem_shared>> -> memref<10240x16xf32, #tpu.memory_space<vmem_shared>>
      tpu.enqueue_indirect_dma source(%arg9 : memref<128x16xf32, #tpu.memory_space<vmem>>) target(%dma_start3A_187 : memref<10240x16xf32, #tpu.memory_space<vmem_shared>>) offsets(%dma_start3A_184 : memref<128xi32, #tpu.memory_space<vmem>>) semaphore(%arg25 : memref<!tpu.dma_semaphore, #tpu.memory_space<semaphore_mem>>) {add = true}
      %lt3A_188 = arith.constant 9 : i32
      %lt3A_189 = arith.cmpi slt, %scan3A_141, %lt3A_188 : i32
      %convert_element_type3A_190 = arith.extui %lt3A_189 : i1 to i32
      %cond3A_191 = arith.constant 0 : i32
      %cond3A_192 = arith.cmpi ne, %convert_element_type3A_190, %cond3A_191 : i32
      scf.if %cond3A_192 {
        %dma_wait3A_320 = arith.constant 0 : i32
        %dma_wait3A_321 = arith.constant 0 : i32
        %dma_wait3A_322 = tpu.memref_slice %arg7[%dma_wait3A_320, %dma_wait3A_321] : memref<80x128xi32, #tpu.memory_space<vmem>> -> memref<1x128xi32, #tpu.memory_space<vmem>>
        %dma_wait3A_323 = tpu.memref_squeeze %dma_wait3A_322 : memref<1x128xi32, #tpu.memory_space<vmem>> -> memref<128xi32, #tpu.memory_space<vmem>>
        %dma_wait3A_324 = arith.constant 0 : i32
        %dma_wait3A_325 = arith.constant 0 : i32
        %dma_wait3A_326 = tpu.memref_slice %arg32[%dma_wait3A_324, %dma_wait3A_325] : memref<10240x16xf32, #tpu.memory_space<vmem_shared>> -> memref<10240x16xf32, #tpu.memory_space<vmem_shared>>
        tpu.wait_indirect_dma semaphore(%arg24 : memref<!tpu.dma_semaphore, #tpu.memory_space<semaphore_mem>>) src(%arg8 : memref<128x16xf32, #tpu.memory_space<vmem>>) dst(%dma_wait3A_326 : memref<10240x16xf32, #tpu.memory_space<vmem_shared>>)
        %add3A_327 = arith.constant 8 : i32
        %add3A_328 = arith.addi %add3A_175, %add3A_327 : i32
        %sub3A_329 = arith.constant 1 : i32
        %sub3A_330 = arith.subi %add3A_328, %sub3A_329 : i32
        %dma_start3A_331 = arith.constant 0 : i32
        %dma_start3A_332 = tpu.memref_slice %arg6[%sub3A_330, %dma_start3A_331] : memref<80x128xi32, #tpu.memory_space<vmem>> -> memref<1x128xi32, #tpu.memory_space<vmem>>
        %dma_start3A_333 = tpu.memref_squeeze %dma_start3A_332 : memref<1x128xi32, #tpu.memory_space<vmem>> -> memref<128xi32, #tpu.memory_space<vmem>>
        %dma_start3A_334 = arith.constant 0 : i32
        %dma_start3A_335 = arith.constant 0 : i32
        %dma_start3A_336 = tpu.memref_slice %arg33[%dma_start3A_334, %dma_start3A_335] : memref<10016x16xf32, #tpu.memory_space<vmem_shared>> -> memref<10016x16xf32, #tpu.memory_space<vmem_shared>>
        tpu.enqueue_indirect_dma source(%dma_start3A_336 : memref<10016x16xf32, #tpu.memory_space<vmem_shared>>) target(%arg8 : memref<128x16xf32, #tpu.memory_space<vmem>>) offsets(%dma_start3A_333 : memref<128xi32, #tpu.memory_space<vmem>>) semaphore(%arg16 : memref<!tpu.dma_semaphore, #tpu.memory_space<semaphore_mem>>)
      } else {
      }
      %mul3A_193 = arith.constant 8 : i32
      %mul3A_194 = arith.muli %mul3A_193, %scan3A_141 : i32
      %add3A_195 = arith.constant 2 : i32
      %add3A_196 = arith.addi %mul3A_194, %add3A_195 : i32
      %dma_wait3A_197 = arith.constant 0 : i32
      %dma_wait3A_198 = tpu.memref_slice %arg6[%add3A_196, %dma_wait3A_197] : memref<80x128xi32, #tpu.memory_space<vmem>> -> memref<1x128xi32, #tpu.memory_space<vmem>>
      %dma_wait3A_199 = tpu.memref_squeeze %dma_wait3A_198 : memref<1x128xi32, #tpu.memory_space<vmem>> -> memref<128xi32, #tpu.memory_space<vmem>>
      %dma_wait3A_200 = arith.constant 0 : i32
      %dma_wait3A_201 = arith.constant 0 : i32
      %dma_wait3A_202 = tpu.memref_slice %arg33[%dma_wait3A_200, %dma_wait3A_201] : memref<10016x16xf32, #tpu.memory_space<vmem_shared>> -> memref<10016x16xf32, #tpu.memory_space<vmem_shared>>
      tpu.wait_indirect_dma semaphore(%arg18 : memref<!tpu.dma_semaphore, #tpu.memory_space<semaphore_mem>>) src(%dma_wait3A_202 : memref<10016x16xf32, #tpu.memory_space<vmem_shared>>) dst(%arg10 : memref<128x16xf32, #tpu.memory_space<vmem>>)
      %dma_start3A_203 = arith.constant 0 : i32
      %dma_start3A_204 = tpu.memref_slice %arg7[%add3A_196, %dma_start3A_203] : memref<80x128xi32, #tpu.memory_space<vmem>> -> memref<1x128xi32, #tpu.memory_space<vmem>>
      %dma_start3A_205 = tpu.memref_squeeze %dma_start3A_204 : memref<1x128xi32, #tpu.memory_space<vmem>> -> memref<128xi32, #tpu.memory_space<vmem>>
      %dma_start3A_206 = arith.constant 0 : i32
      %dma_start3A_207 = arith.constant 0 : i32
      %dma_start3A_208 = tpu.memref_slice %arg32[%dma_start3A_206, %dma_start3A_207] : memref<10240x16xf32, #tpu.memory_space<vmem_shared>> -> memref<10240x16xf32, #tpu.memory_space<vmem_shared>>
      tpu.enqueue_indirect_dma source(%arg10 : memref<128x16xf32, #tpu.memory_space<vmem>>) target(%dma_start3A_208 : memref<10240x16xf32, #tpu.memory_space<vmem_shared>>) offsets(%dma_start3A_205 : memref<128xi32, #tpu.memory_space<vmem>>) semaphore(%arg26 : memref<!tpu.dma_semaphore, #tpu.memory_space<semaphore_mem>>) {add = true}
      %lt3A_209 = arith.constant 9 : i32
      %lt3A_210 = arith.cmpi slt, %scan3A_141, %lt3A_209 : i32
      %convert_element_type3A_211 = arith.extui %lt3A_210 : i1 to i32
      %cond3A_212 = arith.constant 0 : i32
      %cond3A_213 = arith.cmpi ne, %convert_element_type3A_211, %cond3A_212 : i32
      scf.if %cond3A_213 {
        %dma_wait3A_320 = arith.constant 0 : i32
        %dma_wait3A_321 = arith.constant 0 : i32
        %dma_wait3A_322 = tpu.memref_slice %arg7[%dma_wait3A_320, %dma_wait3A_321] : memref<80x128xi32, #tpu.memory_space<vmem>> -> memref<1x128xi32, #tpu.memory_space<vmem>>
        %dma_wait3A_323 = tpu.memref_squeeze %dma_wait3A_322 : memref<1x128xi32, #tpu.memory_space<vmem>> -> memref<128xi32, #tpu.memory_space<vmem>>
        %dma_wait3A_324 = arith.constant 0 : i32
        %dma_wait3A_325 = arith.constant 0 : i32
        %dma_wait3A_326 = tpu.memref_slice %arg32[%dma_wait3A_324, %dma_wait3A_325] : memref<10240x16xf32, #tpu.memory_space<vmem_shared>> -> memref<10240x16xf32, #tpu.memory_space<vmem_shared>>
        tpu.wait_indirect_dma semaphore(%arg25 : memref<!tpu.dma_semaphore, #tpu.memory_space<semaphore_mem>>) src(%arg9 : memref<128x16xf32, #tpu.memory_space<vmem>>) dst(%dma_wait3A_326 : memref<10240x16xf32, #tpu.memory_space<vmem_shared>>)
        %add3A_327 = arith.constant 8 : i32
        %add3A_328 = arith.addi %add3A_196, %add3A_327 : i32
        %sub3A_329 = arith.constant 1 : i32
        %sub3A_330 = arith.subi %add3A_328, %sub3A_329 : i32
        %dma_start3A_331 = arith.constant 0 : i32
        %dma_start3A_332 = tpu.memref_slice %arg6[%sub3A_330, %dma_start3A_331] : memref<80x128xi32, #tpu.memory_space<vmem>> -> memref<1x128xi32, #tpu.memory_space<vmem>>
        %dma_start3A_333 = tpu.memref_squeeze %dma_start3A_332 : memref<1x128xi32, #tpu.memory_space<vmem>> -> memref<128xi32, #tpu.memory_space<vmem>>
        %dma_start3A_334 = arith.constant 0 : i32
        %dma_start3A_335 = arith.constant 0 : i32
        %dma_start3A_336 = tpu.memref_slice %arg33[%dma_start3A_334, %dma_start3A_335] : memref<10016x16xf32, #tpu.memory_space<vmem_shared>> -> memref<10016x16xf32, #tpu.memory_space<vmem_shared>>
        tpu.enqueue_indirect_dma source(%dma_start3A_336 : memref<10016x16xf32, #tpu.memory_space<vmem_shared>>) target(%arg9 : memref<128x16xf32, #tpu.memory_space<vmem>>) offsets(%dma_start3A_333 : memref<128xi32, #tpu.memory_space<vmem>>) semaphore(%arg17 : memref<!tpu.dma_semaphore, #tpu.memory_space<semaphore_mem>>)
      } else {
      }
      %mul3A_214 = arith.constant 8 : i32
      %mul3A_215 = arith.muli %mul3A_214, %scan3A_141 : i32
      %add3A_216 = arith.constant 3 : i32
      %add3A_217 = arith.addi %mul3A_215, %add3A_216 : i32
      %dma_wait3A_218 = arith.constant 0 : i32
      %dma_wait3A_219 = tpu.memref_slice %arg6[%add3A_217, %dma_wait3A_218] : memref<80x128xi32, #tpu.memory_space<vmem>> -> memref<1x128xi32, #tpu.memory_space<vmem>>
      %dma_wait3A_220 = tpu.memref_squeeze %dma_wait3A_219 : memref<1x128xi32, #tpu.memory_space<vmem>> -> memref<128xi32, #tpu.memory_space<vmem>>
      %dma_wait3A_221 = arith.constant 0 : i32
      %dma_wait3A_222 = arith.constant 0 : i32
      %dma_wait3A_223 = tpu.memref_slice %arg33[%dma_wait3A_221, %dma_wait3A_222] : memref<10016x16xf32, #tpu.memory_space<vmem_shared>> -> memref<10016x16xf32, #tpu.memory_space<vmem_shared>>
      tpu.wait_indirect_dma semaphore(%arg19 : memref<!tpu.dma_semaphore, #tpu.memory_space<semaphore_mem>>) src(%dma_wait3A_223 : memref<10016x16xf32, #tpu.memory_space<vmem_shared>>) dst(%arg11 : memref<128x16xf32, #tpu.memory_space<vmem>>)
      %dma_start3A_224 = arith.constant 0 : i32
      %dma_start3A_225 = tpu.memref_slice %arg7[%add3A_217, %dma_start3A_224] : memref<80x128xi32, #tpu.memory_space<vmem>> -> memref<1x128xi32, #tpu.memory_space<vmem>>
      %dma_start3A_226 = tpu.memref_squeeze %dma_start3A_225 : memref<1x128xi32, #tpu.memory_space<vmem>> -> memref<128xi32, #tpu.memory_space<vmem>>
      %dma_start3A_227 = arith.constant 0 : i32
      %dma_start3A_228 = arith.constant 0 : i32
      %dma_start3A_229 = tpu.memref_slice %arg32[%dma_start3A_227, %dma_start3A_228] : memref<10240x16xf32, #tpu.memory_space<vmem_shared>> -> memref<10240x16xf32, #tpu.memory_space<vmem_shared>>
      tpu.enqueue_indirect_dma source(%arg11 : memref<128x16xf32, #tpu.memory_space<vmem>>) target(%dma_start3A_229 : memref<10240x16xf32, #tpu.memory_space<vmem_shared>>) offsets(%dma_start3A_226 : memref<128xi32, #tpu.memory_space<vmem>>) semaphore(%arg27 : memref<!tpu.dma_semaphore, #tpu.memory_space<semaphore_mem>>) {add = true}
      %lt3A_230 = arith.constant 9 : i32
      %lt3A_231 = arith.cmpi slt, %scan3A_141, %lt3A_230 : i32
      %convert_element_type3A_232 = arith.extui %lt3A_231 : i1 to i32
      %cond3A_233 = arith.constant 0 : i32
      %cond3A_234 = arith.cmpi ne, %convert_element_type3A_232, %cond3A_233 : i32
      scf.if %cond3A_234 {
        %dma_wait3A_320 = arith.constant 0 : i32
        %dma_wait3A_321 = arith.constant 0 : i32
        %dma_wait3A_322 = tpu.memref_slice %arg7[%dma_wait3A_320, %dma_wait3A_321] : memref<80x128xi32, #tpu.memory_space<vmem>> -> memref<1x128xi32, #tpu.memory_space<vmem>>
        %dma_wait3A_323 = tpu.memref_squeeze %dma_wait3A_322 : memref<1x128xi32, #tpu.memory_space<vmem>> -> memref<128xi32, #tpu.memory_space<vmem>>
        %dma_wait3A_324 = arith.constant 0 : i32
        %dma_wait3A_325 = arith.constant 0 : i32
        %dma_wait3A_326 = tpu.memref_slice %arg32[%dma_wait3A_324, %dma_wait3A_325] : memref<10240x16xf32, #tpu.memory_space<vmem_shared>> -> memref<10240x16xf32, #tpu.memory_space<vmem_shared>>
        tpu.wait_indirect_dma semaphore(%arg26 : memref<!tpu.dma_semaphore, #tpu.memory_space<semaphore_mem>>) src(%arg10 : memref<128x16xf32, #tpu.memory_space<vmem>>) dst(%dma_wait3A_326 : memref<10240x16xf32, #tpu.memory_space<vmem_shared>>)
        %add3A_327 = arith.constant 8 : i32
        %add3A_328 = arith.addi %add3A_217, %add3A_327 : i32
        %sub3A_329 = arith.constant 1 : i32
        %sub3A_330 = arith.subi %add3A_328, %sub3A_329 : i32
        %dma_start3A_331 = arith.constant 0 : i32
        %dma_start3A_332 = tpu.memref_slice %arg6[%sub3A_330, %dma_start3A_331] : memref<80x128xi32, #tpu.memory_space<vmem>> -> memref<1x128xi32, #tpu.memory_space<vmem>>
        %dma_start3A_333 = tpu.memref_squeeze %dma_start3A_332 : memref<1x128xi32, #tpu.memory_space<vmem>> -> memref<128xi32, #tpu.memory_space<vmem>>
        %dma_start3A_334 = arith.constant 0 : i32
        %dma_start3A_335 = arith.constant 0 : i32
        %dma_start3A_336 = tpu.memref_slice %arg33[%dma_start3A_334, %dma_start3A_335] : memref<10016x16xf32, #tpu.memory_space<vmem_shared>> -> memref<10016x16xf32, #tpu.memory_space<vmem_shared>>
        tpu.enqueue_indirect_dma source(%dma_start3A_336 : memref<10016x16xf32, #tpu.memory_space<vmem_shared>>) target(%arg10 : memref<128x16xf32, #tpu.memory_space<vmem>>) offsets(%dma_start3A_333 : memref<128xi32, #tpu.memory_space<vmem>>) semaphore(%arg18 : memref<!tpu.dma_semaphore, #tpu.memory_space<semaphore_mem>>)
      } else {
      }
      %mul3A_235 = arith.constant 8 : i32
      %mul3A_236 = arith.muli %mul3A_235, %scan3A_141 : i32
      %add3A_237 = arith.constant 4 : i32
      %add3A_238 = arith.addi %mul3A_236, %add3A_237 : i32
      %dma_wait3A_239 = arith.constant 0 : i32
      %dma_wait3A_240 = tpu.memref_slice %arg6[%add3A_238, %dma_wait3A_239] : memref<80x128xi32, #tpu.memory_space<vmem>> -> memref<1x128xi32, #tpu.memory_space<vmem>>
      %dma_wait3A_241 = tpu.memref_squeeze %dma_wait3A_240 : memref<1x128xi32, #tpu.memory_space<vmem>> -> memref<128xi32, #tpu.memory_space<vmem>>
      %dma_wait3A_242 = arith.constant 0 : i32
      %dma_wait3A_243 = arith.constant 0 : i32
      %dma_wait3A_244 = tpu.memref_slice %arg33[%dma_wait3A_242, %dma_wait3A_243] : memref<10016x16xf32, #tpu.memory_space<vmem_shared>> -> memref<10016x16xf32, #tpu.memory_space<vmem_shared>>
      tpu.wait_indirect_dma semaphore(%arg20 : memref<!tpu.dma_semaphore, #tpu.memory_space<semaphore_mem>>) src(%dma_wait3A_244 : memref<10016x16xf32, #tpu.memory_space<vmem_shared>>) dst(%arg12 : memref<128x16xf32, #tpu.memory_space<vmem>>)
      %dma_start3A_245 = arith.constant 0 : i32
      %dma_start3A_246 = tpu.memref_slice %arg7[%add3A_238, %dma_start3A_245] : memref<80x128xi32, #tpu.memory_space<vmem>> -> memref<1x128xi32, #tpu.memory_space<vmem>>
      %dma_start3A_247 = tpu.memref_squeeze %dma_start3A_246 : memref<1x128xi32, #tpu.memory_space<vmem>> -> memref<128xi32, #tpu.memory_space<vmem>>
      %dma_start3A_248 = arith.constant 0 : i32
      %dma_start3A_249 = arith.constant 0 : i32
      %dma_start3A_250 = tpu.memref_slice %arg32[%dma_start3A_248, %dma_start3A_249] : memref<10240x16xf32, #tpu.memory_space<vmem_shared>> -> memref<10240x16xf32, #tpu.memory_space<vmem_shared>>
      tpu.enqueue_indirect_dma source(%arg12 : memref<128x16xf32, #tpu.memory_space<vmem>>) target(%dma_start3A_250 : memref<10240x16xf32, #tpu.memory_space<vmem_shared>>) offsets(%dma_start3A_247 : memref<128xi32, #tpu.memory_space<vmem>>) semaphore(%arg28 : memref<!tpu.dma_semaphore, #tpu.memory_space<semaphore_mem>>) {add = true}
      %lt3A_251 = arith.constant 9 : i32
      %lt3A_252 = arith.cmpi slt, %scan3A_141, %lt3A_251 : i32
      %convert_element_type3A_253 = arith.extui %lt3A_252 : i1 to i32
      %cond3A_254 = arith.constant 0 : i32
      %cond3A_255 = arith.cmpi ne, %convert_element_type3A_253, %cond3A_254 : i32
      scf.if %cond3A_255 {
        %dma_wait3A_320 = arith.constant 0 : i32
        %dma_wait3A_321 = arith.constant 0 : i32
        %dma_wait3A_322 = tpu.memref_slice %arg7[%dma_wait3A_320, %dma_wait3A_321] : memref<80x128xi32, #tpu.memory_space<vmem>> -> memref<1x128xi32, #tpu.memory_space<vmem>>
        %dma_wait3A_323 = tpu.memref_squeeze %dma_wait3A_322 : memref<1x128xi32, #tpu.memory_space<vmem>> -> memref<128xi32, #tpu.memory_space<vmem>>
        %dma_wait3A_324 = arith.constant 0 : i32
        %dma_wait3A_325 = arith.constant 0 : i32
        %dma_wait3A_326 = tpu.memref_slice %arg32[%dma_wait3A_324, %dma_wait3A_325] : memref<10240x16xf32, #tpu.memory_space<vmem_shared>> -> memref<10240x16xf32, #tpu.memory_space<vmem_shared>>
        tpu.wait_indirect_dma semaphore(%arg27 : memref<!tpu.dma_semaphore, #tpu.memory_space<semaphore_mem>>) src(%arg11 : memref<128x16xf32, #tpu.memory_space<vmem>>) dst(%dma_wait3A_326 : memref<10240x16xf32, #tpu.memory_space<vmem_shared>>)
        %add3A_327 = arith.constant 8 : i32
        %add3A_328 = arith.addi %add3A_238, %add3A_327 : i32
        %sub3A_329 = arith.constant 1 : i32
        %sub3A_330 = arith.subi %add3A_328, %sub3A_329 : i32
        %dma_start3A_331 = arith.constant 0 : i32
        %dma_start3A_332 = tpu.memref_slice %arg6[%sub3A_330, %dma_start3A_331] : memref<80x128xi32, #tpu.memory_space<vmem>> -> memref<1x128xi32, #tpu.memory_space<vmem>>
        %dma_start3A_333 = tpu.memref_squeeze %dma_start3A_332 : memref<1x128xi32, #tpu.memory_space<vmem>> -> memref<128xi32, #tpu.memory_space<vmem>>
        %dma_start3A_334 = arith.constant 0 : i32
        %dma_start3A_335 = arith.constant 0 : i32
        %dma_start3A_336 = tpu.memref_slice %arg33[%dma_start3A_334, %dma_start3A_335] : memref<10016x16xf32, #tpu.memory_space<vmem_shared>> -> memref<10016x16xf32, #tpu.memory_space<vmem_shared>>
        tpu.enqueue_indirect_dma source(%dma_start3A_336 : memref<10016x16xf32, #tpu.memory_space<vmem_shared>>) target(%arg11 : memref<128x16xf32, #tpu.memory_space<vmem>>) offsets(%dma_start3A_333 : memref<128xi32, #tpu.memory_space<vmem>>) semaphore(%arg19 : memref<!tpu.dma_semaphore, #tpu.memory_space<semaphore_mem>>)
      } else {
      }
      %mul3A_256 = arith.constant 8 : i32
      %mul3A_257 = arith.muli %mul3A_256, %scan3A_141 : i32
      %add3A_258 = arith.constant 5 : i32
      %add3A_259 = arith.addi %mul3A_257, %add3A_258 : i32
      %dma_wait3A_260 = arith.constant 0 : i32
      %dma_wait3A_261 = tpu.memref_slice %arg6[%add3A_259, %dma_wait3A_260] : memref<80x128xi32, #tpu.memory_space<vmem>> -> memref<1x128xi32, #tpu.memory_space<vmem>>
      %dma_wait3A_262 = tpu.memref_squeeze %dma_wait3A_261 : memref<1x128xi32, #tpu.memory_space<vmem>> -> memref<128xi32, #tpu.memory_space<vmem>>
      %dma_wait3A_263 = arith.constant 0 : i32
      %dma_wait3A_264 = arith.constant 0 : i32
      %dma_wait3A_265 = tpu.memref_slice %arg33[%dma_wait3A_263, %dma_wait3A_264] : memref<10016x16xf32, #tpu.memory_space<vmem_shared>> -> memref<10016x16xf32, #tpu.memory_space<vmem_shared>>
      tpu.wait_indirect_dma semaphore(%arg21 : memref<!tpu.dma_semaphore, #tpu.memory_space<semaphore_mem>>) src(%dma_wait3A_265 : memref<10016x16xf32, #tpu.memory_space<vmem_shared>>) dst(%arg13 : memref<128x16xf32, #tpu.memory_space<vmem>>)
      %dma_start3A_266 = arith.constant 0 : i32
      %dma_start3A_267 = tpu.memref_slice %arg7[%add3A_259, %dma_start3A_266] : memref<80x128xi32, #tpu.memory_space<vmem>> -> memref<1x128xi32, #tpu.memory_space<vmem>>
      %dma_start3A_268 = tpu.memref_squeeze %dma_start3A_267 : memref<1x128xi32, #tpu.memory_space<vmem>> -> memref<128xi32, #tpu.memory_space<vmem>>
      %dma_start3A_269 = arith.constant 0 : i32
      %dma_start3A_270 = arith.constant 0 : i32
      %dma_start3A_271 = tpu.memref_slice %arg32[%dma_start3A_269, %dma_start3A_270] : memref<10240x16xf32, #tpu.memory_space<vmem_shared>> -> memref<10240x16xf32, #tpu.memory_space<vmem_shared>>
      tpu.enqueue_indirect_dma source(%arg13 : memref<128x16xf32, #tpu.memory_space<vmem>>) target(%dma_start3A_271 : memref<10240x16xf32, #tpu.memory_space<vmem_shared>>) offsets(%dma_start3A_268 : memref<128xi32, #tpu.memory_space<vmem>>) semaphore(%arg29 : memref<!tpu.dma_semaphore, #tpu.memory_space<semaphore_mem>>) {add = true}
      %lt3A_272 = arith.constant 9 : i32
      %lt3A_273 = arith.cmpi slt, %scan3A_141, %lt3A_272 : i32
      %convert_element_type3A_274 = arith.extui %lt3A_273 : i1 to i32
      %cond3A_275 = arith.constant 0 : i32
      %cond3A_276 = arith.cmpi ne, %convert_element_type3A_274, %cond3A_275 : i32
      scf.if %cond3A_276 {
        %dma_wait3A_320 = arith.constant 0 : i32
        %dma_wait3A_321 = arith.constant 0 : i32
        %dma_wait3A_322 = tpu.memref_slice %arg7[%dma_wait3A_320, %dma_wait3A_321] : memref<80x128xi32, #tpu.memory_space<vmem>> -> memref<1x128xi32, #tpu.memory_space<vmem>>
        %dma_wait3A_323 = tpu.memref_squeeze %dma_wait3A_322 : memref<1x128xi32, #tpu.memory_space<vmem>> -> memref<128xi32, #tpu.memory_space<vmem>>
        %dma_wait3A_324 = arith.constant 0 : i32
        %dma_wait3A_325 = arith.constant 0 : i32
        %dma_wait3A_326 = tpu.memref_slice %arg32[%dma_wait3A_324, %dma_wait3A_325] : memref<10240x16xf32, #tpu.memory_space<vmem_shared>> -> memref<10240x16xf32, #tpu.memory_space<vmem_shared>>
        tpu.wait_indirect_dma semaphore(%arg28 : memref<!tpu.dma_semaphore, #tpu.memory_space<semaphore_mem>>) src(%arg12 : memref<128x16xf32, #tpu.memory_space<vmem>>) dst(%dma_wait3A_326 : memref<10240x16xf32, #tpu.memory_space<vmem_shared>>)
        %add3A_327 = arith.constant 8 : i32
        %add3A_328 = arith.addi %add3A_259, %add3A_327 : i32
        %sub3A_329 = arith.constant 1 : i32
        %sub3A_330 = arith.subi %add3A_328, %sub3A_329 : i32
        %dma_start3A_331 = arith.constant 0 : i32
        %dma_start3A_332 = tpu.memref_slice %arg6[%sub3A_330, %dma_start3A_331] : memref<80x128xi32, #tpu.memory_space<vmem>> -> memref<1x128xi32, #tpu.memory_space<vmem>>
        %dma_start3A_333 = tpu.memref_squeeze %dma_start3A_332 : memref<1x128xi32, #tpu.memory_space<vmem>> -> memref<128xi32, #tpu.memory_space<vmem>>
        %dma_start3A_334 = arith.constant 0 : i32
        %dma_start3A_335 = arith.constant 0 : i32
        %dma_start3A_336 = tpu.memref_slice %arg33[%dma_start3A_334, %dma_start3A_335] : memref<10016x16xf32, #tpu.memory_space<vmem_shared>> -> memref<10016x16xf32, #tpu.memory_space<vmem_shared>>
        tpu.enqueue_indirect_dma source(%dma_start3A_336 : memref<10016x16xf32, #tpu.memory_space<vmem_shared>>) target(%arg12 : memref<128x16xf32, #tpu.memory_space<vmem>>) offsets(%dma_start3A_333 : memref<128xi32, #tpu.memory_space<vmem>>) semaphore(%arg20 : memref<!tpu.dma_semaphore, #tpu.memory_space<semaphore_mem>>)
      } else {
      }
      %mul3A_277 = arith.constant 8 : i32
      %mul3A_278 = arith.muli %mul3A_277, %scan3A_141 : i32
      %add3A_279 = arith.constant 6 : i32
      %add3A_280 = arith.addi %mul3A_278, %add3A_279 : i32
      %dma_wait3A_281 = arith.constant 0 : i32
      %dma_wait3A_282 = tpu.memref_slice %arg6[%add3A_280, %dma_wait3A_281] : memref<80x128xi32, #tpu.memory_space<vmem>> -> memref<1x128xi32, #tpu.memory_space<vmem>>
      %dma_wait3A_283 = tpu.memref_squeeze %dma_wait3A_282 : memref<1x128xi32, #tpu.memory_space<vmem>> -> memref<128xi32, #tpu.memory_space<vmem>>
      %dma_wait3A_284 = arith.constant 0 : i32
      %dma_wait3A_285 = arith.constant 0 : i32
      %dma_wait3A_286 = tpu.memref_slice %arg33[%dma_wait3A_284, %dma_wait3A_285] : memref<10016x16xf32, #tpu.memory_space<vmem_shared>> -> memref<10016x16xf32, #tpu.memory_space<vmem_shared>>
      tpu.wait_indirect_dma semaphore(%arg22 : memref<!tpu.dma_semaphore, #tpu.memory_space<semaphore_mem>>) src(%dma_wait3A_286 : memref<10016x16xf32, #tpu.memory_space<vmem_shared>>) dst(%arg14 : memref<128x16xf32, #tpu.memory_space<vmem>>)
      %dma_start3A_287 = arith.constant 0 : i32
      %dma_start3A_288 = tpu.memref_slice %arg7[%add3A_280, %dma_start3A_287] : memref<80x128xi32, #tpu.memory_space<vmem>> -> memref<1x128xi32, #tpu.memory_space<vmem>>
      %dma_start3A_289 = tpu.memref_squeeze %dma_start3A_288 : memref<1x128xi32, #tpu.memory_space<vmem>> -> memref<128xi32, #tpu.memory_space<vmem>>
      %dma_start3A_290 = arith.constant 0 : i32
      %dma_start3A_291 = arith.constant 0 : i32
      %dma_start3A_292 = tpu.memref_slice %arg32[%dma_start3A_290, %dma_start3A_291] : memref<10240x16xf32, #tpu.memory_space<vmem_shared>> -> memref<10240x16xf32, #tpu.memory_space<vmem_shared>>
      tpu.enqueue_indirect_dma source(%arg14 : memref<128x16xf32, #tpu.memory_space<vmem>>) target(%dma_start3A_292 : memref<10240x16xf32, #tpu.memory_space<vmem_shared>>) offsets(%dma_start3A_289 : memref<128xi32, #tpu.memory_space<vmem>>) semaphore(%arg30 : memref<!tpu.dma_semaphore, #tpu.memory_space<semaphore_mem>>) {add = true}
      %lt3A_293 = arith.constant 9 : i32
      %lt3A_294 = arith.cmpi slt, %scan3A_141, %lt3A_293 : i32
      %convert_element_type3A_295 = arith.extui %lt3A_294 : i1 to i32
      %cond3A_296 = arith.constant 0 : i32
      %cond3A_297 = arith.cmpi ne, %convert_element_type3A_295, %cond3A_296 : i32
      scf.if %cond3A_297 {
        %dma_wait3A_320 = arith.constant 0 : i32
        %dma_wait3A_321 = arith.constant 0 : i32
        %dma_wait3A_322 = tpu.memref_slice %arg7[%dma_wait3A_320, %dma_wait3A_321] : memref<80x128xi32, #tpu.memory_space<vmem>> -> memref<1x128xi32, #tpu.memory_space<vmem>>
        %dma_wait3A_323 = tpu.memref_squeeze %dma_wait3A_322 : memref<1x128xi32, #tpu.memory_space<vmem>> -> memref<128xi32, #tpu.memory_space<vmem>>
        %dma_wait3A_324 = arith.constant 0 : i32
        %dma_wait3A_325 = arith.constant 0 : i32
        %dma_wait3A_326 = tpu.memref_slice %arg32[%dma_wait3A_324, %dma_wait3A_325] : memref<10240x16xf32, #tpu.memory_space<vmem_shared>> -> memref<10240x16xf32, #tpu.memory_space<vmem_shared>>
        tpu.wait_indirect_dma semaphore(%arg29 : memref<!tpu.dma_semaphore, #tpu.memory_space<semaphore_mem>>) src(%arg13 : memref<128x16xf32, #tpu.memory_space<vmem>>) dst(%dma_wait3A_326 : memref<10240x16xf32, #tpu.memory_space<vmem_shared>>)
        %add3A_327 = arith.constant 8 : i32
        %add3A_328 = arith.addi %add3A_280, %add3A_327 : i32
        %sub3A_329 = arith.constant 1 : i32
        %sub3A_330 = arith.subi %add3A_328, %sub3A_329 : i32
        %dma_start3A_331 = arith.constant 0 : i32
        %dma_start3A_332 = tpu.memref_slice %arg6[%sub3A_330, %dma_start3A_331] : memref<80x128xi32, #tpu.memory_space<vmem>> -> memref<1x128xi32, #tpu.memory_space<vmem>>
        %dma_start3A_333 = tpu.memref_squeeze %dma_start3A_332 : memref<1x128xi32, #tpu.memory_space<vmem>> -> memref<128xi32, #tpu.memory_space<vmem>>
        %dma_start3A_334 = arith.constant 0 : i32
        %dma_start3A_335 = arith.constant 0 : i32
        %dma_start3A_336 = tpu.memref_slice %arg33[%dma_start3A_334, %dma_start3A_335] : memref<10016x16xf32, #tpu.memory_space<vmem_shared>> -> memref<10016x16xf32, #tpu.memory_space<vmem_shared>>
        tpu.enqueue_indirect_dma source(%dma_start3A_336 : memref<10016x16xf32, #tpu.memory_space<vmem_shared>>) target(%arg13 : memref<128x16xf32, #tpu.memory_space<vmem>>) offsets(%dma_start3A_333 : memref<128xi32, #tpu.memory_space<vmem>>) semaphore(%arg21 : memref<!tpu.dma_semaphore, #tpu.memory_space<semaphore_mem>>)
      } else {
      }
      %mul3A_298 = arith.constant 8 : i32
      %mul3A_299 = arith.muli %mul3A_298, %scan3A_141 : i32
      %add3A_300 = arith.constant 7 : i32
      %add3A_301 = arith.addi %mul3A_299, %add3A_300 : i32
      %dma_wait3A_302 = arith.constant 0 : i32
      %dma_wait3A_303 = tpu.memref_slice %arg6[%add3A_301, %dma_wait3A_302] : memref<80x128xi32, #tpu.memory_space<vmem>> -> memref<1x128xi32, #tpu.memory_space<vmem>>
      %dma_wait3A_304 = tpu.memref_squeeze %dma_wait3A_303 : memref<1x128xi32, #tpu.memory_space<vmem>> -> memref<128xi32, #tpu.memory_space<vmem>>
      %dma_wait3A_305 = arith.constant 0 : i32
      %dma_wait3A_306 = arith.constant 0 : i32
      %dma_wait3A_307 = tpu.memref_slice %arg33[%dma_wait3A_305, %dma_wait3A_306] : memref<10016x16xf32, #tpu.memory_space<vmem_shared>> -> memref<10016x16xf32, #tpu.memory_space<vmem_shared>>
      tpu.wait_indirect_dma semaphore(%arg23 : memref<!tpu.dma_semaphore, #tpu.memory_space<semaphore_mem>>) src(%dma_wait3A_307 : memref<10016x16xf32, #tpu.memory_space<vmem_shared>>) dst(%arg15 : memref<128x16xf32, #tpu.memory_space<vmem>>)
      %dma_start3A_308 = arith.constant 0 : i32
      %dma_start3A_309 = tpu.memref_slice %arg7[%add3A_301, %dma_start3A_308] : memref<80x128xi32, #tpu.memory_space<vmem>> -> memref<1x128xi32, #tpu.memory_space<vmem>>
      %dma_start3A_310 = tpu.memref_squeeze %dma_start3A_309 : memref<1x128xi32, #tpu.memory_space<vmem>> -> memref<128xi32, #tpu.memory_space<vmem>>
      %dma_start3A_311 = arith.constant 0 : i32
      %dma_start3A_312 = arith.constant 0 : i32
      %dma_start3A_313 = tpu.memref_slice %arg32[%dma_start3A_311, %dma_start3A_312] : memref<10240x16xf32, #tpu.memory_space<vmem_shared>> -> memref<10240x16xf32, #tpu.memory_space<vmem_shared>>
      tpu.enqueue_indirect_dma source(%arg15 : memref<128x16xf32, #tpu.memory_space<vmem>>) target(%dma_start3A_313 : memref<10240x16xf32, #tpu.memory_space<vmem_shared>>) offsets(%dma_start3A_310 : memref<128xi32, #tpu.memory_space<vmem>>) semaphore(%arg31 : memref<!tpu.dma_semaphore, #tpu.memory_space<semaphore_mem>>) {add = true}
      %lt3A_314 = arith.constant 9 : i32
      %lt3A_315 = arith.cmpi slt, %scan3A_141, %lt3A_314 : i32
      %convert_element_type3A_316 = arith.extui %lt3A_315 : i1 to i32
      %cond3A_317 = arith.constant 0 : i32
      %cond3A_318 = arith.cmpi ne, %convert_element_type3A_316, %cond3A_317 : i32
      scf.if %cond3A_318 {
        %dma_wait3A_320 = arith.constant 0 : i32
        %dma_wait3A_321 = arith.constant 0 : i32
        %dma_wait3A_322 = tpu.memref_slice %arg7[%dma_wait3A_320, %dma_wait3A_321] : memref<80x128xi32, #tpu.memory_space<vmem>> -> memref<1x128xi32, #tpu.memory_space<vmem>>
        %dma_wait3A_323 = tpu.memref_squeeze %dma_wait3A_322 : memref<1x128xi32, #tpu.memory_space<vmem>> -> memref<128xi32, #tpu.memory_space<vmem>>
        %dma_wait3A_324 = arith.constant 0 : i32
        %dma_wait3A_325 = arith.constant 0 : i32
        %dma_wait3A_326 = tpu.memref_slice %arg32[%dma_wait3A_324, %dma_wait3A_325] : memref<10240x16xf32, #tpu.memory_space<vmem_shared>> -> memref<10240x16xf32, #tpu.memory_space<vmem_shared>>
        tpu.wait_indirect_dma semaphore(%arg30 : memref<!tpu.dma_semaphore, #tpu.memory_space<semaphore_mem>>) src(%arg14 : memref<128x16xf32, #tpu.memory_space<vmem>>) dst(%dma_wait3A_326 : memref<10240x16xf32, #tpu.memory_space<vmem_shared>>)
        %add3A_327 = arith.constant 8 : i32
        %add3A_328 = arith.addi %add3A_301, %add3A_327 : i32
        %sub3A_329 = arith.constant 1 : i32
        %sub3A_330 = arith.subi %add3A_328, %sub3A_329 : i32
        %dma_start3A_331 = arith.constant 0 : i32
        %dma_start3A_332 = tpu.memref_slice %arg6[%sub3A_330, %dma_start3A_331] : memref<80x128xi32, #tpu.memory_space<vmem>> -> memref<1x128xi32, #tpu.memory_space<vmem>>
        %dma_start3A_333 = tpu.memref_squeeze %dma_start3A_332 : memref<1x128xi32, #tpu.memory_space<vmem>> -> memref<128xi32, #tpu.memory_space<vmem>>
        %dma_start3A_334 = arith.constant 0 : i32
        %dma_start3A_335 = arith.constant 0 : i32
        %dma_start3A_336 = tpu.memref_slice %arg33[%dma_start3A_334, %dma_start3A_335] : memref<10016x16xf32, #tpu.memory_space<vmem_shared>> -> memref<10016x16xf32, #tpu.memory_space<vmem_shared>>
        tpu.enqueue_indirect_dma source(%dma_start3A_336 : memref<10016x16xf32, #tpu.memory_space<vmem_shared>>) target(%arg14 : memref<128x16xf32, #tpu.memory_space<vmem>>) offsets(%dma_start3A_333 : memref<128xi32, #tpu.memory_space<vmem>>) semaphore(%arg22 : memref<!tpu.dma_semaphore, #tpu.memory_space<semaphore_mem>>)
      } else {
      }
      %scan3A_319 = arith.constant 0 : i32
      scf.yield %scan3A_319 : i32
    }
    %scan3A_80 = arith.constant 10 : i32
    %dma_wait3A = arith.constant 0 : i32
    %dma_wait3A_81 = arith.constant 0 : i32
    %dma_wait3A_82 = tpu.memref_slice %arg7[%dma_wait3A, %dma_wait3A_81] : memref<80x128xi32, #tpu.memory_space<vmem>> -> memref<1x128xi32, #tpu.memory_space<vmem>>
    %dma_wait3A_83 = tpu.memref_squeeze %dma_wait3A_82 : memref<1x128xi32, #tpu.memory_space<vmem>> -> memref<128xi32, #tpu.memory_space<vmem>>
    %dma_wait3A_84 = arith.constant 0 : i32
    %dma_wait3A_85 = arith.constant 0 : i32
    %dma_wait3A_86 = tpu.memref_slice %arg32[%dma_wait3A_84, %dma_wait3A_85] : memref<10240x16xf32, #tpu.memory_space<vmem_shared>> -> memref<10240x16xf32, #tpu.memory_space<vmem_shared>>
    tpu.wait_indirect_dma semaphore(%arg24 : memref<!tpu.dma_semaphore, #tpu.memory_space<semaphore_mem>>) src(%arg8 : memref<128x16xf32, #tpu.memory_space<vmem>>) dst(%dma_wait3A_86 : memref<10240x16xf32, #tpu.memory_space<vmem_shared>>)
    %dma_wait3A_87 = arith.constant 0 : i32
    %dma_wait3A_88 = arith.constant 0 : i32
    %dma_wait3A_89 = tpu.memref_slice %arg7[%dma_wait3A_87, %dma_wait3A_88] : memref<80x128xi32, #tpu.memory_space<vmem>> -> memref<1x128xi32, #tpu.memory_space<vmem>>
    %dma_wait3A_90 = tpu.memref_squeeze %dma_wait3A_89 : memref<1x128xi32, #tpu.memory_space<vmem>> -> memref<128xi32, #tpu.memory_space<vmem>>
    %dma_wait3A_91 = arith.constant 0 : i32
    %dma_wait3A_92 = arith.constant 0 : i32
    %dma_wait3A_93 = tpu.memref_slice %arg32[%dma_wait3A_91, %dma_wait3A_92] : memref<10240x16xf32, #tpu.memory_space<vmem_shared>> -> memref<10240x16xf32, #tpu.memory_space<vmem_shared>>
    tpu.wait_indirect_dma semaphore(%arg25 : memref<!tpu.dma_semaphore, #tpu.memory_space<semaphore_mem>>) src(%arg9 : memref<128x16xf32, #tpu.memory_space<vmem>>) dst(%dma_wait3A_93 : memref<10240x16xf32, #tpu.memory_space<vmem_shared>>)
    %dma_wait3A_94 = arith.constant 0 : i32
    %dma_wait3A_95 = arith.constant 0 : i32
    %dma_wait3A_96 = tpu.memref_slice %arg7[%dma_wait3A_94, %dma_wait3A_95] : memref<80x128xi32, #tpu.memory_space<vmem>> -> memref<1x128xi32, #tpu.memory_space<vmem>>
    %dma_wait3A_97 = tpu.memref_squeeze %dma_wait3A_96 : memref<1x128xi32, #tpu.memory_space<vmem>> -> memref<128xi32, #tpu.memory_space<vmem>>
    %dma_wait3A_98 = arith.constant 0 : i32
    %dma_wait3A_99 = arith.constant 0 : i32
    %dma_wait3A_100 = tpu.memref_slice %arg32[%dma_wait3A_98, %dma_wait3A_99] : memref<10240x16xf32, #tpu.memory_space<vmem_shared>> -> memref<10240x16xf32, #tpu.memory_space<vmem_shared>>
    tpu.wait_indirect_dma semaphore(%arg26 : memref<!tpu.dma_semaphore, #tpu.memory_space<semaphore_mem>>) src(%arg10 : memref<128x16xf32, #tpu.memory_space<vmem>>) dst(%dma_wait3A_100 : memref<10240x16xf32, #tpu.memory_space<vmem_shared>>)
    %dma_wait3A_101 = arith.constant 0 : i32
    %dma_wait3A_102 = arith.constant 0 : i32
    %dma_wait3A_103 = tpu.memref_slice %arg7[%dma_wait3A_101, %dma_wait3A_102] : memref<80x128xi32, #tpu.memory_space<vmem>> -> memref<1x128xi32, #tpu.memory_space<vmem>>
    %dma_wait3A_104 = tpu.memref_squeeze %dma_wait3A_103 : memref<1x128xi32, #tpu.memory_space<vmem>> -> memref<128xi32, #tpu.memory_space<vmem>>
    %dma_wait3A_105 = arith.constant 0 : i32
    %dma_wait3A_106 = arith.constant 0 : i32
    %dma_wait3A_107 = tpu.memref_slice %arg32[%dma_wait3A_105, %dma_wait3A_106] : memref<10240x16xf32, #tpu.memory_space<vmem_shared>> -> memref<10240x16xf32, #tpu.memory_space<vmem_shared>>
    tpu.wait_indirect_dma semaphore(%arg27 : memref<!tpu.dma_semaphore, #tpu.memory_space<semaphore_mem>>) src(%arg11 : memref<128x16xf32, #tpu.memory_space<vmem>>) dst(%dma_wait3A_107 : memref<10240x16xf32, #tpu.memory_space<vmem_shared>>)
    %dma_wait3A_108 = arith.constant 0 : i32
    %dma_wait3A_109 = arith.constant 0 : i32
    %dma_wait3A_110 = tpu.memref_slice %arg7[%dma_wait3A_108, %dma_wait3A_109] : memref<80x128xi32, #tpu.memory_space<vmem>> -> memref<1x128xi32, #tpu.memory_space<vmem>>
    %dma_wait3A_111 = tpu.memref_squeeze %dma_wait3A_110 : memref<1x128xi32, #tpu.memory_space<vmem>> -> memref<128xi32, #tpu.memory_space<vmem>>
    %dma_wait3A_112 = arith.constant 0 : i32
    %dma_wait3A_113 = arith.constant 0 : i32
    %dma_wait3A_114 = tpu.memref_slice %arg32[%dma_wait3A_112, %dma_wait3A_113] : memref<10240x16xf32, #tpu.memory_space<vmem_shared>> -> memref<10240x16xf32, #tpu.memory_space<vmem_shared>>
    tpu.wait_indirect_dma semaphore(%arg28 : memref<!tpu.dma_semaphore, #tpu.memory_space<semaphore_mem>>) src(%arg12 : memref<128x16xf32, #tpu.memory_space<vmem>>) dst(%dma_wait3A_114 : memref<10240x16xf32, #tpu.memory_space<vmem_shared>>)
    %dma_wait3A_115 = arith.constant 0 : i32
    %dma_wait3A_116 = arith.constant 0 : i32
    %dma_wait3A_117 = tpu.memref_slice %arg7[%dma_wait3A_115, %dma_wait3A_116] : memref<80x128xi32, #tpu.memory_space<vmem>> -> memref<1x128xi32, #tpu.memory_space<vmem>>
    %dma_wait3A_118 = tpu.memref_squeeze %dma_wait3A_117 : memref<1x128xi32, #tpu.memory_space<vmem>> -> memref<128xi32, #tpu.memory_space<vmem>>
    %dma_wait3A_119 = arith.constant 0 : i32
    %dma_wait3A_120 = arith.constant 0 : i32
    %dma_wait3A_121 = tpu.memref_slice %arg32[%dma_wait3A_119, %dma_wait3A_120] : memref<10240x16xf32, #tpu.memory_space<vmem_shared>> -> memref<10240x16xf32, #tpu.memory_space<vmem_shared>>
    tpu.wait_indirect_dma semaphore(%arg29 : memref<!tpu.dma_semaphore, #tpu.memory_space<semaphore_mem>>) src(%arg13 : memref<128x16xf32, #tpu.memory_space<vmem>>) dst(%dma_wait3A_121 : memref<10240x16xf32, #tpu.memory_space<vmem_shared>>)
    %dma_wait3A_122 = arith.constant 0 : i32
    %dma_wait3A_123 = arith.constant 0 : i32
    %dma_wait3A_124 = tpu.memref_slice %arg7[%dma_wait3A_122, %dma_wait3A_123] : memref<80x128xi32, #tpu.memory_space<vmem>> -> memref<1x128xi32, #tpu.memory_space<vmem>>
    %dma_wait3A_125 = tpu.memref_squeeze %dma_wait3A_124 : memref<1x128xi32, #tpu.memory_space<vmem>> -> memref<128xi32, #tpu.memory_space<vmem>>
    %dma_wait3A_126 = arith.constant 0 : i32
    %dma_wait3A_127 = arith.constant 0 : i32
    %dma_wait3A_128 = tpu.memref_slice %arg32[%dma_wait3A_126, %dma_wait3A_127] : memref<10240x16xf32, #tpu.memory_space<vmem_shared>> -> memref<10240x16xf32, #tpu.memory_space<vmem_shared>>
    tpu.wait_indirect_dma semaphore(%arg30 : memref<!tpu.dma_semaphore, #tpu.memory_space<semaphore_mem>>) src(%arg14 : memref<128x16xf32, #tpu.memory_space<vmem>>) dst(%dma_wait3A_128 : memref<10240x16xf32, #tpu.memory_space<vmem_shared>>)
    %dma_wait3A_129 = arith.constant 0 : i32
    %dma_wait3A_130 = arith.constant 0 : i32
    %dma_wait3A_131 = tpu.memref_slice %arg7[%dma_wait3A_129, %dma_wait3A_130] : memref<80x128xi32, #tpu.memory_space<vmem>> -> memref<1x128xi32, #tpu.memory_space<vmem>>
    %dma_wait3A_132 = tpu.memref_squeeze %dma_wait3A_131 : memref<1x128xi32, #tpu.memory_space<vmem>> -> memref<128xi32, #tpu.memory_space<vmem>>
    %dma_wait3A_133 = arith.constant 0 : i32
    %dma_wait3A_134 = arith.constant 0 : i32
    %dma_wait3A_135 = tpu.memref_slice %arg32[%dma_wait3A_133, %dma_wait3A_134] : memref<10240x16xf32, #tpu.memory_space<vmem_shared>> -> memref<10240x16xf32, #tpu.memory_space<vmem_shared>>
    tpu.wait_indirect_dma semaphore(%arg31 : memref<!tpu.dma_semaphore, #tpu.memory_space<semaphore_mem>>) src(%arg15 : memref<128x16xf32, #tpu.memory_space<vmem>>) dst(%dma_wait3A_135 : memref<10240x16xf32, #tpu.memory_space<vmem_shared>>)
    %barrier3A_136 = arith.constant 0 : index
    tpu.barrier barrier_id(%barrier3A_136)
    %mul3A_137 = arith.constant 640 : i32
    %mul3A_138 = arith.muli %arg1, %mul3A_137 : i32
    %mul3A_139 = arith.constant 640 : i32
    %mul3A_140 = arith.muli %arg1, %mul3A_139 : i32
    "tpu.region"() ({
      %run_scoped3A = tpu.sem_alloc : memref<!tpu.dma_semaphore, #tpu.memory_space<semaphore_mem>>
      %dma_start3A_141 = arith.constant 0 : i32
      %dma_start3A_142 = arith.constant 0 : i32
      %dma_start3A_143 = tpu.memref_slice %arg5[%arg0, %dma_start3A_141, %dma_start3A_142] : memref<2x10240x16xf32, #tpu.memory_space<hbm>> -> memref<1x10240x16xf32, #tpu.memory_space<hbm>>
      %dma_start3A_144 = tpu.memref_squeeze %dma_start3A_143 : memref<1x10240x16xf32, #tpu.memory_space<hbm>> -> memref<10240x16xf32, #tpu.memory_space<hbm>>
      %dma_start3A_145 = arith.constant 0 : i32
      %dma_start3A_146 = tpu.memref_slice %dma_start3A_144[%mul3A_140, %dma_start3A_145] : memref<10240x16xf32, #tpu.memory_space<hbm>> -> memref<640x16xf32, #tpu.memory_space<hbm>>
      %dma_start3A_147 = arith.constant 0 : i32
      %dma_start3A_148 = tpu.memref_slice %arg32[%mul3A_138, %dma_start3A_147] : memref<10240x16xf32, #tpu.memory_space<vmem_shared>> -> memref<640x16xf32, #tpu.memory_space<vmem_shared>>
      tpu.enqueue_dma source(%dma_start3A_148 : memref<640x16xf32, #tpu.memory_space<vmem_shared>>) target(%dma_start3A_146 : memref<640x16xf32, #tpu.memory_space<hbm>>) target_semaphore(%run_scoped3A : memref<!tpu.dma_semaphore, #tpu.memory_space<semaphore_mem>>)
      %dma_wait3A_149 = arith.constant 0 : i32
      %dma_wait3A_150 = arith.constant 0 : i32
      %dma_wait3A_151 = tpu.memref_slice %arg5[%arg0, %dma_wait3A_149, %dma_wait3A_150] : memref<2x10240x16xf32, #tpu.memory_space<hbm>> -> memref<1x10240x16xf32, #tpu.memory_space<hbm>>
      %dma_wait3A_152 = tpu.memref_squeeze %dma_wait3A_151 : memref<1x10240x16xf32, #tpu.memory_space<hbm>> -> memref<10240x16xf32, #tpu.memory_space<hbm>>
      %dma_wait3A_153 = arith.constant 0 : i32
      %dma_wait3A_154 = tpu.memref_slice %dma_wait3A_152[%mul3A_140, %dma_wait3A_153] : memref<10240x16xf32, #tpu.memory_space<hbm>> -> memref<640x16xf32, #tpu.memory_space<hbm>>
      %dma_wait3A_155 = arith.constant 0 : i32
      %dma_wait3A_156 = tpu.memref_slice %arg32[%mul3A_138, %dma_wait3A_155] : memref<10240x16xf32, #tpu.memory_space<vmem_shared>> -> memref<640x16xf32, #tpu.memory_space<vmem_shared>>
      tpu.wait_dma2 semaphore(%run_scoped3A : memref<!tpu.dma_semaphore, #tpu.memory_space<semaphore_mem>>) src(%dma_wait3A_156 : memref<640x16xf32, #tpu.memory_space<vmem_shared>>) dst(%dma_wait3A_154 : memref<640x16xf32, #tpu.memory_space<hbm>>)
      tpu.yield
    }) : () -> ()
    return
  }
}

module attributes {stable_mosaic.version = 14 : i64} {
  func.func @_tc_a_body(%arg0: memref<1250x1024xf32, #tpu.memory_space<vmem>>, %arg1: memref<1024x128xf32, #tpu.memory_space<vmem>>, %arg2: memref<1252x128xf32, #tpu.memory_space<vmem>>, %arg3: memref<1252x128xf32, #tpu.memory_space<vmem>>) attributes {dimension_semantics = [], scalar_prefetch = 0 : i64, scratch_operands = 0 : i64, tpu.core_type = #tpu.core_type<tc>} {
    %get3A = arith.constant 0 : index
    %get3A_0 = arith.constant 0 : index
    %get3A_1 = vector.load %arg0[%get3A, %get3A_0] : memref<1250x1024xf32, #tpu.memory_space<vmem>>, vector<1250x1024xf32>
    %get3A_2 = arith.constant 0 : index
    %get3A_3 = arith.constant 0 : index
    %get3A_4 = vector.load %arg1[%get3A_2, %get3A_3] : memref<1024x128xf32, #tpu.memory_space<vmem>>, vector<1024x128xf32>
    %dot_general3A = arith.constant dense<0.000000e+00> : vector<1250x128xf32>
    %dot_general3A_5 = tpu.matmul %get3A_1, %get3A_4, %dot_general3A {dimension_numbers = #tpu.dot_dimension_numbers<[1], [0], [0], [1], [0, 0, 1, 1], [], []>, transpose_lhs_hint = false} : vector<1250x1024xf32>, vector<1024x128xf32>, vector<1250x128xf32> -> vector<1250x128xf32>
    %get3A_6 = arith.constant 0 : index
    %get3A_7 = arith.constant 0 : index
    %get3A_8 = vector.load %arg2[%get3A_6, %get3A_7] : memref<1252x128xf32, #tpu.memory_space<vmem>>, vector<1250x128xf32>
    %mul3A = arith.mulf %dot_general3A_5, %get3A_8 : vector<1250x128xf32>
    %swap3A = arith.constant 0 : index
    %swap3A_9 = arith.constant 0 : index
    %swap3A_10 = vector.load %arg3[%swap3A, %swap3A_9] : memref<1252x128xf32, #tpu.memory_space<vmem>>, vector<1250x128xf32>
    tpu.vector_store %arg3[%swap3A, %swap3A_9], %mul3A {strides = array<i32>} : memref<1252x128xf32, #tpu.memory_space<vmem>>, vector<1250x128xf32>,
    %broadcast_in_dim3A = arith.constant 0.000000e+00 : f32
    %broadcast_in_dim3A_11 = vector.broadcast %broadcast_in_dim3A : f32 to vector<2x128xf32>
    %swap3A_12 = arith.constant 1250 : index
    %swap3A_13 = arith.constant 0 : index
    %swap3A_14 = vector.load %arg3[%swap3A_12, %swap3A_13] : memref<1252x128xf32, #tpu.memory_space<vmem>>, vector<2x128xf32>
    tpu.vector_store %arg3[%swap3A_12, %swap3A_13], %broadcast_in_dim3A_11 {strides = array<i32>} : memref<1252x128xf32, #tpu.memory_space<vmem>>, vector<2x128xf32>,
    return
  }
}

module attributes {stable_mosaic.version = 14 : i64} {
  func.func @_tc_b_body(%arg0: memref<2x1280x128xf32, #tpu.memory_space<vmem>>, %arg1: memref<1252x128xf32, #tpu.memory_space<vmem>>, %arg2: memref<1252x128xf32, #tpu.memory_space<vmem>>, %arg3: memref<1x128xf32, #tpu.memory_space<vmem>>, %arg4: memref<1252x128xf32, #tpu.memory_space<vmem>>) attributes {dimension_semantics = [], scalar_prefetch = 0 : i64, scratch_operands = 0 : i64, tpu.core_type = #tpu.core_type<tc>} {
    %get3A = arith.constant 0 : index
    %get3A_0 = arith.constant 0 : index
    %get3A_1 = arith.constant 0 : index
    %get3A_2 = vector.load %arg0[%get3A, %get3A_0, %get3A_1] : memref<2x1280x128xf32, #tpu.memory_space<vmem>>, vector<1x1252x128xf32>
    %get3A_3 = vector.shape_cast %get3A_2 : vector<1x1252x128xf32> to vector<1252x128xf32>
    %get3A_4 = arith.constant 1 : index
    %get3A_5 = arith.constant 0 : index
    %get3A_6 = arith.constant 0 : index
    %get3A_7 = vector.load %arg0[%get3A_4, %get3A_5, %get3A_6] : memref<2x1280x128xf32, #tpu.memory_space<vmem>>, vector<1x1252x128xf32>
    %get3A_8 = vector.shape_cast %get3A_7 : vector<1x1252x128xf32> to vector<1252x128xf32>
    %add3A = arith.addf %get3A_3, %get3A_8 : vector<1252x128xf32>
    %get3A_9 = arith.constant 0 : index
    %get3A_10 = arith.constant 0 : index
    %get3A_11 = vector.load %arg1[%get3A_9, %get3A_10] : memref<1252x128xf32, #tpu.memory_space<vmem>>, vector<1252x128xf32>
    %add3A_12 = arith.addf %add3A, %get3A_11 : vector<1252x128xf32>
    %get3A_13 = arith.constant 0 : index
    %get3A_14 = arith.constant 0 : index
    %get3A_15 = vector.load %arg2[%get3A_13, %get3A_14] : memref<1252x128xf32, #tpu.memory_space<vmem>>, vector<1252x128xf32>
    %mul3A = arith.mulf %add3A_12, %get3A_15 : vector<1252x128xf32>
    %get3A_16 = arith.constant 0 : index
    %get3A_17 = arith.constant 0 : index
    %get3A_18 = vector.load %arg3[%get3A_16, %get3A_17] : memref<1x128xf32, #tpu.memory_space<vmem>>, vector<1x128xf32>
    %add3A_19 = vector.broadcast %get3A_18 : vector<1x128xf32> to vector<1252x128xf32>
    %add3A_20 = arith.addf %mul3A, %add3A_19 : vector<1252x128xf32>
    %max3A = arith.constant 0.000000e+00 : f32
    %max3A_21 = vector.broadcast %max3A : f32 to vector<1252x128xf32>
    %max3A_22 = arith.maximumf %add3A_20, %max3A_21 : vector<1252x128xf32>
    %get3A_23 = arith.constant 0 : index
    %get3A_24 = arith.constant 0 : index
    %get3A_25 = vector.load %arg2[%get3A_23, %get3A_24] : memref<1252x128xf32, #tpu.memory_space<vmem>>, vector<1252x128xf32>
    %mul3A_26 = arith.mulf %max3A_22, %get3A_25 : vector<1252x128xf32>
    %swap3A = arith.constant 0 : index
    %swap3A_27 = arith.constant 0 : index
    %swap3A_28 = vector.load %arg4[%swap3A, %swap3A_27] : memref<1252x128xf32, #tpu.memory_space<vmem>>, vector<1252x128xf32>
    tpu.vector_store %arg4[%swap3A, %swap3A_27], %mul3A_26 {strides = array<i32>} : memref<1252x128xf32, #tpu.memory_space<vmem>>, vector<1252x128xf32>,
    return
  }
}

module attributes {stable_mosaic.version = 14 : i64} {
  func.func @_tc_c_body(%arg0: memref<2x1280x128xf32, #tpu.memory_space<vmem>>, %arg1: memref<1252x128xf32, #tpu.memory_space<vmem>>, %arg2: memref<1252x128xf32, #tpu.memory_space<vmem>>, %arg3: memref<128x128xf32, #tpu.memory_space<vmem>>, %arg4: memref<1x128xf32, #tpu.memory_space<vmem>>, %arg5: memref<1252x128xf32, #tpu.memory_space<vmem>>) attributes {dimension_semantics = [], scalar_prefetch = 0 : i64, scratch_operands = 0 : i64, tpu.core_type = #tpu.core_type<tc>} {
    %get3A = arith.constant 0 : index
    %get3A_0 = arith.constant 0 : index
    %get3A_1 = arith.constant 0 : index
    %get3A_2 = vector.load %arg0[%get3A, %get3A_0, %get3A_1] : memref<2x1280x128xf32, #tpu.memory_space<vmem>>, vector<1x1252x128xf32>
    %get3A_3 = vector.shape_cast %get3A_2 : vector<1x1252x128xf32> to vector<1252x128xf32>
    %get3A_4 = arith.constant 1 : index
    %get3A_5 = arith.constant 0 : index
    %get3A_6 = arith.constant 0 : index
    %get3A_7 = vector.load %arg0[%get3A_4, %get3A_5, %get3A_6] : memref<2x1280x128xf32, #tpu.memory_space<vmem>>, vector<1x1252x128xf32>
    %get3A_8 = vector.shape_cast %get3A_7 : vector<1x1252x128xf32> to vector<1252x128xf32>
    %add3A = arith.addf %get3A_3, %get3A_8 : vector<1252x128xf32>
    %get3A_9 = arith.constant 0 : index
    %get3A_10 = arith.constant 0 : index
    %get3A_11 = vector.load %arg1[%get3A_9, %get3A_10] : memref<1252x128xf32, #tpu.memory_space<vmem>>, vector<1252x128xf32>
    %add3A_12 = arith.addf %add3A, %get3A_11 : vector<1252x128xf32>
    %get3A_13 = arith.constant 0 : index
    %get3A_14 = arith.constant 0 : index
    %get3A_15 = vector.load %arg3[%get3A_13, %get3A_14] : memref<128x128xf32, #tpu.memory_space<vmem>>, vector<128x128xf32>
    %dot_general3A = arith.constant dense<0.000000e+00> : vector<1252x128xf32>
    %dot_general3A_16 = tpu.matmul %add3A_12, %get3A_15, %dot_general3A {dimension_numbers = #tpu.dot_dimension_numbers<[1], [0], [0], [1], [0, 0, 1, 1], [], []>, transpose_lhs_hint = false} : vector<1252x128xf32>, vector<128x128xf32>, vector<1252x128xf32> -> vector<1252x128xf32>
    %get3A_17 = arith.constant 0 : index
    %get3A_18 = arith.constant 0 : index
    %get3A_19 = vector.load %arg2[%get3A_17, %get3A_18] : memref<1252x128xf32, #tpu.memory_space<vmem>>, vector<1252x128xf32>
    %mul3A = arith.mulf %dot_general3A_16, %get3A_19 : vector<1252x128xf32>
    %get3A_20 = arith.constant 0 : index
    %get3A_21 = arith.constant 0 : index
    %get3A_22 = vector.load %arg4[%get3A_20, %get3A_21] : memref<1x128xf32, #tpu.memory_space<vmem>>, vector<1x128xf32>
    %add3A_23 = vector.broadcast %get3A_22 : vector<1x128xf32> to vector<1252x128xf32>
    %add3A_24 = arith.addf %mul3A, %add3A_23 : vector<1252x128xf32>
    %max3A = arith.constant 0.000000e+00 : f32
    %max3A_25 = vector.broadcast %max3A : f32 to vector<1252x128xf32>
    %max3A_26 = arith.maximumf %add3A_24, %max3A_25 : vector<1252x128xf32>
    %get3A_27 = arith.constant 0 : index
    %get3A_28 = arith.constant 0 : index
    %get3A_29 = vector.load %arg2[%get3A_27, %get3A_28] : memref<1252x128xf32, #tpu.memory_space<vmem>>, vector<1252x128xf32>
    %mul3A_30 = arith.mulf %max3A_26, %get3A_29 : vector<1252x128xf32>
    %swap3A = arith.constant 0 : index
    %swap3A_31 = arith.constant 0 : index
    %swap3A_32 = vector.load %arg5[%swap3A, %swap3A_31] : memref<1252x128xf32, #tpu.memory_space<vmem>>, vector<1252x128xf32>
    tpu.vector_store %arg5[%swap3A, %swap3A_31], %mul3A_30 {strides = array<i32>} : memref<1252x128xf32, #tpu.memory_space<vmem>>, vector<1252x128xf32>,
    return
  }
}

module attributes {stable_mosaic.version = 14 : i64} {
  func.func @_tc_d_body(%arg0: memref<2x1280x128xf32, #tpu.memory_space<vmem>>, %arg1: memref<1252x128xf32, #tpu.memory_space<vmem>>, %arg2: memref<1250x320xf32, #tpu.memory_space<vmem>>, %arg3: memref<128x320xf32, #tpu.memory_space<vmem>>, %arg4: memref<1x320xf32, #tpu.memory_space<vmem>>, %arg5: memref<1250x320xf32, #tpu.memory_space<vmem>>) attributes {dimension_semantics = [], scalar_prefetch = 0 : i64, scratch_operands = 0 : i64, tpu.core_type = #tpu.core_type<tc>} {
    %get3A = arith.constant 0 : index
    %get3A_0 = arith.constant 0 : index
    %get3A_1 = arith.constant 0 : index
    %get3A_2 = vector.load %arg0[%get3A, %get3A_0, %get3A_1] : memref<2x1280x128xf32, #tpu.memory_space<vmem>>, vector<1x1250x128xf32>
    %get3A_3 = vector.shape_cast %get3A_2 : vector<1x1250x128xf32> to vector<1250x128xf32>
    %get3A_4 = arith.constant 1 : index
    %get3A_5 = arith.constant 0 : index
    %get3A_6 = arith.constant 0 : index
    %get3A_7 = vector.load %arg0[%get3A_4, %get3A_5, %get3A_6] : memref<2x1280x128xf32, #tpu.memory_space<vmem>>, vector<1x1250x128xf32>
    %get3A_8 = vector.shape_cast %get3A_7 : vector<1x1250x128xf32> to vector<1250x128xf32>
    %add3A = arith.addf %get3A_3, %get3A_8 : vector<1250x128xf32>
    %get3A_9 = arith.constant 0 : index
    %get3A_10 = arith.constant 0 : index
    %get3A_11 = vector.load %arg1[%get3A_9, %get3A_10] : memref<1252x128xf32, #tpu.memory_space<vmem>>, vector<1250x128xf32>
    %add3A_12 = arith.addf %add3A, %get3A_11 : vector<1250x128xf32>
    %get3A_13 = arith.constant 0 : index
    %get3A_14 = arith.constant 0 : index
    %get3A_15 = vector.load %arg3[%get3A_13, %get3A_14] : memref<128x320xf32, #tpu.memory_space<vmem>>, vector<128x320xf32>
    %dot_general3A = arith.constant dense<0.000000e+00> : vector<1250x320xf32>
    %dot_general3A_16 = tpu.matmul %add3A_12, %get3A_15, %dot_general3A {dimension_numbers = #tpu.dot_dimension_numbers<[1], [0], [0], [1], [0, 0, 1, 1], [], []>, transpose_lhs_hint = false} : vector<1250x128xf32>, vector<128x320xf32>, vector<1250x320xf32> -> vector<1250x320xf32>
    %get3A_17 = arith.constant 0 : index
    %get3A_18 = arith.constant 0 : index
    %get3A_19 = vector.load %arg2[%get3A_17, %get3A_18] : memref<1250x320xf32, #tpu.memory_space<vmem>>, vector<1250x320xf32>
    %mul3A = arith.mulf %dot_general3A_16, %get3A_19 : vector<1250x320xf32>
    %get3A_20 = arith.constant 0 : index
    %get3A_21 = arith.constant 0 : index
    %get3A_22 = vector.load %arg4[%get3A_20, %get3A_21] : memref<1x320xf32, #tpu.memory_space<vmem>>, vector<1x320xf32>
    %add3A_23 = vector.broadcast %get3A_22 : vector<1x320xf32> to vector<1250x320xf32>
    %add3A_24 = arith.addf %mul3A, %add3A_23 : vector<1250x320xf32>
    %slice3A = vector.extract_strided_slice %add3A_24 {offsets = [0, 0], sizes = [1250, 40], strides = [1, 1]} : vector<1250x320xf32> to vector<1250x40xf32>
    %reduce_max3A = arith.constant dense<0xFF800000> : vector<1250xf32>
    %reduce_max3A_25 = vector.multi_reduction <maximumf>, %slice3A, %reduce_max3A [1] : vector<1250x40xf32> to vector<1250xf32>
    %broadcast_in_dim3A = vector.shape_cast %reduce_max3A_25 : vector<1250xf32> to vector<1250x1xf32>
    %sub3A = vector.broadcast %broadcast_in_dim3A : vector<1250x1xf32> to vector<1250x40xf32>
    %sub3A_26 = arith.subf %slice3A, %sub3A : vector<1250x40xf32>
    %exp3A = math.exp %sub3A_26 : vector<1250x40xf32>
    %reduce_sum3A = arith.constant dense<0.000000e+00> : vector<1250xf32>
    %reduce_sum3A_27 = vector.multi_reduction <add>, %exp3A, %reduce_sum3A [1] : vector<1250x40xf32> to vector<1250xf32>
    %broadcast_in_dim3A_28 = vector.shape_cast %reduce_sum3A_27 : vector<1250xf32> to vector<1250x1xf32>
    %log3A = math.log %broadcast_in_dim3A_28 : vector<1250x1xf32>
    %add3A_29 = arith.addf %log3A, %broadcast_in_dim3A : vector<1250x1xf32>
    %sub3A_30 = vector.broadcast %add3A_29 : vector<1250x1xf32> to vector<1250x40xf32>
    %sub3A_31 = arith.subf %slice3A, %sub3A_30 : vector<1250x40xf32>
    %swap3A = arith.constant 0 : index
    %swap3A_32 = arith.constant 0 : index
    %swap3A_33 = vector.load %arg5[%swap3A, %swap3A_32] : memref<1250x320xf32, #tpu.memory_space<vmem>>, vector<1250x40xf32>
    tpu.vector_store %arg5[%swap3A, %swap3A_32], %sub3A_31 {strides = array<i32>} : memref<1250x320xf32, #tpu.memory_space<vmem>>, vector<1250x40xf32>,
    %slice3A_34 = vector.extract_strided_slice %add3A_24 {offsets = [0, 40], sizes = [1250, 40], strides = [1, 1]} : vector<1250x320xf32> to vector<1250x40xf32>
    %reduce_max3A_35 = arith.constant dense<0xFF800000> : vector<1250xf32>
    %reduce_max3A_36 = vector.multi_reduction <maximumf>, %slice3A_34, %reduce_max3A_35 [1] : vector<1250x40xf32> to vector<1250xf32>
    %broadcast_in_dim3A_37 = vector.shape_cast %reduce_max3A_36 : vector<1250xf32> to vector<1250x1xf32>
    %sub3A_38 = vector.broadcast %broadcast_in_dim3A_37 : vector<1250x1xf32> to vector<1250x40xf32>
    %sub3A_39 = arith.subf %slice3A_34, %sub3A_38 : vector<1250x40xf32>
    %exp3A_40 = math.exp %sub3A_39 : vector<1250x40xf32>
    %reduce_sum3A_41 = arith.constant dense<0.000000e+00> : vector<1250xf32>
    %reduce_sum3A_42 = vector.multi_reduction <add>, %exp3A_40, %reduce_sum3A_41 [1] : vector<1250x40xf32> to vector<1250xf32>
    %broadcast_in_dim3A_43 = vector.shape_cast %reduce_sum3A_42 : vector<1250xf32> to vector<1250x1xf32>
    %log3A_44 = math.log %broadcast_in_dim3A_43 : vector<1250x1xf32>
    %add3A_45 = arith.addf %log3A_44, %broadcast_in_dim3A_37 : vector<1250x1xf32>
    %sub3A_46 = vector.broadcast %add3A_45 : vector<1250x1xf32> to vector<1250x40xf32>
    %sub3A_47 = arith.subf %slice3A_34, %sub3A_46 : vector<1250x40xf32>
    %swap3A_48 = arith.constant 0 : index
    %swap3A_49 = arith.constant 40 : index
    %swap3A_50 = vector.load %arg5[%swap3A_48, %swap3A_49] : memref<1250x320xf32, #tpu.memory_space<vmem>>, vector<1250x40xf32>
    tpu.vector_store %arg5[%swap3A_48, %swap3A_49], %sub3A_47 {strides = array<i32>} : memref<1250x320xf32, #tpu.memory_space<vmem>>, vector<1250x40xf32>,
    %slice3A_51 = vector.extract_strided_slice %add3A_24 {offsets = [0, 80], sizes = [1250, 40], strides = [1, 1]} : vector<1250x320xf32> to vector<1250x40xf32>
    %reduce_max3A_52 = arith.constant dense<0xFF800000> : vector<1250xf32>
    %reduce_max3A_53 = vector.multi_reduction <maximumf>, %slice3A_51, %reduce_max3A_52 [1] : vector<1250x40xf32> to vector<1250xf32>
    %broadcast_in_dim3A_54 = vector.shape_cast %reduce_max3A_53 : vector<1250xf32> to vector<1250x1xf32>
    %sub3A_55 = vector.broadcast %broadcast_in_dim3A_54 : vector<1250x1xf32> to vector<1250x40xf32>
    %sub3A_56 = arith.subf %slice3A_51, %sub3A_55 : vector<1250x40xf32>
    %exp3A_57 = math.exp %sub3A_56 : vector<1250x40xf32>
    %reduce_sum3A_58 = arith.constant dense<0.000000e+00> : vector<1250xf32>
    %reduce_sum3A_59 = vector.multi_reduction <add>, %exp3A_57, %reduce_sum3A_58 [1] : vector<1250x40xf32> to vector<1250xf32>
    %broadcast_in_dim3A_60 = vector.shape_cast %reduce_sum3A_59 : vector<1250xf32> to vector<1250x1xf32>
    %log3A_61 = math.log %broadcast_in_dim3A_60 : vector<1250x1xf32>
    %add3A_62 = arith.addf %log3A_61, %broadcast_in_dim3A_54 : vector<1250x1xf32>
    %sub3A_63 = vector.broadcast %add3A_62 : vector<1250x1xf32> to vector<1250x40xf32>
    %sub3A_64 = arith.subf %slice3A_51, %sub3A_63 : vector<1250x40xf32>
    %swap3A_65 = arith.constant 0 : index
    %swap3A_66 = arith.constant 80 : index
    %swap3A_67 = vector.load %arg5[%swap3A_65, %swap3A_66] : memref<1250x320xf32, #tpu.memory_space<vmem>>, vector<1250x40xf32>
    tpu.vector_store %arg5[%swap3A_65, %swap3A_66], %sub3A_64 {strides = array<i32>} : memref<1250x320xf32, #tpu.memory_space<vmem>>, vector<1250x40xf32>,
    %slice3A_68 = vector.extract_strided_slice %add3A_24 {offsets = [0, 120], sizes = [1250, 40], strides = [1, 1]} : vector<1250x320xf32> to vector<1250x40xf32>
    %reduce_max3A_69 = arith.constant dense<0xFF800000> : vector<1250xf32>
    %reduce_max3A_70 = vector.multi_reduction <maximumf>, %slice3A_68, %reduce_max3A_69 [1] : vector<1250x40xf32> to vector<1250xf32>
    %broadcast_in_dim3A_71 = vector.shape_cast %reduce_max3A_70 : vector<1250xf32> to vector<1250x1xf32>
    %sub3A_72 = vector.broadcast %broadcast_in_dim3A_71 : vector<1250x1xf32> to vector<1250x40xf32>
    %sub3A_73 = arith.subf %slice3A_68, %sub3A_72 : vector<1250x40xf32>
    %exp3A_74 = math.exp %sub3A_73 : vector<1250x40xf32>
    %reduce_sum3A_75 = arith.constant dense<0.000000e+00> : vector<1250xf32>
    %reduce_sum3A_76 = vector.multi_reduction <add>, %exp3A_74, %reduce_sum3A_75 [1] : vector<1250x40xf32> to vector<1250xf32>
    %broadcast_in_dim3A_77 = vector.shape_cast %reduce_sum3A_76 : vector<1250xf32> to vector<1250x1xf32>
    %log3A_78 = math.log %broadcast_in_dim3A_77 : vector<1250x1xf32>
    %add3A_79 = arith.addf %log3A_78, %broadcast_in_dim3A_71 : vector<1250x1xf32>
    %sub3A_80 = vector.broadcast %add3A_79 : vector<1250x1xf32> to vector<1250x40xf32>
    %sub3A_81 = arith.subf %slice3A_68, %sub3A_80 : vector<1250x40xf32>
    %swap3A_82 = arith.constant 0 : index
    %swap3A_83 = arith.constant 120 : index
    %swap3A_84 = vector.load %arg5[%swap3A_82, %swap3A_83] : memref<1250x320xf32, #tpu.memory_space<vmem>>, vector<1250x40xf32>
    tpu.vector_store %arg5[%swap3A_82, %swap3A_83], %sub3A_81 {strides = array<i32>} : memref<1250x320xf32, #tpu.memory_space<vmem>>, vector<1250x40xf32>,
    %slice3A_85 = vector.extract_strided_slice %add3A_24 {offsets = [0, 160], sizes = [1250, 40], strides = [1, 1]} : vector<1250x320xf32> to vector<1250x40xf32>
    %reduce_max3A_86 = arith.constant dense<0xFF800000> : vector<1250xf32>
    %reduce_max3A_87 = vector.multi_reduction <maximumf>, %slice3A_85, %reduce_max3A_86 [1] : vector<1250x40xf32> to vector<1250xf32>
    %broadcast_in_dim3A_88 = vector.shape_cast %reduce_max3A_87 : vector<1250xf32> to vector<1250x1xf32>
    %sub3A_89 = vector.broadcast %broadcast_in_dim3A_88 : vector<1250x1xf32> to vector<1250x40xf32>
    %sub3A_90 = arith.subf %slice3A_85, %sub3A_89 : vector<1250x40xf32>
    %exp3A_91 = math.exp %sub3A_90 : vector<1250x40xf32>
    %reduce_sum3A_92 = arith.constant dense<0.000000e+00> : vector<1250xf32>
    %reduce_sum3A_93 = vector.multi_reduction <add>, %exp3A_91, %reduce_sum3A_92 [1] : vector<1250x40xf32> to vector<1250xf32>
    %broadcast_in_dim3A_94 = vector.shape_cast %reduce_sum3A_93 : vector<1250xf32> to vector<1250x1xf32>
    %log3A_95 = math.log %broadcast_in_dim3A_94 : vector<1250x1xf32>
    %add3A_96 = arith.addf %log3A_95, %broadcast_in_dim3A_88 : vector<1250x1xf32>
    %sub3A_97 = vector.broadcast %add3A_96 : vector<1250x1xf32> to vector<1250x40xf32>
    %sub3A_98 = arith.subf %slice3A_85, %sub3A_97 : vector<1250x40xf32>
    %swap3A_99 = arith.constant 0 : index
    %swap3A_100 = arith.constant 160 : index
    %swap3A_101 = vector.load %arg5[%swap3A_99, %swap3A_100] : memref<1250x320xf32, #tpu.memory_space<vmem>>, vector<1250x40xf32>
    tpu.vector_store %arg5[%swap3A_99, %swap3A_100], %sub3A_98 {strides = array<i32>} : memref<1250x320xf32, #tpu.memory_space<vmem>>, vector<1250x40xf32>,
    %slice3A_102 = vector.extract_strided_slice %add3A_24 {offsets = [0, 200], sizes = [1250, 40], strides = [1, 1]} : vector<1250x320xf32> to vector<1250x40xf32>
    %reduce_max3A_103 = arith.constant dense<0xFF800000> : vector<1250xf32>
    %reduce_max3A_104 = vector.multi_reduction <maximumf>, %slice3A_102, %reduce_max3A_103 [1] : vector<1250x40xf32> to vector<1250xf32>
    %broadcast_in_dim3A_105 = vector.shape_cast %reduce_max3A_104 : vector<1250xf32> to vector<1250x1xf32>
    %sub3A_106 = vector.broadcast %broadcast_in_dim3A_105 : vector<1250x1xf32> to vector<1250x40xf32>
    %sub3A_107 = arith.subf %slice3A_102, %sub3A_106 : vector<1250x40xf32>
    %exp3A_108 = math.exp %sub3A_107 : vector<1250x40xf32>
    %reduce_sum3A_109 = arith.constant dense<0.000000e+00> : vector<1250xf32>
    %reduce_sum3A_110 = vector.multi_reduction <add>, %exp3A_108, %reduce_sum3A_109 [1] : vector<1250x40xf32> to vector<1250xf32>
    %broadcast_in_dim3A_111 = vector.shape_cast %reduce_sum3A_110 : vector<1250xf32> to vector<1250x1xf32>
    %log3A_112 = math.log %broadcast_in_dim3A_111 : vector<1250x1xf32>
    %add3A_113 = arith.addf %log3A_112, %broadcast_in_dim3A_105 : vector<1250x1xf32>
    %sub3A_114 = vector.broadcast %add3A_113 : vector<1250x1xf32> to vector<1250x40xf32>
    %sub3A_115 = arith.subf %slice3A_102, %sub3A_114 : vector<1250x40xf32>
    %swap3A_116 = arith.constant 0 : index
    %swap3A_117 = arith.constant 200 : index
    %swap3A_118 = vector.load %arg5[%swap3A_116, %swap3A_117] : memref<1250x320xf32, #tpu.memory_space<vmem>>, vector<1250x40xf32>
    tpu.vector_store %arg5[%swap3A_116, %swap3A_117], %sub3A_115 {strides = array<i32>} : memref<1250x320xf32, #tpu.memory_space<vmem>>, vector<1250x40xf32>,
    %slice3A_119 = vector.extract_strided_slice %add3A_24 {offsets = [0, 240], sizes = [1250, 40], strides = [1, 1]} : vector<1250x320xf32> to vector<1250x40xf32>
    %reduce_max3A_120 = arith.constant dense<0xFF800000> : vector<1250xf32>
    %reduce_max3A_121 = vector.multi_reduction <maximumf>, %slice3A_119, %reduce_max3A_120 [1] : vector<1250x40xf32> to vector<1250xf32>
    %broadcast_in_dim3A_122 = vector.shape_cast %reduce_max3A_121 : vector<1250xf32> to vector<1250x1xf32>
    %sub3A_123 = vector.broadcast %broadcast_in_dim3A_122 : vector<1250x1xf32> to vector<1250x40xf32>
    %sub3A_124 = arith.subf %slice3A_119, %sub3A_123 : vector<1250x40xf32>
    %exp3A_125 = math.exp %sub3A_124 : vector<1250x40xf32>
    %reduce_sum3A_126 = arith.constant dense<0.000000e+00> : vector<1250xf32>
    %reduce_sum3A_127 = vector.multi_reduction <add>, %exp3A_125, %reduce_sum3A_126 [1] : vector<1250x40xf32> to vector<1250xf32>
    %broadcast_in_dim3A_128 = vector.shape_cast %reduce_sum3A_127 : vector<1250xf32> to vector<1250x1xf32>
    %log3A_129 = math.log %broadcast_in_dim3A_128 : vector<1250x1xf32>
    %add3A_130 = arith.addf %log3A_129, %broadcast_in_dim3A_122 : vector<1250x1xf32>
    %sub3A_131 = vector.broadcast %add3A_130 : vector<1250x1xf32> to vector<1250x40xf32>
    %sub3A_132 = arith.subf %slice3A_119, %sub3A_131 : vector<1250x40xf32>
    %swap3A_133 = arith.constant 0 : index
    %swap3A_134 = arith.constant 240 : index
    %swap3A_135 = vector.load %arg5[%swap3A_133, %swap3A_134] : memref<1250x320xf32, #tpu.memory_space<vmem>>, vector<1250x40xf32>
    tpu.vector_store %arg5[%swap3A_133, %swap3A_134], %sub3A_132 {strides = array<i32>} : memref<1250x320xf32, #tpu.memory_space<vmem>>, vector<1250x40xf32>,
    %slice3A_136 = vector.extract_strided_slice %add3A_24 {offsets = [0, 280], sizes = [1250, 40], strides = [1, 1]} : vector<1250x320xf32> to vector<1250x40xf32>
    %reduce_max3A_137 = arith.constant dense<0xFF800000> : vector<1250xf32>
    %reduce_max3A_138 = vector.multi_reduction <maximumf>, %slice3A_136, %reduce_max3A_137 [1] : vector<1250x40xf32> to vector<1250xf32>
    %broadcast_in_dim3A_139 = vector.shape_cast %reduce_max3A_138 : vector<1250xf32> to vector<1250x1xf32>
    %sub3A_140 = vector.broadcast %broadcast_in_dim3A_139 : vector<1250x1xf32> to vector<1250x40xf32>
    %sub3A_141 = arith.subf %slice3A_136, %sub3A_140 : vector<1250x40xf32>
    %exp3A_142 = math.exp %sub3A_141 : vector<1250x40xf32>
    %reduce_sum3A_143 = arith.constant dense<0.000000e+00> : vector<1250xf32>
    %reduce_sum3A_144 = vector.multi_reduction <add>, %exp3A_142, %reduce_sum3A_143 [1] : vector<1250x40xf32> to vector<1250xf32>
    %broadcast_in_dim3A_145 = vector.shape_cast %reduce_sum3A_144 : vector<1250xf32> to vector<1250x1xf32>
    %log3A_146 = math.log %broadcast_in_dim3A_145 : vector<1250x1xf32>
    %add3A_147 = arith.addf %log3A_146, %broadcast_in_dim3A_139 : vector<1250x1xf32>
    %sub3A_148 = vector.broadcast %add3A_147 : vector<1250x1xf32> to vector<1250x40xf32>
    %sub3A_149 = arith.subf %slice3A_136, %sub3A_148 : vector<1250x40xf32>
    %swap3A_150 = arith.constant 0 : index
    %swap3A_151 = arith.constant 280 : index
    %swap3A_152 = vector.load %arg5[%swap3A_150, %swap3A_151] : memref<1250x320xf32, #tpu.memory_space<vmem>>, vector<1250x40xf32>
    tpu.vector_store %arg5[%swap3A_150, %swap3A_151], %sub3A_149 {strides = array<i32>} : memref<1250x320xf32, #tpu.memory_space<vmem>>, vector<1250x40xf32>,
    return
  }
}

</mosaic_0001>

<sc_bundles>
// kernel: kernel.10.cloned.1.call-start
scs
__scs_entry_jumppad:
0x0: {  	(pc) =	sbr.rel $0x88, $3  }
0x1: {  	(tag) =	ssettag $0x0;
	lr =	simm.s32 $0x1  }
0x2: {  	[smem:$0x3F99] =	sst lr;
	_ =	strace $0xD0000000  }
0x3: {  	_ = 	snop  }
0x4: {  	_ = 	snop  }
0x5: {  	_ = 	snop  }
0x6: {  	_ = 	snop  }
0x7: {  	_ = 	snop  }
__scs_overlays_trampoline_lowered:
0x8: {  	[smem:$0x3FA8] =	sst s0  }
0x9: {  	[smem:$0x3FA9] =	sst s1  }
0xa: {  	[smem:$0x3FAA] =	sst s2  }
0xb: {  	[smem:$0x3FAB] =	sst s3  }
0xc: {  	[smem:$0x3FAC] =	sst s4  }
0xd: {  	[smem:$0x3FAD] =	sst s5  }
0xe: {  	[smem:$0x3FAE] =	sst s6  }
0xf: {  	[smem:$0x3FAF] =	sst s7  }
0x10: {  	[smem:$0x3FB0] =	sst s8  }
0x11: {  	[smem:$0x3FB1] =	sst s9;
	s0 =	simm.s32 @!p0 $0x0  }
0x12: {  	s1 =	sld [smem:$0x3F97];
	s0 =	simm.s32 @p0 $0x1  }
0x13: {  	[smem:$0x3FB2] =	sst s0;
	s0 =	simm.s32 @!p1 $0x0  }
0x14: {  	s2 =	sld [smem:$0x3F96];
	s0 =	simm.s32 @p1 $0x1  }
0x15: {  	[smem:$0x3FB3] =	sst s0;
	s0 =	simm.s32 @!p2 $0x0  }
0x16: {  	s3 =	sld [smem:$0x3FDB];
	s0 =	simm.s32 @p2 $0x1  }
0x17: {  	s4 =	simm.s32 $0x1BF5;
	[smem:$0x3FB5] =	sst s0  }
0x18: {  	s0 =	sld [smem:$0x3F98];
	_ =	swait.ge [sflag:s4], $0x0  }
0x19: {  	s7 =	sld [smem:$0x3F99]  }
0x1a: {  	s8 =	sadd.s32 $0xFFFFE003, lr  }
0x1b: {  	s9 =	sadd.s32 $0xFFFFFEF7, lr;
	s5 =	simm.s32 $0xFFFFFFFF;
	p2 =	slt.u32 s8, $0xFFFFF086  }
0x1c: {  	p1 =	slt.u32 s9, $0xF7A;
	s5 =	simm.s32 @!p2 $0x0  }
0x1d: {  	s5 =	simm.s32 @p1 $0x1;
	p0 =	seq.s32 s7, s2  }
0x1e: {  	s7 =	smul.u32 @!p0 $0xF7A, s2;
	p2 =	seq.s32 @!p0 s5, $0x0  }
0x1f: {  	s9 =	smul.u32 $0xF7A, s1;
	s8 =	simm.s32 @!p0 $0x1BF5;
	p2 =	por !p2, p0  }
0x20: {  	[sflag:s8] =	ssyncset.s32 @!p0 $0xFFFFF086;
	s6 =	sadd.s32 @!p0 s3, s7;
	s7 =	simm.s32 @!p0 $0x108  }
0x21: {  	s3 =	sadd.s32 s3, s9;
	s6 =	sadd.s32 @!p0 $0x88, s6;
	s7 =	simm.s32 @p2 $0x1082  }
0x22: {  	[simem:s7], [sflag:s8] =	dma.local @!p0 [hbm:s6], $0xF7A  }
0x23: {  	s9 =	sor.u32 $0xD0000000, s2;
	s6 =	simm.s32 $0x108;
	_ =	swait.ge @!p0 [sflag:s8], $0x0  }
0x24: {  	s3 =	sadd.s32 $0x88, s3;
	s6 =	simm.s32 @!p1 $0x1082;
	[sflag:s4] =	ssyncset.s32 $0xFFFFF086  }
0x25: {  	[simem:s6], [sflag:s4] =	dma.local [hbm:s3], $0xF7A  }
0x26: {  	[smem:$0x3F99] =	sst s1;
	(tag) =	ssettag s2;
	_ =	strace s9  }
0x27: {  	s1 =	sld [smem:$0x3FA9]  }
0x28: {  	s2 =	sld [smem:$0x3FAA]  }
0x29: {  	s4 =	sld [smem:$0x3FAC]  }
0x2a: {  	p0 =	seq.s32 s5, $0x0;
	s5 =	sld [smem:$0x3FAD]  }
0x2b: {  	s6 =	sld [smem:$0x3FAE]  }
0x2c: {  	s7 =	sld [smem:$0x3FAF]  }
0x2d: {  	s3 =	simm.s32 $0x108;
	s8 =	sld [smem:$0x3FB0]  }
0x2e: {  	s3 =	simm.s32 @!p0 $0x1082;
	s9 =	sld [smem:$0x3FB1]  }
0x2f: {  	lr =	sadd.s32 s0, s3;
	s0 =	sld [smem:$0x3FA8]  }
0x30: {  	s3 =	sld [smem:$0x3FAB]  }
0x31: {  	[smem:$0x3FB4] =	sst s10  }
0x32: {  	s10 =	sld [smem:$0x3FB2];
	_ =	sdelay $0x3  }
0x33: {  	p0 =	seq.s32 s10, $0x1;
	s10 =	sld [smem:$0x3FB4];
	_ =	sdelay $0x3  }
0x34: {  	[smem:$0x3FB4] =	sst s10  }
0x35: {  	s10 =	sld [smem:$0x3FB3];
	_ =	sdelay $0x3  }
0x36: {  	p1 =	seq.s32 s10, $0x1;
	s10 =	sld [smem:$0x3FB4];
	_ =	sdelay $0x3  }
0x37: {  	[smem:$0x3FB4] =	sst s10  }
0x38: {  	s10 =	sld [smem:$0x3FB5]  }
0x39: {  	_ = 	snop;
	(pc) =	sbr.ind lr, $3  }
0x3a: {  	_ = 	snop  }
0x3b: {  	_ = 	snop  }
0x3c: {  	p2 =	seq.s32 s10, $0x1;
	s10 =	sld [smem:$0x3FB4]  }
0x3d: {  	_ =	shalt  }
0x3e: {  	_ =	shalt  }
0x3f: {  	_ =	shalt  }
0x40: {  	_ =	shalt  }
0x41: {  	_ =	shalt  }
0x42: {  	_ =	shalt  }
0x43: {  	_ =	shalt  }
0x44: {  	_ =	shalt  }
0x45: {  	_ =	shalt  }
0x46: {  	_ =	shalt  }
0x47: {  	_ =	shalt  }
0x48: {  	_ =	shalt  }
0x49: {  	_ =	shalt  }
0x4a: {  	_ =	shalt  }
0x4b: {  	_ =	shalt  }
0x4c: {  	_ =	shalt  }
0x4d: {  	_ =	shalt  }
0x4e: {  	_ =	shalt  }
0x4f: {  	_ =	shalt  }
0x50: {  	_ =	shalt  }
0x51: {  	_ =	shalt  }
0x52: {  	_ =	shalt  }
0x53: {  	_ =	shalt  }
0x54: {  	_ =	shalt  }
0x55: {  	_ =	shalt  }
0x56: {  	_ =	shalt  }
0x57: {  	_ =	shalt  }
0x58: {  	_ =	shalt  }
0x59: {  	_ =	shalt  }
0x5a: {  	_ =	shalt  }
0x5b: {  	_ =	shalt  }
0x5c: {  	_ =	shalt  }
0x5d: {  	_ =	shalt  }
0x5e: {  	_ =	shalt  }
0x5f: {  	_ =	shalt  }
0x60: {  	_ =	shalt  }
0x61: {  	_ =	shalt  }
0x62: {  	_ =	shalt  }
0x63: {  	_ =	shalt  }
0x64: {  	_ =	shalt  }
0x65: {  	_ =	shalt  }
0x66: {  	_ =	shalt  }
0x67: {  	_ =	shalt  }
0x68: {  	_ =	shalt  }
0x69: {  	_ =	shalt  }
0x6a: {  	_ =	shalt  }
0x6b: {  	_ =	shalt  }
0x6c: {  	_ =	shalt  }
0x6d: {  	_ =	shalt  }
0x6e: {  	_ =	shalt  }
0x6f: {  	_ =	shalt  }
0x70: {  	_ =	shalt  }
0x71: {  	_ =	shalt  }
0x72: {  	_ =	shalt  }
0x73: {  	_ =	shalt  }
0x74: {  	_ =	shalt  }
0x75: {  	_ =	shalt  }
0x76: {  	_ =	shalt  }
0x77: {  	_ =	shalt  }
0x78: {  	_ =	shalt  }
0x79: {  	_ =	shalt  }
0x7a: {  	_ =	shalt  }
0x7b: {  	_ =	shalt  }
0x7c: {  	_ =	shalt  }
0x7d: {  	_ =	shalt  }
0x7e: {  	_ =	shalt  }
0x7f: {  	_ =	shalt  }
0x80: {  	_ =	shalt  }
0x81: {  	_ =	shalt  }
0x82: {  	_ =	shalt  }
0x83: {  	_ =	shalt  }
0x84: {  	_ =	shalt  }
0x85: {  	_ =	shalt  }
0x86: {  	_ =	shalt  }
0x87: {  	_ =	shalt  }
.Lfunc_end0:
.L_simem_size_0:
called_computation_lowered:
.L_overlay_start_0:
0x88: {  	s2 =	sld [smem:$0x3FD9]  }
0x89: {  	s3 =	sld [smem:$0x3FFE];
	_ =	sdelay $0x1  }
0x8a: {  	s1 =	srdreg.scid  }
0x8b: {  	s0 =	sand.u32 $0x1, s1  }
0x8c: {  	s17 =	sshll.u32 s0, $0xA;
	s2 =	sadd.s32 s3, s2  }
0x8d: {  	s2 =	sadd.s32 s2, s17  }
0x8e: {  	[smem:$0x3FC0] =	sst s2  }
0x8f: {  	_ = 	snop  }
0x90: {  	s2 =	sld [smem:$0x3FD0];
	(tm) =	ssettm $0x1  }
0x91: {  	s18 =	sld [smem:$0x3FFB];
	_ =	sdelay $0x3  }
0x92: {  	_ =	strace s18  }
0x93: {  	s3 =	sld [smem:$0x3FFC];
	_ =	sdelay $0x3  }
0x94: {  	_ =	strace s3  }
0x95: {  	s3 =	sld [smem:$0x3FFD];
	_ =	sdelay $0x3  }
0x96: {  	_ =	strace s3  }
0x97: {  	_ =	strace $0x8FFFFFFF  }
0x98: {  	s19 =	sld [smem:$0x3FDB];
	_ =	sdelay $0x1  }
0x99: {  	s4 =	simm.s32 $_scs_section_size  }
0x9a: {  	s5 =	simm.s32 $_size__tile_overlayer_lowered;
	s6 =	simm.s32 $_tile_overlayer_lowered  }
0x9b: {  	s22 =	simm.s32 $0x1BFF;
	s21 =	sshll.u32 s6, $0x1;
	s3 =	sadd.s32 s4, s19  }
0x9c: {  	s7 =	simm.s32 $0x0;
	s20 =	sshll.u32 s5, $0x1;
	s5 =	sadd.s32 s21, s3  }
0x9d: {  	[timem:s7], [sflag:s22] =	dma.local [hbm:s5], s20  }
0x9e: {  	_ =	swait.ge [sflag:s22], s20  }
0x9f: {  	s4 =	ssub.s32 $0x0, s20;
	[sflag:s22] =	ssyncset.done $0x0  }
0xa0: {  	[sflag:s22] =	ssyncadd.s32 s4;
	_ =	sdelay $0x1  }
0xa1: {  	s23 =	simm.s32 $0x1B8B  }
0xa2: {  	_ =	swait.ge [sflag:s23], $0x1  }
0xa3: {  	[sflag:s23] =	ssyncset.done $0x0  }
0xa4: {  	s25 =	simm.s32 $0x1B8E;
	s24 =	sld [smem:$0x3FFE];
	[sflag:s23] =	ssyncadd.s32 $0xFFFFFFFF  }
0xa5: {  	s26 =	simm.s32 $execute0_lowered;
	[smem:$0x3FD2] =	sst s25  }
0xa6: {  	s5 =	sshll.u32 s26, $0x1;
	_ =	strace $0x80000046;
	[dreg:$0x1] =	wrdreg $0xFFFFFFFF  }
0xa7: {  	s28 =	simm.s32 $_size_execute0_lowered;
	s3 =	sadd.s32 s3, s5;
	[dreg:$0x0] =	wrdreg $0x0  }
0xa8: {  	s5 =	sshll.u32 s28, $0x1;
	[dreg:$0x2] =	wrdreg s3  }
0xa9: {  	[dreg:$0x3] =	wrdreg s5  }
0xaa: {  	[dreg:$0x4] =	wrdreg $0xC0  }
0xab: {  	_ =	task [dreg:s7], $0x5FFFF  }
0xac: {  	[dreg:$0x1] =	wrdreg $0xFFFFFFFF  }
0xad: {  	[dreg:$0x0] =	wrdreg $0x60  }
0xae: {  	[dreg:$0x2] =	wrdreg s24  }
0xaf: {  	[dreg:$0x3] =	wrdreg s2  }
0xb0: {  	[dreg:$0x4] =	wrdreg $0x28800  }
0xb1: {  	[dreg:$0x5] =	wrdreg $0x9  }
0xb2: {  	_ =	task.clear_ibuf [dreg:s7], $0x6FFFF;
	_ =	strace $0x90000046  }
0xb3: {  	s29 =	simm.s32 $0x9;
	_ =	strace $0x80000048  }
0xb4: {  	_ =	swait.ge [sflag:s29], $0x1  }
0xb5: {  	[sflag:s29] =	ssyncadd.s32 $0xFFFFFFFF  }
0xb6: {  	_ =	strace $0x90000048  }
0xb7: {  	_ =	sfence  }
0xb8: {  	s30 =	sld [smem:$0x0];
	_ =	sdelay $0x2  }
0xb9: {  	s31 =	sshll.u32 s1, $0xD;
	s1 =	sshrl.u32 s1, $0x2  }
0xba: {  	s3 =	sand.u32 $0x4000, s31;
	s1 =	sadd.s32 s1, s30  }
0xbb: {  	s0 =	sor.u32 s3, s0;
	s1 =	sshll.u32 s1, $0x11  }
0xbc: {  	s0 =	sor.u32 s1, s0  }
0xbd: {  	s0 =	sadd.s32 $0x8F2B, s0  }
0xbe: {  	[sflag:s0] =	ssyncadd.remote.s32 $0x1  }
0xbf: {  	_ =	sfence.sel $0xFFFF  }
0xc0: {  	[dreg:$0x0] =	wrdreg $0xFFFFFFFF;
	(pc) =	sbr.abs _section_cstart, $3  }
0xc1: {  	[dreg:$0x1] =	wrdreg $0xFFFFFFFF  }
0xc2: {  	_ =	task.clear_ibuf [dreg:s7], $0x2FFFF;
	_ =	strace $0x9FFFFFFF  }
0xc3: {  	(tm) =	ssettm $0x7FFFFFFF  }
tec
execute0_lowered:
.L_overlay_start_1:
0x0: {  	(tag) =	ssettag $0x1  }
0x1: {  	s7 =	rddreg [dreg:$0x0]  }
0x2: {  	s0 =	srdreg.scid;
	s5 =	rddreg [dreg:$0x1]  }
0x3: {  	s2 =	rddreg [dreg:$0x2];
	s1 =	stileid.u32;
	s3 =	simm.s32 $0x0  }
0x4: {  	s13 =	simm.s32 $0x1;
	s4 =	sand.u32 $0x1, s0;
	s0 =	rddreg [dreg:$0x3]  }
0x5: {  	[smem:$0x7FF] =	sst s3;
	s10 =	smul.u32 $0x280, s1;
	s31 =	sshll.u32 s1, $0x6  }
0x6: {  	s6 =	sshll.u32 s4, $0x4;
	_ =	strace $0x80000047;
	s9 =	ssub.s32 $0x2, s4  }
0x7: {  	s12 =	smul.u32 $0x500, s4;
	s4 =	sadd.s32 $0x16800, s7;
	s8 =	sor.u32 s1, s6  }
0x8: {  	s11 =	sshrl.u32 s9, $0x1;
	s30 =	sadd.s32 s10, s2;
	s15 =	sshrl.u32 s10, $0x3  }
0x9: {  	s6 =	smul.u32 $0x500, s8;
	s9 =	ssub.s32 s9, s11;
	s14 =	sadd.s32 s5, s12  }
0xa: {  	p0 =	seq.s32 s8, $0x1F;
	s8 =	simm.s32 $0x2;
	s10 =	sshrl.u32 s30, $0x3  }
0xb: {  	s11 =	simm.s32 $0x80;
	s12 =	simm.s32 $0x2800;
	s5 =	smax.u32 s9, $0x1  }
0xc: {  	s9 =	sor.u32 $0x1C02, s31;
	s14 =	sadd.s32 s15, s14;
	s6 =	sadd.s32 s6, s7  }
0xd: {  	v0 =	vimm.s32 $0x2710;
	v1 =	vimm.f32 $1.000000000e+00;
	s15 =	simm.s32 $0x0;
	s7 =	sadd.s32 $0x16540, s7;
	s6 =	sadd.s32 $0xCA40, s6  }
.LBB2_1:
.Ltmp0:
0xe: {  	(pc) =	sbr.rel @!p0 .LBB2_2-.Ltmp0, $1  }
0xf: {  	_ =	sdelay $0x3  }
0x10: {  	s16 =	simm.s32 $0x0  }
0x11: {  	[tilespmem:s16], [sflag:$0x2] =	stream.linear.gather [hbm4b:s7+s16], $0xA00, $0x38;
	[tilespmem:$0x2B00] =	vst v63  }
0x12: {  	_ =	swait.ge [sflag:s8], $0xA00  }
0x13: {  	[sflag:s8] =	ssyncset.done $0x0  }
0x14: {  	s17 =	simm.s32 $0x200;
	s16 =	simm.s32 $0x0;
	[sflag:s8] =	ssyncadd.s32 $0xFFFFF600  }
.LBB2_4:
0x15: {  	p1 =	sne.s32 s17, $0x7600;
	[tilespmem:s16+$0xA70] =	vst v0  }
0x16: {  	[tilespmem:s16+$0xA00] =	vst v0  }
0x17: {  	[tilespmem:s16+$0xA10] =	vst v0  }
.Ltmp1:
0x18: {  	[tilespmem:s16+$0xA20] =	vst v0;
	(pc) =	sbr.rel @p1 .LBB2_4-.Ltmp1, $4  }
0x19: {  	[tilespmem:s16+$0xA30] =	vst v0  }
0x1a: {  	[tilespmem:s16+$0xA40] =	vst v0  }
0x1b: {  	[tilespmem:s16+$0xA50] =	vst v0  }
0x1c: {  	[tilespmem:s16+$0xA60] =	vst v0;
	s16 =	sshra.s32 s17, $0x2;
	s17 =	sadd.s32 $0x200, s17  }
0x1d: {  	[tilespmem:s16+$0xA70] =	vst v0  }
0x1e: {  	[tilespmem:s16+$0xA00] =	vst v0  }
0x1f: {  	[tilespmem:s16+$0xA10] =	vst v0  }
.Ltmp2:
0x20: {  	[tilespmem:s16+$0xA20] =	vst v0;
	(pc) =	sbr.rel .LBB2_6-.Ltmp2, $4  }
0x21: {  	[tilespmem:s16+$0xA30] =	vst v0  }
0x22: {  	[tilespmem:s16+$0xA40] =	vst v0  }
0x23: {  	[tilespmem:s16+$0xA50] =	vst v0  }
0x24: {  	[tilespmem:s16+$0xA60] =	vst v0  }
.LBB2_2:
0x25: {  	[tilespmem:s3], [sflag:$0x2] =	stream.linear.gather [hbm4b:s6+s3], $0x2800, $0x38;
	[tilespmem:$0x2B00] =	vst v63  }
0x26: {  	_ =	swait.ge [sflag:s8], $0x2800  }
0x27: {  	[sflag:s8] =	ssyncset.done $0x0  }
0x28: {  	[sflag:s8] =	ssyncadd.s32 $0xFFFFD800  }
.LBB2_6:
0x29: {  	[tilespmem:$0x2800] =	vst v1  }
0x2a: {  	[tilespmem:$0x2810] =	vst v1  }
0x2b: {  	[tilespmem:$0x2820] =	vst v1  }
0x2c: {  	[tilespmem:$0x2830] =	vst v1  }
0x2d: {  	[tilespmem:$0x2840] =	vst v1  }
0x2e: {  	[tilespmem:$0x2850] =	vst v1  }
0x2f: {  	[tilespmem:$0x2860] =	vst v1  }
0x30: {  	[tilespmem:$0x2870] =	vst v1  }
0x31: {  	[spmem:s10], [sflag:s9] =	dma.local [hbm:s4], $0x50  }
0x32: {  	_ =	swait.ge [sflag:s8], $0x50  }
0x33: {  	[sflag:s8] =	ssyncset.done $0x0  }
0x34: {  	[sflag:s8] =	ssyncadd.s32 $0xFFFFFFB0  }
0x35: {  	s16 =	simm.s32 $0x0;
	[bflag:$0x0] =	sbarrier.arrive $0xFFFF  }
.LBB2_7:
0x36: {  	p1 =	sne.s32 s16, $0x9E00  }
.Ltmp3:
0x37: {  	_ = 	snop;
	(pc) =	sbr.rel @p1 .LBB2_7-.Ltmp3, $3  }
0x38: {  	_ =	sdelay $0x1  }
0x39: {  	s17 =	sshra.s32 s16, $0x2;
	s16 =	sadd.s32 $0x200, s16  }
0x3a: {  	[spmem:s2] =	stream.indirect.scatter.add.f32 [tilespmem:s12], [sflag:$0x1], $0x1, s17, s11, $0xb8;
	[tilespmem:$0x2B00] =	vst v63  }
0x3b: {  	_ =	swait.ge [sflag:s13], $0x80  }
0x3c: {  	s16 =	simm.s32 $0x4F;
	[sflag:s13] =	ssyncset.done $0x0  }
.LBB2_9:
0x3d: {  	p1 =	sne.s32 s16, $0x1;
	s16 =	sadd.s32 $0xFFFFFFFF, s16;
	[sflag:s13] =	ssyncadd.s32 $0xFFFFFF80  }
.Ltmp4:
0x3e: {  	(pc) =	sbr.rel @p1 .LBB2_9-.Ltmp4, $3  }
0x3f: {  	_ =	sdelay $0x1  }
0x40: {  	_ =	swait.ge [sflag:s13], $0x80  }
0x41: {  	[sflag:s13] =	ssyncset.done $0x0  }
0x42: {  	s15 =	sadd.s32 $0x1, s15  }
0x43: {  	[sflag:s13] =	ssyncadd.s32 $0xFFFFFF80;
	p1 =	sne.s32 s15, s5  }
.Ltmp5:
0x44: {  	[bflag:$0x0] =	sbarrier.arrive $0xFFFF;
	(pc) =	sbr.rel @p1 .LBB2_1-.Ltmp5, $4  }
0x45: {  	[hbm:s14], [sflag:s9] =	dma.local [spmem:s10], $0x50  }
0x46: {  	_ =	swait.ge [sflag:s8], $0x50  }
0x47: {  	[sflag:s8] =	ssyncset.done $0x0  }
0x48: {  	[sflag:s8] =	ssyncadd.s32 $0xFFFFFFB0  }
0x49: {  	_ =	sfence.sel $0x180000  }
0x4a: {  	[bflag:$0x0] =	sbarrier.arrive $0xFFFF  }
0x4b: {  	p0 =	sne.s32 s1, $0x0;
	_ =	strace $0x90000047  }
0x4c: {  	s0 =	sadd.s32 @!p0 $0x100000, s0;
	[bflag:$0x2] =	sbarrier.arrive $0xFFFF  }
0x4d: {  	[sflag:s0] =	ssyncadd.tile.s32 @!p0 $0x1;
	_ =	shalt  }
.Lfunc_end2:
_tile_overlayer_lowered:
.L_overlay_start_2:
0x4e: {  	(tag) =	ssettag $0x2  }
0x4f: {  	s0 =	rddreg [dreg:$0x0];
	s2 =	stileid.u32  }
0x50: {  	s1 =	rddreg [dreg:$0x1];
	p0 =	sne.s32 s2, $0x0  }
0x51: {  	s3 =	rddreg [dreg:$0x2];
	[bflag:$0x3] =	sbarrier.arrive $0xFFFF;
	s2 =	simm.s32 @!p0 $0x1C02  }
0x52: {  	[timem:s3], [sflag:s2] =	dma.local @!p0 [hbm:s0], s1  }
0x53: {  	s0 =	simm.s32 @!p0 $0x2  }
0x54: {  	_ =	swait.ge @!p0 [sflag:s0], s1  }
0x55: {  	s1 =	ssub.s32 @!p0 $0x0, s1;
	[sflag:s0] =	ssyncset.done @!p0 $0x0  }
0x56: {  	[sflag:s0] =	ssyncadd.s32 @!p0 s1  }
0x57: {  	[bflag:$0x3] =	sbarrier.arrive $0xFFFF  }
0x58: {  	_ =	shalt  }

// kernel: kernel.13.cloned.1.call-start
scs
__scs_entry_jumppad:
0x0: {  	(pc) =	sbr.rel $0x88, $3  }
0x1: {  	(tag) =	ssettag $0x0;
	lr =	simm.s32 $0x1  }
0x2: {  	[smem:$0x3F99] =	sst lr;
	_ =	strace $0xD0000000  }
0x3: {  	_ = 	snop  }
0x4: {  	_ = 	snop  }
0x5: {  	_ = 	snop  }
0x6: {  	_ = 	snop  }
0x7: {  	_ = 	snop  }
__scs_overlays_trampoline_lowered:
0x8: {  	[smem:$0x3FA8] =	sst s0  }
0x9: {  	[smem:$0x3FA9] =	sst s1  }
0xa: {  	[smem:$0x3FAA] =	sst s2  }
0xb: {  	[smem:$0x3FAB] =	sst s3  }
0xc: {  	[smem:$0x3FAC] =	sst s4  }
0xd: {  	[smem:$0x3FAD] =	sst s5  }
0xe: {  	[smem:$0x3FAE] =	sst s6  }
0xf: {  	[smem:$0x3FAF] =	sst s7  }
0x10: {  	[smem:$0x3FB0] =	sst s8  }
0x11: {  	[smem:$0x3FB1] =	sst s9;
	s0 =	simm.s32 @!p0 $0x0  }
0x12: {  	s1 =	sld [smem:$0x3F97];
	s0 =	simm.s32 @p0 $0x1  }
0x13: {  	[smem:$0x3FB2] =	sst s0;
	s0 =	simm.s32 @!p1 $0x0  }
0x14: {  	s2 =	sld [smem:$0x3F96];
	s0 =	simm.s32 @p1 $0x1  }
0x15: {  	[smem:$0x3FB3] =	sst s0;
	s0 =	simm.s32 @!p2 $0x0  }
0x16: {  	s3 =	sld [smem:$0x3FDB];
	s0 =	simm.s32 @p2 $0x1  }
0x17: {  	s4 =	simm.s32 $0x1BF5;
	[smem:$0x3FB5] =	sst s0  }
0x18: {  	s0 =	sld [smem:$0x3F98];
	_ =	swait.ge [sflag:s4], $0x0  }
0x19: {  	s7 =	sld [smem:$0x3F99]  }
0x1a: {  	s8 =	sadd.s32 $0xFFFFE003, lr  }
0x1b: {  	s9 =	sadd.s32 $0xFFFFFEF7, lr;
	s5 =	simm.s32 $0xFFFFFFFF;
	p2 =	slt.u32 s8, $0xFFFFF086  }
0x1c: {  	p1 =	slt.u32 s9, $0xF7A;
	s5 =	simm.s32 @!p2 $0x0  }
0x1d: {  	s5 =	simm.s32 @p1 $0x1;
	p0 =	seq.s32 s7, s2  }
0x1e: {  	s7 =	smul.u32 @!p0 $0xF7A, s2;
	p2 =	seq.s32 @!p0 s5, $0x0  }
0x1f: {  	s9 =	smul.u32 $0xF7A, s1;
	s8 =	simm.s32 @!p0 $0x1BF5;
	p2 =	por !p2, p0  }
0x20: {  	[sflag:s8] =	ssyncset.s32 @!p0 $0xFFFFF086;
	s6 =	sadd.s32 @!p0 s3, s7;
	s7 =	simm.s32 @!p0 $0x108  }
0x21: {  	s3 =	sadd.s32 s3, s9;
	s6 =	sadd.s32 @!p0 $0x88, s6;
	s7 =	simm.s32 @p2 $0x1082  }
0x22: {  	[simem:s7], [sflag:s8] =	dma.local @!p0 [hbm:s6], $0xF7A  }
0x23: {  	s9 =	sor.u32 $0xD0000000, s2;
	s6 =	simm.s32 $0x108;
	_ =	swait.ge @!p0 [sflag:s8], $0x0  }
0x24: {  	s3 =	sadd.s32 $0x88, s3;
	s6 =	simm.s32 @!p1 $0x1082;
	[sflag:s4] =	ssyncset.s32 $0xFFFFF086  }
0x25: {  	[simem:s6], [sflag:s4] =	dma.local [hbm:s3], $0xF7A  }
0x26: {  	[smem:$0x3F99] =	sst s1;
	(tag) =	ssettag s2;
	_ =	strace s9  }
0x27: {  	s1 =	sld [smem:$0x3FA9]  }
0x28: {  	s2 =	sld [smem:$0x3FAA]  }
0x29: {  	s4 =	sld [smem:$0x3FAC]  }
0x2a: {  	p0 =	seq.s32 s5, $0x0;
	s5 =	sld [smem:$0x3FAD]  }
0x2b: {  	s6 =	sld [smem:$0x3FAE]  }
0x2c: {  	s7 =	sld [smem:$0x3FAF]  }
0x2d: {  	s3 =	simm.s32 $0x108;
	s8 =	sld [smem:$0x3FB0]  }
0x2e: {  	s3 =	simm.s32 @!p0 $0x1082;
	s9 =	sld [smem:$0x3FB1]  }
0x2f: {  	lr =	sadd.s32 s0, s3;
	s0 =	sld [smem:$0x3FA8]  }
0x30: {  	s3 =	sld [smem:$0x3FAB]  }
0x31: {  	[smem:$0x3FB4] =	sst s10  }
0x32: {  	s10 =	sld [smem:$0x3FB2];
	_ =	sdelay $0x3  }
0x33: {  	p0 =	seq.s32 s10, $0x1;
	s10 =	sld [smem:$0x3FB4];
	_ =	sdelay $0x3  }
0x34: {  	[smem:$0x3FB4] =	sst s10  }
0x35: {  	s10 =	sld [smem:$0x3FB3];
	_ =	sdelay $0x3  }
0x36: {  	p1 =	seq.s32 s10, $0x1;
	s10 =	sld [smem:$0x3FB4];
	_ =	sdelay $0x3  }
0x37: {  	[smem:$0x3FB4] =	sst s10  }
0x38: {  	s10 =	sld [smem:$0x3FB5]  }
0x39: {  	_ = 	snop;
	(pc) =	sbr.ind lr, $3  }
0x3a: {  	_ = 	snop  }
0x3b: {  	_ = 	snop  }
0x3c: {  	p2 =	seq.s32 s10, $0x1;
	s10 =	sld [smem:$0x3FB4]  }
0x3d: {  	_ =	shalt  }
0x3e: {  	_ =	shalt  }
0x3f: {  	_ =	shalt  }
0x40: {  	_ =	shalt  }
0x41: {  	_ =	shalt  }
0x42: {  	_ =	shalt  }
0x43: {  	_ =	shalt  }
0x44: {  	_ =	shalt  }
0x45: {  	_ =	shalt  }
0x46: {  	_ =	shalt  }
0x47: {  	_ =	shalt  }
0x48: {  	_ =	shalt  }
0x49: {  	_ =	shalt  }
0x4a: {  	_ =	shalt  }
0x4b: {  	_ =	shalt  }
0x4c: {  	_ =	shalt  }
0x4d: {  	_ =	shalt  }
0x4e: {  	_ =	shalt  }
0x4f: {  	_ =	shalt  }
0x50: {  	_ =	shalt  }
0x51: {  	_ =	shalt  }
0x52: {  	_ =	shalt  }
0x53: {  	_ =	shalt  }
0x54: {  	_ =	shalt  }
0x55: {  	_ =	shalt  }
0x56: {  	_ =	shalt  }
0x57: {  	_ =	shalt  }
0x58: {  	_ =	shalt  }
0x59: {  	_ =	shalt  }
0x5a: {  	_ =	shalt  }
0x5b: {  	_ =	shalt  }
0x5c: {  	_ =	shalt  }
0x5d: {  	_ =	shalt  }
0x5e: {  	_ =	shalt  }
0x5f: {  	_ =	shalt  }
0x60: {  	_ =	shalt  }
0x61: {  	_ =	shalt  }
0x62: {  	_ =	shalt  }
0x63: {  	_ =	shalt  }
0x64: {  	_ =	shalt  }
0x65: {  	_ =	shalt  }
0x66: {  	_ =	shalt  }
0x67: {  	_ =	shalt  }
0x68: {  	_ =	shalt  }
0x69: {  	_ =	shalt  }
0x6a: {  	_ =	shalt  }
0x6b: {  	_ =	shalt  }
0x6c: {  	_ =	shalt  }
0x6d: {  	_ =	shalt  }
0x6e: {  	_ =	shalt  }
0x6f: {  	_ =	shalt  }
0x70: {  	_ =	shalt  }
0x71: {  	_ =	shalt  }
0x72: {  	_ =	shalt  }
0x73: {  	_ =	shalt  }
0x74: {  	_ =	shalt  }
0x75: {  	_ =	shalt  }
0x76: {  	_ =	shalt  }
0x77: {  	_ =	shalt  }
0x78: {  	_ =	shalt  }
0x79: {  	_ =	shalt  }
0x7a: {  	_ =	shalt  }
0x7b: {  	_ =	shalt  }
0x7c: {  	_ =	shalt  }
0x7d: {  	_ =	shalt  }
0x7e: {  	_ =	shalt  }
0x7f: {  	_ =	shalt  }
0x80: {  	_ =	shalt  }
0x81: {  	_ =	shalt  }
0x82: {  	_ =	shalt  }
0x83: {  	_ =	shalt  }
0x84: {  	_ =	shalt  }
0x85: {  	_ =	shalt  }
0x86: {  	_ =	shalt  }
0x87: {  	_ =	shalt  }
.Lfunc_end0:
.L_simem_size_0:
called_computation.1_lowered:
.L_overlay_start_0:
0x88: {  	s2 =	sld [smem:$0x3FD9]  }
0x89: {  	s3 =	sld [smem:$0x3FFE];
	_ =	sdelay $0x1  }
0x8a: {  	s1 =	srdreg.scid  }
0x8b: {  	s0 =	sand.u32 $0x1, s1  }
0x8c: {  	s17 =	sshll.u32 s0, $0xA;
	s2 =	sadd.s32 s3, s2  }
0x8d: {  	s2 =	sadd.s32 s2, s17  }
0x8e: {  	[smem:$0x3FC0] =	sst s2  }
0x8f: {  	_ = 	snop  }
0x90: {  	s2 =	sld [smem:$0x3FD0];
	(tm) =	ssettm $0x1  }
0x91: {  	s18 =	sld [smem:$0x3FFB];
	_ =	sdelay $0x3  }
0x92: {  	_ =	strace s18  }
0x93: {  	s3 =	sld [smem:$0x3FFC];
	_ =	sdelay $0x3  }
0x94: {  	_ =	strace s3  }
0x95: {  	s3 =	sld [smem:$0x3FFD];
	_ =	sdelay $0x3  }
0x96: {  	_ =	strace s3  }
0x97: {  	_ =	strace $0x8FFFFFFF  }
0x98: {  	s19 =	sld [smem:$0x3FDB];
	_ =	sdelay $0x1  }
0x99: {  	s4 =	simm.s32 $_scs_section_size  }
0x9a: {  	s5 =	simm.s32 $_size__tile_overlayer_lowered;
	s6 =	simm.s32 $_tile_overlayer_lowered  }
0x9b: {  	s22 =	simm.s32 $0x1BFF;
	s21 =	sshll.u32 s6, $0x1;
	s3 =	sadd.s32 s4, s19  }
0x9c: {  	s7 =	simm.s32 $0x0;
	s20 =	sshll.u32 s5, $0x1;
	s5 =	sadd.s32 s21, s3  }
0x9d: {  	[timem:s7], [sflag:s22] =	dma.local [hbm:s5], s20  }
0x9e: {  	_ =	swait.ge [sflag:s22], s20  }
0x9f: {  	s4 =	ssub.s32 $0x0, s20;
	[sflag:s22] =	ssyncset.done $0x0  }
0xa0: {  	[sflag:s22] =	ssyncadd.s32 s4;
	_ =	sdelay $0x1  }
0xa1: {  	s23 =	simm.s32 $0x1B8B  }
0xa2: {  	_ =	swait.ge [sflag:s23], $0x1  }
0xa3: {  	[sflag:s23] =	ssyncset.done $0x0  }
0xa4: {  	s25 =	simm.s32 $0x1B8E;
	s24 =	sld [smem:$0x3FFE];
	[sflag:s23] =	ssyncadd.s32 $0xFFFFFFFF  }
0xa5: {  	s26 =	simm.s32 $execute0_lowered;
	[smem:$0x3FD2] =	sst s25  }
0xa6: {  	s5 =	sshll.u32 s26, $0x1;
	_ =	strace $0x80000049;
	[dreg:$0x1] =	wrdreg $0xFFFFFFFF  }
0xa7: {  	s28 =	simm.s32 $_size_execute0_lowered;
	s3 =	sadd.s32 s3, s5;
	[dreg:$0x0] =	wrdreg $0x0  }
0xa8: {  	s5 =	sshll.u32 s28, $0x1;
	[dreg:$0x2] =	wrdreg s3  }
0xa9: {  	[dreg:$0x3] =	wrdreg s5  }
0xaa: {  	[dreg:$0x4] =	wrdreg $0xC0  }
0xab: {  	_ =	task [dreg:s7], $0x5FFFF  }
0xac: {  	[dreg:$0x1] =	wrdreg $0xFFFFFFFF  }
0xad: {  	[dreg:$0x0] =	wrdreg $0x60  }
0xae: {  	[dreg:$0x2] =	wrdreg s24  }
0xaf: {  	[dreg:$0x3] =	wrdreg s2  }
0xb0: {  	[dreg:$0x4] =	wrdreg $0x90000  }
0xb1: {  	[dreg:$0x5] =	wrdreg $0xB8000  }
0xb2: {  	[dreg:$0x6] =	wrdreg $0x9  }
0xb3: {  	_ =	task.clear_ibuf [dreg:s7], $0x7FFFF;
	_ =	strace $0x90000049  }
0xb4: {  	s29 =	simm.s32 $0x9;
	_ =	strace $0x8000004B  }
0xb5: {  	_ =	swait.ge [sflag:s29], $0x1  }
0xb6: {  	[sflag:s29] =	ssyncadd.s32 $0xFFFFFFFF  }
0xb7: {  	_ =	strace $0x9000004B  }
0xb8: {  	_ =	sfence  }
0xb9: {  	s30 =	sld [smem:$0x0];
	_ =	sdelay $0x2  }
0xba: {  	s31 =	sshll.u32 s1, $0xD;
	s1 =	sshrl.u32 s1, $0x2  }
0xbb: {  	s3 =	sand.u32 $0x4000, s31;
	s1 =	sadd.s32 s1, s30  }
0xbc: {  	s0 =	sor.u32 s3, s0;
	s1 =	sshll.u32 s1, $0x11  }
0xbd: {  	s0 =	sor.u32 s1, s0  }
0xbe: {  	s0 =	sadd.s32 $0x8F2B, s0  }
0xbf: {  	[sflag:s0] =	ssyncadd.remote.s32 $0x1  }
0xc0: {  	_ =	sfence.sel $0xFFFF  }
0xc1: {  	[dreg:$0x0] =	wrdreg $0xFFFFFFFF;
	(pc) =	sbr.abs _section_cstart, $3  }
0xc2: {  	[dreg:$0x1] =	wrdreg $0xFFFFFFFF  }
0xc3: {  	_ =	task.clear_ibuf [dreg:s7], $0x2FFFF;
	_ =	strace $0x9FFFFFFF  }
0xc4: {  	(tm) =	ssettm $0x7FFFFFFF  }
0xc5: {  	_ =	shalt  }
tec
execute0_lowered:
.L_overlay_start_1:
0x0: {  	(tag) =	ssettag $0x1  }
0x1: {  	s0 =	rddreg [dreg:$0x0]  }
0x2: {  	s2 =	rddreg [dreg:$0x1]  }
0x3: {  	s1 =	rddreg [dreg:$0x2];
	s4 =	srdreg.scid  }
0x4: {  	s3 =	rddreg [dreg:$0x3];
	s11 =	stileid.u32  }
0x5: {  	s7 =	simm.s32 $0x0;
	s13 =	simm.s32 $0x11;
	s23 =	simm.s32 $0x6800  }
0x6: {  	s29 =	simm.s32 $0x7800;
	s31 =	simm.s32 $0x8000;
	s15 =	simm.s32 $0x4  }
0x7: {  	s14 =	simm.s32 $0xD;
	s28 =	simm.s32 $0x10;
	s30 =	simm.s32 $0x0  }
0x8: {  	s4 =	sand.u32 $0x1, s4;
	s6 =	smul.u32 $0x2720, s11;
	[smem:$0x7FF] =	sst s7  }
0x9: {  	s10 =	sadd.s32 $0x1B800, s0;
	s18 =	sadd.s32 $0xCA40, s0;
	s5 =	sshll.u32 s4, $0x4  }
0xa: {  	_ =	strace $0x8000004A;
	s9 =	ssub.s32 $0x2, s4;
	[dreg:$0x6] =	wrdreg s10  }
0xb: {  	s4 =	smul.u32 $0x5000, s4;
	[dreg:$0x8] =	wrdreg s18;
	s25 =	sadd.s32 $0x9B00, s18  }
0xc: {  	s18 =	simm.s32 $0x5000;
	s5 =	sor.u32 s11, s5;
	s16 =	sshrl.u32 s6, $0x3  }
0xd: {  	s17 =	sshrl.u32 s9, $0x1;
	s11 =	smul.u32 $0x2800, s11;
	s20 =	sadd.s32 s6, s3  }
0xe: {  	[dreg:$0xd] =	wrdreg s25;
	s25 =	simm.s32 $0xE;
	s8 =	smul.u32 $0x500, s5  }
0xf: {  	s7 =	sadd.s32 s16, s0;
	s9 =	ssub.s32 s9, s17;
	s2 =	sadd.s32 s2, s4  }
0x10: {  	p0 =	seq.s32 s5, $0x1F;
	s17 =	simm.s32 $0x80;
	s4 =	simm.s32 $0x8800  }
0x11: {  	s19 =	sadd.s32 s11, s1;
	s21 =	sadd.s32 $0x16800, s7;
	[dreg:$0x5] =	wrdreg s8  }
0x12: {  	s22 =	sshrl.u32 s11, $0x3;
	s24 =	smax.u32 s9, $0x1;
	[dreg:$0xa] =	wrdreg s19  }
0x13: {  	s7 =	simm.s32 $0x2;
	s8 =	sadd.s32 s8, s0;
	[dreg:$0xb] =	wrdreg s21  }
.Ltmp0:
0x14: {  	s0 =	sadd.s32 $0xC900, s0;
	[dreg:$0xc] =	wrdreg s24;
	(pc) =	sbr.rel .LBB2_1-.Ltmp0, $4  }
0x15: {  	s9 =	simm.s32 $0x6;
	s26 =	sadd.s32 s22, s2;
	[dreg:$0x9] =	wrdreg s0  }
0x16: {  	s19 =	simm.s32 $0x5800;
	s8 =	sadd.s32 $0x2E00, s8;
	[dreg:$0xf] =	wrdreg s26  }
0x17: {  	s0 =	sshrl.u32 s20, $0x3;
	s20 =	simm.s32 $0x8;
	[dreg:$0x7] =	wrdreg s8  }
0x18: {  	v0 =	vimm.s32 $0x2710;
	s26 =	simm.s32 $0xF;
	[dreg:$0xe] =	wrdreg s0;
	s0 =	simm.s32 $0x1  }
.LBB2_11:
0x19: {  	s2 =	simm.s32 $0x9  }
0x1a: {  	_ =	swait.ge [sflag:s2], $0x800  }
0x1b: {  	[sflag:s2] =	ssyncset.done $0x0  }
0x1c: {  	s12 =	simm.s32 $0xA;
	[sflag:s2] =	ssyncadd.s32 $0xFFFFF800  }
0x1d: {  	_ =	swait.ge [sflag:s12], $0x800  }
0x1e: {  	[sflag:s12] =	ssyncset.done $0x0  }
0x1f: {  	s16 =	simm.s32 $0xB;
	[sflag:s12] =	ssyncadd.s32 $0xFFFFF800  }
0x20: {  	_ =	swait.ge [sflag:s16], $0x800  }
0x21: {  	[sflag:s16] =	ssyncset.done $0x0  }
0x22: {  	s21 =	simm.s32 $0xC;
	[sflag:s16] =	ssyncadd.s32 $0xFFFFF800  }
0x23: {  	_ =	swait.ge [sflag:s21], $0x800  }
0x24: {  	[sflag:s21] =	ssyncset.done $0x0  }
0x25: {  	[sflag:s21] =	ssyncadd.s32 $0xFFFFF800  }
0x26: {  	_ =	swait.ge [sflag:s14], $0x800  }
0x27: {  	[sflag:s14] =	ssyncset.done $0x0  }
0x28: {  	[sflag:s14] =	ssyncadd.s32 $0xFFFFF800  }
0x29: {  	_ =	swait.ge [sflag:s25], $0x800  }
0x2a: {  	[sflag:s25] =	ssyncset.done $0x0  }
0x2b: {  	[sflag:s25] =	ssyncadd.s32 $0xFFFFF800  }
0x2c: {  	_ =	swait.ge [sflag:s26], $0x800  }
0x2d: {  	[sflag:s26] =	ssyncset.done $0x0  }
0x2e: {  	[sflag:s26] =	ssyncadd.s32 $0xFFFFF800  }
0x2f: {  	_ =	swait.ge [sflag:s28], $0x800  }
0x30: {  	[sflag:s28] =	ssyncset.done $0x0  }
0x31: {  	[sflag:s28] =	ssyncadd.s32 $0xFFFFF800  }
0x32: {  	[bflag:$0x0] =	sbarrier.arrive $0xFFFF  }
0x33: {  	s22 =	rddreg [dreg:$0xf]  }
0x34: {  	[hbm:s22], [sflag:s8] =	dma.local [spmem:s6], $0x500  }
0x35: {  	_ =	swait.ge [sflag:s13], $0x500  }
0x36: {  	s30 =	sadd.s32 $0x1, s30;
	s24 =	rddreg [dreg:$0xc]  }
0x37: {  	p1 =	sne.s32 s30, s24  }
.Ltmp1:
0x38: {  	_ = 	snop;
	(pc) =	sbr.rel @!p1 .LBB2_12-.Ltmp1, $3  }
0x39: {  	_ =	sdelay $0x1  }
0x3a: {  	[sflag:s13] =	ssyncset.done $0x0  }
0x3b: {  	[sflag:s13] =	ssyncadd.s32 $0xFFFFFB00  }
.LBB2_1:
.Ltmp2:
0x3c: {  	(pc) =	sbr.rel @!p0 .LBB2_2-.Ltmp2, $1  }
0x3d: {  	_ =	sdelay $0x3  }
0x3e: {  	s6 =	simm.s32 $0x0;
	s2 =	rddreg [dreg:$0x9]  }
0x3f: {  	[tilespmem:s6], [sflag:$0x11] =	stream.linear.gather [hbm4b:s2+s6], $0xA00, $0x38;
	[tilespmem:$0xDF20] =	vst v63  }
0x40: {  	_ =	swait.ge [sflag:s13], $0xA00  }
0x41: {  	[sflag:s13] =	ssyncset.done $0x0  }
0x42: {  	s8 =	simm.s32 $0x200;
	s6 =	simm.s32 $0x0;
	[sflag:s13] =	ssyncadd.s32 $0xFFFFF600  }
.LBB2_4:
0x43: {  	p1 =	sne.s32 s8, $0x7600;
	[tilespmem:s6+$0xA70] =	vst v0  }
0x44: {  	[tilespmem:s6+$0xA00] =	vst v0  }
0x45: {  	[tilespmem:s6+$0xA10] =	vst v0  }
.Ltmp3:
0x46: {  	[tilespmem:s6+$0xA20] =	vst v0;
	(pc) =	sbr.rel @p1 .LBB2_4-.Ltmp3, $4  }
0x47: {  	[tilespmem:s6+$0xA30] =	vst v0  }
0x48: {  	[tilespmem:s6+$0xA40] =	vst v0  }
0x49: {  	[tilespmem:s6+$0xA50] =	vst v0  }
0x4a: {  	[tilespmem:s6+$0xA60] =	vst v0;
	s6 =	sshra.s32 s8, $0x2;
	s8 =	sadd.s32 $0x200, s8  }
0x4b: {  	[tilespmem:s6+$0xA70] =	vst v0  }
0x4c: {  	[tilespmem:s6+$0xA00] =	vst v0  }
0x4d: {  	[tilespmem:s6+$0xA10] =	vst v0  }
0x4e: {  	[tilespmem:s6+$0xA20] =	vst v0  }
0x4f: {  	[tilespmem:s6+$0xA30] =	vst v0  }
0x50: {  	[tilespmem:s6+$0xA40] =	vst v0  }
0x51: {  	[tilespmem:s6+$0xA50] =	vst v0  }
0x52: {  	[tilespmem:s6+$0xA60] =	vst v0;
	s24 =	simm.s32 $0x0;
	s2 =	rddreg [dreg:$0xd];
	s5 =	simm.s32 $0x2800  }
0x53: {  	[tilespmem:s5], [sflag:$0x11] =	stream.linear.gather [hbm4b:s2+s24], $0xA00, $0x38;
	[tilespmem:$0xDF20] =	vst v63  }
0x54: {  	_ =	swait.ge [sflag:s13], $0xA00  }
0x55: {  	[sflag:s13] =	ssyncset.done $0x0  }
0x56: {  	s6 =	simm.s32 $0x0;
	s8 =	simm.s32 $0x200;
	[sflag:s13] =	ssyncadd.s32 $0xFFFFF600  }
.LBB2_6:
0x57: {  	p1 =	sne.s32 s8, $0x7600;
	[tilespmem:s6+$0x3270] =	vst v0  }
0x58: {  	[tilespmem:s6+$0x3200] =	vst v0  }
0x59: {  	[tilespmem:s6+$0x3210] =	vst v0  }
.Ltmp4:
0x5a: {  	[tilespmem:s6+$0x3220] =	vst v0;
	(pc) =	sbr.rel @p1 .LBB2_6-.Ltmp4, $4  }
0x5b: {  	[tilespmem:s6+$0x3230] =	vst v0  }
0x5c: {  	[tilespmem:s6+$0x3240] =	vst v0  }
0x5d: {  	[tilespmem:s6+$0x3250] =	vst v0  }
0x5e: {  	[tilespmem:s6+$0x3260] =	vst v0;
	s6 =	sshra.s32 s8, $0x2;
	s8 =	sadd.s32 $0x200, s8  }
0x5f: {  	[tilespmem:s6+$0x3270] =	vst v0  }
0x60: {  	[tilespmem:s6+$0x3200] =	vst v0  }
0x61: {  	[tilespmem:s6+$0x3210] =	vst v0  }
.Ltmp5:
0x62: {  	[tilespmem:s6+$0x3220] =	vst v0;
	(pc) =	sbr.rel .LBB2_8-.Ltmp5, $4  }
0x63: {  	[tilespmem:s6+$0x3230] =	vst v0  }
0x64: {  	[tilespmem:s6+$0x3240] =	vst v0  }
0x65: {  	[tilespmem:s6+$0x3250] =	vst v0  }
0x66: {  	[tilespmem:s6+$0x3260] =	vst v0  }
.LBB2_2:
0x67: {  	s2 =	simm.s32 $0x0;
	s5 =	rddreg [dreg:$0x7]  }
0x68: {  	[tilespmem:s2], [sflag:$0x11] =	stream.linear.gather [hbm4b:s5+s2], $0x2800, $0x38;
	[tilespmem:$0xDF20] =	vst v63  }
0x69: {  	_ =	swait.ge [sflag:s13], $0x2800  }
0x6a: {  	s22 =	rddreg [dreg:$0x5]  }
0x6b: {  	[sflag:s13] =	ssyncset.done $0x0;
	s6 =	rddreg [dreg:$0x8]  }
0x6c: {  	s24 =	simm.s32 $0x2800;
	[sflag:s13] =	ssyncadd.s32 $0xFFFFD800;
	s6 =	sadd.s32 s22, s6  }
0x6d: {  	[tilespmem:s24], [sflag:$0x11] =	stream.linear.gather [hbm4b:s6+s2], $0x2800, $0x38;
	[tilespmem:$0xDF20] =	vst v63  }
0x6e: {  	_ =	swait.ge [sflag:s13], $0x2800  }
0x6f: {  	[sflag:s13] =	ssyncset.done $0x0  }
0x70: {  	[sflag:s13] =	ssyncadd.s32 $0xFFFFD800  }
.LBB2_8:
0x71: {  	s2 =	stileid.u32  }
0x72: {  	s21 =	rddreg [dreg:$0xa];
	s6 =	sshll.u32 s2, $0x6  }
0x73: {  	s22 =	rddreg [dreg:$0x6];
	s8 =	sor.u32 $0x1C11, s6;
	s6 =	sshrl.u32 s21, $0x3  }
0x74: {  	[spmem:s6], [sflag:s8] =	dma.local [hbm:s22], $0x500  }
0x75: {  	_ =	swait.ge [sflag:s13], $0x500  }
0x76: {  	[sflag:s13] =	ssyncset.done $0x0;
	s24 =	rddreg [dreg:$0xb]  }
0x77: {  	s5 =	rddreg [dreg:$0xe];
	[sflag:s13] =	ssyncadd.s32 $0xFFFFFB00  }
0x78: {  	[spmem:s5], [sflag:s8] =	dma.local [hbm:s24], $0x4E4  }
0x79: {  	_ =	swait.ge [sflag:s13], $0x4E4  }
0x7a: {  	[sflag:s13] =	ssyncset.done $0x0  }
0x7b: {  	[sflag:s13] =	ssyncadd.s32 $0xFFFFFB1C  }
0x7c: {  	s10 =	simm.s32 $0x0;
	[bflag:$0x0] =	sbarrier.arrive $0xFFFF  }
0x7d: {  	[tilespmem:s18], [sflag:$0x1] =	stream.indirect.gather [spmem:s3], $0x10, s10, s17, $0xb8;
	[tilespmem:$0xDF20] =	vst v63  }
0x7e: {  	_ = 	snop  }
0x7f: {  	[tilespmem:s19], [sflag:$0x2] =	stream.indirect.gather [spmem:s3], $0x10, s17, s17, $0xb8;
	[tilespmem:$0xDF20] =	vst v63  }
0x80: {  	s11 =	simm.s32 $0x6000;
	s5 =	simm.s32 $0x100  }
0x81: {  	[tilespmem:s11], [sflag:$0x3] =	stream.indirect.gather [spmem:s3], $0x10, s5, s17, $0xb8;
	[tilespmem:$0xDF20] =	vst v63  }
0x82: {  	s12 =	simm.s32 $0x180  }
0x83: {  	[tilespmem:s23], [sflag:$0x4] =	stream.indirect.gather [spmem:s3], $0x10, s12, s17, $0xb8;
	[tilespmem:$0xDF20] =	vst v63  }
0x84: {  	s16 =	simm.s32 $0x200;
	s21 =	simm.s32 $0x7000  }
0x85: {  	[tilespmem:s21], [sflag:$0x5] =	stream.indirect.gather [spmem:s3], $0x10, s16, s17, $0xb8;
	[tilespmem:$0xDF20] =	vst v63  }
0x86: {  	s22 =	simm.s32 $0x280  }
0x87: {  	[tilespmem:s29], [sflag:$0x6] =	stream.indirect.gather [spmem:s3], $0x10, s22, s17, $0xb8;
	[tilespmem:$0xDF20] =	vst v63  }
0x88: {  	s24 =	simm.s32 $0x300  }
0x89: {  	[tilespmem:s31], [sflag:$0x7] =	stream.indirect.gather [spmem:s3], $0x10, s24, s17, $0xb8;
	[tilespmem:$0xDF20] =	vst v63  }
.LBB2_9:
0x8a: {  	_ =	swait.ge [sflag:s0], $0x800  }
0x8b: {  	s11 =	sshra.s32 s10, $0x2;
	[sflag:s0] =	ssyncset.done $0x0  }
0x8c: {  	p1 =	seq.s32 s10, $0x0;
	s12 =	sadd.s32 $0x2800, s11;
	[sflag:s0] =	ssyncadd.s32 $0xFFFFF800  }
0x8d: {  	[spmem:s1] =	stream.indirect.scatter.add.f32 [tilespmem:s18], [sflag:$0x9], $0x10, s12, s17, $0xb8;
	[tilespmem:$0xDF20] =	vst v63  }
0x8e: {  	s12 =	simm.s32 @!p1 $0x10  }
0x8f: {  	_ =	swait.ge @!p1 [sflag:s12], $0x800  }
0x90: {  	[sflag:s12] =	ssyncset.done @!p1 $0x0  }
0x91: {  	s16 =	sadd.s32 $0x380, s11;
	[sflag:s12] =	ssyncadd.s32 @!p1 $0xFFFFF800  }
0x92: {  	[tilespmem:s4], [sflag:$0x8] =	stream.indirect.gather [spmem:s3], $0x10, s16, s17, $0xb8;
	[tilespmem:$0xDF20] =	vst v63  }
0x93: {  	_ =	swait.ge [sflag:s7], $0x800  }
0x94: {  	p1 =	seq.s32 s10, $0x9000;
	[sflag:s7] =	ssyncset.done $0x0  }
0x95: {  	s21 =	sadd.s32 $0x2880, s11;
	s12 =	simm.s32 @p1 $0x3;
	[sflag:s7] =	ssyncadd.s32 $0xFFFFF800  }
0x96: {  	[spmem:s1] =	stream.indirect.scatter.add.f32 [tilespmem:s19], [sflag:$0xA], $0x10, s21, s17, $0xb8;
	[tilespmem:$0xDF20] =	vst v63  }
0x97: {  	_ =	swait.ge @p1 [sflag:s12], $0x800  }
0x98: {  	s24 =	sshra.s32 @p1 s10, $0x2;
	s16 =	simm.s32 @p1 $0x6000;
	[sflag:s12] =	ssyncset.done @p1 $0x0  }
0x99: {  	s21 =	simm.s32 @p1 $0x80;
	[sflag:s12] =	ssyncadd.s32 @p1 $0xFFFFF800;
	s12 =	sadd.s32 @p1 $0x2900, s24  }
0x9a: {  	[spmem:s1] =	stream.indirect.scatter.add.f32 @p1 [tilespmem:s16], [sflag:$0xB], $0x10, s12, s21, $0xb8;
	[tilespmem:$0xDF20] =	vst v63  }
0x9b: {  	s12 =	simm.s32 @!p1 $0x9  }
0x9c: {  	_ =	swait.ge @!p1 [sflag:s12], $0x800  }
0x9d: {  	[sflag:s12] =	ssyncset.done @!p1 $0x0  }
0x9e: {  	[sflag:s12] =	ssyncadd.s32 @!p1 $0xFFFFF800;
	s12 =	sshra.s32 @!p1 s10, $0x2  }
0x9f: {  	s5 =	simm.s32 @!p1 $0x5000;
	s16 =	simm.s32 @!p1 $0x80;
	s2 =	sadd.s32 @!p1 $0x400, s12  }
0xa0: {  	[tilespmem:s5], [sflag:$0x1] =	stream.indirect.gather @!p1 [spmem:s3], $0x10, s2, s16, $0xb8;
	[tilespmem:$0xDF20] =	vst v63  }
0xa1: {  	s2 =	simm.s32 @!p1 $0x3  }
0xa2: {  	_ =	swait.ge @!p1 [sflag:s2], $0x800  }
0xa3: {  	[sflag:s2] =	ssyncset.done @!p1 $0x0  }
0xa4: {  	s5 =	simm.s32 @!p1 $0x6000;
	[sflag:s2] =	ssyncadd.s32 @!p1 $0xFFFFF800;
	s2 =	sadd.s32 @!p1 $0x2900, s12  }
0xa5: {  	[spmem:s1] =	stream.indirect.scatter.add.f32 @!p1 [tilespmem:s5], [sflag:$0xB], $0x10, s2, s16, $0xb8;
	[tilespmem:$0xDF20] =	vst v63  }
0xa6: {  	s2 =	simm.s32 @!p1 $0xA  }
0xa7: {  	_ =	swait.ge @!p1 [sflag:s2], $0x800  }
0xa8: {  	[sflag:s2] =	ssyncset.done @!p1 $0x0  }
0xa9: {  	s22 =	simm.s32 @!p1 $0x5800;
	[sflag:s2] =	ssyncadd.s32 @!p1 $0xFFFFF800;
	s2 =	sadd.s32 @!p1 $0x480, s12  }
0xaa: {  	[tilespmem:s22], [sflag:$0x2] =	stream.indirect.gather @!p1 [spmem:s3], $0x10, s2, s16, $0xb8;
	[tilespmem:$0xDF20] =	vst v63  }
0xab: {  	_ =	swait.ge [sflag:s15], $0x800  }
0xac: {  	[sflag:s15] =	ssyncset.done $0x0  }
0xad: {  	s22 =	sadd.s32 $0x2980, s11;
	s2 =	simm.s32 @p1 $0x5;
	[sflag:s15] =	ssyncadd.s32 $0xFFFFF800  }
0xae: {  	[spmem:s1] =	stream.indirect.scatter.add.f32 [tilespmem:s23], [sflag:$0xC], $0x10, s22, s17, $0xb8;
	[tilespmem:$0xDF20] =	vst v63  }
0xaf: {  	_ =	swait.ge @p1 [sflag:s2], $0x800  }
0xb0: {  	[sflag:s2] =	ssyncset.done @p1 $0x0  }
0xb1: {  	s22 =	simm.s32 @p1 $0x7000;
	[sflag:s2] =	ssyncadd.s32 @p1 $0xFFFFF800;
	s2 =	sadd.s32 @p1 $0x2A00, s24  }
0xb2: {  	[spmem:s1] =	stream.indirect.scatter.add.f32 @p1 [tilespmem:s22], [sflag:$0xD], $0x10, s2, s21, $0xb8;
	[tilespmem:$0xDF20] =	vst v63  }
0xb3: {  	s2 =	simm.s32 @!p1 $0xB  }
0xb4: {  	_ =	swait.ge @!p1 [sflag:s2], $0x800  }
0xb5: {  	[sflag:s2] =	ssyncset.done @!p1 $0x0  }
0xb6: {  	[sflag:s2] =	ssyncadd.s32 @!p1 $0xFFFFF800;
	s2 =	sadd.s32 @!p1 $0x500, s12  }
0xb7: {  	[tilespmem:s5], [sflag:$0x3] =	stream.indirect.gather @!p1 [spmem:s3], $0x10, s2, s16, $0xb8;
	[tilespmem:$0xDF20] =	vst v63  }
0xb8: {  	s2 =	simm.s32 @!p1 $0x5  }
0xb9: {  	_ =	swait.ge @!p1 [sflag:s2], $0x800  }
0xba: {  	[sflag:s2] =	ssyncset.done @!p1 $0x0  }
0xbb: {  	s5 =	simm.s32 @!p1 $0x7000;
	[sflag:s2] =	ssyncadd.s32 @!p1 $0xFFFFF800;
	s2 =	sadd.s32 @!p1 $0x2A00, s12  }
0xbc: {  	[spmem:s1] =	stream.indirect.scatter.add.f32 @!p1 [tilespmem:s5], [sflag:$0xD], $0x10, s2, s16, $0xb8;
	[tilespmem:$0xDF20] =	vst v63  }
0xbd: {  	s2 =	simm.s32 @!p1 $0xC  }
0xbe: {  	_ =	swait.ge @!p1 [sflag:s2], $0x800  }
0xbf: {  	[sflag:s2] =	ssyncset.done @!p1 $0x0  }
0xc0: {  	s22 =	simm.s32 @!p1 $0x6800;
	[sflag:s2] =	ssyncadd.s32 @!p1 $0xFFFFF800;
	s2 =	sadd.s32 @!p1 $0x580, s12  }
0xc1: {  	[tilespmem:s22], [sflag:$0x4] =	stream.indirect.gather @!p1 [spmem:s3], $0x10, s2, s16, $0xb8;
	[tilespmem:$0xDF20] =	vst v63  }
0xc2: {  	_ =	swait.ge [sflag:s9], $0x800  }
0xc3: {  	[sflag:s9] =	ssyncset.done $0x0  }
0xc4: {  	s22 =	sadd.s32 $0x2A80, s11;
	s2 =	simm.s32 @p1 $0x7;
	[sflag:s9] =	ssyncadd.s32 $0xFFFFF800  }
0xc5: {  	[spmem:s1] =	stream.indirect.scatter.add.f32 [tilespmem:s29], [sflag:$0xE], $0x10, s22, s17, $0xb8;
	[tilespmem:$0xDF20] =	vst v63  }
0xc6: {  	_ =	swait.ge @p1 [sflag:s2], $0x800  }
0xc7: {  	[sflag:s2] =	ssyncset.done @p1 $0x0  }
0xc8: {  	s22 =	simm.s32 @p1 $0x8000;
	[sflag:s2] =	ssyncadd.s32 @p1 $0xFFFFF800;
	s2 =	sadd.s32 @p1 $0x2B00, s24  }
0xc9: {  	[spmem:s1] =	stream.indirect.scatter.add.f32 @p1 [tilespmem:s22], [sflag:$0xF], $0x10, s2, s21, $0xb8;
	[tilespmem:$0xDF20] =	vst v63  }
0xca: {  	s2 =	simm.s32 @!p1 $0xD  }
0xcb: {  	_ =	swait.ge @!p1 [sflag:s2], $0x800  }
0xcc: {  	[sflag:s2] =	ssyncset.done @!p1 $0x0  }
0xcd: {  	[sflag:s2] =	ssyncadd.s32 @!p1 $0xFFFFF800;
	s2 =	sadd.s32 @!p1 $0x600, s12  }
0xce: {  	[tilespmem:s5], [sflag:$0x5] =	stream.indirect.gather @!p1 [spmem:s3], $0x10, s2, s16, $0xb8;
	[tilespmem:$0xDF20] =	vst v63  }
0xcf: {  	s2 =	simm.s32 @!p1 $0x7  }
0xd0: {  	_ =	swait.ge @!p1 [sflag:s2], $0x800  }
0xd1: {  	[sflag:s2] =	ssyncset.done @!p1 $0x0  }
0xd2: {  	s5 =	simm.s32 @!p1 $0x8000;
	[sflag:s2] =	ssyncadd.s32 @!p1 $0xFFFFF800;
	s2 =	sadd.s32 @!p1 $0x2B00, s12  }
0xd3: {  	[spmem:s1] =	stream.indirect.scatter.add.f32 @!p1 [tilespmem:s5], [sflag:$0xF], $0x10, s2, s16, $0xb8;
	[tilespmem:$0xDF20] =	vst v63  }
0xd4: {  	s2 =	simm.s32 @!p1 $0xE  }
0xd5: {  	_ =	swait.ge @!p1 [sflag:s2], $0x800  }
0xd6: {  	[sflag:s2] =	ssyncset.done @!p1 $0x0  }
0xd7: {  	s5 =	simm.s32 @!p1 $0x7800;
	[sflag:s2] =	ssyncadd.s32 @!p1 $0xFFFFF800;
	s2 =	sadd.s32 @!p1 $0x680, s12  }
0xd8: {  	[tilespmem:s5], [sflag:$0x6] =	stream.indirect.gather @!p1 [spmem:s3], $0x10, s2, s16, $0xb8;
	[tilespmem:$0xDF20] =	vst v63  }
.Ltmp6:
0xd9: {  	_ = 	snop;
	(pc) =	sbr.rel @p1 .LBB2_11-.Ltmp6, $4  }
0xda: {  	_ =	swait.ge [sflag:s20], $0x800  }
0xdb: {  	[sflag:s20] =	ssyncset.done $0x0  }
0xdc: {  	s24 =	sadd.s32 $0x2B80, s11;
	[sflag:s20] =	ssyncadd.s32 $0xFFFFF800  }
0xdd: {  	[spmem:s1] =	stream.indirect.scatter.add.f32 [tilespmem:s4], [sflag:$0x10], $0x10, s24, s17, $0xb8;
	[tilespmem:$0xDF20] =	vst v63  }
.Ltmp7:
0xde: {  	(pc) =	sbr.rel .LBB2_9-.Ltmp7, $4  }
0xdf: {  	_ =	swait.ge [sflag:s26], $0x800  }
0xe0: {  	[sflag:s26] =	ssyncset.done $0x0  }
0xe1: {  	s2 =	sadd.s32 $0x700, s11;
	s10 =	sadd.s32 $0x1000, s10;
	[sflag:s26] =	ssyncadd.s32 $0xFFFFF800  }
0xe2: {  	[tilespmem:s31], [sflag:$0x7] =	stream.indirect.gather [spmem:s3], $0x10, s2, s17, $0xb8;
	[tilespmem:$0xDF20] =	vst v63  }
.LBB2_12:
0xe3: {  	_ =	sfence.sel $0x180000  }
0xe4: {  	[bflag:$0x0] =	sbarrier.arrive $0xFFFF  }
0xe5: {  	_ =	strace $0x9000004A  }
0xe6: {  	s0 =	stileid.u32;
	[bflag:$0x2] =	sbarrier.arrive $0xFFFF  }
0xe7: {  	p0 =	sne.s32 s0, $0x0;
	s0 =	rddreg [dreg:$0x4]  }
0xe8: {  	s0 =	sadd.s32 @!p0 $0x100000, s0  }
0xe9: {  	[sflag:s0] =	ssyncadd.tile.s32 @!p0 $0x1;
	_ =	shalt  }
.Lfunc_end2:
_tile_overlayer_lowered:
.L_overlay_start_2:
0xea: {  	(tag) =	ssettag $0x2  }
0xeb: {  	s0 =	rddreg [dreg:$0x0];
	s2 =	stileid.u32  }
0xec: {  	s1 =	rddreg [dreg:$0x1];
	p0 =	sne.s32 s2, $0x0  }
0xed: {  	s3 =	rddreg [dreg:$0x2];
	[bflag:$0x3] =	sbarrier.arrive $0xFFFF;
	s2 =	simm.s32 @!p0 $0x1C11  }
0xee: {  	[timem:s3], [sflag:s2] =	dma.local @!p0 [hbm:s0], s1  }
0xef: {  	s0 =	simm.s32 @!p0 $0x11  }
0xf0: {  	_ =	swait.ge @!p0 [sflag:s0], s1  }
0xf1: {  	s1 =	ssub.s32 @!p0 $0x0, s1;
	[sflag:s0] =	ssyncset.done @!p0 $0x0  }
0xf2: {  	[sflag:s0] =	ssyncadd.s32 @!p0 s1  }
0xf3: {  	[bflag:$0x3] =	sbarrier.arrive $0xFFFF  }
0xf4: {  	_ =	shalt  }

// kernel: kernel.16.cloned.1.call-start
scs
__scs_entry_jumppad:
0x0: {  	(pc) =	sbr.rel $0x88, $3  }
0x1: {  	(tag) =	ssettag $0x0;
	lr =	simm.s32 $0x1  }
0x2: {  	[smem:$0x3F99] =	sst lr;
	_ =	strace $0xD0000000  }
0x3: {  	_ = 	snop  }
0x4: {  	_ = 	snop  }
0x5: {  	_ = 	snop  }
0x6: {  	_ = 	snop  }
0x7: {  	_ = 	snop  }
__scs_overlays_trampoline_lowered:
0x8: {  	[smem:$0x3FA8] =	sst s0  }
0x9: {  	[smem:$0x3FA9] =	sst s1  }
0xa: {  	[smem:$0x3FAA] =	sst s2  }
0xb: {  	[smem:$0x3FAB] =	sst s3  }
0xc: {  	[smem:$0x3FAC] =	sst s4  }
0xd: {  	[smem:$0x3FAD] =	sst s5  }
0xe: {  	[smem:$0x3FAE] =	sst s6  }
0xf: {  	[smem:$0x3FAF] =	sst s7  }
0x10: {  	[smem:$0x3FB0] =	sst s8  }
0x11: {  	[smem:$0x3FB1] =	sst s9;
	s0 =	simm.s32 @!p0 $0x0  }
0x12: {  	s1 =	sld [smem:$0x3F97];
	s0 =	simm.s32 @p0 $0x1  }
0x13: {  	[smem:$0x3FB2] =	sst s0;
	s0 =	simm.s32 @!p1 $0x0  }
0x14: {  	s2 =	sld [smem:$0x3F96];
	s0 =	simm.s32 @p1 $0x1  }
0x15: {  	[smem:$0x3FB3] =	sst s0;
	s0 =	simm.s32 @!p2 $0x0  }
0x16: {  	s3 =	sld [smem:$0x3FDB];
	s0 =	simm.s32 @p2 $0x1  }
0x17: {  	s4 =	simm.s32 $0x1BF5;
	[smem:$0x3FB5] =	sst s0  }
0x18: {  	s0 =	sld [smem:$0x3F98];
	_ =	swait.ge [sflag:s4], $0x0  }
0x19: {  	s7 =	sld [smem:$0x3F99]  }
0x1a: {  	s8 =	sadd.s32 $0xFFFFE003, lr  }
0x1b: {  	s9 =	sadd.s32 $0xFFFFFEF7, lr;
	s5 =	simm.s32 $0xFFFFFFFF;
	p2 =	slt.u32 s8, $0xFFFFF086  }
0x1c: {  	p1 =	slt.u32 s9, $0xF7A;
	s5 =	simm.s32 @!p2 $0x0  }
0x1d: {  	s5 =	simm.s32 @p1 $0x1;
	p0 =	seq.s32 s7, s2  }
0x1e: {  	s7 =	smul.u32 @!p0 $0xF7A, s2;
	p2 =	seq.s32 @!p0 s5, $0x0  }
0x1f: {  	s9 =	smul.u32 $0xF7A, s1;
	s8 =	simm.s32 @!p0 $0x1BF5;
	p2 =	por !p2, p0  }
0x20: {  	[sflag:s8] =	ssyncset.s32 @!p0 $0xFFFFF086;
	s6 =	sadd.s32 @!p0 s3, s7;
	s7 =	simm.s32 @!p0 $0x108  }
0x21: {  	s3 =	sadd.s32 s3, s9;
	s6 =	sadd.s32 @!p0 $0x88, s6;
	s7 =	simm.s32 @p2 $0x1082  }
0x22: {  	[simem:s7], [sflag:s8] =	dma.local @!p0 [hbm:s6], $0xF7A  }
0x23: {  	s9 =	sor.u32 $0xD0000000, s2;
	s6 =	simm.s32 $0x108;
	_ =	swait.ge @!p0 [sflag:s8], $0x0  }
0x24: {  	s3 =	sadd.s32 $0x88, s3;
	s6 =	simm.s32 @!p1 $0x1082;
	[sflag:s4] =	ssyncset.s32 $0xFFFFF086  }
0x25: {  	[simem:s6], [sflag:s4] =	dma.local [hbm:s3], $0xF7A  }
0x26: {  	[smem:$0x3F99] =	sst s1;
	(tag) =	ssettag s2;
	_ =	strace s9  }
0x27: {  	s1 =	sld [smem:$0x3FA9]  }
0x28: {  	s2 =	sld [smem:$0x3FAA]  }
0x29: {  	s4 =	sld [smem:$0x3FAC]  }
0x2a: {  	p0 =	seq.s32 s5, $0x0;
	s5 =	sld [smem:$0x3FAD]  }
0x2b: {  	s6 =	sld [smem:$0x3FAE]  }
0x2c: {  	s7 =	sld [smem:$0x3FAF]  }
0x2d: {  	s3 =	simm.s32 $0x108;
	s8 =	sld [smem:$0x3FB0]  }
0x2e: {  	s3 =	simm.s32 @!p0 $0x1082;
	s9 =	sld [smem:$0x3FB1]  }
0x2f: {  	lr =	sadd.s32 s0, s3;
	s0 =	sld [smem:$0x3FA8]  }
0x30: {  	s3 =	sld [smem:$0x3FAB]  }
0x31: {  	[smem:$0x3FB4] =	sst s10  }
0x32: {  	s10 =	sld [smem:$0x3FB2];
	_ =	sdelay $0x3  }
0x33: {  	p0 =	seq.s32 s10, $0x1;
	s10 =	sld [smem:$0x3FB4];
	_ =	sdelay $0x3  }
0x34: {  	[smem:$0x3FB4] =	sst s10  }
0x35: {  	s10 =	sld [smem:$0x3FB3];
	_ =	sdelay $0x3  }
0x36: {  	p1 =	seq.s32 s10, $0x1;
	s10 =	sld [smem:$0x3FB4];
	_ =	sdelay $0x3  }
0x37: {  	[smem:$0x3FB4] =	sst s10  }
0x38: {  	s10 =	sld [smem:$0x3FB5]  }
0x39: {  	_ = 	snop;
	(pc) =	sbr.ind lr, $3  }
0x3a: {  	_ = 	snop  }
0x3b: {  	_ = 	snop  }
0x3c: {  	p2 =	seq.s32 s10, $0x1;
	s10 =	sld [smem:$0x3FB4]  }
0x3d: {  	_ =	shalt  }
0x3e: {  	_ =	shalt  }
0x3f: {  	_ =	shalt  }
0x40: {  	_ =	shalt  }
0x41: {  	_ =	shalt  }
0x42: {  	_ =	shalt  }
0x43: {  	_ =	shalt  }
0x44: {  	_ =	shalt  }
0x45: {  	_ =	shalt  }
0x46: {  	_ =	shalt  }
0x47: {  	_ =	shalt  }
0x48: {  	_ =	shalt  }
0x49: {  	_ =	shalt  }
0x4a: {  	_ =	shalt  }
0x4b: {  	_ =	shalt  }
0x4c: {  	_ =	shalt  }
0x4d: {  	_ =	shalt  }
0x4e: {  	_ =	shalt  }
0x4f: {  	_ =	shalt  }
0x50: {  	_ =	shalt  }
0x51: {  	_ =	shalt  }
0x52: {  	_ =	shalt  }
0x53: {  	_ =	shalt  }
0x54: {  	_ =	shalt  }
0x55: {  	_ =	shalt  }
0x56: {  	_ =	shalt  }
0x57: {  	_ =	shalt  }
0x58: {  	_ =	shalt  }
0x59: {  	_ =	shalt  }
0x5a: {  	_ =	shalt  }
0x5b: {  	_ =	shalt  }
0x5c: {  	_ =	shalt  }
0x5d: {  	_ =	shalt  }
0x5e: {  	_ =	shalt  }
0x5f: {  	_ =	shalt  }
0x60: {  	_ =	shalt  }
0x61: {  	_ =	shalt  }
0x62: {  	_ =	shalt  }
0x63: {  	_ =	shalt  }
0x64: {  	_ =	shalt  }
0x65: {  	_ =	shalt  }
0x66: {  	_ =	shalt  }
0x67: {  	_ =	shalt  }
0x68: {  	_ =	shalt  }
0x69: {  	_ =	shalt  }
0x6a: {  	_ =	shalt  }
0x6b: {  	_ =	shalt  }
0x6c: {  	_ =	shalt  }
0x6d: {  	_ =	shalt  }
0x6e: {  	_ =	shalt  }
0x6f: {  	_ =	shalt  }
0x70: {  	_ =	shalt  }
0x71: {  	_ =	shalt  }
0x72: {  	_ =	shalt  }
0x73: {  	_ =	shalt  }
0x74: {  	_ =	shalt  }
0x75: {  	_ =	shalt  }
0x76: {  	_ =	shalt  }
0x77: {  	_ =	shalt  }
0x78: {  	_ =	shalt  }
0x79: {  	_ =	shalt  }
0x7a: {  	_ =	shalt  }
0x7b: {  	_ =	shalt  }
0x7c: {  	_ =	shalt  }
0x7d: {  	_ =	shalt  }
0x7e: {  	_ =	shalt  }
0x7f: {  	_ =	shalt  }
0x80: {  	_ =	shalt  }
0x81: {  	_ =	shalt  }
0x82: {  	_ =	shalt  }
0x83: {  	_ =	shalt  }
0x84: {  	_ =	shalt  }
0x85: {  	_ =	shalt  }
0x86: {  	_ =	shalt  }
0x87: {  	_ =	shalt  }
.Lfunc_end0:
.L_simem_size_0:
called_computation.2_lowered:
.L_overlay_start_0:
0x88: {  	s2 =	sld [smem:$0x3FD9]  }
0x89: {  	s3 =	sld [smem:$0x3FFE];
	_ =	sdelay $0x1  }
0x8a: {  	s1 =	srdreg.scid  }
0x8b: {  	s0 =	sand.u32 $0x1, s1  }
0x8c: {  	s17 =	sshll.u32 s0, $0xA;
	s2 =	sadd.s32 s3, s2  }
0x8d: {  	s2 =	sadd.s32 s2, s17  }
0x8e: {  	[smem:$0x3FC0] =	sst s2  }
0x8f: {  	_ = 	snop  }
0x90: {  	s2 =	sld [smem:$0x3FD0];
	(tm) =	ssettm $0x1  }
0x91: {  	s18 =	sld [smem:$0x3FFB];
	_ =	sdelay $0x3  }
0x92: {  	_ =	strace s18  }
0x93: {  	s3 =	sld [smem:$0x3FFC];
	_ =	sdelay $0x3  }
0x94: {  	_ =	strace s3  }
0x95: {  	s3 =	sld [smem:$0x3FFD];
	_ =	sdelay $0x3  }
0x96: {  	_ =	strace s3  }
0x97: {  	_ =	strace $0x8FFFFFFF  }
0x98: {  	s19 =	sld [smem:$0x3FDB];
	_ =	sdelay $0x1  }
0x99: {  	s4 =	simm.s32 $_scs_section_size  }
0x9a: {  	s5 =	simm.s32 $_size__tile_overlayer_lowered;
	s6 =	simm.s32 $_tile_overlayer_lowered  }
0x9b: {  	s22 =	simm.s32 $0x1BFF;
	s21 =	sshll.u32 s6, $0x1;
	s3 =	sadd.s32 s4, s19  }
0x9c: {  	s7 =	simm.s32 $0x0;
	s20 =	sshll.u32 s5, $0x1;
	s5 =	sadd.s32 s21, s3  }
0x9d: {  	[timem:s7], [sflag:s22] =	dma.local [hbm:s5], s20  }
0x9e: {  	_ =	swait.ge [sflag:s22], s20  }
0x9f: {  	s4 =	ssub.s32 $0x0, s20;
	[sflag:s22] =	ssyncset.done $0x0  }
0xa0: {  	[sflag:s22] =	ssyncadd.s32 s4;
	_ =	sdelay $0x1  }
0xa1: {  	s23 =	simm.s32 $0x1B8B  }
0xa2: {  	_ =	swait.ge [sflag:s23], $0x1  }
0xa3: {  	[sflag:s23] =	ssyncset.done $0x0  }
0xa4: {  	s25 =	simm.s32 $0x1B8E;
	s24 =	sld [smem:$0x3FFE];
	[sflag:s23] =	ssyncadd.s32 $0xFFFFFFFF  }
0xa5: {  	s26 =	simm.s32 $execute0_lowered;
	[smem:$0x3FD2] =	sst s25  }
0xa6: {  	s5 =	sshll.u32 s26, $0x1;
	_ =	strace $0x8000004C;
	[dreg:$0x1] =	wrdreg $0xFFFFFFFF  }
0xa7: {  	s28 =	simm.s32 $_size_execute0_lowered;
	s3 =	sadd.s32 s3, s5;
	[dreg:$0x0] =	wrdreg $0x0  }
0xa8: {  	s5 =	sshll.u32 s28, $0x1;
	[dreg:$0x2] =	wrdreg s3  }
0xa9: {  	[dreg:$0x3] =	wrdreg s5  }
0xaa: {  	[dreg:$0x4] =	wrdreg $0xC0  }
0xab: {  	_ =	task [dreg:s7], $0x5FFFF  }
0xac: {  	[dreg:$0x1] =	wrdreg $0xFFFFFFFF  }
0xad: {  	[dreg:$0x0] =	wrdreg $0x60  }
0xae: {  	[dreg:$0x2] =	wrdreg s24  }
0xaf: {  	[dreg:$0x3] =	wrdreg s2  }
0xb0: {  	[dreg:$0x4] =	wrdreg $0x90000  }
0xb1: {  	[dreg:$0x5] =	wrdreg $0xB8000  }
0xb2: {  	[dreg:$0x6] =	wrdreg $0x9  }
0xb3: {  	_ =	task.clear_ibuf [dreg:s7], $0x7FFFF;
	_ =	strace $0x9000004C  }
0xb4: {  	s29 =	simm.s32 $0x9;
	_ =	strace $0x8000004E  }
0xb5: {  	_ =	swait.ge [sflag:s29], $0x1  }
0xb6: {  	[sflag:s29] =	ssyncadd.s32 $0xFFFFFFFF  }
0xb7: {  	_ =	strace $0x9000004E  }
0xb8: {  	_ =	sfence  }
0xb9: {  	s30 =	sld [smem:$0x0];
	_ =	sdelay $0x2  }
0xba: {  	s31 =	sshll.u32 s1, $0xD;
	s1 =	sshrl.u32 s1, $0x2  }
0xbb: {  	s3 =	sand.u32 $0x4000, s31;
	s1 =	sadd.s32 s1, s30  }
0xbc: {  	s0 =	sor.u32 s3, s0;
	s1 =	sshll.u32 s1, $0x11  }
0xbd: {  	s0 =	sor.u32 s1, s0  }
0xbe: {  	s0 =	sadd.s32 $0x8F2B, s0  }
0xbf: {  	[sflag:s0] =	ssyncadd.remote.s32 $0x1  }
0xc0: {  	_ =	sfence.sel $0xFFFF  }
0xc1: {  	[dreg:$0x0] =	wrdreg $0xFFFFFFFF;
	(pc) =	sbr.abs _section_cstart, $3  }
0xc2: {  	[dreg:$0x1] =	wrdreg $0xFFFFFFFF  }
0xc3: {  	_ =	task.clear_ibuf [dreg:s7], $0x2FFFF;
	_ =	strace $0x9FFFFFFF  }
0xc4: {  	(tm) =	ssettm $0x7FFFFFFF  }
0xc5: {  	_ =	shalt  }
tec
execute0_lowered:
.L_overlay_start_1:
0x0: {  	(tag) =	ssettag $0x1  }
0x1: {  	s0 =	rddreg [dreg:$0x0]  }
0x2: {  	s2 =	rddreg [dreg:$0x1]  }
0x3: {  	s1 =	rddreg [dreg:$0x2];
	s4 =	srdreg.scid  }
0x4: {  	s3 =	rddreg [dreg:$0x3];
	s11 =	stileid.u32  }
0x5: {  	s7 =	simm.s32 $0x0;
	s13 =	simm.s32 $0x11;
	s23 =	simm.s32 $0x6800  }
0x6: {  	s29 =	simm.s32 $0x7800;
	s31 =	simm.s32 $0x8000;
	s15 =	simm.s32 $0x4  }
0x7: {  	s14 =	simm.s32 $0xD;
	s28 =	simm.s32 $0x10;
	s30 =	simm.s32 $0x0  }
0x8: {  	s4 =	sand.u32 $0x1, s4;
	s6 =	smul.u32 $0x2720, s11;
	[smem:$0x7FF] =	sst s7  }
0x9: {  	s10 =	sadd.s32 $0x1B800, s0;
	s18 =	sadd.s32 $0xCA40, s0;
	s5 =	sshll.u32 s4, $0x4  }
0xa: {  	_ =	strace $0x8000004D;
	s9 =	ssub.s32 $0x2, s4;
	[dreg:$0x6] =	wrdreg s10  }
0xb: {  	s4 =	smul.u32 $0x5000, s4;
	[dreg:$0x8] =	wrdreg s18;
	s25 =	sadd.s32 $0x9B00, s18  }
0xc: {  	s18 =	simm.s32 $0x5000;
	s5 =	sor.u32 s11, s5;
	s16 =	sshrl.u32 s6, $0x3  }
0xd: {  	s17 =	sshrl.u32 s9, $0x1;
	s11 =	smul.u32 $0x2800, s11;
	s20 =	sadd.s32 s6, s3  }
0xe: {  	[dreg:$0xd] =	wrdreg s25;
	s25 =	simm.s32 $0xE;
	s8 =	smul.u32 $0x500, s5  }
0xf: {  	s7 =	sadd.s32 s16, s0;
	s9 =	ssub.s32 s9, s17;
	s2 =	sadd.s32 s2, s4  }
0x10: {  	p0 =	seq.s32 s5, $0x1F;
	s17 =	simm.s32 $0x80;
	s4 =	simm.s32 $0x8800  }
0x11: {  	s19 =	sadd.s32 s11, s1;
	s21 =	sadd.s32 $0x16800, s7;
	[dreg:$0x5] =	wrdreg s8  }
0x12: {  	s22 =	sshrl.u32 s11, $0x3;
	s24 =	smax.u32 s9, $0x1;
	[dreg:$0xa] =	wrdreg s19  }
0x13: {  	s7 =	simm.s32 $0x2;
	s8 =	sadd.s32 s8, s0;
	[dreg:$0xb] =	wrdreg s21  }
.Ltmp0:
0x14: {  	s0 =	sadd.s32 $0xC900, s0;
	[dreg:$0xc] =	wrdreg s24;
	(pc) =	sbr.rel .LBB2_1-.Ltmp0, $4  }
0x15: {  	s9 =	simm.s32 $0x6;
	s26 =	sadd.s32 s22, s2;
	[dreg:$0x9] =	wrdreg s0  }
0x16: {  	s19 =	simm.s32 $0x5800;
	s8 =	sadd.s32 $0x2E00, s8;
	[dreg:$0xf] =	wrdreg s26  }
0x17: {  	s0 =	sshrl.u32 s20, $0x3;
	s20 =	simm.s32 $0x8;
	[dreg:$0x7] =	wrdreg s8  }
0x18: {  	v0 =	vimm.s32 $0x2710;
	s26 =	simm.s32 $0xF;
	[dreg:$0xe] =	wrdreg s0;
	s0 =	simm.s32 $0x1  }
.LBB2_11:
0x19: {  	s2 =	simm.s32 $0x9  }
0x1a: {  	_ =	swait.ge [sflag:s2], $0x800  }
0x1b: {  	[sflag:s2] =	ssyncset.done $0x0  }
0x1c: {  	s12 =	simm.s32 $0xA;
	[sflag:s2] =	ssyncadd.s32 $0xFFFFF800  }
0x1d: {  	_ =	swait.ge [sflag:s12], $0x800  }
0x1e: {  	[sflag:s12] =	ssyncset.done $0x0  }
0x1f: {  	s16 =	simm.s32 $0xB;
	[sflag:s12] =	ssyncadd.s32 $0xFFFFF800  }
0x20: {  	_ =	swait.ge [sflag:s16], $0x800  }
0x21: {  	[sflag:s16] =	ssyncset.done $0x0  }
0x22: {  	s21 =	simm.s32 $0xC;
	[sflag:s16] =	ssyncadd.s32 $0xFFFFF800  }
0x23: {  	_ =	swait.ge [sflag:s21], $0x800  }
0x24: {  	[sflag:s21] =	ssyncset.done $0x0  }
0x25: {  	[sflag:s21] =	ssyncadd.s32 $0xFFFFF800  }
0x26: {  	_ =	swait.ge [sflag:s14], $0x800  }
0x27: {  	[sflag:s14] =	ssyncset.done $0x0  }
0x28: {  	[sflag:s14] =	ssyncadd.s32 $0xFFFFF800  }
0x29: {  	_ =	swait.ge [sflag:s25], $0x800  }
0x2a: {  	[sflag:s25] =	ssyncset.done $0x0  }
0x2b: {  	[sflag:s25] =	ssyncadd.s32 $0xFFFFF800  }
0x2c: {  	_ =	swait.ge [sflag:s26], $0x800  }
0x2d: {  	[sflag:s26] =	ssyncset.done $0x0  }
0x2e: {  	[sflag:s26] =	ssyncadd.s32 $0xFFFFF800  }
0x2f: {  	_ =	swait.ge [sflag:s28], $0x800  }
0x30: {  	[sflag:s28] =	ssyncset.done $0x0  }
0x31: {  	[sflag:s28] =	ssyncadd.s32 $0xFFFFF800  }
0x32: {  	[bflag:$0x0] =	sbarrier.arrive $0xFFFF  }
0x33: {  	s22 =	rddreg [dreg:$0xf]  }
0x34: {  	[hbm:s22], [sflag:s8] =	dma.local [spmem:s6], $0x500  }
0x35: {  	_ =	swait.ge [sflag:s13], $0x500  }
0x36: {  	s30 =	sadd.s32 $0x1, s30;
	s24 =	rddreg [dreg:$0xc]  }
0x37: {  	p1 =	sne.s32 s30, s24  }
.Ltmp1:
0x38: {  	_ = 	snop;
	(pc) =	sbr.rel @!p1 .LBB2_12-.Ltmp1, $3  }
0x39: {  	_ =	sdelay $0x1  }
0x3a: {  	[sflag:s13] =	ssyncset.done $0x0  }
0x3b: {  	[sflag:s13] =	ssyncadd.s32 $0xFFFFFB00  }
.LBB2_1:
.Ltmp2:
0x3c: {  	(pc) =	sbr.rel @!p0 .LBB2_2-.Ltmp2, $1  }
0x3d: {  	_ =	sdelay $0x3  }
0x3e: {  	s6 =	simm.s32 $0x0;
	s2 =	rddreg [dreg:$0x9]  }
0x3f: {  	[tilespmem:s6], [sflag:$0x11] =	stream.linear.gather [hbm4b:s2+s6], $0xA00, $0x38;
	[tilespmem:$0xDF20] =	vst v63  }
0x40: {  	_ =	swait.ge [sflag:s13], $0xA00  }
0x41: {  	[sflag:s13] =	ssyncset.done $0x0  }
0x42: {  	s8 =	simm.s32 $0x200;
	s6 =	simm.s32 $0x0;
	[sflag:s13] =	ssyncadd.s32 $0xFFFFF600  }
.LBB2_4:
0x43: {  	p1 =	sne.s32 s8, $0x7600;
	[tilespmem:s6+$0xA70] =	vst v0  }
0x44: {  	[tilespmem:s6+$0xA00] =	vst v0  }
0x45: {  	[tilespmem:s6+$0xA10] =	vst v0  }
.Ltmp3:
0x46: {  	[tilespmem:s6+$0xA20] =	vst v0;
	(pc) =	sbr.rel @p1 .LBB2_4-.Ltmp3, $4  }
0x47: {  	[tilespmem:s6+$0xA30] =	vst v0  }
0x48: {  	[tilespmem:s6+$0xA40] =	vst v0  }
0x49: {  	[tilespmem:s6+$0xA50] =	vst v0  }
0x4a: {  	[tilespmem:s6+$0xA60] =	vst v0;
	s6 =	sshra.s32 s8, $0x2;
	s8 =	sadd.s32 $0x200, s8  }
0x4b: {  	[tilespmem:s6+$0xA70] =	vst v0  }
0x4c: {  	[tilespmem:s6+$0xA00] =	vst v0  }
0x4d: {  	[tilespmem:s6+$0xA10] =	vst v0  }
0x4e: {  	[tilespmem:s6+$0xA20] =	vst v0  }
0x4f: {  	[tilespmem:s6+$0xA30] =	vst v0  }
0x50: {  	[tilespmem:s6+$0xA40] =	vst v0  }
0x51: {  	[tilespmem:s6+$0xA50] =	vst v0  }
0x52: {  	[tilespmem:s6+$0xA60] =	vst v0;
	s24 =	simm.s32 $0x0;
	s2 =	rddreg [dreg:$0xd];
	s5 =	simm.s32 $0x2800  }
0x53: {  	[tilespmem:s5], [sflag:$0x11] =	stream.linear.gather [hbm4b:s2+s24], $0xA00, $0x38;
	[tilespmem:$0xDF20] =	vst v63  }
0x54: {  	_ =	swait.ge [sflag:s13], $0xA00  }
0x55: {  	[sflag:s13] =	ssyncset.done $0x0  }
0x56: {  	s6 =	simm.s32 $0x0;
	s8 =	simm.s32 $0x200;
	[sflag:s13] =	ssyncadd.s32 $0xFFFFF600  }
.LBB2_6:
0x57: {  	p1 =	sne.s32 s8, $0x7600;
	[tilespmem:s6+$0x3270] =	vst v0  }
0x58: {  	[tilespmem:s6+$0x3200] =	vst v0  }
0x59: {  	[tilespmem:s6+$0x3210] =	vst v0  }
.Ltmp4:
0x5a: {  	[tilespmem:s6+$0x3220] =	vst v0;
	(pc) =	sbr.rel @p1 .LBB2_6-.Ltmp4, $4  }
0x5b: {  	[tilespmem:s6+$0x3230] =	vst v0  }
0x5c: {  	[tilespmem:s6+$0x3240] =	vst v0  }
0x5d: {  	[tilespmem:s6+$0x3250] =	vst v0  }
0x5e: {  	[tilespmem:s6+$0x3260] =	vst v0;
	s6 =	sshra.s32 s8, $0x2;
	s8 =	sadd.s32 $0x200, s8  }
0x5f: {  	[tilespmem:s6+$0x3270] =	vst v0  }
0x60: {  	[tilespmem:s6+$0x3200] =	vst v0  }
0x61: {  	[tilespmem:s6+$0x3210] =	vst v0  }
.Ltmp5:
0x62: {  	[tilespmem:s6+$0x3220] =	vst v0;
	(pc) =	sbr.rel .LBB2_8-.Ltmp5, $4  }
0x63: {  	[tilespmem:s6+$0x3230] =	vst v0  }
0x64: {  	[tilespmem:s6+$0x3240] =	vst v0  }
0x65: {  	[tilespmem:s6+$0x3250] =	vst v0  }
0x66: {  	[tilespmem:s6+$0x3260] =	vst v0  }
.LBB2_2:
0x67: {  	s2 =	simm.s32 $0x0;
	s5 =	rddreg [dreg:$0x7]  }
0x68: {  	[tilespmem:s2], [sflag:$0x11] =	stream.linear.gather [hbm4b:s5+s2], $0x2800, $0x38;
	[tilespmem:$0xDF20] =	vst v63  }
0x69: {  	_ =	swait.ge [sflag:s13], $0x2800  }
0x6a: {  	s22 =	rddreg [dreg:$0x5]  }
0x6b: {  	[sflag:s13] =	ssyncset.done $0x0;
	s6 =	rddreg [dreg:$0x8]  }
0x6c: {  	s24 =	simm.s32 $0x2800;
	[sflag:s13] =	ssyncadd.s32 $0xFFFFD800;
	s6 =	sadd.s32 s22, s6  }
0x6d: {  	[tilespmem:s24], [sflag:$0x11] =	stream.linear.gather [hbm4b:s6+s2], $0x2800, $0x38;
	[tilespmem:$0xDF20] =	vst v63  }
0x6e: {  	_ =	swait.ge [sflag:s13], $0x2800  }
0x6f: {  	[sflag:s13] =	ssyncset.done $0x0  }
0x70: {  	[sflag:s13] =	ssyncadd.s32 $0xFFFFD800  }
.LBB2_8:
0x71: {  	s2 =	stileid.u32  }
0x72: {  	s21 =	rddreg [dreg:$0xa];
	s6 =	sshll.u32 s2, $0x6  }
0x73: {  	s22 =	rddreg [dreg:$0x6];
	s8 =	sor.u32 $0x1C11, s6;
	s6 =	sshrl.u32 s21, $0x3  }
0x74: {  	[spmem:s6], [sflag:s8] =	dma.local [hbm:s22], $0x500  }
0x75: {  	_ =	swait.ge [sflag:s13], $0x500  }
0x76: {  	[sflag:s13] =	ssyncset.done $0x0;
	s24 =	rddreg [dreg:$0xb]  }
0x77: {  	s5 =	rddreg [dreg:$0xe];
	[sflag:s13] =	ssyncadd.s32 $0xFFFFFB00  }
0x78: {  	[spmem:s5], [sflag:s8] =	dma.local [hbm:s24], $0x4E4  }
0x79: {  	_ =	swait.ge [sflag:s13], $0x4E4  }
0x7a: {  	[sflag:s13] =	ssyncset.done $0x0  }
0x7b: {  	[sflag:s13] =	ssyncadd.s32 $0xFFFFFB1C  }
0x7c: {  	s10 =	simm.s32 $0x0;
	[bflag:$0x0] =	sbarrier.arrive $0xFFFF  }
0x7d: {  	[tilespmem:s18], [sflag:$0x1] =	stream.indirect.gather [spmem:s3], $0x10, s10, s17, $0xb8;
	[tilespmem:$0xDF20] =	vst v63  }
0x7e: {  	_ = 	snop  }
0x7f: {  	[tilespmem:s19], [sflag:$0x2] =	stream.indirect.gather [spmem:s3], $0x10, s17, s17, $0xb8;
	[tilespmem:$0xDF20] =	vst v63  }
0x80: {  	s11 =	simm.s32 $0x6000;
	s5 =	simm.s32 $0x100  }
0x81: {  	[tilespmem:s11], [sflag:$0x3] =	stream.indirect.gather [spmem:s3], $0x10, s5, s17, $0xb8;
	[tilespmem:$0xDF20] =	vst v63  }
0x82: {  	s12 =	simm.s32 $0x180  }
0x83: {  	[tilespmem:s23], [sflag:$0x4] =	stream.indirect.gather [spmem:s3], $0x10, s12, s17, $0xb8;
	[tilespmem:$0xDF20] =	vst v63  }
0x84: {  	s16 =	simm.s32 $0x200;
	s21 =	simm.s32 $0x7000  }
0x85: {  	[tilespmem:s21], [sflag:$0x5] =	stream.indirect.gather [spmem:s3], $0x10, s16, s17, $0xb8;
	[tilespmem:$0xDF20] =	vst v63  }
0x86: {  	s22 =	simm.s32 $0x280  }
0x87: {  	[tilespmem:s29], [sflag:$0x6] =	stream.indirect.gather [spmem:s3], $0x10, s22, s17, $0xb8;
	[tilespmem:$0xDF20] =	vst v63  }
0x88: {  	s24 =	simm.s32 $0x300  }
0x89: {  	[tilespmem:s31], [sflag:$0x7] =	stream.indirect.gather [spmem:s3], $0x10, s24, s17, $0xb8;
	[tilespmem:$0xDF20] =	vst v63  }
.LBB2_9:
0x8a: {  	_ =	swait.ge [sflag:s0], $0x800  }
0x8b: {  	s11 =	sshra.s32 s10, $0x2;
	[sflag:s0] =	ssyncset.done $0x0  }
0x8c: {  	p1 =	seq.s32 s10, $0x0;
	s12 =	sadd.s32 $0x2800, s11;
	[sflag:s0] =	ssyncadd.s32 $0xFFFFF800  }
0x8d: {  	[spmem:s1] =	stream.indirect.scatter.add.f32 [tilespmem:s18], [sflag:$0x9], $0x10, s12, s17, $0xb8;
	[tilespmem:$0xDF20] =	vst v63  }
0x8e: {  	s12 =	simm.s32 @!p1 $0x10  }
0x8f: {  	_ =	swait.ge @!p1 [sflag:s12], $0x800  }
0x90: {  	[sflag:s12] =	ssyncset.done @!p1 $0x0  }
0x91: {  	s16 =	sadd.s32 $0x380, s11;
	[sflag:s12] =	ssyncadd.s32 @!p1 $0xFFFFF800  }
0x92: {  	[tilespmem:s4], [sflag:$0x8] =	stream.indirect.gather [spmem:s3], $0x10, s16, s17, $0xb8;
	[tilespmem:$0xDF20] =	vst v63  }
0x93: {  	_ =	swait.ge [sflag:s7], $0x800  }
0x94: {  	p1 =	seq.s32 s10, $0x9000;
	[sflag:s7] =	ssyncset.done $0x0  }
0x95: {  	s21 =	sadd.s32 $0x2880, s11;
	s12 =	simm.s32 @p1 $0x3;
	[sflag:s7] =	ssyncadd.s32 $0xFFFFF800  }
0x96: {  	[spmem:s1] =	stream.indirect.scatter.add.f32 [tilespmem:s19], [sflag:$0xA], $0x10, s21, s17, $0xb8;
	[tilespmem:$0xDF20] =	vst v63  }
0x97: {  	_ =	swait.ge @p1 [sflag:s12], $0x800  }
0x98: {  	s24 =	sshra.s32 @p1 s10, $0x2;
	s16 =	simm.s32 @p1 $0x6000;
	[sflag:s12] =	ssyncset.done @p1 $0x0  }
0x99: {  	s21 =	simm.s32 @p1 $0x80;
	[sflag:s12] =	ssyncadd.s32 @p1 $0xFFFFF800;
	s12 =	sadd.s32 @p1 $0x2900, s24  }
0x9a: {  	[spmem:s1] =	stream.indirect.scatter.add.f32 @p1 [tilespmem:s16], [sflag:$0xB], $0x10, s12, s21, $0xb8;
	[tilespmem:$0xDF20] =	vst v63  }
0x9b: {  	s12 =	simm.s32 @!p1 $0x9  }
0x9c: {  	_ =	swait.ge @!p1 [sflag:s12], $0x800  }
0x9d: {  	[sflag:s12] =	ssyncset.done @!p1 $0x0  }
0x9e: {  	[sflag:s12] =	ssyncadd.s32 @!p1 $0xFFFFF800;
	s12 =	sshra.s32 @!p1 s10, $0x2  }
0x9f: {  	s5 =	simm.s32 @!p1 $0x5000;
	s16 =	simm.s32 @!p1 $0x80;
	s2 =	sadd.s32 @!p1 $0x400, s12  }
0xa0: {  	[tilespmem:s5], [sflag:$0x1] =	stream.indirect.gather @!p1 [spmem:s3], $0x10, s2, s16, $0xb8;
	[tilespmem:$0xDF20] =	vst v63  }
0xa1: {  	s2 =	simm.s32 @!p1 $0x3  }
0xa2: {  	_ =	swait.ge @!p1 [sflag:s2], $0x800  }
0xa3: {  	[sflag:s2] =	ssyncset.done @!p1 $0x0  }
0xa4: {  	s5 =	simm.s32 @!p1 $0x6000;
	[sflag:s2] =	ssyncadd.s32 @!p1 $0xFFFFF800;
	s2 =	sadd.s32 @!p1 $0x2900, s12  }
0xa5: {  	[spmem:s1] =	stream.indirect.scatter.add.f32 @!p1 [tilespmem:s5], [sflag:$0xB], $0x10, s2, s16, $0xb8;
	[tilespmem:$0xDF20] =	vst v63  }
0xa6: {  	s2 =	simm.s32 @!p1 $0xA  }
0xa7: {  	_ =	swait.ge @!p1 [sflag:s2], $0x800  }
0xa8: {  	[sflag:s2] =	ssyncset.done @!p1 $0x0  }
0xa9: {  	s22 =	simm.s32 @!p1 $0x5800;
	[sflag:s2] =	ssyncadd.s32 @!p1 $0xFFFFF800;
	s2 =	sadd.s32 @!p1 $0x480, s12  }
0xaa: {  	[tilespmem:s22], [sflag:$0x2] =	stream.indirect.gather @!p1 [spmem:s3], $0x10, s2, s16, $0xb8;
	[tilespmem:$0xDF20] =	vst v63  }
0xab: {  	_ =	swait.ge [sflag:s15], $0x800  }
0xac: {  	[sflag:s15] =	ssyncset.done $0x0  }
0xad: {  	s22 =	sadd.s32 $0x2980, s11;
	s2 =	simm.s32 @p1 $0x5;
	[sflag:s15] =	ssyncadd.s32 $0xFFFFF800  }
0xae: {  	[spmem:s1] =	stream.indirect.scatter.add.f32 [tilespmem:s23], [sflag:$0xC], $0x10, s22, s17, $0xb8;
	[tilespmem:$0xDF20] =	vst v63  }
0xaf: {  	_ =	swait.ge @p1 [sflag:s2], $0x800  }
0xb0: {  	[sflag:s2] =	ssyncset.done @p1 $0x0  }
0xb1: {  	s22 =	simm.s32 @p1 $0x7000;
	[sflag:s2] =	ssyncadd.s32 @p1 $0xFFFFF800;
	s2 =	sadd.s32 @p1 $0x2A00, s24  }
0xb2: {  	[spmem:s1] =	stream.indirect.scatter.add.f32 @p1 [tilespmem:s22], [sflag:$0xD], $0x10, s2, s21, $0xb8;
	[tilespmem:$0xDF20] =	vst v63  }
0xb3: {  	s2 =	simm.s32 @!p1 $0xB  }
0xb4: {  	_ =	swait.ge @!p1 [sflag:s2], $0x800  }
0xb5: {  	[sflag:s2] =	ssyncset.done @!p1 $0x0  }
0xb6: {  	[sflag:s2] =	ssyncadd.s32 @!p1 $0xFFFFF800;
	s2 =	sadd.s32 @!p1 $0x500, s12  }
0xb7: {  	[tilespmem:s5], [sflag:$0x3] =	stream.indirect.gather @!p1 [spmem:s3], $0x10, s2, s16, $0xb8;
	[tilespmem:$0xDF20] =	vst v63  }
0xb8: {  	s2 =	simm.s32 @!p1 $0x5  }
0xb9: {  	_ =	swait.ge @!p1 [sflag:s2], $0x800  }
0xba: {  	[sflag:s2] =	ssyncset.done @!p1 $0x0  }
0xbb: {  	s5 =	simm.s32 @!p1 $0x7000;
	[sflag:s2] =	ssyncadd.s32 @!p1 $0xFFFFF800;
	s2 =	sadd.s32 @!p1 $0x2A00, s12  }
0xbc: {  	[spmem:s1] =	stream.indirect.scatter.add.f32 @!p1 [tilespmem:s5], [sflag:$0xD], $0x10, s2, s16, $0xb8;
	[tilespmem:$0xDF20] =	vst v63  }
0xbd: {  	s2 =	simm.s32 @!p1 $0xC  }
0xbe: {  	_ =	swait.ge @!p1 [sflag:s2], $0x800  }
0xbf: {  	[sflag:s2] =	ssyncset.done @!p1 $0x0  }
0xc0: {  	s22 =	simm.s32 @!p1 $0x6800;
	[sflag:s2] =	ssyncadd.s32 @!p1 $0xFFFFF800;
	s2 =	sadd.s32 @!p1 $0x580, s12  }
0xc1: {  	[tilespmem:s22], [sflag:$0x4] =	stream.indirect.gather @!p1 [spmem:s3], $0x10, s2, s16, $0xb8;
	[tilespmem:$0xDF20] =	vst v63  }
0xc2: {  	_ =	swait.ge [sflag:s9], $0x800  }
0xc3: {  	[sflag:s9] =	ssyncset.done $0x0  }
0xc4: {  	s22 =	sadd.s32 $0x2A80, s11;
	s2 =	simm.s32 @p1 $0x7;
	[sflag:s9] =	ssyncadd.s32 $0xFFFFF800  }
0xc5: {  	[spmem:s1] =	stream.indirect.scatter.add.f32 [tilespmem:s29], [sflag:$0xE], $0x10, s22, s17, $0xb8;
	[tilespmem:$0xDF20] =	vst v63  }
0xc6: {  	_ =	swait.ge @p1 [sflag:s2], $0x800  }
0xc7: {  	[sflag:s2] =	ssyncset.done @p1 $0x0  }
0xc8: {  	s22 =	simm.s32 @p1 $0x8000;
	[sflag:s2] =	ssyncadd.s32 @p1 $0xFFFFF800;
	s2 =	sadd.s32 @p1 $0x2B00, s24  }
0xc9: {  	[spmem:s1] =	stream.indirect.scatter.add.f32 @p1 [tilespmem:s22], [sflag:$0xF], $0x10, s2, s21, $0xb8;
	[tilespmem:$0xDF20] =	vst v63  }
0xca: {  	s2 =	simm.s32 @!p1 $0xD  }
0xcb: {  	_ =	swait.ge @!p1 [sflag:s2], $0x800  }
0xcc: {  	[sflag:s2] =	ssyncset.done @!p1 $0x0  }
0xcd: {  	[sflag:s2] =	ssyncadd.s32 @!p1 $0xFFFFF800;
	s2 =	sadd.s32 @!p1 $0x600, s12  }
0xce: {  	[tilespmem:s5], [sflag:$0x5] =	stream.indirect.gather @!p1 [spmem:s3], $0x10, s2, s16, $0xb8;
	[tilespmem:$0xDF20] =	vst v63  }
0xcf: {  	s2 =	simm.s32 @!p1 $0x7  }
0xd0: {  	_ =	swait.ge @!p1 [sflag:s2], $0x800  }
0xd1: {  	[sflag:s2] =	ssyncset.done @!p1 $0x0  }
0xd2: {  	s5 =	simm.s32 @!p1 $0x8000;
	[sflag:s2] =	ssyncadd.s32 @!p1 $0xFFFFF800;
	s2 =	sadd.s32 @!p1 $0x2B00, s12  }
0xd3: {  	[spmem:s1] =	stream.indirect.scatter.add.f32 @!p1 [tilespmem:s5], [sflag:$0xF], $0x10, s2, s16, $0xb8;
	[tilespmem:$0xDF20] =	vst v63  }
0xd4: {  	s2 =	simm.s32 @!p1 $0xE  }
0xd5: {  	_ =	swait.ge @!p1 [sflag:s2], $0x800  }
0xd6: {  	[sflag:s2] =	ssyncset.done @!p1 $0x0  }
0xd7: {  	s5 =	simm.s32 @!p1 $0x7800;
	[sflag:s2] =	ssyncadd.s32 @!p1 $0xFFFFF800;
	s2 =	sadd.s32 @!p1 $0x680, s12  }
0xd8: {  	[tilespmem:s5], [sflag:$0x6] =	stream.indirect.gather @!p1 [spmem:s3], $0x10, s2, s16, $0xb8;
	[tilespmem:$0xDF20] =	vst v63  }
.Ltmp6:
0xd9: {  	_ = 	snop;
	(pc) =	sbr.rel @p1 .LBB2_11-.Ltmp6, $4  }
0xda: {  	_ =	swait.ge [sflag:s20], $0x800  }
0xdb: {  	[sflag:s20] =	ssyncset.done $0x0  }
0xdc: {  	s24 =	sadd.s32 $0x2B80, s11;
	[sflag:s20] =	ssyncadd.s32 $0xFFFFF800  }
0xdd: {  	[spmem:s1] =	stream.indirect.scatter.add.f32 [tilespmem:s4], [sflag:$0x10], $0x10, s24, s17, $0xb8;
	[tilespmem:$0xDF20] =	vst v63  }
.Ltmp7:
0xde: {  	(pc) =	sbr.rel .LBB2_9-.Ltmp7, $4  }
0xdf: {  	_ =	swait.ge [sflag:s26], $0x800  }
0xe0: {  	[sflag:s26] =	ssyncset.done $0x0  }
0xe1: {  	s2 =	sadd.s32 $0x700, s11;
	s10 =	sadd.s32 $0x1000, s10;
	[sflag:s26] =	ssyncadd.s32 $0xFFFFF800  }
0xe2: {  	[tilespmem:s31], [sflag:$0x7] =	stream.indirect.gather [spmem:s3], $0x10, s2, s17, $0xb8;
	[tilespmem:$0xDF20] =	vst v63  }
.LBB2_12:
0xe3: {  	_ =	sfence.sel $0x180000  }
0xe4: {  	[bflag:$0x0] =	sbarrier.arrive $0xFFFF  }
0xe5: {  	_ =	strace $0x9000004D  }
0xe6: {  	s0 =	stileid.u32;
	[bflag:$0x2] =	sbarrier.arrive $0xFFFF  }
0xe7: {  	p0 =	sne.s32 s0, $0x0;
	s0 =	rddreg [dreg:$0x4]  }
0xe8: {  	s0 =	sadd.s32 @!p0 $0x100000, s0  }
0xe9: {  	[sflag:s0] =	ssyncadd.tile.s32 @!p0 $0x1;
	_ =	shalt  }
.Lfunc_end2:
_tile_overlayer_lowered:
.L_overlay_start_2:
0xea: {  	(tag) =	ssettag $0x2  }
0xeb: {  	s0 =	rddreg [dreg:$0x0];
	s2 =	stileid.u32  }
0xec: {  	s1 =	rddreg [dreg:$0x1];
	p0 =	sne.s32 s2, $0x0  }
0xed: {  	s3 =	rddreg [dreg:$0x2];
	[bflag:$0x3] =	sbarrier.arrive $0xFFFF;
	s2 =	simm.s32 @!p0 $0x1C11  }
0xee: {  	[timem:s3], [sflag:s2] =	dma.local @!p0 [hbm:s0], s1  }
0xef: {  	s0 =	simm.s32 @!p0 $0x11  }
0xf0: {  	_ =	swait.ge @!p0 [sflag:s0], s1  }
0xf1: {  	s1 =	ssub.s32 @!p0 $0x0, s1;
	[sflag:s0] =	ssyncset.done @!p0 $0x0  }
0xf2: {  	[sflag:s0] =	ssyncadd.s32 @!p0 s1  }
0xf3: {  	[bflag:$0x3] =	sbarrier.arrive $0xFFFF  }
0xf4: {  	_ =	shalt  }

// kernel: kernel.19.cloned.1.call-start
scs
__scs_entry_jumppad:
0x0: {  	(pc) =	sbr.rel $0x88, $3  }
0x1: {  	(tag) =	ssettag $0x0;
	lr =	simm.s32 $0x1  }
0x2: {  	[smem:$0x3F99] =	sst lr;
	_ =	strace $0xD0000000  }
0x3: {  	_ = 	snop  }
0x4: {  	_ = 	snop  }
0x5: {  	_ = 	snop  }
0x6: {  	_ = 	snop  }
0x7: {  	_ = 	snop  }
__scs_overlays_trampoline_lowered:
0x8: {  	[smem:$0x3FA8] =	sst s0  }
0x9: {  	[smem:$0x3FA9] =	sst s1  }
0xa: {  	[smem:$0x3FAA] =	sst s2  }
0xb: {  	[smem:$0x3FAB] =	sst s3  }
0xc: {  	[smem:$0x3FAC] =	sst s4  }
0xd: {  	[smem:$0x3FAD] =	sst s5  }
0xe: {  	[smem:$0x3FAE] =	sst s6  }
0xf: {  	[smem:$0x3FAF] =	sst s7  }
0x10: {  	[smem:$0x3FB0] =	sst s8  }
0x11: {  	[smem:$0x3FB1] =	sst s9;
	s0 =	simm.s32 @!p0 $0x0  }
0x12: {  	s1 =	sld [smem:$0x3F97];
	s0 =	simm.s32 @p0 $0x1  }
0x13: {  	[smem:$0x3FB2] =	sst s0;
	s0 =	simm.s32 @!p1 $0x0  }
0x14: {  	s2 =	sld [smem:$0x3F96];
	s0 =	simm.s32 @p1 $0x1  }
0x15: {  	[smem:$0x3FB3] =	sst s0;
	s0 =	simm.s32 @!p2 $0x0  }
0x16: {  	s3 =	sld [smem:$0x3FDB];
	s0 =	simm.s32 @p2 $0x1  }
0x17: {  	s4 =	simm.s32 $0x1BF5;
	[smem:$0x3FB5] =	sst s0  }
0x18: {  	s0 =	sld [smem:$0x3F98];
	_ =	swait.ge [sflag:s4], $0x0  }
0x19: {  	s7 =	sld [smem:$0x3F99]  }
0x1a: {  	s8 =	sadd.s32 $0xFFFFE003, lr  }
0x1b: {  	s9 =	sadd.s32 $0xFFFFFEF7, lr;
	s5 =	simm.s32 $0xFFFFFFFF;
	p2 =	slt.u32 s8, $0xFFFFF086  }
0x1c: {  	p1 =	slt.u32 s9, $0xF7A;
	s5 =	simm.s32 @!p2 $0x0  }
0x1d: {  	s5 =	simm.s32 @p1 $0x1;
	p0 =	seq.s32 s7, s2  }
0x1e: {  	s7 =	smul.u32 @!p0 $0xF7A, s2;
	p2 =	seq.s32 @!p0 s5, $0x0  }
0x1f: {  	s9 =	smul.u32 $0xF7A, s1;
	s8 =	simm.s32 @!p0 $0x1BF5;
	p2 =	por !p2, p0  }
0x20: {  	[sflag:s8] =	ssyncset.s32 @!p0 $0xFFFFF086;
	s6 =	sadd.s32 @!p0 s3, s7;
	s7 =	simm.s32 @!p0 $0x108  }
0x21: {  	s3 =	sadd.s32 s3, s9;
	s6 =	sadd.s32 @!p0 $0x88, s6;
	s7 =	simm.s32 @p2 $0x1082  }
0x22: {  	[simem:s7], [sflag:s8] =	dma.local @!p0 [hbm:s6], $0xF7A  }
0x23: {  	s9 =	sor.u32 $0xD0000000, s2;
	s6 =	simm.s32 $0x108;
	_ =	swait.ge @!p0 [sflag:s8], $0x0  }
0x24: {  	s3 =	sadd.s32 $0x88, s3;
	s6 =	simm.s32 @!p1 $0x1082;
	[sflag:s4] =	ssyncset.s32 $0xFFFFF086  }
0x25: {  	[simem:s6], [sflag:s4] =	dma.local [hbm:s3], $0xF7A  }
0x26: {  	[smem:$0x3F99] =	sst s1;
	(tag) =	ssettag s2;
	_ =	strace s9  }
0x27: {  	s1 =	sld [smem:$0x3FA9]  }
0x28: {  	s2 =	sld [smem:$0x3FAA]  }
0x29: {  	s4 =	sld [smem:$0x3FAC]  }
0x2a: {  	p0 =	seq.s32 s5, $0x0;
	s5 =	sld [smem:$0x3FAD]  }
0x2b: {  	s6 =	sld [smem:$0x3FAE]  }
0x2c: {  	s7 =	sld [smem:$0x3FAF]  }
0x2d: {  	s3 =	simm.s32 $0x108;
	s8 =	sld [smem:$0x3FB0]  }
0x2e: {  	s3 =	simm.s32 @!p0 $0x1082;
	s9 =	sld [smem:$0x3FB1]  }
0x2f: {  	lr =	sadd.s32 s0, s3;
	s0 =	sld [smem:$0x3FA8]  }
0x30: {  	s3 =	sld [smem:$0x3FAB]  }
0x31: {  	[smem:$0x3FB4] =	sst s10  }
0x32: {  	s10 =	sld [smem:$0x3FB2];
	_ =	sdelay $0x3  }
0x33: {  	p0 =	seq.s32 s10, $0x1;
	s10 =	sld [smem:$0x3FB4];
	_ =	sdelay $0x3  }
0x34: {  	[smem:$0x3FB4] =	sst s10  }
0x35: {  	s10 =	sld [smem:$0x3FB3];
	_ =	sdelay $0x3  }
0x36: {  	p1 =	seq.s32 s10, $0x1;
	s10 =	sld [smem:$0x3FB4];
	_ =	sdelay $0x3  }
0x37: {  	[smem:$0x3FB4] =	sst s10  }
0x38: {  	s10 =	sld [smem:$0x3FB5]  }
0x39: {  	_ = 	snop;
	(pc) =	sbr.ind lr, $3  }
0x3a: {  	_ = 	snop  }
0x3b: {  	_ = 	snop  }
0x3c: {  	p2 =	seq.s32 s10, $0x1;
	s10 =	sld [smem:$0x3FB4]  }
0x3d: {  	_ =	shalt  }
0x3e: {  	_ =	shalt  }
0x3f: {  	_ =	shalt  }
0x40: {  	_ =	shalt  }
0x41: {  	_ =	shalt  }
0x42: {  	_ =	shalt  }
0x43: {  	_ =	shalt  }
0x44: {  	_ =	shalt  }
0x45: {  	_ =	shalt  }
0x46: {  	_ =	shalt  }
0x47: {  	_ =	shalt  }
0x48: {  	_ =	shalt  }
0x49: {  	_ =	shalt  }
0x4a: {  	_ =	shalt  }
0x4b: {  	_ =	shalt  }
0x4c: {  	_ =	shalt  }
0x4d: {  	_ =	shalt  }
0x4e: {  	_ =	shalt  }
0x4f: {  	_ =	shalt  }
0x50: {  	_ =	shalt  }
0x51: {  	_ =	shalt  }
0x52: {  	_ =	shalt  }
0x53: {  	_ =	shalt  }
0x54: {  	_ =	shalt  }
0x55: {  	_ =	shalt  }
0x56: {  	_ =	shalt  }
0x57: {  	_ =	shalt  }
0x58: {  	_ =	shalt  }
0x59: {  	_ =	shalt  }
0x5a: {  	_ =	shalt  }
0x5b: {  	_ =	shalt  }
0x5c: {  	_ =	shalt  }
0x5d: {  	_ =	shalt  }
0x5e: {  	_ =	shalt  }
0x5f: {  	_ =	shalt  }
0x60: {  	_ =	shalt  }
0x61: {  	_ =	shalt  }
0x62: {  	_ =	shalt  }
0x63: {  	_ =	shalt  }
0x64: {  	_ =	shalt  }
0x65: {  	_ =	shalt  }
0x66: {  	_ =	shalt  }
0x67: {  	_ =	shalt  }
0x68: {  	_ =	shalt  }
0x69: {  	_ =	shalt  }
0x6a: {  	_ =	shalt  }
0x6b: {  	_ =	shalt  }
0x6c: {  	_ =	shalt  }
0x6d: {  	_ =	shalt  }
0x6e: {  	_ =	shalt  }
0x6f: {  	_ =	shalt  }
0x70: {  	_ =	shalt  }
0x71: {  	_ =	shalt  }
0x72: {  	_ =	shalt  }
0x73: {  	_ =	shalt  }
0x74: {  	_ =	shalt  }
0x75: {  	_ =	shalt  }
0x76: {  	_ =	shalt  }
0x77: {  	_ =	shalt  }
0x78: {  	_ =	shalt  }
0x79: {  	_ =	shalt  }
0x7a: {  	_ =	shalt  }
0x7b: {  	_ =	shalt  }
0x7c: {  	_ =	shalt  }
0x7d: {  	_ =	shalt  }
0x7e: {  	_ =	shalt  }
0x7f: {  	_ =	shalt  }
0x80: {  	_ =	shalt  }
0x81: {  	_ =	shalt  }
0x82: {  	_ =	shalt  }
0x83: {  	_ =	shalt  }
0x84: {  	_ =	shalt  }
0x85: {  	_ =	shalt  }
0x86: {  	_ =	shalt  }
0x87: {  	_ =	shalt  }
.Lfunc_end0:
.L_simem_size_0:
called_computation.3_lowered:
.L_overlay_start_0:
0x88: {  	s2 =	sld [smem:$0x3FD9]  }
0x89: {  	s3 =	sld [smem:$0x3FFE];
	_ =	sdelay $0x1  }
0x8a: {  	s1 =	srdreg.scid  }
0x8b: {  	s0 =	sand.u32 $0x1, s1  }
0x8c: {  	s17 =	sshll.u32 s0, $0xA;
	s2 =	sadd.s32 s3, s2  }
0x8d: {  	s2 =	sadd.s32 s2, s17  }
0x8e: {  	[smem:$0x3FC0] =	sst s2  }
0x8f: {  	_ = 	snop  }
0x90: {  	s2 =	sld [smem:$0x3FD0];
	(tm) =	ssettm $0x1  }
0x91: {  	s18 =	sld [smem:$0x3FFB];
	_ =	sdelay $0x3  }
0x92: {  	_ =	strace s18  }
0x93: {  	s3 =	sld [smem:$0x3FFC];
	_ =	sdelay $0x3  }
0x94: {  	_ =	strace s3  }
0x95: {  	s3 =	sld [smem:$0x3FFD];
	_ =	sdelay $0x3  }
0x96: {  	_ =	strace s3  }
0x97: {  	_ =	strace $0x8FFFFFFF  }
0x98: {  	s19 =	sld [smem:$0x3FDB];
	_ =	sdelay $0x1  }
0x99: {  	s4 =	simm.s32 $_scs_section_size  }
0x9a: {  	s5 =	simm.s32 $_size__tile_overlayer_lowered;
	s6 =	simm.s32 $_tile_overlayer_lowered  }
0x9b: {  	s22 =	simm.s32 $0x1BFF;
	s21 =	sshll.u32 s6, $0x1;
	s3 =	sadd.s32 s4, s19  }
0x9c: {  	s7 =	simm.s32 $0x0;
	s20 =	sshll.u32 s5, $0x1;
	s5 =	sadd.s32 s21, s3  }
0x9d: {  	[timem:s7], [sflag:s22] =	dma.local [hbm:s5], s20  }
0x9e: {  	_ =	swait.ge [sflag:s22], s20  }
0x9f: {  	s4 =	ssub.s32 $0x0, s20;
	[sflag:s22] =	ssyncset.done $0x0  }
0xa0: {  	[sflag:s22] =	ssyncadd.s32 s4;
	_ =	sdelay $0x1  }
0xa1: {  	s23 =	simm.s32 $0x1B8B  }
0xa2: {  	_ =	swait.ge [sflag:s23], $0x1  }
0xa3: {  	[sflag:s23] =	ssyncset.done $0x0  }
0xa4: {  	s25 =	simm.s32 $0x1B8E;
	s24 =	sld [smem:$0x3FFE];
	[sflag:s23] =	ssyncadd.s32 $0xFFFFFFFF  }
0xa5: {  	s26 =	simm.s32 $execute0_lowered;
	[smem:$0x3FD2] =	sst s25  }
0xa6: {  	s5 =	sshll.u32 s26, $0x1;
	_ =	strace $0x8000004F;
	[dreg:$0x1] =	wrdreg $0xFFFFFFFF  }
0xa7: {  	s28 =	simm.s32 $_size_execute0_lowered;
	s3 =	sadd.s32 s3, s5;
	[dreg:$0x0] =	wrdreg $0x0  }
0xa8: {  	s5 =	sshll.u32 s28, $0x1;
	[dreg:$0x2] =	wrdreg s3  }
0xa9: {  	[dreg:$0x3] =	wrdreg s5  }
0xaa: {  	[dreg:$0x4] =	wrdreg $0xC0  }
0xab: {  	_ =	task [dreg:s7], $0x5FFFF  }
0xac: {  	[dreg:$0x1] =	wrdreg $0xFFFFFFFF  }
0xad: {  	[dreg:$0x0] =	wrdreg $0x60  }
0xae: {  	[dreg:$0x2] =	wrdreg s24  }
0xaf: {  	[dreg:$0x3] =	wrdreg s2  }
0xb0: {  	[dreg:$0x4] =	wrdreg $0x90000  }
0xb1: {  	[dreg:$0x5] =	wrdreg $0xB8000  }
0xb2: {  	[dreg:$0x6] =	wrdreg $0x9  }
0xb3: {  	_ =	task.clear_ibuf [dreg:s7], $0x7FFFF;
	_ =	strace $0x9000004F  }
0xb4: {  	s29 =	simm.s32 $0x9;
	_ =	strace $0x80000051  }
0xb5: {  	_ =	swait.ge [sflag:s29], $0x1  }
0xb6: {  	[sflag:s29] =	ssyncadd.s32 $0xFFFFFFFF  }
0xb7: {  	_ =	strace $0x90000051  }
0xb8: {  	_ =	sfence  }
0xb9: {  	s30 =	sld [smem:$0x0];
	_ =	sdelay $0x2  }
0xba: {  	s31 =	sshll.u32 s1, $0xD;
	s1 =	sshrl.u32 s1, $0x2  }
0xbb: {  	s3 =	sand.u32 $0x4000, s31;
	s1 =	sadd.s32 s1, s30  }
0xbc: {  	s0 =	sor.u32 s3, s0;
	s1 =	sshll.u32 s1, $0x11  }
0xbd: {  	s0 =	sor.u32 s1, s0  }
0xbe: {  	s0 =	sadd.s32 $0x8F2B, s0  }
0xbf: {  	[sflag:s0] =	ssyncadd.remote.s32 $0x1  }
0xc0: {  	_ =	sfence.sel $0xFFFF  }
0xc1: {  	[dreg:$0x0] =	wrdreg $0xFFFFFFFF;
	(pc) =	sbr.abs _section_cstart, $3  }
0xc2: {  	[dreg:$0x1] =	wrdreg $0xFFFFFFFF  }
0xc3: {  	_ =	task.clear_ibuf [dreg:s7], $0x2FFFF;
	_ =	strace $0x9FFFFFFF  }
0xc4: {  	(tm) =	ssettm $0x7FFFFFFF  }
0xc5: {  	_ =	shalt  }
tec
execute0_lowered:
.L_overlay_start_1:
0x0: {  	(tag) =	ssettag $0x1  }
0x1: {  	s0 =	rddreg [dreg:$0x0]  }
0x2: {  	s2 =	rddreg [dreg:$0x1]  }
0x3: {  	s1 =	rddreg [dreg:$0x2];
	s4 =	srdreg.scid  }
0x4: {  	s3 =	rddreg [dreg:$0x3];
	s11 =	stileid.u32  }
0x5: {  	s7 =	simm.s32 $0x0;
	s13 =	simm.s32 $0x11;
	s23 =	simm.s32 $0x6800  }
0x6: {  	s29 =	simm.s32 $0x7800;
	s31 =	simm.s32 $0x8000;
	s15 =	simm.s32 $0x4  }
0x7: {  	s14 =	simm.s32 $0xD;
	s28 =	simm.s32 $0x10;
	s30 =	simm.s32 $0x0  }
0x8: {  	s4 =	sand.u32 $0x1, s4;
	s6 =	smul.u32 $0x2720, s11;
	[smem:$0x7FF] =	sst s7  }
0x9: {  	s10 =	sadd.s32 $0x1B800, s0;
	s18 =	sadd.s32 $0xCA40, s0;
	s5 =	sshll.u32 s4, $0x4  }
0xa: {  	_ =	strace $0x80000050;
	s9 =	ssub.s32 $0x2, s4;
	[dreg:$0x6] =	wrdreg s10  }
0xb: {  	s4 =	smul.u32 $0x5000, s4;
	[dreg:$0x8] =	wrdreg s18;
	s25 =	sadd.s32 $0x9B00, s18  }
0xc: {  	s18 =	simm.s32 $0x5000;
	s5 =	sor.u32 s11, s5;
	s16 =	sshrl.u32 s6, $0x3  }
0xd: {  	s17 =	sshrl.u32 s9, $0x1;
	s11 =	smul.u32 $0x2800, s11;
	s20 =	sadd.s32 s6, s3  }
0xe: {  	[dreg:$0xd] =	wrdreg s25;
	s25 =	simm.s32 $0xE;
	s8 =	smul.u32 $0x500, s5  }
0xf: {  	s7 =	sadd.s32 s16, s0;
	s9 =	ssub.s32 s9, s17;
	s2 =	sadd.s32 s2, s4  }
0x10: {  	p0 =	seq.s32 s5, $0x1F;
	s17 =	simm.s32 $0x80;
	s4 =	simm.s32 $0x8800  }
0x11: {  	s19 =	sadd.s32 s11, s1;
	s21 =	sadd.s32 $0x16800, s7;
	[dreg:$0x5] =	wrdreg s8  }
0x12: {  	s22 =	sshrl.u32 s11, $0x3;
	s24 =	smax.u32 s9, $0x1;
	[dreg:$0xa] =	wrdreg s19  }
0x13: {  	s7 =	simm.s32 $0x2;
	s8 =	sadd.s32 s8, s0;
	[dreg:$0xb] =	wrdreg s21  }
.Ltmp0:
0x14: {  	s0 =	sadd.s32 $0xC900, s0;
	[dreg:$0xc] =	wrdreg s24;
	(pc) =	sbr.rel .LBB2_1-.Ltmp0, $4  }
0x15: {  	s9 =	simm.s32 $0x6;
	s26 =	sadd.s32 s22, s2;
	[dreg:$0x9] =	wrdreg s0  }
0x16: {  	s19 =	simm.s32 $0x5800;
	s8 =	sadd.s32 $0x2E00, s8;
	[dreg:$0xf] =	wrdreg s26  }
0x17: {  	s0 =	sshrl.u32 s20, $0x3;
	s20 =	simm.s32 $0x8;
	[dreg:$0x7] =	wrdreg s8  }
0x18: {  	v0 =	vimm.s32 $0x2710;
	s26 =	simm.s32 $0xF;
	[dreg:$0xe] =	wrdreg s0;
	s0 =	simm.s32 $0x1  }
.LBB2_11:
0x19: {  	s2 =	simm.s32 $0x9  }
0x1a: {  	_ =	swait.ge [sflag:s2], $0x800  }
0x1b: {  	[sflag:s2] =	ssyncset.done $0x0  }
0x1c: {  	s12 =	simm.s32 $0xA;
	[sflag:s2] =	ssyncadd.s32 $0xFFFFF800  }
0x1d: {  	_ =	swait.ge [sflag:s12], $0x800  }
0x1e: {  	[sflag:s12] =	ssyncset.done $0x0  }
0x1f: {  	s16 =	simm.s32 $0xB;
	[sflag:s12] =	ssyncadd.s32 $0xFFFFF800  }
0x20: {  	_ =	swait.ge [sflag:s16], $0x800  }
0x21: {  	[sflag:s16] =	ssyncset.done $0x0  }
0x22: {  	s21 =	simm.s32 $0xC;
	[sflag:s16] =	ssyncadd.s32 $0xFFFFF800  }
0x23: {  	_ =	swait.ge [sflag:s21], $0x800  }
0x24: {  	[sflag:s21] =	ssyncset.done $0x0  }
0x25: {  	[sflag:s21] =	ssyncadd.s32 $0xFFFFF800  }
0x26: {  	_ =	swait.ge [sflag:s14], $0x800  }
0x27: {  	[sflag:s14] =	ssyncset.done $0x0  }
0x28: {  	[sflag:s14] =	ssyncadd.s32 $0xFFFFF800  }
0x29: {  	_ =	swait.ge [sflag:s25], $0x800  }
0x2a: {  	[sflag:s25] =	ssyncset.done $0x0  }
0x2b: {  	[sflag:s25] =	ssyncadd.s32 $0xFFFFF800  }
0x2c: {  	_ =	swait.ge [sflag:s26], $0x800  }
0x2d: {  	[sflag:s26] =	ssyncset.done $0x0  }
0x2e: {  	[sflag:s26] =	ssyncadd.s32 $0xFFFFF800  }
0x2f: {  	_ =	swait.ge [sflag:s28], $0x800  }
0x30: {  	[sflag:s28] =	ssyncset.done $0x0  }
0x31: {  	[sflag:s28] =	ssyncadd.s32 $0xFFFFF800  }
0x32: {  	[bflag:$0x0] =	sbarrier.arrive $0xFFFF  }
0x33: {  	s22 =	rddreg [dreg:$0xf]  }
0x34: {  	[hbm:s22], [sflag:s8] =	dma.local [spmem:s6], $0x500  }
0x35: {  	_ =	swait.ge [sflag:s13], $0x500  }
0x36: {  	s30 =	sadd.s32 $0x1, s30;
	s24 =	rddreg [dreg:$0xc]  }
0x37: {  	p1 =	sne.s32 s30, s24  }
.Ltmp1:
0x38: {  	_ = 	snop;
	(pc) =	sbr.rel @!p1 .LBB2_12-.Ltmp1, $3  }
0x39: {  	_ =	sdelay $0x1  }
0x3a: {  	[sflag:s13] =	ssyncset.done $0x0  }
0x3b: {  	[sflag:s13] =	ssyncadd.s32 $0xFFFFFB00  }
.LBB2_1:
.Ltmp2:
0x3c: {  	(pc) =	sbr.rel @!p0 .LBB2_2-.Ltmp2, $1  }
0x3d: {  	_ =	sdelay $0x3  }
0x3e: {  	s6 =	simm.s32 $0x0;
	s2 =	rddreg [dreg:$0x9]  }
0x3f: {  	[tilespmem:s6], [sflag:$0x11] =	stream.linear.gather [hbm4b:s2+s6], $0xA00, $0x38;
	[tilespmem:$0xDF20] =	vst v63  }
0x40: {  	_ =	swait.ge [sflag:s13], $0xA00  }
0x41: {  	[sflag:s13] =	ssyncset.done $0x0  }
0x42: {  	s8 =	simm.s32 $0x200;
	s6 =	simm.s32 $0x0;
	[sflag:s13] =	ssyncadd.s32 $0xFFFFF600  }
.LBB2_4:
0x43: {  	p1 =	sne.s32 s8, $0x7600;
	[tilespmem:s6+$0xA70] =	vst v0  }
0x44: {  	[tilespmem:s6+$0xA00] =	vst v0  }
0x45: {  	[tilespmem:s6+$0xA10] =	vst v0  }
.Ltmp3:
0x46: {  	[tilespmem:s6+$0xA20] =	vst v0;
	(pc) =	sbr.rel @p1 .LBB2_4-.Ltmp3, $4  }
0x47: {  	[tilespmem:s6+$0xA30] =	vst v0  }
0x48: {  	[tilespmem:s6+$0xA40] =	vst v0  }
0x49: {  	[tilespmem:s6+$0xA50] =	vst v0  }
0x4a: {  	[tilespmem:s6+$0xA60] =	vst v0;
	s6 =	sshra.s32 s8, $0x2;
	s8 =	sadd.s32 $0x200, s8  }
0x4b: {  	[tilespmem:s6+$0xA70] =	vst v0  }
0x4c: {  	[tilespmem:s6+$0xA00] =	vst v0  }
0x4d: {  	[tilespmem:s6+$0xA10] =	vst v0  }
0x4e: {  	[tilespmem:s6+$0xA20] =	vst v0  }
0x4f: {  	[tilespmem:s6+$0xA30] =	vst v0  }
0x50: {  	[tilespmem:s6+$0xA40] =	vst v0  }
0x51: {  	[tilespmem:s6+$0xA50] =	vst v0  }
0x52: {  	[tilespmem:s6+$0xA60] =	vst v0;
	s24 =	simm.s32 $0x0;
	s2 =	rddreg [dreg:$0xd];
	s5 =	simm.s32 $0x2800  }
0x53: {  	[tilespmem:s5], [sflag:$0x11] =	stream.linear.gather [hbm4b:s2+s24], $0xA00, $0x38;
	[tilespmem:$0xDF20] =	vst v63  }
0x54: {  	_ =	swait.ge [sflag:s13], $0xA00  }
0x55: {  	[sflag:s13] =	ssyncset.done $0x0  }
0x56: {  	s6 =	simm.s32 $0x0;
	s8 =	simm.s32 $0x200;
	[sflag:s13] =	ssyncadd.s32 $0xFFFFF600  }
.LBB2_6:
0x57: {  	p1 =	sne.s32 s8, $0x7600;
	[tilespmem:s6+$0x3270] =	vst v0  }
0x58: {  	[tilespmem:s6+$0x3200] =	vst v0  }
0x59: {  	[tilespmem:s6+$0x3210] =	vst v0  }
.Ltmp4:
0x5a: {  	[tilespmem:s6+$0x3220] =	vst v0;
	(pc) =	sbr.rel @p1 .LBB2_6-.Ltmp4, $4  }
0x5b: {  	[tilespmem:s6+$0x3230] =	vst v0  }
0x5c: {  	[tilespmem:s6+$0x3240] =	vst v0  }
0x5d: {  	[tilespmem:s6+$0x3250] =	vst v0  }
0x5e: {  	[tilespmem:s6+$0x3260] =	vst v0;
	s6 =	sshra.s32 s8, $0x2;
	s8 =	sadd.s32 $0x200, s8  }
0x5f: {  	[tilespmem:s6+$0x3270] =	vst v0  }
0x60: {  	[tilespmem:s6+$0x3200] =	vst v0  }
0x61: {  	[tilespmem:s6+$0x3210] =	vst v0  }
.Ltmp5:
0x62: {  	[tilespmem:s6+$0x3220] =	vst v0;
	(pc) =	sbr.rel .LBB2_8-.Ltmp5, $4  }
0x63: {  	[tilespmem:s6+$0x3230] =	vst v0  }
0x64: {  	[tilespmem:s6+$0x3240] =	vst v0  }
0x65: {  	[tilespmem:s6+$0x3250] =	vst v0  }
0x66: {  	[tilespmem:s6+$0x3260] =	vst v0  }
.LBB2_2:
0x67: {  	s2 =	simm.s32 $0x0;
	s5 =	rddreg [dreg:$0x7]  }
0x68: {  	[tilespmem:s2], [sflag:$0x11] =	stream.linear.gather [hbm4b:s5+s2], $0x2800, $0x38;
	[tilespmem:$0xDF20] =	vst v63  }
0x69: {  	_ =	swait.ge [sflag:s13], $0x2800  }
0x6a: {  	s22 =	rddreg [dreg:$0x5]  }
0x6b: {  	[sflag:s13] =	ssyncset.done $0x0;
	s6 =	rddreg [dreg:$0x8]  }
0x6c: {  	s24 =	simm.s32 $0x2800;
	[sflag:s13] =	ssyncadd.s32 $0xFFFFD800;
	s6 =	sadd.s32 s22, s6  }
0x6d: {  	[tilespmem:s24], [sflag:$0x11] =	stream.linear.gather [hbm4b:s6+s2], $0x2800, $0x38;
	[tilespmem:$0xDF20] =	vst v63  }
0x6e: {  	_ =	swait.ge [sflag:s13], $0x2800  }
0x6f: {  	[sflag:s13] =	ssyncset.done $0x0  }
0x70: {  	[sflag:s13] =	ssyncadd.s32 $0xFFFFD800  }
.LBB2_8:
0x71: {  	s2 =	stileid.u32  }
0x72: {  	s21 =	rddreg [dreg:$0xa];
	s6 =	sshll.u32 s2, $0x6  }
0x73: {  	s22 =	rddreg [dreg:$0x6];
	s8 =	sor.u32 $0x1C11, s6;
	s6 =	sshrl.u32 s21, $0x3  }
0x74: {  	[spmem:s6], [sflag:s8] =	dma.local [hbm:s22], $0x500  }
0x75: {  	_ =	swait.ge [sflag:s13], $0x500  }
0x76: {  	[sflag:s13] =	ssyncset.done $0x0;
	s24 =	rddreg [dreg:$0xb]  }
0x77: {  	s5 =	rddreg [dreg:$0xe];
	[sflag:s13] =	ssyncadd.s32 $0xFFFFFB00  }
0x78: {  	[spmem:s5], [sflag:s8] =	dma.local [hbm:s24], $0x4E4  }
0x79: {  	_ =	swait.ge [sflag:s13], $0x4E4  }
0x7a: {  	[sflag:s13] =	ssyncset.done $0x0  }
0x7b: {  	[sflag:s13] =	ssyncadd.s32 $0xFFFFFB1C  }
0x7c: {  	s10 =	simm.s32 $0x0;
	[bflag:$0x0] =	sbarrier.arrive $0xFFFF  }
0x7d: {  	[tilespmem:s18], [sflag:$0x1] =	stream.indirect.gather [spmem:s3], $0x10, s10, s17, $0xb8;
	[tilespmem:$0xDF20] =	vst v63  }
0x7e: {  	_ = 	snop  }
0x7f: {  	[tilespmem:s19], [sflag:$0x2] =	stream.indirect.gather [spmem:s3], $0x10, s17, s17, $0xb8;
	[tilespmem:$0xDF20] =	vst v63  }
0x80: {  	s11 =	simm.s32 $0x6000;
	s5 =	simm.s32 $0x100  }
0x81: {  	[tilespmem:s11], [sflag:$0x3] =	stream.indirect.gather [spmem:s3], $0x10, s5, s17, $0xb8;
	[tilespmem:$0xDF20] =	vst v63  }
0x82: {  	s12 =	simm.s32 $0x180  }
0x83: {  	[tilespmem:s23], [sflag:$0x4] =	stream.indirect.gather [spmem:s3], $0x10, s12, s17, $0xb8;
	[tilespmem:$0xDF20] =	vst v63  }
0x84: {  	s16 =	simm.s32 $0x200;
	s21 =	simm.s32 $0x7000  }
0x85: {  	[tilespmem:s21], [sflag:$0x5] =	stream.indirect.gather [spmem:s3], $0x10, s16, s17, $0xb8;
	[tilespmem:$0xDF20] =	vst v63  }
0x86: {  	s22 =	simm.s32 $0x280  }
0x87: {  	[tilespmem:s29], [sflag:$0x6] =	stream.indirect.gather [spmem:s3], $0x10, s22, s17, $0xb8;
	[tilespmem:$0xDF20] =	vst v63  }
0x88: {  	s24 =	simm.s32 $0x300  }
0x89: {  	[tilespmem:s31], [sflag:$0x7] =	stream.indirect.gather [spmem:s3], $0x10, s24, s17, $0xb8;
	[tilespmem:$0xDF20] =	vst v63  }
.LBB2_9:
0x8a: {  	_ =	swait.ge [sflag:s0], $0x800  }
0x8b: {  	s11 =	sshra.s32 s10, $0x2;
	[sflag:s0] =	ssyncset.done $0x0  }
0x8c: {  	p1 =	seq.s32 s10, $0x0;
	s12 =	sadd.s32 $0x2800, s11;
	[sflag:s0] =	ssyncadd.s32 $0xFFFFF800  }
0x8d: {  	[spmem:s1] =	stream.indirect.scatter.add.f32 [tilespmem:s18], [sflag:$0x9], $0x10, s12, s17, $0xb8;
	[tilespmem:$0xDF20] =	vst v63  }
0x8e: {  	s12 =	simm.s32 @!p1 $0x10  }
0x8f: {  	_ =	swait.ge @!p1 [sflag:s12], $0x800  }
0x90: {  	[sflag:s12] =	ssyncset.done @!p1 $0x0  }
0x91: {  	s16 =	sadd.s32 $0x380, s11;
	[sflag:s12] =	ssyncadd.s32 @!p1 $0xFFFFF800  }
0x92: {  	[tilespmem:s4], [sflag:$0x8] =	stream.indirect.gather [spmem:s3], $0x10, s16, s17, $0xb8;
	[tilespmem:$0xDF20] =	vst v63  }
0x93: {  	_ =	swait.ge [sflag:s7], $0x800  }
0x94: {  	p1 =	seq.s32 s10, $0x9000;
	[sflag:s7] =	ssyncset.done $0x0  }
0x95: {  	s21 =	sadd.s32 $0x2880, s11;
	s12 =	simm.s32 @p1 $0x3;
	[sflag:s7] =	ssyncadd.s32 $0xFFFFF800  }
0x96: {  	[spmem:s1] =	stream.indirect.scatter.add.f32 [tilespmem:s19], [sflag:$0xA], $0x10, s21, s17, $0xb8;
	[tilespmem:$0xDF20] =	vst v63  }
0x97: {  	_ =	swait.ge @p1 [sflag:s12], $0x800  }
0x98: {  	s24 =	sshra.s32 @p1 s10, $0x2;
	s16 =	simm.s32 @p1 $0x6000;
	[sflag:s12] =	ssyncset.done @p1 $0x0  }
0x99: {  	s21 =	simm.s32 @p1 $0x80;
	[sflag:s12] =	ssyncadd.s32 @p1 $0xFFFFF800;
	s12 =	sadd.s32 @p1 $0x2900, s24  }
0x9a: {  	[spmem:s1] =	stream.indirect.scatter.add.f32 @p1 [tilespmem:s16], [sflag:$0xB], $0x10, s12, s21, $0xb8;
	[tilespmem:$0xDF20] =	vst v63  }
0x9b: {  	s12 =	simm.s32 @!p1 $0x9  }
0x9c: {  	_ =	swait.ge @!p1 [sflag:s12], $0x800  }
0x9d: {  	[sflag:s12] =	ssyncset.done @!p1 $0x0  }
0x9e: {  	[sflag:s12] =	ssyncadd.s32 @!p1 $0xFFFFF800;
	s12 =	sshra.s32 @!p1 s10, $0x2  }
0x9f: {  	s5 =	simm.s32 @!p1 $0x5000;
	s16 =	simm.s32 @!p1 $0x80;
	s2 =	sadd.s32 @!p1 $0x400, s12  }
0xa0: {  	[tilespmem:s5], [sflag:$0x1] =	stream.indirect.gather @!p1 [spmem:s3], $0x10, s2, s16, $0xb8;
	[tilespmem:$0xDF20] =	vst v63  }
0xa1: {  	s2 =	simm.s32 @!p1 $0x3  }
0xa2: {  	_ =	swait.ge @!p1 [sflag:s2], $0x800  }
0xa3: {  	[sflag:s2] =	ssyncset.done @!p1 $0x0  }
0xa4: {  	s5 =	simm.s32 @!p1 $0x6000;
	[sflag:s2] =	ssyncadd.s32 @!p1 $0xFFFFF800;
	s2 =	sadd.s32 @!p1 $0x2900, s12  }
0xa5: {  	[spmem:s1] =	stream.indirect.scatter.add.f32 @!p1 [tilespmem:s5], [sflag:$0xB], $0x10, s2, s16, $0xb8;
	[tilespmem:$0xDF20] =	vst v63  }
0xa6: {  	s2 =	simm.s32 @!p1 $0xA  }
0xa7: {  	_ =	swait.ge @!p1 [sflag:s2], $0x800  }
0xa8: {  	[sflag:s2] =	ssyncset.done @!p1 $0x0  }
0xa9: {  	s22 =	simm.s32 @!p1 $0x5800;
	[sflag:s2] =	ssyncadd.s32 @!p1 $0xFFFFF800;
	s2 =	sadd.s32 @!p1 $0x480, s12  }
0xaa: {  	[tilespmem:s22], [sflag:$0x2] =	stream.indirect.gather @!p1 [spmem:s3], $0x10, s2, s16, $0xb8;
	[tilespmem:$0xDF20] =	vst v63  }
0xab: {  	_ =	swait.ge [sflag:s15], $0x800  }
0xac: {  	[sflag:s15] =	ssyncset.done $0x0  }
0xad: {  	s22 =	sadd.s32 $0x2980, s11;
	s2 =	simm.s32 @p1 $0x5;
	[sflag:s15] =	ssyncadd.s32 $0xFFFFF800  }
0xae: {  	[spmem:s1] =	stream.indirect.scatter.add.f32 [tilespmem:s23], [sflag:$0xC], $0x10, s22, s17, $0xb8;
	[tilespmem:$0xDF20] =	vst v63  }
0xaf: {  	_ =	swait.ge @p1 [sflag:s2], $0x800  }
0xb0: {  	[sflag:s2] =	ssyncset.done @p1 $0x0  }
0xb1: {  	s22 =	simm.s32 @p1 $0x7000;
	[sflag:s2] =	ssyncadd.s32 @p1 $0xFFFFF800;
	s2 =	sadd.s32 @p1 $0x2A00, s24  }
0xb2: {  	[spmem:s1] =	stream.indirect.scatter.add.f32 @p1 [tilespmem:s22], [sflag:$0xD], $0x10, s2, s21, $0xb8;
	[tilespmem:$0xDF20] =	vst v63  }
0xb3: {  	s2 =	simm.s32 @!p1 $0xB  }
0xb4: {  	_ =	swait.ge @!p1 [sflag:s2], $0x800  }
0xb5: {  	[sflag:s2] =	ssyncset.done @!p1 $0x0  }
0xb6: {  	[sflag:s2] =	ssyncadd.s32 @!p1 $0xFFFFF800;
	s2 =	sadd.s32 @!p1 $0x500, s12  }
0xb7: {  	[tilespmem:s5], [sflag:$0x3] =	stream.indirect.gather @!p1 [spmem:s3], $0x10, s2, s16, $0xb8;
	[tilespmem:$0xDF20] =	vst v63  }
0xb8: {  	s2 =	simm.s32 @!p1 $0x5  }
0xb9: {  	_ =	swait.ge @!p1 [sflag:s2], $0x800  }
0xba: {  	[sflag:s2] =	ssyncset.done @!p1 $0x0  }
0xbb: {  	s5 =	simm.s32 @!p1 $0x7000;
	[sflag:s2] =	ssyncadd.s32 @!p1 $0xFFFFF800;
	s2 =	sadd.s32 @!p1 $0x2A00, s12  }
0xbc: {  	[spmem:s1] =	stream.indirect.scatter.add.f32 @!p1 [tilespmem:s5], [sflag:$0xD], $0x10, s2, s16, $0xb8;
	[tilespmem:$0xDF20] =	vst v63  }
0xbd: {  	s2 =	simm.s32 @!p1 $0xC  }
0xbe: {  	_ =	swait.ge @!p1 [sflag:s2], $0x800  }
0xbf: {  	[sflag:s2] =	ssyncset.done @!p1 $0x0  }
0xc0: {  	s22 =	simm.s32 @!p1 $0x6800;
	[sflag:s2] =	ssyncadd.s32 @!p1 $0xFFFFF800;
	s2 =	sadd.s32 @!p1 $0x580, s12  }
0xc1: {  	[tilespmem:s22], [sflag:$0x4] =	stream.indirect.gather @!p1 [spmem:s3], $0x10, s2, s16, $0xb8;
	[tilespmem:$0xDF20] =	vst v63  }
0xc2: {  	_ =	swait.ge [sflag:s9], $0x800  }
0xc3: {  	[sflag:s9] =	ssyncset.done $0x0  }
0xc4: {  	s22 =	sadd.s32 $0x2A80, s11;
	s2 =	simm.s32 @p1 $0x7;
	[sflag:s9] =	ssyncadd.s32 $0xFFFFF800  }
0xc5: {  	[spmem:s1] =	stream.indirect.scatter.add.f32 [tilespmem:s29], [sflag:$0xE], $0x10, s22, s17, $0xb8;
	[tilespmem:$0xDF20] =	vst v63  }
0xc6: {  	_ =	swait.ge @p1 [sflag:s2], $0x800  }
0xc7: {  	[sflag:s2] =	ssyncset.done @p1 $0x0  }
0xc8: {  	s22 =	simm.s32 @p1 $0x8000;
	[sflag:s2] =	ssyncadd.s32 @p1 $0xFFFFF800;
	s2 =	sadd.s32 @p1 $0x2B00, s24  }
0xc9: {  	[spmem:s1] =	stream.indirect.scatter.add.f32 @p1 [tilespmem:s22], [sflag:$0xF], $0x10, s2, s21, $0xb8;
	[tilespmem:$0xDF20] =	vst v63  }
0xca: {  	s2 =	simm.s32 @!p1 $0xD  }
0xcb: {  	_ =	swait.ge @!p1 [sflag:s2], $0x800  }
0xcc: {  	[sflag:s2] =	ssyncset.done @!p1 $0x0  }
0xcd: {  	[sflag:s2] =	ssyncadd.s32 @!p1 $0xFFFFF800;
	s2 =	sadd.s32 @!p1 $0x600, s12  }
0xce: {  	[tilespmem:s5], [sflag:$0x5] =	stream.indirect.gather @!p1 [spmem:s3], $0x10, s2, s16, $0xb8;
	[tilespmem:$0xDF20] =	vst v63  }
0xcf: {  	s2 =	simm.s32 @!p1 $0x7  }
0xd0: {  	_ =	swait.ge @!p1 [sflag:s2], $0x800  }
0xd1: {  	[sflag:s2] =	ssyncset.done @!p1 $0x0  }
0xd2: {  	s5 =	simm.s32 @!p1 $0x8000;
	[sflag:s2] =	ssyncadd.s32 @!p1 $0xFFFFF800;
	s2 =	sadd.s32 @!p1 $0x2B00, s12  }
0xd3: {  	[spmem:s1] =	stream.indirect.scatter.add.f32 @!p1 [tilespmem:s5], [sflag:$0xF], $0x10, s2, s16, $0xb8;
	[tilespmem:$0xDF20] =	vst v63  }
0xd4: {  	s2 =	simm.s32 @!p1 $0xE  }
0xd5: {  	_ =	swait.ge @!p1 [sflag:s2], $0x800  }
0xd6: {  	[sflag:s2] =	ssyncset.done @!p1 $0x0  }
0xd7: {  	s5 =	simm.s32 @!p1 $0x7800;
	[sflag:s2] =	ssyncadd.s32 @!p1 $0xFFFFF800;
	s2 =	sadd.s32 @!p1 $0x680, s12  }
0xd8: {  	[tilespmem:s5], [sflag:$0x6] =	stream.indirect.gather @!p1 [spmem:s3], $0x10, s2, s16, $0xb8;
	[tilespmem:$0xDF20] =	vst v63  }
.Ltmp6:
0xd9: {  	_ = 	snop;
	(pc) =	sbr.rel @p1 .LBB2_11-.Ltmp6, $4  }
0xda: {  	_ =	swait.ge [sflag:s20], $0x800  }
0xdb: {  	[sflag:s20] =	ssyncset.done $0x0  }
0xdc: {  	s24 =	sadd.s32 $0x2B80, s11;
	[sflag:s20] =	ssyncadd.s32 $0xFFFFF800  }
0xdd: {  	[spmem:s1] =	stream.indirect.scatter.add.f32 [tilespmem:s4], [sflag:$0x10], $0x10, s24, s17, $0xb8;
	[tilespmem:$0xDF20] =	vst v63  }
.Ltmp7:
0xde: {  	(pc) =	sbr.rel .LBB2_9-.Ltmp7, $4  }
0xdf: {  	_ =	swait.ge [sflag:s26], $0x800  }
0xe0: {  	[sflag:s26] =	ssyncset.done $0x0  }
0xe1: {  	s2 =	sadd.s32 $0x700, s11;
	s10 =	sadd.s32 $0x1000, s10;
	[sflag:s26] =	ssyncadd.s32 $0xFFFFF800  }
0xe2: {  	[tilespmem:s31], [sflag:$0x7] =	stream.indirect.gather [spmem:s3], $0x10, s2, s17, $0xb8;
	[tilespmem:$0xDF20] =	vst v63  }
.LBB2_12:
0xe3: {  	_ =	sfence.sel $0x180000  }
0xe4: {  	[bflag:$0x0] =	sbarrier.arrive $0xFFFF  }
0xe5: {  	_ =	strace $0x90000050  }
0xe6: {  	s0 =	stileid.u32;
	[bflag:$0x2] =	sbarrier.arrive $0xFFFF  }
0xe7: {  	p0 =	sne.s32 s0, $0x0;
	s0 =	rddreg [dreg:$0x4]  }
0xe8: {  	s0 =	sadd.s32 @!p0 $0x100000, s0  }
0xe9: {  	[sflag:s0] =	ssyncadd.tile.s32 @!p0 $0x1;
	_ =	shalt  }
.Lfunc_end2:
_tile_overlayer_lowered:
.L_overlay_start_2:
0xea: {  	(tag) =	ssettag $0x2  }
0xeb: {  	s0 =	rddreg [dreg:$0x0];
	s2 =	stileid.u32  }
0xec: {  	s1 =	rddreg [dreg:$0x1];
	p0 =	sne.s32 s2, $0x0  }
0xed: {  	s3 =	rddreg [dreg:$0x2];
	[bflag:$0x3] =	sbarrier.arrive $0xFFFF;
	s2 =	simm.s32 @!p0 $0x1C11  }
0xee: {  	[timem:s3], [sflag:s2] =	dma.local @!p0 [hbm:s0], s1  }
0xef: {  	s0 =	simm.s32 @!p0 $0x11  }
0xf0: {  	_ =	swait.ge @!p0 [sflag:s0], s1  }
0xf1: {  	s1 =	ssub.s32 @!p0 $0x0, s1;
	[sflag:s0] =	ssyncset.done @!p0 $0x0  }
0xf2: {  	[sflag:s0] =	ssyncadd.s32 @!p0 s1  }
0xf3: {  	[bflag:$0x3] =	sbarrier.arrive $0xFFFF  }
0xf4: {  	_ =	shalt  }

</sc_bundles>
